<compile_context>
chip_gen: v7x
topology: tpu7x:2x2x1
jax: 0.10.2.dev20260603
libtpu: 0.0.44.dev20260713+nightly
codegen_flags: <defaults>
</compile_context>

<pallas_src>
import functools

import jax
import jax.numpy as jnp
from jax import lax
from jax.experimental import pallas as pl
from jax.experimental.pallas import tpu as pltpu
from jax.experimental.pallas import tpu_sc as plsc

N = 10000
E = 160000
DF = 256
H = 256
C = 16
MIN_NORM = 1e-15
EPS = 4e-3

NC = 2
NS = 16
SLAB = 624
TAIL_OFF = NS * SLAB
TAIL = N - TAIL_OFF

EB = 128
EB1 = 128
EP = 163840
NP = 10016
NB1 = EP // NS // EB1
NBH = NB1 // 4
NB2 = EP // (NC * NS) // EB
_HW = 128

_MESH = plsc.VectorSubcoreMesh(core_axis_name="c", subcore_axis_name="s")


def _zero_acc(zeros_hbm, acc_sh, s):
    pltpu.sync_copy(zeros_hbm.at[pl.ds(0, SLAB)],
                    acc_sh.at[pl.ds(s * SLAB, SLAB)])

    @pl.when(s == NS - 1)
    def _():
        pltpu.sync_copy(zeros_hbm.at[pl.ds(0, NP - TAIL_OFF)],
                        acc_sh.at[pl.ds(TAIL_OFF, NP - TAIL_OFF)])


def _write_out(acc_sh, out_hbm, c, s):
    pltpu.sync_copy(acc_sh.at[pl.ds(s * SLAB, SLAB)],
                    out_hbm.at[pl.ds(c * N + s * SLAB, SLAB)])

    @pl.when(s == NS - 1)
    def _():
        pltpu.sync_copy(acc_sh.at[pl.ds(TAIL_OFF, TAIL)],
                        out_hbm.at[pl.ds(c * N + TAIL_OFF, TAIL)])


@functools.partial(
    pl.kernel,
    out_type=jax.ShapeDtypeStruct((NC * N, C), jnp.float32),
    mesh=_MESH,
    scratch_types=[
        pltpu.VMEM((NB2, EB), jnp.int32),
        pltpu.VMEM((EB, C), jnp.float32),
        pltpu.VMEM_SHARED((NP, C), jnp.float32),
    ],
    compiler_params=pltpu.CompilerParams(use_tc_tiling_on_sc=False),
)
def _sc_deg(dst_hbm, ones_hbm, zeros_hbm, out_hbm, dst_v, ones_v, acc_sh):
    c = lax.axis_index("c")
    s = lax.axis_index("s")
    _zero_acc(zeros_hbm, acc_sh, s)
    pltpu.sync_copy(ones_hbm, ones_v)
    pltpu.sync_copy(dst_hbm.at[c * NS + s], dst_v)
    plsc.subcore_barrier()

    def body(j, carry):
        pltpu.sync_copy(ones_v, acc_sh.at[dst_v.at[j]], add=True)
        return carry

    lax.fori_loop(0, NB2, body, 0)
    plsc.subcore_barrier()
    _write_out(acc_sh, out_hbm, c, s)


@functools.partial(
    pl.kernel,
    out_type=jax.ShapeDtypeStruct((NC * N, _HW), jnp.bfloat16),
    mesh=_MESH,
    scratch_types=[
        pltpu.VMEM((NBH, EB1), jnp.int32),
        pltpu.VMEM((NBH, EB1), jnp.int32),
        pltpu.VMEM((EB1, _HW), jnp.bfloat16),
        pltpu.VMEM((EB1, _HW), jnp.bfloat16),
        pltpu.VMEM((EB1, _HW), jnp.bfloat16),
        pltpu.VMEM((EB1, _HW), jnp.bfloat16),
        pltpu.VMEM_SHARED((NP, _HW), jnp.bfloat16),
        pltpu.SemaphoreType.DMA,
        pltpu.SemaphoreType.DMA,
        pltpu.SemaphoreType.DMA,
        pltpu.SemaphoreType.DMA,
    ],
    compiler_params=pltpu.CompilerParams(use_tc_tiling_on_sc=False),
)
def _sc_agg1(g_hbm, src2_hbm, dst_hbm, out_hbm,
             src_v, dst_v, b0, b1, b2, b3, acc_sh, s0, s1, s2, s3):
    c = lax.axis_index("c")
    s = lax.axis_index("s")
    zv = jnp.zeros((32,), jnp.bfloat16)

    def zrow(i, carry):
        for k in range(4):
            b0[i, pl.ds(k * 32, 32)] = zv
        return carry

    lax.fori_loop(0, EB1, zrow, 0)
    for off in range(0, 512, EB1):
        pltpu.sync_copy(b0, acc_sh.at[pl.ds(s * SLAB + off, EB1)])
    pltpu.sync_copy(b0.at[pl.ds(0, SLAB - 512)],
                    acc_sh.at[pl.ds(s * SLAB + 512, SLAB - 512)])

    @pl.when(s == NS - 1)
    def _():
        pltpu.sync_copy(b0.at[pl.ds(0, NP - TAIL_OFF)],
                        acc_sh.at[pl.ds(TAIL_OFF, NP - TAIL_OFF)])

    plsc.subcore_barrier()

    bufs = (b0, b1, b2, b3)
    sems = (s0, s1, s2, s3)

    def body(i, carry):
        for k in range(4):
            j = 4 * i + k
            buf, sem = bufs[k], sems[k]
            pltpu.make_async_copy(g_hbm.at[src_v.at[j]], buf, sem).wait()
            pltpu.sync_copy(buf, acc_sh.at[dst_v.at[j]], add=True)
            nj = j + 4

            @pl.when(nj < NBH)
            def _():
                pltpu.async_copy(g_hbm.at[src_v.at[nj]], buf, sem)

        return carry

    for hf in range(4):
        pltpu.sync_copy(src2_hbm.at[c, s, pl.ds(hf * NBH, NBH)], src_v)
        pltpu.sync_copy(dst_hbm.at[s, pl.ds(hf * NBH, NBH)], dst_v)
        for k in range(4):
            pltpu.async_copy(g_hbm.at[src_v.at[k]], bufs[k], sems[k])
        lax.fori_loop(0, NBH // 4, body, 0)
    plsc.subcore_barrier()
    _write_out(acc_sh, out_hbm, c, s)


@functools.partial(
    pl.kernel,
    out_type=jax.ShapeDtypeStruct((NC * N, C), jnp.float32),
    mesh=_MESH,
    scratch_types=[
        pltpu.VMEM((NB2, EB), jnp.int32),
        pltpu.VMEM((NB2, EB), jnp.int32),
        pltpu.VMEM((EB, C), jnp.float32),
        pltpu.VMEM((EB, C), jnp.float32),
        pltpu.VMEM((EB, C), jnp.float32),
        pltpu.VMEM((EB, C), jnp.float32),
        pltpu.VMEM_SHARED((NP, C), jnp.float32),
        pltpu.SemaphoreType.DMA,
        pltpu.SemaphoreType.DMA,
        pltpu.SemaphoreType.DMA,
        pltpu.SemaphoreType.DMA,
    ],
    compiler_params=pltpu.CompilerParams(use_tc_tiling_on_sc=False),
)
def _sc_agg2(g2_hbm, src_hbm, dst_hbm, zeros_hbm, out_hbm,
             src_v, dst_v, b0, b1, b2, b3, acc_sh, s0, s1, s2, s3):
    c = lax.axis_index("c")
    s = lax.axis_index("s")
    _zero_acc(zeros_hbm, acc_sh, s)
    w = c * NS + s
    pltpu.sync_copy(src_hbm.at[w], src_v)
    pltpu.sync_copy(dst_hbm.at[w], dst_v)
    plsc.subcore_barrier()

    bufs = (b0, b1, b2, b3)
    sems = (s0, s1, s2, s3)

    def body(i, carry):
        for k in range(4):
            j = 4 * i + k
            buf, sem = bufs[k], sems[k]
            pltpu.make_async_copy(g2_hbm.at[src_v.at[j]], buf, sem).wait()
            pltpu.sync_copy(buf, acc_sh.at[dst_v.at[j]], add=True)
            nj = j + 4

            @pl.when(nj < NB2)
            def _():
                pltpu.async_copy(g2_hbm.at[src_v.at[nj]], buf, sem)

        return carry

    for k in range(4):
        pltpu.async_copy(g2_hbm.at[src_v.at[k]], bufs[k], sems[k])
    lax.fori_loop(0, NB2 // 4, body, 0)
    plsc.subcore_barrier()
    _write_out(acc_sh, out_hbm, c, s)


_BR = 1000
_GRID = N // _BR


def _mm_body(x_ref, w_ref, o_ref):
    o_ref[...] = jnp.dot(x_ref[...], w_ref[...],
                         preferred_element_type=jnp.float32)


def _dinv(dA_ref, dB_ref):
    d = 1.0 + dA_ref[:, :1] + dB_ref[:, :1]
    return lax.rsqrt(d)


def _scale_body(u_ref, dA_ref, dB_ref, g_ref):
    g = (u_ref[...] * _dinv(dA_ref, dB_ref)).astype(jnp.bfloat16)
    g_ref[0] = g[:, :_HW]
    g_ref[1] = g[:, _HW:]


def _l1_body(aggA, aggB, u_ref, dA, dB, b1_ref, w2_ref, g2_ref):
    dinv = _dinv(dA, dB)
    agg = jnp.concatenate([aggA[...], aggB[...]],
                          axis=1).astype(jnp.float32)
    g = u_ref[...] * dinv
    h1 = jax.nn.relu((agg + g) * dinv + b1_ref[...])
    v = jnp.dot(h1, w2_ref[...], preferred_element_type=jnp.float32)
    g2_ref[...] = v * dinv


def _fin_body(a2A, a2B, g2, dA, dB, b2_ref, wl_ref, bl_ref, o_ref):
    dinv = _dinv(dA, dB)
    h2 = (a2A[...] + a2B[...] + g2[...]) * dinv + b2_ref[...]
    rowj = lax.broadcasted_iota(jnp.int32, (C, C * C), 0)
    colc = lax.broadcasted_iota(jnp.int32, (C, C * C), 1)
    t_sel = (rowj == colc % C).astype(jnp.float32)
    r_sel = (rowj == colc // C).astype(jnp.float32)
    flat = (jnp.dot(h2, t_sel, preferred_element_type=jnp.float32,
                    precision=lax.Precision.HIGHEST)
            * jnp.dot(h2, r_sel, preferred_element_type=jnp.float32,
                      precision=lax.Precision.HIGHEST))
    maxnorm = 1.0 - EPS
    norm = jnp.maximum(jnp.sqrt(jnp.sum(flat * flat, axis=1, keepdims=True)),
                       MIN_NORM)
    hy = jnp.where(norm > maxnorm, flat / norm * maxnorm, flat)
    pn = jnp.maximum(jnp.sqrt(jnp.sum(hy * hy, axis=1, keepdims=True)),
                     MIN_NORM)
    pc = jnp.clip(pn, -1.0 + 1e-7, 1.0 - 1e-7)
    atanh = 0.5 * jnp.log((1.0 + pc) / (1.0 - pc))
    he = (atanh / pn) * hy
    z = jnp.dot(he, wl_ref[...], preferred_element_type=jnp.float32) \
        + bl_ref[...]
    un = jnp.maximum(jnp.sqrt(jnp.sum(z * z, axis=1, keepdims=True)),
                     MIN_NORM)
    e = jnp.tanh(un) * z / un
    n2 = jnp.maximum(jnp.sqrt(jnp.sum(e * e, axis=1, keepdims=True)),
                     MIN_NORM)
    hh = jnp.where(n2 > maxnorm, e / n2 * maxnorm, e)
    m = jnp.max(hh, axis=1, keepdims=True)
    sh = hh - m
    lse = jnp.log(jnp.sum(jnp.exp(sh), axis=1, keepdims=True))
    o_ref[...] = sh - lse


def _row_spec(w):
    return pl.BlockSpec((_BR, w), lambda i: (i, 0))


def _rowB_spec(w):
    return pl.BlockSpec((_BR, w), lambda i: (i + _GRID, 0))


def _full_spec(a, b):
    return pl.BlockSpec((a, b), lambda i: (0, 0))


def kernel(x, edge_index, W1, b1, W2, b2, Wl, bl):
    src = edge_index[0].astype(jnp.int32)
    dst = edge_index[1].astype(jnp.int32)
    pad = EP - E
    src_p = jnp.concatenate([src, jnp.zeros((pad,), jnp.int32)])
    dst_p = jnp.concatenate([dst, jnp.full((pad,), N, jnp.int32)])
    src2_r = jnp.concatenate([src_p, src_p + N]).reshape(NC, NS, NB1, EB1)
    dst1_r = dst_p.reshape(NS, NB1, EB1)
    src2w_r = src_p.reshape(NC * NS, NB2, EB)
    dst2w_r = dst_p.reshape(NC * NS, NB2, EB)

    ones_d = jnp.ones((EB, C), jnp.float32)
    zeros_c = jnp.zeros((SLAB, C), jnp.float32)

    deg2 = _sc_deg(dst2w_r, ones_d, zeros_c)

    u = pl.pallas_call(
        _mm_body, grid=(_GRID,),
        in_specs=[_row_spec(DF), _full_spec(DF, H)],
        out_specs=_row_spec(H),
        out_shape=jax.ShapeDtypeStruct((N, H), jnp.float32),
    )(x, W1)

    g_st = pl.pallas_call(
        _scale_body, grid=(_GRID,),
        in_specs=[_row_spec(H), _row_spec(C), _rowB_spec(C)],
        out_specs=pl.BlockSpec((NC, _BR, _HW), lambda i: (0, i, 0)),
        out_shape=jax.ShapeDtypeStruct((NC, N, _HW), jnp.bfloat16),
    )(u, deg2, deg2)
    g_st = g_st.reshape(NC * N, _HW)

    agg1 = _sc_agg1(g_st, src2_r, dst1_r)

    g2 = pl.pallas_call(
        _l1_body, grid=(_GRID,),
        in_specs=[_row_spec(_HW), _rowB_spec(_HW), _row_spec(H),
                  _row_spec(C), _rowB_spec(C),
                  _full_spec(1, H), _full_spec(H, C)],
        out_specs=_row_spec(C),
        out_shape=jax.ShapeDtypeStruct((N, C), jnp.float32),
    )(agg1, agg1, u, deg2, deg2, b1.reshape(1, H), W2)

    agg2 = _sc_agg2(g2, src2w_r, dst2w_r, zeros_c)

    out = pl.pallas_call(
        _fin_body, grid=(_GRID,),
        in_specs=[_row_spec(C), _rowB_spec(C), _row_spec(C), _row_spec(C),
                  _rowB_spec(C), _full_spec(1, C), _full_spec(C * C, C),
                  _full_spec(1, C)],
        out_specs=_row_spec(C),
        out_shape=jax.ShapeDtypeStruct((N, C), jnp.float32),
    )(agg2, agg2, g2, deg2, deg2, b2.reshape(1, C), Wl, bl.reshape(1, C))
    return out

# --- scband reference (transcript-rebuilt; emitter-appended) ---
"""Pipeline reference for scband-gcn-hbp-23055384445769 (READ-ONLY COPY).

The authoritative reference and input builder live on the scoring server;
editing this copy changes nothing except your own understanding.
"""

import jax, jax.numpy as jnp
import numpy as np

N = 10000
E = 160000
DF = 256
H = 256
C = 16
CURV = 1.0
MIN_NORM = 1e-15
EPS = 4e-3


def _artanh(x):
    x = jnp.clip(x, -1.0 + 1e-7, 1.0 - 1e-7)
    return jnp.arctanh(x)


def _proj(x, c):
    norm = jnp.maximum(jnp.linalg.norm(x, axis=-1, keepdims=True), MIN_NORM)
    maxnorm = (1.0 - EPS) / (c ** 0.5)
    projected = x / norm * maxnorm
    return jnp.where(norm > maxnorm, projected, x)


def _logmap0(p, c):
    sqrt_c = c ** 0.5
    p_norm = jnp.maximum(jnp.linalg.norm(p, axis=-1, keepdims=True), MIN_NORM)
    scale = _artanh(sqrt_c * p_norm) / (sqrt_c * p_norm)
    return scale * p


def _expmap0(u, c):
    sqrt_c = c ** 0.5
    u_norm = jnp.maximum(jnp.linalg.norm(u, axis=-1, keepdims=True), MIN_NORM)
    return jnp.tanh(sqrt_c * u_norm) * u / (sqrt_c * u_norm)


def _gcn_conv(x, src, dst, W, b, n):
    # PyG GCNConv with normalize=True: linear transform, symmetric norm with self-loops, scatter-add at dst
    h = x @ W
    deg = jnp.zeros((n,), dtype=h.dtype).at[dst].add(1.0)
    dinv = jnp.where(deg > 0, deg ** -0.5, 0.0)
    norm = (dinv[src] * dinv[dst])[:, None]
    msg = h[src] * norm
    out = jnp.zeros((n, h.shape[1]), dtype=h.dtype).at[dst].add(msg)
    return out + b


def setup_inputs(seed: int = 0) -> dict:
    key = jax.random.key(seed)
    ks = jax.random.split(key, 8)
    x = jax.random.normal(ks[0], (N, DF), dtype=jnp.float32)
    edge_index = jax.random.randint(ks[1], (2, E), 0, N)
    W1 = jax.random.normal(ks[2], (DF, H), dtype=jnp.float32) * (1.0 / np.sqrt(DF))
    b1 = jnp.zeros((H,), dtype=jnp.float32)
    W2 = jax.random.normal(ks[3], (H, C), dtype=jnp.float32) * (1.0 / np.sqrt(H))
    b2 = jnp.zeros((C,), dtype=jnp.float32)
    Wl = jax.random.normal(ks[4], (C * C, C), dtype=jnp.float32) * (1.0 / np.sqrt(C * C))
    bl = jnp.zeros((C,), dtype=jnp.float32)
    return {"x": x, "edge_index": edge_index, "W1": W1, "b1": b1, "W2": W2, "b2": b2, "Wl": Wl, "bl": bl}


def reference(x, edge_index, W1, b1, W2, b2, Wl, bl):
    n = x.shape[0]
    loop = jnp.arange(n)
    src = jnp.concatenate([edge_index[0], loop])
    dst = jnp.concatenate([edge_index[1], loop])
    h = jax.nn.relu(_gcn_conv(x, src, dst, W1, b1, n))
    h = _gcn_conv(h, src, dst, W2, b2, n)
    op = h[:, :, None] * h[:, None, :]
    flat = op.reshape(n, -1)
    h_hyp = _proj(flat, CURV)
    h_euc = _logmap0(h_hyp, CURV)  # proj_tan0 is identity for PoincareBall
    h_euc = h_euc @ Wl + bl
    h_hyp2 = _proj(_expmap0(h_euc, CURV), CURV)
    return jax.nn.log_softmax(h_hyp2, axis=-1)

if __name__ == "__main__":
    import jax
    _d = setup_inputs()
    print(jax.jit(kernel)(*tuple(_d.values())))

</pallas_src>

<mosaic_0001>
#map = affine_map<(d0, d1) -> (0, 0)>
#map1 = affine_map<(d0, d1) -> (0, 0, 0, 0)>
#map2 = affine_map<(d0, d1) -> (0, 0, 0)>
module attributes {stable_mosaic.version = 14 : i64} {
  func.func @_sc_agg1(%arg0: i32, %arg1: i32, %arg2: memref<20000x128xbf16, #tpu.memory_space<hbm>>, %arg3: memref<2x16x80x128xi32, #tpu.memory_space<hbm>>, %arg4: memref<16x80x128xi32, #tpu.memory_space<hbm>>, %arg5: memref<20000x128xbf16, #tpu.memory_space<hbm>>, %arg6: memref<20x128xi32, #tpu.memory_space<vmem>>, %arg7: memref<20x128xi32, #tpu.memory_space<vmem>>, %arg8: memref<128x128xbf16, #tpu.memory_space<vmem>>, %arg9: memref<128x128xbf16, #tpu.memory_space<vmem>>, %arg10: memref<128x128xbf16, #tpu.memory_space<vmem>>, %arg11: memref<128x128xbf16, #tpu.memory_space<vmem>>, %arg12: memref<10016x128xbf16, #tpu.memory_space<vmem_shared>>, %arg13: memref<!tpu.dma_semaphore, #tpu.memory_space<semaphore_mem>>, %arg14: memref<!tpu.dma_semaphore, #tpu.memory_space<semaphore_mem>>, %arg15: memref<!tpu.dma_semaphore, #tpu.memory_space<semaphore_mem>>, %arg16: memref<!tpu.dma_semaphore, #tpu.memory_space<semaphore_mem>>) attributes {dimension_semantics = [#tpu.dimension_semantics<core_parallel>, #tpu.dimension_semantics<subcore_parallel>], iteration_bounds = array<i64: 2, 16>, scalar_prefetch = 0 : i64, scratch_operands = 11 : i64, tpu.core_type = #tpu.core_type<sc_vector_subcore>, window_params = [{transform_indices = #map}, {transform_indices = #map1}, {transform_indices = #map2}, {transform_indices = #map}]} {
    %broadcast_in_dim3A = arith.constant 0.000000e+00 : bf16
    %broadcast_in_dim3A_0 = vector.broadcast %broadcast_in_dim3A : bf16 to vector<32xbf16>
    %scan3A = arith.constant 0 : i32
    %scan3A_1 = arith.constant 0 : i32
    %scan3A_2 = arith.constant 128 : i32
    %scan3A_3 = arith.addi %scan3A_1, %scan3A_2 : i32
    %scan3A_4 = arith.constant 1 : i32
    scf.for %scan3A_174 = %scan3A_1 to %scan3A_3 step %scan3A_4  : i32 {
      %swap3A = arith.index_cast %scan3A_174 : i32 to index
      %swap3A_175 = arith.constant 0 : index
      %swap3A_176 = tpu.vector_load %arg8[%swap3A, %swap3A_175] {strides = array<i32>} : memref<128x128xbf16, #tpu.memory_space<vmem>>, vector<1x32xbf16>,
      %swap3A_177 = vector.shape_cast %swap3A_176 : vector<1x32xbf16> to vector<32xbf16>
      %swap3A_178 = vector.shape_cast %broadcast_in_dim3A_0 : vector<32xbf16> to vector<1x32xbf16>
      tpu.vector_store %arg8[%swap3A, %swap3A_175], %swap3A_178 {strides = array<i32>} : memref<128x128xbf16, #tpu.memory_space<vmem>>, vector<1x32xbf16>,
      %swap3A_179 = arith.index_cast %scan3A_174 : i32 to index
      %swap3A_180 = arith.constant 32 : index
      %swap3A_181 = tpu.vector_load %arg8[%swap3A_179, %swap3A_180] {strides = array<i32>} : memref<128x128xbf16, #tpu.memory_space<vmem>>, vector<1x32xbf16>,
      %swap3A_182 = vector.shape_cast %swap3A_181 : vector<1x32xbf16> to vector<32xbf16>
      %swap3A_183 = vector.shape_cast %broadcast_in_dim3A_0 : vector<32xbf16> to vector<1x32xbf16>
      tpu.vector_store %arg8[%swap3A_179, %swap3A_180], %swap3A_183 {strides = array<i32>} : memref<128x128xbf16, #tpu.memory_space<vmem>>, vector<1x32xbf16>,
      %swap3A_184 = arith.index_cast %scan3A_174 : i32 to index
      %swap3A_185 = arith.constant 64 : index
      %swap3A_186 = tpu.vector_load %arg8[%swap3A_184, %swap3A_185] {strides = array<i32>} : memref<128x128xbf16, #tpu.memory_space<vmem>>, vector<1x32xbf16>,
      %swap3A_187 = vector.shape_cast %swap3A_186 : vector<1x32xbf16> to vector<32xbf16>
      %swap3A_188 = vector.shape_cast %broadcast_in_dim3A_0 : vector<32xbf16> to vector<1x32xbf16>
      tpu.vector_store %arg8[%swap3A_184, %swap3A_185], %swap3A_188 {strides = array<i32>} : memref<128x128xbf16, #tpu.memory_space<vmem>>, vector<1x32xbf16>,
      %swap3A_189 = arith.index_cast %scan3A_174 : i32 to index
      %swap3A_190 = arith.constant 96 : index
      %swap3A_191 = tpu.vector_load %arg8[%swap3A_189, %swap3A_190] {strides = array<i32>} : memref<128x128xbf16, #tpu.memory_space<vmem>>, vector<1x32xbf16>,
      %swap3A_192 = vector.shape_cast %swap3A_191 : vector<1x32xbf16> to vector<32xbf16>
      %swap3A_193 = vector.shape_cast %broadcast_in_dim3A_0 : vector<32xbf16> to vector<1x32xbf16>
      tpu.vector_store %arg8[%swap3A_189, %swap3A_190], %swap3A_193 {strides = array<i32>} : memref<128x128xbf16, #tpu.memory_space<vmem>>, vector<1x32xbf16>,
    }
    %scan3A_5 = arith.constant 128 : i32
    %mul3A = arith.constant 624 : i32
    %mul3A_6 = arith.muli %arg1, %mul3A : i32
    %add3A = arith.constant 0 : i32
    %add3A_7 = arith.addi %mul3A_6, %add3A : i32
    "tpu.region"() ({
      %run_scoped3A = tpu.sem_alloc : memref<!tpu.dma_semaphore, #tpu.memory_space<semaphore_mem>>
      %dma_start3A_174 = arith.constant 0 : i32
      %dma_start3A_175 = tpu.memref_slice %arg12[%add3A_7, %dma_start3A_174] : memref<10016x128xbf16, #tpu.memory_space<vmem_shared>> -> memref<128x128xbf16, #tpu.memory_space<vmem_shared>>
      %dma_start3A_176 = arith.constant 0 : i32
      %dma_start3A_177 = tpu.memref_slice %arg12[%add3A_7, %dma_start3A_176] : memref<10016x128xbf16, #tpu.memory_space<vmem_shared>> -> memref<128x128xbf16, #tpu.memory_space<vmem_shared>>
      tpu.enqueue_dma source(%arg8 : memref<128x128xbf16, #tpu.memory_space<vmem>>) target(%dma_start3A_177 : memref<128x128xbf16, #tpu.memory_space<vmem_shared>>) target_semaphore(%run_scoped3A : memref<!tpu.dma_semaphore, #tpu.memory_space<semaphore_mem>>)
      %dma_wait3A = arith.constant 0 : i32
      %dma_wait3A_178 = tpu.memref_slice %arg12[%add3A_7, %dma_wait3A] : memref<10016x128xbf16, #tpu.memory_space<vmem_shared>> -> memref<128x128xbf16, #tpu.memory_space<vmem_shared>>
      %dma_wait3A_179 = arith.constant 0 : i32
      %dma_wait3A_180 = tpu.memref_slice %arg12[%add3A_7, %dma_wait3A_179] : memref<10016x128xbf16, #tpu.memory_space<vmem_shared>> -> memref<128x128xbf16, #tpu.memory_space<vmem_shared>>
      tpu.wait_dma2 semaphore(%run_scoped3A : memref<!tpu.dma_semaphore, #tpu.memory_space<semaphore_mem>>) src(%arg8 : memref<128x128xbf16, #tpu.memory_space<vmem>>) dst(%dma_wait3A_180 : memref<128x128xbf16, #tpu.memory_space<vmem_shared>>)
      tpu.yield
    }) : () -> ()
    %mul3A_8 = arith.constant 624 : i32
    %mul3A_9 = arith.muli %arg1, %mul3A_8 : i32
    %add3A_10 = arith.constant 128 : i32
    %add3A_11 = arith.addi %mul3A_9, %add3A_10 : i32
    "tpu.region"() ({
      %run_scoped3A = tpu.sem_alloc : memref<!tpu.dma_semaphore, #tpu.memory_space<semaphore_mem>>
      %dma_start3A_174 = arith.constant 0 : i32
      %dma_start3A_175 = tpu.memref_slice %arg12[%add3A_11, %dma_start3A_174] : memref<10016x128xbf16, #tpu.memory_space<vmem_shared>> -> memref<128x128xbf16, #tpu.memory_space<vmem_shared>>
      %dma_start3A_176 = arith.constant 0 : i32
      %dma_start3A_177 = tpu.memref_slice %arg12[%add3A_11, %dma_start3A_176] : memref<10016x128xbf16, #tpu.memory_space<vmem_shared>> -> memref<128x128xbf16, #tpu.memory_space<vmem_shared>>
      tpu.enqueue_dma source(%arg8 : memref<128x128xbf16, #tpu.memory_space<vmem>>) target(%dma_start3A_177 : memref<128x128xbf16, #tpu.memory_space<vmem_shared>>) target_semaphore(%run_scoped3A : memref<!tpu.dma_semaphore, #tpu.memory_space<semaphore_mem>>)
      %dma_wait3A = arith.constant 0 : i32
      %dma_wait3A_178 = tpu.memref_slice %arg12[%add3A_11, %dma_wait3A] : memref<10016x128xbf16, #tpu.memory_space<vmem_shared>> -> memref<128x128xbf16, #tpu.memory_space<vmem_shared>>
      %dma_wait3A_179 = arith.constant 0 : i32
      %dma_wait3A_180 = tpu.memref_slice %arg12[%add3A_11, %dma_wait3A_179] : memref<10016x128xbf16, #tpu.memory_space<vmem_shared>> -> memref<128x128xbf16, #tpu.memory_space<vmem_shared>>
      tpu.wait_dma2 semaphore(%run_scoped3A : memref<!tpu.dma_semaphore, #tpu.memory_space<semaphore_mem>>) src(%arg8 : memref<128x128xbf16, #tpu.memory_space<vmem>>) dst(%dma_wait3A_180 : memref<128x128xbf16, #tpu.memory_space<vmem_shared>>)
      tpu.yield
    }) : () -> ()
    %mul3A_12 = arith.constant 624 : i32
    %mul3A_13 = arith.muli %arg1, %mul3A_12 : i32
    %add3A_14 = arith.constant 256 : i32
    %add3A_15 = arith.addi %mul3A_13, %add3A_14 : i32
    "tpu.region"() ({
      %run_scoped3A = tpu.sem_alloc : memref<!tpu.dma_semaphore, #tpu.memory_space<semaphore_mem>>
      %dma_start3A_174 = arith.constant 0 : i32
      %dma_start3A_175 = tpu.memref_slice %arg12[%add3A_15, %dma_start3A_174] : memref<10016x128xbf16, #tpu.memory_space<vmem_shared>> -> memref<128x128xbf16, #tpu.memory_space<vmem_shared>>
      %dma_start3A_176 = arith.constant 0 : i32
      %dma_start3A_177 = tpu.memref_slice %arg12[%add3A_15, %dma_start3A_176] : memref<10016x128xbf16, #tpu.memory_space<vmem_shared>> -> memref<128x128xbf16, #tpu.memory_space<vmem_shared>>
      tpu.enqueue_dma source(%arg8 : memref<128x128xbf16, #tpu.memory_space<vmem>>) target(%dma_start3A_177 : memref<128x128xbf16, #tpu.memory_space<vmem_shared>>) target_semaphore(%run_scoped3A : memref<!tpu.dma_semaphore, #tpu.memory_space<semaphore_mem>>)
      %dma_wait3A = arith.constant 0 : i32
      %dma_wait3A_178 = tpu.memref_slice %arg12[%add3A_15, %dma_wait3A] : memref<10016x128xbf16, #tpu.memory_space<vmem_shared>> -> memref<128x128xbf16, #tpu.memory_space<vmem_shared>>
      %dma_wait3A_179 = arith.constant 0 : i32
      %dma_wait3A_180 = tpu.memref_slice %arg12[%add3A_15, %dma_wait3A_179] : memref<10016x128xbf16, #tpu.memory_space<vmem_shared>> -> memref<128x128xbf16, #tpu.memory_space<vmem_shared>>
      tpu.wait_dma2 semaphore(%run_scoped3A : memref<!tpu.dma_semaphore, #tpu.memory_space<semaphore_mem>>) src(%arg8 : memref<128x128xbf16, #tpu.memory_space<vmem>>) dst(%dma_wait3A_180 : memref<128x128xbf16, #tpu.memory_space<vmem_shared>>)
      tpu.yield
    }) : () -> ()
    %mul3A_16 = arith.constant 624 : i32
    %mul3A_17 = arith.muli %arg1, %mul3A_16 : i32
    %add3A_18 = arith.constant 384 : i32
    %add3A_19 = arith.addi %mul3A_17, %add3A_18 : i32
    "tpu.region"() ({
      %run_scoped3A = tpu.sem_alloc : memref<!tpu.dma_semaphore, #tpu.memory_space<semaphore_mem>>
      %dma_start3A_174 = arith.constant 0 : i32
      %dma_start3A_175 = tpu.memref_slice %arg12[%add3A_19, %dma_start3A_174] : memref<10016x128xbf16, #tpu.memory_space<vmem_shared>> -> memref<128x128xbf16, #tpu.memory_space<vmem_shared>>
      %dma_start3A_176 = arith.constant 0 : i32
      %dma_start3A_177 = tpu.memref_slice %arg12[%add3A_19, %dma_start3A_176] : memref<10016x128xbf16, #tpu.memory_space<vmem_shared>> -> memref<128x128xbf16, #tpu.memory_space<vmem_shared>>
      tpu.enqueue_dma source(%arg8 : memref<128x128xbf16, #tpu.memory_space<vmem>>) target(%dma_start3A_177 : memref<128x128xbf16, #tpu.memory_space<vmem_shared>>) target_semaphore(%run_scoped3A : memref<!tpu.dma_semaphore, #tpu.memory_space<semaphore_mem>>)
      %dma_wait3A = arith.constant 0 : i32
      %dma_wait3A_178 = tpu.memref_slice %arg12[%add3A_19, %dma_wait3A] : memref<10016x128xbf16, #tpu.memory_space<vmem_shared>> -> memref<128x128xbf16, #tpu.memory_space<vmem_shared>>
      %dma_wait3A_179 = arith.constant 0 : i32
      %dma_wait3A_180 = tpu.memref_slice %arg12[%add3A_19, %dma_wait3A_179] : memref<10016x128xbf16, #tpu.memory_space<vmem_shared>> -> memref<128x128xbf16, #tpu.memory_space<vmem_shared>>
      tpu.wait_dma2 semaphore(%run_scoped3A : memref<!tpu.dma_semaphore, #tpu.memory_space<semaphore_mem>>) src(%arg8 : memref<128x128xbf16, #tpu.memory_space<vmem>>) dst(%dma_wait3A_180 : memref<128x128xbf16, #tpu.memory_space<vmem_shared>>)
      tpu.yield
    }) : () -> ()
    %mul3A_20 = arith.constant 624 : i32
    %mul3A_21 = arith.muli %arg1, %mul3A_20 : i32
    %add3A_22 = arith.constant 512 : i32
    %add3A_23 = arith.addi %mul3A_21, %add3A_22 : i32
    "tpu.region"() ({
      %run_scoped3A = tpu.sem_alloc : memref<!tpu.dma_semaphore, #tpu.memory_space<semaphore_mem>>
      %dma_start3A_174 = arith.constant 0 : i32
      %dma_start3A_175 = arith.constant 0 : i32
      %dma_start3A_176 = tpu.memref_slice %arg8[%dma_start3A_174, %dma_start3A_175] : memref<128x128xbf16, #tpu.memory_space<vmem>> -> memref<112x128xbf16, #tpu.memory_space<vmem>>
      %dma_start3A_177 = arith.constant 0 : i32
      %dma_start3A_178 = tpu.memref_slice %arg12[%add3A_23, %dma_start3A_177] : memref<10016x128xbf16, #tpu.memory_space<vmem_shared>> -> memref<112x128xbf16, #tpu.memory_space<vmem_shared>>
      %dma_start3A_179 = arith.constant 0 : i32
      %dma_start3A_180 = tpu.memref_slice %arg12[%add3A_23, %dma_start3A_179] : memref<10016x128xbf16, #tpu.memory_space<vmem_shared>> -> memref<112x128xbf16, #tpu.memory_space<vmem_shared>>
      %dma_start3A_181 = arith.constant 0 : i32
      %dma_start3A_182 = arith.constant 0 : i32
      %dma_start3A_183 = tpu.memref_slice %arg8[%dma_start3A_181, %dma_start3A_182] : memref<128x128xbf16, #tpu.memory_space<vmem>> -> memref<112x128xbf16, #tpu.memory_space<vmem>>
      tpu.enqueue_dma source(%dma_start3A_183 : memref<112x128xbf16, #tpu.memory_space<vmem>>) target(%dma_start3A_180 : memref<112x128xbf16, #tpu.memory_space<vmem_shared>>) target_semaphore(%run_scoped3A : memref<!tpu.dma_semaphore, #tpu.memory_space<semaphore_mem>>)
      %dma_wait3A = arith.constant 0 : i32
      %dma_wait3A_184 = arith.constant 0 : i32
      %dma_wait3A_185 = tpu.memref_slice %arg8[%dma_wait3A, %dma_wait3A_184] : memref<128x128xbf16, #tpu.memory_space<vmem>> -> memref<112x128xbf16, #tpu.memory_space<vmem>>
      %dma_wait3A_186 = arith.constant 0 : i32
      %dma_wait3A_187 = tpu.memref_slice %arg12[%add3A_23, %dma_wait3A_186] : memref<10016x128xbf16, #tpu.memory_space<vmem_shared>> -> memref<112x128xbf16, #tpu.memory_space<vmem_shared>>
      %dma_wait3A_188 = arith.constant 0 : i32
      %dma_wait3A_189 = tpu.memref_slice %arg12[%add3A_23, %dma_wait3A_188] : memref<10016x128xbf16, #tpu.memory_space<vmem_shared>> -> memref<112x128xbf16, #tpu.memory_space<vmem_shared>>
      %dma_wait3A_190 = arith.constant 0 : i32
      %dma_wait3A_191 = arith.constant 0 : i32
      %dma_wait3A_192 = tpu.memref_slice %arg8[%dma_wait3A_190, %dma_wait3A_191] : memref<128x128xbf16, #tpu.memory_space<vmem>> -> memref<112x128xbf16, #tpu.memory_space<vmem>>
      tpu.wait_dma2 semaphore(%run_scoped3A : memref<!tpu.dma_semaphore, #tpu.memory_space<semaphore_mem>>) src(%dma_wait3A_192 : memref<112x128xbf16, #tpu.memory_space<vmem>>) dst(%dma_wait3A_189 : memref<112x128xbf16, #tpu.memory_space<vmem_shared>>)
      tpu.yield
    }) : () -> ()
    %eq3A = arith.constant 15 : i32
    %eq3A_24 = arith.cmpi eq, %arg1, %eq3A : i32
    %convert_element_type3A = arith.extui %eq3A_24 : i1 to i32
    %cond3A = arith.constant 0 : i32
    %cond3A_25 = arith.cmpi ne, %convert_element_type3A, %cond3A : i32
    scf.if %cond3A_25 {
      "tpu.region"() ({
        %run_scoped3A = tpu.sem_alloc : memref<!tpu.dma_semaphore, #tpu.memory_space<semaphore_mem>>
        %dma_start3A_174 = arith.constant 0 : i32
        %dma_start3A_175 = arith.constant 0 : i32
        %dma_start3A_176 = tpu.memref_slice %arg8[%dma_start3A_174, %dma_start3A_175] : memref<128x128xbf16, #tpu.memory_space<vmem>> -> memref<32x128xbf16, #tpu.memory_space<vmem>>
        %dma_start3A_177 = arith.constant 9984 : i32
        %dma_start3A_178 = arith.constant 0 : i32
        %dma_start3A_179 = tpu.memref_slice %arg12[%dma_start3A_177, %dma_start3A_178] : memref<10016x128xbf16, #tpu.memory_space<vmem_shared>> -> memref<32x128xbf16, #tpu.memory_space<vmem_shared>>
        %dma_start3A_180 = arith.constant 9984 : i32
        %dma_start3A_181 = arith.constant 0 : i32
        %dma_start3A_182 = tpu.memref_slice %arg12[%dma_start3A_180, %dma_start3A_181] : memref<10016x128xbf16, #tpu.memory_space<vmem_shared>> -> memref<32x128xbf16, #tpu.memory_space<vmem_shared>>
        %dma_start3A_183 = arith.constant 0 : i32
        %dma_start3A_184 = arith.constant 0 : i32
        %dma_start3A_185 = tpu.memref_slice %arg8[%dma_start3A_183, %dma_start3A_184] : memref<128x128xbf16, #tpu.memory_space<vmem>> -> memref<32x128xbf16, #tpu.memory_space<vmem>>
        tpu.enqueue_dma source(%dma_start3A_185 : memref<32x128xbf16, #tpu.memory_space<vmem>>) target(%dma_start3A_182 : memref<32x128xbf16, #tpu.memory_space<vmem_shared>>) target_semaphore(%run_scoped3A : memref<!tpu.dma_semaphore, #tpu.memory_space<semaphore_mem>>)
        %dma_wait3A = arith.constant 0 : i32
        %dma_wait3A_186 = arith.constant 0 : i32
        %dma_wait3A_187 = tpu.memref_slice %arg8[%dma_wait3A, %dma_wait3A_186] : memref<128x128xbf16, #tpu.memory_space<vmem>> -> memref<32x128xbf16, #tpu.memory_space<vmem>>
        %dma_wait3A_188 = arith.constant 9984 : i32
        %dma_wait3A_189 = arith.constant 0 : i32
        %dma_wait3A_190 = tpu.memref_slice %arg12[%dma_wait3A_188, %dma_wait3A_189] : memref<10016x128xbf16, #tpu.memory_space<vmem_shared>> -> memref<32x128xbf16, #tpu.memory_space<vmem_shared>>
        %dma_wait3A_191 = arith.constant 9984 : i32
        %dma_wait3A_192 = arith.constant 0 : i32
        %dma_wait3A_193 = tpu.memref_slice %arg12[%dma_wait3A_191, %dma_wait3A_192] : memref<10016x128xbf16, #tpu.memory_space<vmem_shared>> -> memref<32x128xbf16, #tpu.memory_space<vmem_shared>>
        %dma_wait3A_194 = arith.constant 0 : i32
        %dma_wait3A_195 = arith.constant 0 : i32
        %dma_wait3A_196 = tpu.memref_slice %arg8[%dma_wait3A_194, %dma_wait3A_195] : memref<128x128xbf16, #tpu.memory_space<vmem>> -> memref<32x128xbf16, #tpu.memory_space<vmem>>
        tpu.wait_dma2 semaphore(%run_scoped3A : memref<!tpu.dma_semaphore, #tpu.memory_space<semaphore_mem>>) src(%dma_wait3A_196 : memref<32x128xbf16, #tpu.memory_space<vmem>>) dst(%dma_wait3A_193 : memref<32x128xbf16, #tpu.memory_space<vmem_shared>>)
        tpu.yield
      }) : () -> ()
    } else {
    }
    %barrier3A = arith.constant 0 : index
    tpu.barrier barrier_id(%barrier3A)
    "tpu.region"() ({
      %run_scoped3A = tpu.sem_alloc : memref<!tpu.dma_semaphore, #tpu.memory_space<semaphore_mem>>
      %dma_start3A_174 = arith.constant 0 : i32
      %dma_start3A_175 = arith.constant 0 : i32
      %dma_start3A_176 = tpu.memref_slice %arg3[%arg0, %arg1, %dma_start3A_174, %dma_start3A_175] : memref<2x16x80x128xi32, #tpu.memory_space<hbm>> -> memref<1x1x20x128xi32, #tpu.memory_space<hbm>>
      %dma_start3A_177 = tpu.memref_squeeze %dma_start3A_176 : memref<1x1x20x128xi32, #tpu.memory_space<hbm>> -> memref<20x128xi32, #tpu.memory_space<hbm>>
      %dma_start3A_178 = arith.constant 0 : i32
      %dma_start3A_179 = arith.constant 0 : i32
      %dma_start3A_180 = tpu.memref_slice %arg3[%arg0, %arg1, %dma_start3A_178, %dma_start3A_179] : memref<2x16x80x128xi32, #tpu.memory_space<hbm>> -> memref<1x1x20x128xi32, #tpu.memory_space<hbm>>
      %dma_start3A_181 = tpu.memref_squeeze %dma_start3A_180 : memref<1x1x20x128xi32, #tpu.memory_space<hbm>> -> memref<20x128xi32, #tpu.memory_space<hbm>>
      tpu.enqueue_dma source(%dma_start3A_181 : memref<20x128xi32, #tpu.memory_space<hbm>>) target(%arg6 : memref<20x128xi32, #tpu.memory_space<vmem>>) target_semaphore(%run_scoped3A : memref<!tpu.dma_semaphore, #tpu.memory_space<semaphore_mem>>)
      %dma_wait3A = arith.constant 0 : i32
      %dma_wait3A_182 = arith.constant 0 : i32
      %dma_wait3A_183 = tpu.memref_slice %arg3[%arg0, %arg1, %dma_wait3A, %dma_wait3A_182] : memref<2x16x80x128xi32, #tpu.memory_space<hbm>> -> memref<1x1x20x128xi32, #tpu.memory_space<hbm>>
      %dma_wait3A_184 = tpu.memref_squeeze %dma_wait3A_183 : memref<1x1x20x128xi32, #tpu.memory_space<hbm>> -> memref<20x128xi32, #tpu.memory_space<hbm>>
      %dma_wait3A_185 = arith.constant 0 : i32
      %dma_wait3A_186 = arith.constant 0 : i32
      %dma_wait3A_187 = tpu.memref_slice %arg3[%arg0, %arg1, %dma_wait3A_185, %dma_wait3A_186] : memref<2x16x80x128xi32, #tpu.memory_space<hbm>> -> memref<1x1x20x128xi32, #tpu.memory_space<hbm>>
      %dma_wait3A_188 = tpu.memref_squeeze %dma_wait3A_187 : memref<1x1x20x128xi32, #tpu.memory_space<hbm>> -> memref<20x128xi32, #tpu.memory_space<hbm>>
      tpu.wait_dma2 semaphore(%run_scoped3A : memref<!tpu.dma_semaphore, #tpu.memory_space<semaphore_mem>>) src(%dma_wait3A_188 : memref<20x128xi32, #tpu.memory_space<hbm>>) dst(%arg6 : memref<20x128xi32, #tpu.memory_space<vmem>>)
      tpu.yield
    }) : () -> ()
    "tpu.region"() ({
      %run_scoped3A = tpu.sem_alloc : memref<!tpu.dma_semaphore, #tpu.memory_space<semaphore_mem>>
      %dma_start3A_174 = arith.constant 0 : i32
      %dma_start3A_175 = arith.constant 0 : i32
      %dma_start3A_176 = tpu.memref_slice %arg4[%arg1, %dma_start3A_174, %dma_start3A_175] : memref<16x80x128xi32, #tpu.memory_space<hbm>> -> memref<1x20x128xi32, #tpu.memory_space<hbm>>
      %dma_start3A_177 = tpu.memref_squeeze %dma_start3A_176 : memref<1x20x128xi32, #tpu.memory_space<hbm>> -> memref<20x128xi32, #tpu.memory_space<hbm>>
      %dma_start3A_178 = arith.constant 0 : i32
      %dma_start3A_179 = arith.constant 0 : i32
      %dma_start3A_180 = tpu.memref_slice %arg4[%arg1, %dma_start3A_178, %dma_start3A_179] : memref<16x80x128xi32, #tpu.memory_space<hbm>> -> memref<1x20x128xi32, #tpu.memory_space<hbm>>
      %dma_start3A_181 = tpu.memref_squeeze %dma_start3A_180 : memref<1x20x128xi32, #tpu.memory_space<hbm>> -> memref<20x128xi32, #tpu.memory_space<hbm>>
      tpu.enqueue_dma source(%dma_start3A_181 : memref<20x128xi32, #tpu.memory_space<hbm>>) target(%arg7 : memref<20x128xi32, #tpu.memory_space<vmem>>) target_semaphore(%run_scoped3A : memref<!tpu.dma_semaphore, #tpu.memory_space<semaphore_mem>>)
      %dma_wait3A = arith.constant 0 : i32
      %dma_wait3A_182 = arith.constant 0 : i32
      %dma_wait3A_183 = tpu.memref_slice %arg4[%arg1, %dma_wait3A, %dma_wait3A_182] : memref<16x80x128xi32, #tpu.memory_space<hbm>> -> memref<1x20x128xi32, #tpu.memory_space<hbm>>
      %dma_wait3A_184 = tpu.memref_squeeze %dma_wait3A_183 : memref<1x20x128xi32, #tpu.memory_space<hbm>> -> memref<20x128xi32, #tpu.memory_space<hbm>>
      %dma_wait3A_185 = arith.constant 0 : i32
      %dma_wait3A_186 = arith.constant 0 : i32
      %dma_wait3A_187 = tpu.memref_slice %arg4[%arg1, %dma_wait3A_185, %dma_wait3A_186] : memref<16x80x128xi32, #tpu.memory_space<hbm>> -> memref<1x20x128xi32, #tpu.memory_space<hbm>>
      %dma_wait3A_188 = tpu.memref_squeeze %dma_wait3A_187 : memref<1x20x128xi32, #tpu.memory_space<hbm>> -> memref<20x128xi32, #tpu.memory_space<hbm>>
      tpu.wait_dma2 semaphore(%run_scoped3A : memref<!tpu.dma_semaphore, #tpu.memory_space<semaphore_mem>>) src(%dma_wait3A_188 : memref<20x128xi32, #tpu.memory_space<hbm>>) dst(%arg7 : memref<20x128xi32, #tpu.memory_space<vmem>>)
      tpu.yield
    }) : () -> ()
    %dma_start3A = arith.constant 0 : i32
    %dma_start3A_26 = arith.constant 0 : i32
    %dma_start3A_27 = tpu.memref_slice %arg6[%dma_start3A, %dma_start3A_26] : memref<20x128xi32, #tpu.memory_space<vmem>> -> memref<1x128xi32, #tpu.memory_space<vmem>>
    %dma_start3A_28 = tpu.memref_squeeze %dma_start3A_27 : memref<1x128xi32, #tpu.memory_space<vmem>> -> memref<128xi32, #tpu.memory_space<vmem>>
    %dma_start3A_29 = arith.constant 0 : i32
    %dma_start3A_30 = arith.constant 0 : i32
    %dma_start3A_31 = tpu.memref_slice %arg2[%dma_start3A_29, %dma_start3A_30] : memref<20000x128xbf16, #tpu.memory_space<hbm>> -> memref<20000x128xbf16, #tpu.memory_space<hbm>>
    tpu.enqueue_indirect_dma source(%dma_start3A_31 : memref<20000x128xbf16, #tpu.memory_space<hbm>>) target(%arg8 : memref<128x128xbf16, #tpu.memory_space<vmem>>) offsets(%dma_start3A_28 : memref<128xi32, #tpu.memory_space<vmem>>) semaphore(%arg13 : memref<!tpu.dma_semaphore, #tpu.memory_space<semaphore_mem>>)
    %dma_start3A_32 = arith.constant 1 : i32
    %dma_start3A_33 = arith.constant 0 : i32
    %dma_start3A_34 = tpu.memref_slice %arg6[%dma_start3A_32, %dma_start3A_33] : memref<20x128xi32, #tpu.memory_space<vmem>> -> memref<1x128xi32, #tpu.memory_space<vmem>>
    %dma_start3A_35 = tpu.memref_squeeze %dma_start3A_34 : memref<1x128xi32, #tpu.memory_space<vmem>> -> memref<128xi32, #tpu.memory_space<vmem>>
    %dma_start3A_36 = arith.constant 0 : i32
    %dma_start3A_37 = arith.constant 0 : i32
    %dma_start3A_38 = tpu.memref_slice %arg2[%dma_start3A_36, %dma_start3A_37] : memref<20000x128xbf16, #tpu.memory_space<hbm>> -> memref<20000x128xbf16, #tpu.memory_space<hbm>>
    tpu.enqueue_indirect_dma source(%dma_start3A_38 : memref<20000x128xbf16, #tpu.memory_space<hbm>>) target(%arg9 : memref<128x128xbf16, #tpu.memory_space<vmem>>) offsets(%dma_start3A_35 : memref<128xi32, #tpu.memory_space<vmem>>) semaphore(%arg14 : memref<!tpu.dma_semaphore, #tpu.memory_space<semaphore_mem>>)
    %dma_start3A_39 = arith.constant 2 : i32
    %dma_start3A_40 = arith.constant 0 : i32
    %dma_start3A_41 = tpu.memref_slice %arg6[%dma_start3A_39, %dma_start3A_40] : memref<20x128xi32, #tpu.memory_space<vmem>> -> memref<1x128xi32, #tpu.memory_space<vmem>>
    %dma_start3A_42 = tpu.memref_squeeze %dma_start3A_41 : memref<1x128xi32, #tpu.memory_space<vmem>> -> memref<128xi32, #tpu.memory_space<vmem>>
    %dma_start3A_43 = arith.constant 0 : i32
    %dma_start3A_44 = arith.constant 0 : i32
    %dma_start3A_45 = tpu.memref_slice %arg2[%dma_start3A_43, %dma_start3A_44] : memref<20000x128xbf16, #tpu.memory_space<hbm>> -> memref<20000x128xbf16, #tpu.memory_space<hbm>>
    tpu.enqueue_indirect_dma source(%dma_start3A_45 : memref<20000x128xbf16, #tpu.memory_space<hbm>>) target(%arg10 : memref<128x128xbf16, #tpu.memory_space<vmem>>) offsets(%dma_start3A_42 : memref<128xi32, #tpu.memory_space<vmem>>) semaphore(%arg15 : memref<!tpu.dma_semaphore, #tpu.memory_space<semaphore_mem>>)
    %dma_start3A_46 = arith.constant 3 : i32
    %dma_start3A_47 = arith.constant 0 : i32
    %dma_start3A_48 = tpu.memref_slice %arg6[%dma_start3A_46, %dma_start3A_47] : memref<20x128xi32, #tpu.memory_space<vmem>> -> memref<1x128xi32, #tpu.memory_space<vmem>>
    %dma_start3A_49 = tpu.memref_squeeze %dma_start3A_48 : memref<1x128xi32, #tpu.memory_space<vmem>> -> memref<128xi32, #tpu.memory_space<vmem>>
    %dma_start3A_50 = arith.constant 0 : i32
    %dma_start3A_51 = arith.constant 0 : i32
    %dma_start3A_52 = tpu.memref_slice %arg2[%dma_start3A_50, %dma_start3A_51] : memref<20000x128xbf16, #tpu.memory_space<hbm>> -> memref<20000x128xbf16, #tpu.memory_space<hbm>>
    tpu.enqueue_indirect_dma source(%dma_start3A_52 : memref<20000x128xbf16, #tpu.memory_space<hbm>>) target(%arg11 : memref<128x128xbf16, #tpu.memory_space<vmem>>) offsets(%dma_start3A_49 : memref<128xi32, #tpu.memory_space<vmem>>) semaphore(%arg16 : memref<!tpu.dma_semaphore, #tpu.memory_space<semaphore_mem>>)
    %scan3A_53 = arith.constant 0 : i32
    %scan3A_54 = arith.constant 0 : i32
    %scan3A_55 = arith.constant 5 : i32
    %scan3A_56 = arith.addi %scan3A_54, %scan3A_55 : i32
    %scan3A_57 = arith.constant 1 : i32
    scf.for %scan3A_174 = %scan3A_54 to %scan3A_56 step %scan3A_57  : i32 {
      %mul3A_175 = arith.constant 4 : i32
      %mul3A_176 = arith.muli %mul3A_175, %scan3A_174 : i32
      %add3A_177 = arith.constant 0 : i32
      %add3A_178 = arith.addi %mul3A_176, %add3A_177 : i32
      %dma_wait3A = arith.constant 0 : i32
      %dma_wait3A_179 = tpu.memref_slice %arg6[%add3A_178, %dma_wait3A] : memref<20x128xi32, #tpu.memory_space<vmem>> -> memref<1x128xi32, #tpu.memory_space<vmem>>
      %dma_wait3A_180 = tpu.memref_squeeze %dma_wait3A_179 : memref<1x128xi32, #tpu.memory_space<vmem>> -> memref<128xi32, #tpu.memory_space<vmem>>
      %dma_wait3A_181 = arith.constant 0 : i32
      %dma_wait3A_182 = arith.constant 0 : i32
      %dma_wait3A_183 = tpu.memref_slice %arg2[%dma_wait3A_181, %dma_wait3A_182] : memref<20000x128xbf16, #tpu.memory_space<hbm>> -> memref<20000x128xbf16, #tpu.memory_space<hbm>>
      tpu.wait_indirect_dma semaphore(%arg13 : memref<!tpu.dma_semaphore, #tpu.memory_space<semaphore_mem>>) src(%dma_wait3A_183 : memref<20000x128xbf16, #tpu.memory_space<hbm>>) dst(%arg8 : memref<128x128xbf16, #tpu.memory_space<vmem>>)
      "tpu.region"() ({
        %run_scoped3A = tpu.sem_alloc : memref<!tpu.dma_semaphore, #tpu.memory_space<semaphore_mem>>
        %dma_start3A_241 = arith.constant 0 : i32
        %dma_start3A_242 = tpu.memref_slice %arg7[%add3A_178, %dma_start3A_241] : memref<20x128xi32, #tpu.memory_space<vmem>> -> memref<1x128xi32, #tpu.memory_space<vmem>>
        %dma_start3A_243 = tpu.memref_squeeze %dma_start3A_242 : memref<1x128xi32, #tpu.memory_space<vmem>> -> memref<128xi32, #tpu.memory_space<vmem>>
        %dma_start3A_244 = arith.constant 0 : i32
        %dma_start3A_245 = arith.constant 0 : i32
        %dma_start3A_246 = tpu.memref_slice %arg12[%dma_start3A_244, %dma_start3A_245] : memref<10016x128xbf16, #tpu.memory_space<vmem_shared>> -> memref<10016x128xbf16, #tpu.memory_space<vmem_shared>>
        tpu.enqueue_indirect_dma source(%arg8 : memref<128x128xbf16, #tpu.memory_space<vmem>>) target(%dma_start3A_246 : memref<10016x128xbf16, #tpu.memory_space<vmem_shared>>) offsets(%dma_start3A_243 : memref<128xi32, #tpu.memory_space<vmem>>) semaphore(%run_scoped3A : memref<!tpu.dma_semaphore, #tpu.memory_space<semaphore_mem>>) {add = true}
        %dma_wait3A_247 = arith.constant 0 : i32
        %dma_wait3A_248 = tpu.memref_slice %arg7[%add3A_178, %dma_wait3A_247] : memref<20x128xi32, #tpu.memory_space<vmem>> -> memref<1x128xi32, #tpu.memory_space<vmem>>
        %dma_wait3A_249 = tpu.memref_squeeze %dma_wait3A_248 : memref<1x128xi32, #tpu.memory_space<vmem>> -> memref<128xi32, #tpu.memory_space<vmem>>
        %dma_wait3A_250 = arith.constant 0 : i32
        %dma_wait3A_251 = arith.constant 0 : i32
        %dma_wait3A_252 = tpu.memref_slice %arg12[%dma_wait3A_250, %dma_wait3A_251] : memref<10016x128xbf16, #tpu.memory_space<vmem_shared>> -> memref<10016x128xbf16, #tpu.memory_space<vmem_shared>>
        tpu.wait_indirect_dma semaphore(%run_scoped3A : memref<!tpu.dma_semaphore, #tpu.memory_space<semaphore_mem>>) src(%arg8 : memref<128x128xbf16, #tpu.memory_space<vmem>>) dst(%dma_wait3A_252 : memref<10016x128xbf16, #tpu.memory_space<vmem_shared>>)
        tpu.yield
      }) : () -> ()
      %add3A_184 = arith.constant 4 : i32
      %add3A_185 = arith.addi %add3A_178, %add3A_184 : i32
      %lt3A = arith.constant 20 : i32
      %lt3A_186 = arith.cmpi slt, %add3A_185, %lt3A : i32
      %convert_element_type3A_187 = arith.extui %lt3A_186 : i1 to i32
      %cond3A_188 = arith.constant 0 : i32
      %cond3A_189 = arith.cmpi ne, %convert_element_type3A_187, %cond3A_188 : i32
      scf.if %cond3A_189 {
        %dma_start3A_241 = arith.constant 0 : i32
        %dma_start3A_242 = tpu.memref_slice %arg6[%add3A_185, %dma_start3A_241] : memref<20x128xi32, #tpu.memory_space<vmem>> -> memref<1x128xi32, #tpu.memory_space<vmem>>
        %dma_start3A_243 = tpu.memref_squeeze %dma_start3A_242 : memref<1x128xi32, #tpu.memory_space<vmem>> -> memref<128xi32, #tpu.memory_space<vmem>>
        %dma_start3A_244 = arith.constant 0 : i32
        %dma_start3A_245 = arith.constant 0 : i32
        %dma_start3A_246 = tpu.memref_slice %arg2[%dma_start3A_244, %dma_start3A_245] : memref<20000x128xbf16, #tpu.memory_space<hbm>> -> memref<20000x128xbf16, #tpu.memory_space<hbm>>
        tpu.enqueue_indirect_dma source(%dma_start3A_246 : memref<20000x128xbf16, #tpu.memory_space<hbm>>) target(%arg8 : memref<128x128xbf16, #tpu.memory_space<vmem>>) offsets(%dma_start3A_243 : memref<128xi32, #tpu.memory_space<vmem>>) semaphore(%arg13 : memref<!tpu.dma_semaphore, #tpu.memory_space<semaphore_mem>>)
      } else {
      }
      %mul3A_190 = arith.constant 4 : i32
      %mul3A_191 = arith.muli %mul3A_190, %scan3A_174 : i32
      %add3A_192 = arith.constant 1 : i32
      %add3A_193 = arith.addi %mul3A_191, %add3A_192 : i32
      %dma_wait3A_194 = arith.constant 0 : i32
      %dma_wait3A_195 = tpu.memref_slice %arg6[%add3A_193, %dma_wait3A_194] : memref<20x128xi32, #tpu.memory_space<vmem>> -> memref<1x128xi32, #tpu.memory_space<vmem>>
      %dma_wait3A_196 = tpu.memref_squeeze %dma_wait3A_195 : memref<1x128xi32, #tpu.memory_space<vmem>> -> memref<128xi32, #tpu.memory_space<vmem>>
      %dma_wait3A_197 = arith.constant 0 : i32
      %dma_wait3A_198 = arith.constant 0 : i32
      %dma_wait3A_199 = tpu.memref_slice %arg2[%dma_wait3A_197, %dma_wait3A_198] : memref<20000x128xbf16, #tpu.memory_space<hbm>> -> memref<20000x128xbf16, #tpu.memory_space<hbm>>
      tpu.wait_indirect_dma semaphore(%arg14 : memref<!tpu.dma_semaphore, #tpu.memory_space<semaphore_mem>>) src(%dma_wait3A_199 : memref<20000x128xbf16, #tpu.memory_space<hbm>>) dst(%arg9 : memref<128x128xbf16, #tpu.memory_space<vmem>>)
      "tpu.region"() ({
        %run_scoped3A = tpu.sem_alloc : memref<!tpu.dma_semaphore, #tpu.memory_space<semaphore_mem>>
        %dma_start3A_241 = arith.constant 0 : i32
        %dma_start3A_242 = tpu.memref_slice %arg7[%add3A_193, %dma_start3A_241] : memref<20x128xi32, #tpu.memory_space<vmem>> -> memref<1x128xi32, #tpu.memory_space<vmem>>
        %dma_start3A_243 = tpu.memref_squeeze %dma_start3A_242 : memref<1x128xi32, #tpu.memory_space<vmem>> -> memref<128xi32, #tpu.memory_space<vmem>>
        %dma_start3A_244 = arith.constant 0 : i32
        %dma_start3A_245 = arith.constant 0 : i32
        %dma_start3A_246 = tpu.memref_slice %arg12[%dma_start3A_244, %dma_start3A_245] : memref<10016x128xbf16, #tpu.memory_space<vmem_shared>> -> memref<10016x128xbf16, #tpu.memory_space<vmem_shared>>
        tpu.enqueue_indirect_dma source(%arg9 : memref<128x128xbf16, #tpu.memory_space<vmem>>) target(%dma_start3A_246 : memref<10016x128xbf16, #tpu.memory_space<vmem_shared>>) offsets(%dma_start3A_243 : memref<128xi32, #tpu.memory_space<vmem>>) semaphore(%run_scoped3A : memref<!tpu.dma_semaphore, #tpu.memory_space<semaphore_mem>>) {add = true}
        %dma_wait3A_247 = arith.constant 0 : i32
        %dma_wait3A_248 = tpu.memref_slice %arg7[%add3A_193, %dma_wait3A_247] : memref<20x128xi32, #tpu.memory_space<vmem>> -> memref<1x128xi32, #tpu.memory_space<vmem>>
        %dma_wait3A_249 = tpu.memref_squeeze %dma_wait3A_248 : memref<1x128xi32, #tpu.memory_space<vmem>> -> memref<128xi32, #tpu.memory_space<vmem>>
        %dma_wait3A_250 = arith.constant 0 : i32
        %dma_wait3A_251 = arith.constant 0 : i32
        %dma_wait3A_252 = tpu.memref_slice %arg12[%dma_wait3A_250, %dma_wait3A_251] : memref<10016x128xbf16, #tpu.memory_space<vmem_shared>> -> memref<10016x128xbf16, #tpu.memory_space<vmem_shared>>
        tpu.wait_indirect_dma semaphore(%run_scoped3A : memref<!tpu.dma_semaphore, #tpu.memory_space<semaphore_mem>>) src(%arg9 : memref<128x128xbf16, #tpu.memory_space<vmem>>) dst(%dma_wait3A_252 : memref<10016x128xbf16, #tpu.memory_space<vmem_shared>>)
        tpu.yield
      }) : () -> ()
      %add3A_200 = arith.constant 4 : i32
      %add3A_201 = arith.addi %add3A_193, %add3A_200 : i32
      %lt3A_202 = arith.constant 20 : i32
      %lt3A_203 = arith.cmpi slt, %add3A_201, %lt3A_202 : i32
      %convert_element_type3A_204 = arith.extui %lt3A_203 : i1 to i32
      %cond3A_205 = arith.constant 0 : i32
      %cond3A_206 = arith.cmpi ne, %convert_element_type3A_204, %cond3A_205 : i32
      scf.if %cond3A_206 {
        %dma_start3A_241 = arith.constant 0 : i32
        %dma_start3A_242 = tpu.memref_slice %arg6[%add3A_201, %dma_start3A_241] : memref<20x128xi32, #tpu.memory_space<vmem>> -> memref<1x128xi32, #tpu.memory_space<vmem>>
        %dma_start3A_243 = tpu.memref_squeeze %dma_start3A_242 : memref<1x128xi32, #tpu.memory_space<vmem>> -> memref<128xi32, #tpu.memory_space<vmem>>
        %dma_start3A_244 = arith.constant 0 : i32
        %dma_start3A_245 = arith.constant 0 : i32
        %dma_start3A_246 = tpu.memref_slice %arg2[%dma_start3A_244, %dma_start3A_245] : memref<20000x128xbf16, #tpu.memory_space<hbm>> -> memref<20000x128xbf16, #tpu.memory_space<hbm>>
        tpu.enqueue_indirect_dma source(%dma_start3A_246 : memref<20000x128xbf16, #tpu.memory_space<hbm>>) target(%arg9 : memref<128x128xbf16, #tpu.memory_space<vmem>>) offsets(%dma_start3A_243 : memref<128xi32, #tpu.memory_space<vmem>>) semaphore(%arg14 : memref<!tpu.dma_semaphore, #tpu.memory_space<semaphore_mem>>)
      } else {
      }
      %mul3A_207 = arith.constant 4 : i32
      %mul3A_208 = arith.muli %mul3A_207, %scan3A_174 : i32
      %add3A_209 = arith.constant 2 : i32
      %add3A_210 = arith.addi %mul3A_208, %add3A_209 : i32
      %dma_wait3A_211 = arith.constant 0 : i32
      %dma_wait3A_212 = tpu.memref_slice %arg6[%add3A_210, %dma_wait3A_211] : memref<20x128xi32, #tpu.memory_space<vmem>> -> memref<1x128xi32, #tpu.memory_space<vmem>>
      %dma_wait3A_213 = tpu.memref_squeeze %dma_wait3A_212 : memref<1x128xi32, #tpu.memory_space<vmem>> -> memref<128xi32, #tpu.memory_space<vmem>>
      %dma_wait3A_214 = arith.constant 0 : i32
      %dma_wait3A_215 = arith.constant 0 : i32
      %dma_wait3A_216 = tpu.memref_slice %arg2[%dma_wait3A_214, %dma_wait3A_215] : memref<20000x128xbf16, #tpu.memory_space<hbm>> -> memref<20000x128xbf16, #tpu.memory_space<hbm>>
      tpu.wait_indirect_dma semaphore(%arg15 : memref<!tpu.dma_semaphore, #tpu.memory_space<semaphore_mem>>) src(%dma_wait3A_216 : memref<20000x128xbf16, #tpu.memory_space<hbm>>) dst(%arg10 : memref<128x128xbf16, #tpu.memory_space<vmem>>)
      "tpu.region"() ({
        %run_scoped3A = tpu.sem_alloc : memref<!tpu.dma_semaphore, #tpu.memory_space<semaphore_mem>>
        %dma_start3A_241 = arith.constant 0 : i32
        %dma_start3A_242 = tpu.memref_slice %arg7[%add3A_210, %dma_start3A_241] : memref<20x128xi32, #tpu.memory_space<vmem>> -> memref<1x128xi32, #tpu.memory_space<vmem>>
        %dma_start3A_243 = tpu.memref_squeeze %dma_start3A_242 : memref<1x128xi32, #tpu.memory_space<vmem>> -> memref<128xi32, #tpu.memory_space<vmem>>
        %dma_start3A_244 = arith.constant 0 : i32
        %dma_start3A_245 = arith.constant 0 : i32
        %dma_start3A_246 = tpu.memref_slice %arg12[%dma_start3A_244, %dma_start3A_245] : memref<10016x128xbf16, #tpu.memory_space<vmem_shared>> -> memref<10016x128xbf16, #tpu.memory_space<vmem_shared>>
        tpu.enqueue_indirect_dma source(%arg10 : memref<128x128xbf16, #tpu.memory_space<vmem>>) target(%dma_start3A_246 : memref<10016x128xbf16, #tpu.memory_space<vmem_shared>>) offsets(%dma_start3A_243 : memref<128xi32, #tpu.memory_space<vmem>>) semaphore(%run_scoped3A : memref<!tpu.dma_semaphore, #tpu.memory_space<semaphore_mem>>) {add = true}
        %dma_wait3A_247 = arith.constant 0 : i32
        %dma_wait3A_248 = tpu.memref_slice %arg7[%add3A_210, %dma_wait3A_247] : memref<20x128xi32, #tpu.memory_space<vmem>> -> memref<1x128xi32, #tpu.memory_space<vmem>>
        %dma_wait3A_249 = tpu.memref_squeeze %dma_wait3A_248 : memref<1x128xi32, #tpu.memory_space<vmem>> -> memref<128xi32, #tpu.memory_space<vmem>>
        %dma_wait3A_250 = arith.constant 0 : i32
        %dma_wait3A_251 = arith.constant 0 : i32
        %dma_wait3A_252 = tpu.memref_slice %arg12[%dma_wait3A_250, %dma_wait3A_251] : memref<10016x128xbf16, #tpu.memory_space<vmem_shared>> -> memref<10016x128xbf16, #tpu.memory_space<vmem_shared>>
        tpu.wait_indirect_dma semaphore(%run_scoped3A : memref<!tpu.dma_semaphore, #tpu.memory_space<semaphore_mem>>) src(%arg10 : memref<128x128xbf16, #tpu.memory_space<vmem>>) dst(%dma_wait3A_252 : memref<10016x128xbf16, #tpu.memory_space<vmem_shared>>)
        tpu.yield
      }) : () -> ()
      %add3A_217 = arith.constant 4 : i32
      %add3A_218 = arith.addi %add3A_210, %add3A_217 : i32
      %lt3A_219 = arith.constant 20 : i32
      %lt3A_220 = arith.cmpi slt, %add3A_218, %lt3A_219 : i32
      %convert_element_type3A_221 = arith.extui %lt3A_220 : i1 to i32
      %cond3A_222 = arith.constant 0 : i32
      %cond3A_223 = arith.cmpi ne, %convert_element_type3A_221, %cond3A_222 : i32
      scf.if %cond3A_223 {
        %dma_start3A_241 = arith.constant 0 : i32
        %dma_start3A_242 = tpu.memref_slice %arg6[%add3A_218, %dma_start3A_241] : memref<20x128xi32, #tpu.memory_space<vmem>> -> memref<1x128xi32, #tpu.memory_space<vmem>>
        %dma_start3A_243 = tpu.memref_squeeze %dma_start3A_242 : memref<1x128xi32, #tpu.memory_space<vmem>> -> memref<128xi32, #tpu.memory_space<vmem>>
        %dma_start3A_244 = arith.constant 0 : i32
        %dma_start3A_245 = arith.constant 0 : i32
        %dma_start3A_246 = tpu.memref_slice %arg2[%dma_start3A_244, %dma_start3A_245] : memref<20000x128xbf16, #tpu.memory_space<hbm>> -> memref<20000x128xbf16, #tpu.memory_space<hbm>>
        tpu.enqueue_indirect_dma source(%dma_start3A_246 : memref<20000x128xbf16, #tpu.memory_space<hbm>>) target(%arg10 : memref<128x128xbf16, #tpu.memory_space<vmem>>) offsets(%dma_start3A_243 : memref<128xi32, #tpu.memory_space<vmem>>) semaphore(%arg15 : memref<!tpu.dma_semaphore, #tpu.memory_space<semaphore_mem>>)
      } else {
      }
      %mul3A_224 = arith.constant 4 : i32
      %mul3A_225 = arith.muli %mul3A_224, %scan3A_174 : i32
      %add3A_226 = arith.constant 3 : i32
      %add3A_227 = arith.addi %mul3A_225, %add3A_226 : i32
      %dma_wait3A_228 = arith.constant 0 : i32
      %dma_wait3A_229 = tpu.memref_slice %arg6[%add3A_227, %dma_wait3A_228] : memref<20x128xi32, #tpu.memory_space<vmem>> -> memref<1x128xi32, #tpu.memory_space<vmem>>
      %dma_wait3A_230 = tpu.memref_squeeze %dma_wait3A_229 : memref<1x128xi32, #tpu.memory_space<vmem>> -> memref<128xi32, #tpu.memory_space<vmem>>
      %dma_wait3A_231 = arith.constant 0 : i32
      %dma_wait3A_232 = arith.constant 0 : i32
      %dma_wait3A_233 = tpu.memref_slice %arg2[%dma_wait3A_231, %dma_wait3A_232] : memref<20000x128xbf16, #tpu.memory_space<hbm>> -> memref<20000x128xbf16, #tpu.memory_space<hbm>>
      tpu.wait_indirect_dma semaphore(%arg16 : memref<!tpu.dma_semaphore, #tpu.memory_space<semaphore_mem>>) src(%dma_wait3A_233 : memref<20000x128xbf16, #tpu.memory_space<hbm>>) dst(%arg11 : memref<128x128xbf16, #tpu.memory_space<vmem>>)
      "tpu.region"() ({
        %run_scoped3A = tpu.sem_alloc : memref<!tpu.dma_semaphore, #tpu.memory_space<semaphore_mem>>
        %dma_start3A_241 = arith.constant 0 : i32
        %dma_start3A_242 = tpu.memref_slice %arg7[%add3A_227, %dma_start3A_241] : memref<20x128xi32, #tpu.memory_space<vmem>> -> memref<1x128xi32, #tpu.memory_space<vmem>>
        %dma_start3A_243 = tpu.memref_squeeze %dma_start3A_242 : memref<1x128xi32, #tpu.memory_space<vmem>> -> memref<128xi32, #tpu.memory_space<vmem>>
        %dma_start3A_244 = arith.constant 0 : i32
        %dma_start3A_245 = arith.constant 0 : i32
        %dma_start3A_246 = tpu.memref_slice %arg12[%dma_start3A_244, %dma_start3A_245] : memref<10016x128xbf16, #tpu.memory_space<vmem_shared>> -> memref<10016x128xbf16, #tpu.memory_space<vmem_shared>>
        tpu.enqueue_indirect_dma source(%arg11 : memref<128x128xbf16, #tpu.memory_space<vmem>>) target(%dma_start3A_246 : memref<10016x128xbf16, #tpu.memory_space<vmem_shared>>) offsets(%dma_start3A_243 : memref<128xi32, #tpu.memory_space<vmem>>) semaphore(%run_scoped3A : memref<!tpu.dma_semaphore, #tpu.memory_space<semaphore_mem>>) {add = true}
        %dma_wait3A_247 = arith.constant 0 : i32
        %dma_wait3A_248 = tpu.memref_slice %arg7[%add3A_227, %dma_wait3A_247] : memref<20x128xi32, #tpu.memory_space<vmem>> -> memref<1x128xi32, #tpu.memory_space<vmem>>
        %dma_wait3A_249 = tpu.memref_squeeze %dma_wait3A_248 : memref<1x128xi32, #tpu.memory_space<vmem>> -> memref<128xi32, #tpu.memory_space<vmem>>
        %dma_wait3A_250 = arith.constant 0 : i32
        %dma_wait3A_251 = arith.constant 0 : i32
        %dma_wait3A_252 = tpu.memref_slice %arg12[%dma_wait3A_250, %dma_wait3A_251] : memref<10016x128xbf16, #tpu.memory_space<vmem_shared>> -> memref<10016x128xbf16, #tpu.memory_space<vmem_shared>>
        tpu.wait_indirect_dma semaphore(%run_scoped3A : memref<!tpu.dma_semaphore, #tpu.memory_space<semaphore_mem>>) src(%arg11 : memref<128x128xbf16, #tpu.memory_space<vmem>>) dst(%dma_wait3A_252 : memref<10016x128xbf16, #tpu.memory_space<vmem_shared>>)
        tpu.yield
      }) : () -> ()
      %add3A_234 = arith.constant 4 : i32
      %add3A_235 = arith.addi %add3A_227, %add3A_234 : i32
      %lt3A_236 = arith.constant 20 : i32
      %lt3A_237 = arith.cmpi slt, %add3A_235, %lt3A_236 : i32
      %convert_element_type3A_238 = arith.extui %lt3A_237 : i1 to i32
      %cond3A_239 = arith.constant 0 : i32
      %cond3A_240 = arith.cmpi ne, %convert_element_type3A_238, %cond3A_239 : i32
      scf.if %cond3A_240 {
        %dma_start3A_241 = arith.constant 0 : i32
        %dma_start3A_242 = tpu.memref_slice %arg6[%add3A_235, %dma_start3A_241] : memref<20x128xi32, #tpu.memory_space<vmem>> -> memref<1x128xi32, #tpu.memory_space<vmem>>
        %dma_start3A_243 = tpu.memref_squeeze %dma_start3A_242 : memref<1x128xi32, #tpu.memory_space<vmem>> -> memref<128xi32, #tpu.memory_space<vmem>>
        %dma_start3A_244 = arith.constant 0 : i32
        %dma_start3A_245 = arith.constant 0 : i32
        %dma_start3A_246 = tpu.memref_slice %arg2[%dma_start3A_244, %dma_start3A_245] : memref<20000x128xbf16, #tpu.memory_space<hbm>> -> memref<20000x128xbf16, #tpu.memory_space<hbm>>
        tpu.enqueue_indirect_dma source(%dma_start3A_246 : memref<20000x128xbf16, #tpu.memory_space<hbm>>) target(%arg11 : memref<128x128xbf16, #tpu.memory_space<vmem>>) offsets(%dma_start3A_243 : memref<128xi32, #tpu.memory_space<vmem>>) semaphore(%arg16 : memref<!tpu.dma_semaphore, #tpu.memory_space<semaphore_mem>>)
      } else {
      }
    }
    %scan3A_58 = arith.constant 5 : i32
    "tpu.region"() ({
      %run_scoped3A = tpu.sem_alloc : memref<!tpu.dma_semaphore, #tpu.memory_space<semaphore_mem>>
      %dma_start3A_174 = arith.constant 20 : i32
      %dma_start3A_175 = arith.constant 0 : i32
      %dma_start3A_176 = tpu.memref_slice %arg3[%arg0, %arg1, %dma_start3A_174, %dma_start3A_175] : memref<2x16x80x128xi32, #tpu.memory_space<hbm>> -> memref<1x1x20x128xi32, #tpu.memory_space<hbm>>
      %dma_start3A_177 = tpu.memref_squeeze %dma_start3A_176 : memref<1x1x20x128xi32, #tpu.memory_space<hbm>> -> memref<20x128xi32, #tpu.memory_space<hbm>>
      %dma_start3A_178 = arith.constant 20 : i32
      %dma_start3A_179 = arith.constant 0 : i32
      %dma_start3A_180 = tpu.memref_slice %arg3[%arg0, %arg1, %dma_start3A_178, %dma_start3A_179] : memref<2x16x80x128xi32, #tpu.memory_space<hbm>> -> memref<1x1x20x128xi32, #tpu.memory_space<hbm>>
      %dma_start3A_181 = tpu.memref_squeeze %dma_start3A_180 : memref<1x1x20x128xi32, #tpu.memory_space<hbm>> -> memref<20x128xi32, #tpu.memory_space<hbm>>
      tpu.enqueue_dma source(%dma_start3A_181 : memref<20x128xi32, #tpu.memory_space<hbm>>) target(%arg6 : memref<20x128xi32, #tpu.memory_space<vmem>>) target_semaphore(%run_scoped3A : memref<!tpu.dma_semaphore, #tpu.memory_space<semaphore_mem>>)
      %dma_wait3A = arith.constant 20 : i32
      %dma_wait3A_182 = arith.constant 0 : i32
      %dma_wait3A_183 = tpu.memref_slice %arg3[%arg0, %arg1, %dma_wait3A, %dma_wait3A_182] : memref<2x16x80x128xi32, #tpu.memory_space<hbm>> -> memref<1x1x20x128xi32, #tpu.memory_space<hbm>>
      %dma_wait3A_184 = tpu.memref_squeeze %dma_wait3A_183 : memref<1x1x20x128xi32, #tpu.memory_space<hbm>> -> memref<20x128xi32, #tpu.memory_space<hbm>>
      %dma_wait3A_185 = arith.constant 20 : i32
      %dma_wait3A_186 = arith.constant 0 : i32
      %dma_wait3A_187 = tpu.memref_slice %arg3[%arg0, %arg1, %dma_wait3A_185, %dma_wait3A_186] : memref<2x16x80x128xi32, #tpu.memory_space<hbm>> -> memref<1x1x20x128xi32, #tpu.memory_space<hbm>>
      %dma_wait3A_188 = tpu.memref_squeeze %dma_wait3A_187 : memref<1x1x20x128xi32, #tpu.memory_space<hbm>> -> memref<20x128xi32, #tpu.memory_space<hbm>>
      tpu.wait_dma2 semaphore(%run_scoped3A : memref<!tpu.dma_semaphore, #tpu.memory_space<semaphore_mem>>) src(%dma_wait3A_188 : memref<20x128xi32, #tpu.memory_space<hbm>>) dst(%arg6 : memref<20x128xi32, #tpu.memory_space<vmem>>)
      tpu.yield
    }) : () -> ()
    "tpu.region"() ({
      %run_scoped3A = tpu.sem_alloc : memref<!tpu.dma_semaphore, #tpu.memory_space<semaphore_mem>>
      %dma_start3A_174 = arith.constant 20 : i32
      %dma_start3A_175 = arith.constant 0 : i32
      %dma_start3A_176 = tpu.memref_slice %arg4[%arg1, %dma_start3A_174, %dma_start3A_175] : memref<16x80x128xi32, #tpu.memory_space<hbm>> -> memref<1x20x128xi32, #tpu.memory_space<hbm>>
      %dma_start3A_177 = tpu.memref_squeeze %dma_start3A_176 : memref<1x20x128xi32, #tpu.memory_space<hbm>> -> memref<20x128xi32, #tpu.memory_space<hbm>>
      %dma_start3A_178 = arith.constant 20 : i32
      %dma_start3A_179 = arith.constant 0 : i32
      %dma_start3A_180 = tpu.memref_slice %arg4[%arg1, %dma_start3A_178, %dma_start3A_179] : memref<16x80x128xi32, #tpu.memory_space<hbm>> -> memref<1x20x128xi32, #tpu.memory_space<hbm>>
      %dma_start3A_181 = tpu.memref_squeeze %dma_start3A_180 : memref<1x20x128xi32, #tpu.memory_space<hbm>> -> memref<20x128xi32, #tpu.memory_space<hbm>>
      tpu.enqueue_dma source(%dma_start3A_181 : memref<20x128xi32, #tpu.memory_space<hbm>>) target(%arg7 : memref<20x128xi32, #tpu.memory_space<vmem>>) target_semaphore(%run_scoped3A : memref<!tpu.dma_semaphore, #tpu.memory_space<semaphore_mem>>)
      %dma_wait3A = arith.constant 20 : i32
      %dma_wait3A_182 = arith.constant 0 : i32
      %dma_wait3A_183 = tpu.memref_slice %arg4[%arg1, %dma_wait3A, %dma_wait3A_182] : memref<16x80x128xi32, #tpu.memory_space<hbm>> -> memref<1x20x128xi32, #tpu.memory_space<hbm>>
      %dma_wait3A_184 = tpu.memref_squeeze %dma_wait3A_183 : memref<1x20x128xi32, #tpu.memory_space<hbm>> -> memref<20x128xi32, #tpu.memory_space<hbm>>
      %dma_wait3A_185 = arith.constant 20 : i32
      %dma_wait3A_186 = arith.constant 0 : i32
      %dma_wait3A_187 = tpu.memref_slice %arg4[%arg1, %dma_wait3A_185, %dma_wait3A_186] : memref<16x80x128xi32, #tpu.memory_space<hbm>> -> memref<1x20x128xi32, #tpu.memory_space<hbm>>
      %dma_wait3A_188 = tpu.memref_squeeze %dma_wait3A_187 : memref<1x20x128xi32, #tpu.memory_space<hbm>> -> memref<20x128xi32, #tpu.memory_space<hbm>>
      tpu.wait_dma2 semaphore(%run_scoped3A : memref<!tpu.dma_semaphore, #tpu.memory_space<semaphore_mem>>) src(%dma_wait3A_188 : memref<20x128xi32, #tpu.memory_space<hbm>>) dst(%arg7 : memref<20x128xi32, #tpu.memory_space<vmem>>)
      tpu.yield
    }) : () -> ()
    %dma_start3A_59 = arith.constant 0 : i32
    %dma_start3A_60 = arith.constant 0 : i32
    %dma_start3A_61 = tpu.memref_slice %arg6[%dma_start3A_59, %dma_start3A_60] : memref<20x128xi32, #tpu.memory_space<vmem>> -> memref<1x128xi32, #tpu.memory_space<vmem>>
    %dma_start3A_62 = tpu.memref_squeeze %dma_start3A_61 : memref<1x128xi32, #tpu.memory_space<vmem>> -> memref<128xi32, #tpu.memory_space<vmem>>
    %dma_start3A_63 = arith.constant 0 : i32
    %dma_start3A_64 = arith.constant 0 : i32
    %dma_start3A_65 = tpu.memref_slice %arg2[%dma_start3A_63, %dma_start3A_64] : memref<20000x128xbf16, #tpu.memory_space<hbm>> -> memref<20000x128xbf16, #tpu.memory_space<hbm>>
    tpu.enqueue_indirect_dma source(%dma_start3A_65 : memref<20000x128xbf16, #tpu.memory_space<hbm>>) target(%arg8 : memref<128x128xbf16, #tpu.memory_space<vmem>>) offsets(%dma_start3A_62 : memref<128xi32, #tpu.memory_space<vmem>>) semaphore(%arg13 : memref<!tpu.dma_semaphore, #tpu.memory_space<semaphore_mem>>)
    %dma_start3A_66 = arith.constant 1 : i32
    %dma_start3A_67 = arith.constant 0 : i32
    %dma_start3A_68 = tpu.memref_slice %arg6[%dma_start3A_66, %dma_start3A_67] : memref<20x128xi32, #tpu.memory_space<vmem>> -> memref<1x128xi32, #tpu.memory_space<vmem>>
    %dma_start3A_69 = tpu.memref_squeeze %dma_start3A_68 : memref<1x128xi32, #tpu.memory_space<vmem>> -> memref<128xi32, #tpu.memory_space<vmem>>
    %dma_start3A_70 = arith.constant 0 : i32
    %dma_start3A_71 = arith.constant 0 : i32
    %dma_start3A_72 = tpu.memref_slice %arg2[%dma_start3A_70, %dma_start3A_71] : memref<20000x128xbf16, #tpu.memory_space<hbm>> -> memref<20000x128xbf16, #tpu.memory_space<hbm>>
    tpu.enqueue_indirect_dma source(%dma_start3A_72 : memref<20000x128xbf16, #tpu.memory_space<hbm>>) target(%arg9 : memref<128x128xbf16, #tpu.memory_space<vmem>>) offsets(%dma_start3A_69 : memref<128xi32, #tpu.memory_space<vmem>>) semaphore(%arg14 : memref<!tpu.dma_semaphore, #tpu.memory_space<semaphore_mem>>)
    %dma_start3A_73 = arith.constant 2 : i32
    %dma_start3A_74 = arith.constant 0 : i32
    %dma_start3A_75 = tpu.memref_slice %arg6[%dma_start3A_73, %dma_start3A_74] : memref<20x128xi32, #tpu.memory_space<vmem>> -> memref<1x128xi32, #tpu.memory_space<vmem>>
    %dma_start3A_76 = tpu.memref_squeeze %dma_start3A_75 : memref<1x128xi32, #tpu.memory_space<vmem>> -> memref<128xi32, #tpu.memory_space<vmem>>
    %dma_start3A_77 = arith.constant 0 : i32
    %dma_start3A_78 = arith.constant 0 : i32
    %dma_start3A_79 = tpu.memref_slice %arg2[%dma_start3A_77, %dma_start3A_78] : memref<20000x128xbf16, #tpu.memory_space<hbm>> -> memref<20000x128xbf16, #tpu.memory_space<hbm>>
    tpu.enqueue_indirect_dma source(%dma_start3A_79 : memref<20000x128xbf16, #tpu.memory_space<hbm>>) target(%arg10 : memref<128x128xbf16, #tpu.memory_space<vmem>>) offsets(%dma_start3A_76 : memref<128xi32, #tpu.memory_space<vmem>>) semaphore(%arg15 : memref<!tpu.dma_semaphore, #tpu.memory_space<semaphore_mem>>)
    %dma_start3A_80 = arith.constant 3 : i32
    %dma_start3A_81 = arith.constant 0 : i32
    %dma_start3A_82 = tpu.memref_slice %arg6[%dma_start3A_80, %dma_start3A_81] : memref<20x128xi32, #tpu.memory_space<vmem>> -> memref<1x128xi32, #tpu.memory_space<vmem>>
    %dma_start3A_83 = tpu.memref_squeeze %dma_start3A_82 : memref<1x128xi32, #tpu.memory_space<vmem>> -> memref<128xi32, #tpu.memory_space<vmem>>
    %dma_start3A_84 = arith.constant 0 : i32
    %dma_start3A_85 = arith.constant 0 : i32
    %dma_start3A_86 = tpu.memref_slice %arg2[%dma_start3A_84, %dma_start3A_85] : memref<20000x128xbf16, #tpu.memory_space<hbm>> -> memref<20000x128xbf16, #tpu.memory_space<hbm>>
    tpu.enqueue_indirect_dma source(%dma_start3A_86 : memref<20000x128xbf16, #tpu.memory_space<hbm>>) target(%arg11 : memref<128x128xbf16, #tpu.memory_space<vmem>>) offsets(%dma_start3A_83 : memref<128xi32, #tpu.memory_space<vmem>>) semaphore(%arg16 : memref<!tpu.dma_semaphore, #tpu.memory_space<semaphore_mem>>)
    %scan3A_87 = arith.constant 0 : i32
    %scan3A_88 = arith.constant 0 : i32
    %scan3A_89 = arith.constant 5 : i32
    %scan3A_90 = arith.addi %scan3A_88, %scan3A_89 : i32
    %scan3A_91 = arith.constant 1 : i32
    scf.for %scan3A_174 = %scan3A_88 to %scan3A_90 step %scan3A_91  : i32 {
      %mul3A_175 = arith.constant 4 : i32
      %mul3A_176 = arith.muli %mul3A_175, %scan3A_174 : i32
      %add3A_177 = arith.constant 0 : i32
      %add3A_178 = arith.addi %mul3A_176, %add3A_177 : i32
      %dma_wait3A = arith.constant 0 : i32
      %dma_wait3A_179 = tpu.memref_slice %arg6[%add3A_178, %dma_wait3A] : memref<20x128xi32, #tpu.memory_space<vmem>> -> memref<1x128xi32, #tpu.memory_space<vmem>>
      %dma_wait3A_180 = tpu.memref_squeeze %dma_wait3A_179 : memref<1x128xi32, #tpu.memory_space<vmem>> -> memref<128xi32, #tpu.memory_space<vmem>>
      %dma_wait3A_181 = arith.constant 0 : i32
      %dma_wait3A_182 = arith.constant 0 : i32
      %dma_wait3A_183 = tpu.memref_slice %arg2[%dma_wait3A_181, %dma_wait3A_182] : memref<20000x128xbf16, #tpu.memory_space<hbm>> -> memref<20000x128xbf16, #tpu.memory_space<hbm>>
      tpu.wait_indirect_dma semaphore(%arg13 : memref<!tpu.dma_semaphore, #tpu.memory_space<semaphore_mem>>) src(%dma_wait3A_183 : memref<20000x128xbf16, #tpu.memory_space<hbm>>) dst(%arg8 : memref<128x128xbf16, #tpu.memory_space<vmem>>)
      "tpu.region"() ({
        %run_scoped3A = tpu.sem_alloc : memref<!tpu.dma_semaphore, #tpu.memory_space<semaphore_mem>>
        %dma_start3A_241 = arith.constant 0 : i32
        %dma_start3A_242 = tpu.memref_slice %arg7[%add3A_178, %dma_start3A_241] : memref<20x128xi32, #tpu.memory_space<vmem>> -> memref<1x128xi32, #tpu.memory_space<vmem>>
        %dma_start3A_243 = tpu.memref_squeeze %dma_start3A_242 : memref<1x128xi32, #tpu.memory_space<vmem>> -> memref<128xi32, #tpu.memory_space<vmem>>
        %dma_start3A_244 = arith.constant 0 : i32
        %dma_start3A_245 = arith.constant 0 : i32
        %dma_start3A_246 = tpu.memref_slice %arg12[%dma_start3A_244, %dma_start3A_245] : memref<10016x128xbf16, #tpu.memory_space<vmem_shared>> -> memref<10016x128xbf16, #tpu.memory_space<vmem_shared>>
        tpu.enqueue_indirect_dma source(%arg8 : memref<128x128xbf16, #tpu.memory_space<vmem>>) target(%dma_start3A_246 : memref<10016x128xbf16, #tpu.memory_space<vmem_shared>>) offsets(%dma_start3A_243 : memref<128xi32, #tpu.memory_space<vmem>>) semaphore(%run_scoped3A : memref<!tpu.dma_semaphore, #tpu.memory_space<semaphore_mem>>) {add = true}
        %dma_wait3A_247 = arith.constant 0 : i32
        %dma_wait3A_248 = tpu.memref_slice %arg7[%add3A_178, %dma_wait3A_247] : memref<20x128xi32, #tpu.memory_space<vmem>> -> memref<1x128xi32, #tpu.memory_space<vmem>>
        %dma_wait3A_249 = tpu.memref_squeeze %dma_wait3A_248 : memref<1x128xi32, #tpu.memory_space<vmem>> -> memref<128xi32, #tpu.memory_space<vmem>>
        %dma_wait3A_250 = arith.constant 0 : i32
        %dma_wait3A_251 = arith.constant 0 : i32
        %dma_wait3A_252 = tpu.memref_slice %arg12[%dma_wait3A_250, %dma_wait3A_251] : memref<10016x128xbf16, #tpu.memory_space<vmem_shared>> -> memref<10016x128xbf16, #tpu.memory_space<vmem_shared>>
        tpu.wait_indirect_dma semaphore(%run_scoped3A : memref<!tpu.dma_semaphore, #tpu.memory_space<semaphore_mem>>) src(%arg8 : memref<128x128xbf16, #tpu.memory_space<vmem>>) dst(%dma_wait3A_252 : memref<10016x128xbf16, #tpu.memory_space<vmem_shared>>)
        tpu.yield
      }) : () -> ()
      %add3A_184 = arith.constant 4 : i32
      %add3A_185 = arith.addi %add3A_178, %add3A_184 : i32
      %lt3A = arith.constant 20 : i32
      %lt3A_186 = arith.cmpi slt, %add3A_185, %lt3A : i32
      %convert_element_type3A_187 = arith.extui %lt3A_186 : i1 to i32
      %cond3A_188 = arith.constant 0 : i32
      %cond3A_189 = arith.cmpi ne, %convert_element_type3A_187, %cond3A_188 : i32
      scf.if %cond3A_189 {
        %dma_start3A_241 = arith.constant 0 : i32
        %dma_start3A_242 = tpu.memref_slice %arg6[%add3A_185, %dma_start3A_241] : memref<20x128xi32, #tpu.memory_space<vmem>> -> memref<1x128xi32, #tpu.memory_space<vmem>>
        %dma_start3A_243 = tpu.memref_squeeze %dma_start3A_242 : memref<1x128xi32, #tpu.memory_space<vmem>> -> memref<128xi32, #tpu.memory_space<vmem>>
        %dma_start3A_244 = arith.constant 0 : i32
        %dma_start3A_245 = arith.constant 0 : i32
        %dma_start3A_246 = tpu.memref_slice %arg2[%dma_start3A_244, %dma_start3A_245] : memref<20000x128xbf16, #tpu.memory_space<hbm>> -> memref<20000x128xbf16, #tpu.memory_space<hbm>>
        tpu.enqueue_indirect_dma source(%dma_start3A_246 : memref<20000x128xbf16, #tpu.memory_space<hbm>>) target(%arg8 : memref<128x128xbf16, #tpu.memory_space<vmem>>) offsets(%dma_start3A_243 : memref<128xi32, #tpu.memory_space<vmem>>) semaphore(%arg13 : memref<!tpu.dma_semaphore, #tpu.memory_space<semaphore_mem>>)
      } else {
      }
      %mul3A_190 = arith.constant 4 : i32
      %mul3A_191 = arith.muli %mul3A_190, %scan3A_174 : i32
      %add3A_192 = arith.constant 1 : i32
      %add3A_193 = arith.addi %mul3A_191, %add3A_192 : i32
      %dma_wait3A_194 = arith.constant 0 : i32
      %dma_wait3A_195 = tpu.memref_slice %arg6[%add3A_193, %dma_wait3A_194] : memref<20x128xi32, #tpu.memory_space<vmem>> -> memref<1x128xi32, #tpu.memory_space<vmem>>
      %dma_wait3A_196 = tpu.memref_squeeze %dma_wait3A_195 : memref<1x128xi32, #tpu.memory_space<vmem>> -> memref<128xi32, #tpu.memory_space<vmem>>
      %dma_wait3A_197 = arith.constant 0 : i32
      %dma_wait3A_198 = arith.constant 0 : i32
      %dma_wait3A_199 = tpu.memref_slice %arg2[%dma_wait3A_197, %dma_wait3A_198] : memref<20000x128xbf16, #tpu.memory_space<hbm>> -> memref<20000x128xbf16, #tpu.memory_space<hbm>>
      tpu.wait_indirect_dma semaphore(%arg14 : memref<!tpu.dma_semaphore, #tpu.memory_space<semaphore_mem>>) src(%dma_wait3A_199 : memref<20000x128xbf16, #tpu.memory_space<hbm>>) dst(%arg9 : memref<128x128xbf16, #tpu.memory_space<vmem>>)
      "tpu.region"() ({
        %run_scoped3A = tpu.sem_alloc : memref<!tpu.dma_semaphore, #tpu.memory_space<semaphore_mem>>
        %dma_start3A_241 = arith.constant 0 : i32
        %dma_start3A_242 = tpu.memref_slice %arg7[%add3A_193, %dma_start3A_241] : memref<20x128xi32, #tpu.memory_space<vmem>> -> memref<1x128xi32, #tpu.memory_space<vmem>>
        %dma_start3A_243 = tpu.memref_squeeze %dma_start3A_242 : memref<1x128xi32, #tpu.memory_space<vmem>> -> memref<128xi32, #tpu.memory_space<vmem>>
        %dma_start3A_244 = arith.constant 0 : i32
        %dma_start3A_245 = arith.constant 0 : i32
        %dma_start3A_246 = tpu.memref_slice %arg12[%dma_start3A_244, %dma_start3A_245] : memref<10016x128xbf16, #tpu.memory_space<vmem_shared>> -> memref<10016x128xbf16, #tpu.memory_space<vmem_shared>>
        tpu.enqueue_indirect_dma source(%arg9 : memref<128x128xbf16, #tpu.memory_space<vmem>>) target(%dma_start3A_246 : memref<10016x128xbf16, #tpu.memory_space<vmem_shared>>) offsets(%dma_start3A_243 : memref<128xi32, #tpu.memory_space<vmem>>) semaphore(%run_scoped3A : memref<!tpu.dma_semaphore, #tpu.memory_space<semaphore_mem>>) {add = true}
        %dma_wait3A_247 = arith.constant 0 : i32
        %dma_wait3A_248 = tpu.memref_slice %arg7[%add3A_193, %dma_wait3A_247] : memref<20x128xi32, #tpu.memory_space<vmem>> -> memref<1x128xi32, #tpu.memory_space<vmem>>
        %dma_wait3A_249 = tpu.memref_squeeze %dma_wait3A_248 : memref<1x128xi32, #tpu.memory_space<vmem>> -> memref<128xi32, #tpu.memory_space<vmem>>
        %dma_wait3A_250 = arith.constant 0 : i32
        %dma_wait3A_251 = arith.constant 0 : i32
        %dma_wait3A_252 = tpu.memref_slice %arg12[%dma_wait3A_250, %dma_wait3A_251] : memref<10016x128xbf16, #tpu.memory_space<vmem_shared>> -> memref<10016x128xbf16, #tpu.memory_space<vmem_shared>>
        tpu.wait_indirect_dma semaphore(%run_scoped3A : memref<!tpu.dma_semaphore, #tpu.memory_space<semaphore_mem>>) src(%arg9 : memref<128x128xbf16, #tpu.memory_space<vmem>>) dst(%dma_wait3A_252 : memref<10016x128xbf16, #tpu.memory_space<vmem_shared>>)
        tpu.yield
      }) : () -> ()
      %add3A_200 = arith.constant 4 : i32
      %add3A_201 = arith.addi %add3A_193, %add3A_200 : i32
      %lt3A_202 = arith.constant 20 : i32
      %lt3A_203 = arith.cmpi slt, %add3A_201, %lt3A_202 : i32
      %convert_element_type3A_204 = arith.extui %lt3A_203 : i1 to i32
      %cond3A_205 = arith.constant 0 : i32
      %cond3A_206 = arith.cmpi ne, %convert_element_type3A_204, %cond3A_205 : i32
      scf.if %cond3A_206 {
        %dma_start3A_241 = arith.constant 0 : i32
        %dma_start3A_242 = tpu.memref_slice %arg6[%add3A_201, %dma_start3A_241] : memref<20x128xi32, #tpu.memory_space<vmem>> -> memref<1x128xi32, #tpu.memory_space<vmem>>
        %dma_start3A_243 = tpu.memref_squeeze %dma_start3A_242 : memref<1x128xi32, #tpu.memory_space<vmem>> -> memref<128xi32, #tpu.memory_space<vmem>>
        %dma_start3A_244 = arith.constant 0 : i32
        %dma_start3A_245 = arith.constant 0 : i32
        %dma_start3A_246 = tpu.memref_slice %arg2[%dma_start3A_244, %dma_start3A_245] : memref<20000x128xbf16, #tpu.memory_space<hbm>> -> memref<20000x128xbf16, #tpu.memory_space<hbm>>
        tpu.enqueue_indirect_dma source(%dma_start3A_246 : memref<20000x128xbf16, #tpu.memory_space<hbm>>) target(%arg9 : memref<128x128xbf16, #tpu.memory_space<vmem>>) offsets(%dma_start3A_243 : memref<128xi32, #tpu.memory_space<vmem>>) semaphore(%arg14 : memref<!tpu.dma_semaphore, #tpu.memory_space<semaphore_mem>>)
      } else {
      }
      %mul3A_207 = arith.constant 4 : i32
      %mul3A_208 = arith.muli %mul3A_207, %scan3A_174 : i32
      %add3A_209 = arith.constant 2 : i32
      %add3A_210 = arith.addi %mul3A_208, %add3A_209 : i32
      %dma_wait3A_211 = arith.constant 0 : i32
      %dma_wait3A_212 = tpu.memref_slice %arg6[%add3A_210, %dma_wait3A_211] : memref<20x128xi32, #tpu.memory_space<vmem>> -> memref<1x128xi32, #tpu.memory_space<vmem>>
      %dma_wait3A_213 = tpu.memref_squeeze %dma_wait3A_212 : memref<1x128xi32, #tpu.memory_space<vmem>> -> memref<128xi32, #tpu.memory_space<vmem>>
      %dma_wait3A_214 = arith.constant 0 : i32
      %dma_wait3A_215 = arith.constant 0 : i32
      %dma_wait3A_216 = tpu.memref_slice %arg2[%dma_wait3A_214, %dma_wait3A_215] : memref<20000x128xbf16, #tpu.memory_space<hbm>> -> memref<20000x128xbf16, #tpu.memory_space<hbm>>
      tpu.wait_indirect_dma semaphore(%arg15 : memref<!tpu.dma_semaphore, #tpu.memory_space<semaphore_mem>>) src(%dma_wait3A_216 : memref<20000x128xbf16, #tpu.memory_space<hbm>>) dst(%arg10 : memref<128x128xbf16, #tpu.memory_space<vmem>>)
      "tpu.region"() ({
        %run_scoped3A = tpu.sem_alloc : memref<!tpu.dma_semaphore, #tpu.memory_space<semaphore_mem>>
        %dma_start3A_241 = arith.constant 0 : i32
        %dma_start3A_242 = tpu.memref_slice %arg7[%add3A_210, %dma_start3A_241] : memref<20x128xi32, #tpu.memory_space<vmem>> -> memref<1x128xi32, #tpu.memory_space<vmem>>
        %dma_start3A_243 = tpu.memref_squeeze %dma_start3A_242 : memref<1x128xi32, #tpu.memory_space<vmem>> -> memref<128xi32, #tpu.memory_space<vmem>>
        %dma_start3A_244 = arith.constant 0 : i32
        %dma_start3A_245 = arith.constant 0 : i32
        %dma_start3A_246 = tpu.memref_slice %arg12[%dma_start3A_244, %dma_start3A_245] : memref<10016x128xbf16, #tpu.memory_space<vmem_shared>> -> memref<10016x128xbf16, #tpu.memory_space<vmem_shared>>
        tpu.enqueue_indirect_dma source(%arg10 : memref<128x128xbf16, #tpu.memory_space<vmem>>) target(%dma_start3A_246 : memref<10016x128xbf16, #tpu.memory_space<vmem_shared>>) offsets(%dma_start3A_243 : memref<128xi32, #tpu.memory_space<vmem>>) semaphore(%run_scoped3A : memref<!tpu.dma_semaphore, #tpu.memory_space<semaphore_mem>>) {add = true}
        %dma_wait3A_247 = arith.constant 0 : i32
        %dma_wait3A_248 = tpu.memref_slice %arg7[%add3A_210, %dma_wait3A_247] : memref<20x128xi32, #tpu.memory_space<vmem>> -> memref<1x128xi32, #tpu.memory_space<vmem>>
        %dma_wait3A_249 = tpu.memref_squeeze %dma_wait3A_248 : memref<1x128xi32, #tpu.memory_space<vmem>> -> memref<128xi32, #tpu.memory_space<vmem>>
        %dma_wait3A_250 = arith.constant 0 : i32
        %dma_wait3A_251 = arith.constant 0 : i32
        %dma_wait3A_252 = tpu.memref_slice %arg12[%dma_wait3A_250, %dma_wait3A_251] : memref<10016x128xbf16, #tpu.memory_space<vmem_shared>> -> memref<10016x128xbf16, #tpu.memory_space<vmem_shared>>
        tpu.wait_indirect_dma semaphore(%run_scoped3A : memref<!tpu.dma_semaphore, #tpu.memory_space<semaphore_mem>>) src(%arg10 : memref<128x128xbf16, #tpu.memory_space<vmem>>) dst(%dma_wait3A_252 : memref<10016x128xbf16, #tpu.memory_space<vmem_shared>>)
        tpu.yield
      }) : () -> ()
      %add3A_217 = arith.constant 4 : i32
      %add3A_218 = arith.addi %add3A_210, %add3A_217 : i32
      %lt3A_219 = arith.constant 20 : i32
      %lt3A_220 = arith.cmpi slt, %add3A_218, %lt3A_219 : i32
      %convert_element_type3A_221 = arith.extui %lt3A_220 : i1 to i32
      %cond3A_222 = arith.constant 0 : i32
      %cond3A_223 = arith.cmpi ne, %convert_element_type3A_221, %cond3A_222 : i32
      scf.if %cond3A_223 {
        %dma_start3A_241 = arith.constant 0 : i32
        %dma_start3A_242 = tpu.memref_slice %arg6[%add3A_218, %dma_start3A_241] : memref<20x128xi32, #tpu.memory_space<vmem>> -> memref<1x128xi32, #tpu.memory_space<vmem>>
        %dma_start3A_243 = tpu.memref_squeeze %dma_start3A_242 : memref<1x128xi32, #tpu.memory_space<vmem>> -> memref<128xi32, #tpu.memory_space<vmem>>
        %dma_start3A_244 = arith.constant 0 : i32
        %dma_start3A_245 = arith.constant 0 : i32
        %dma_start3A_246 = tpu.memref_slice %arg2[%dma_start3A_244, %dma_start3A_245] : memref<20000x128xbf16, #tpu.memory_space<hbm>> -> memref<20000x128xbf16, #tpu.memory_space<hbm>>
        tpu.enqueue_indirect_dma source(%dma_start3A_246 : memref<20000x128xbf16, #tpu.memory_space<hbm>>) target(%arg10 : memref<128x128xbf16, #tpu.memory_space<vmem>>) offsets(%dma_start3A_243 : memref<128xi32, #tpu.memory_space<vmem>>) semaphore(%arg15 : memref<!tpu.dma_semaphore, #tpu.memory_space<semaphore_mem>>)
      } else {
      }
      %mul3A_224 = arith.constant 4 : i32
      %mul3A_225 = arith.muli %mul3A_224, %scan3A_174 : i32
      %add3A_226 = arith.constant 3 : i32
      %add3A_227 = arith.addi %mul3A_225, %add3A_226 : i32
      %dma_wait3A_228 = arith.constant 0 : i32
      %dma_wait3A_229 = tpu.memref_slice %arg6[%add3A_227, %dma_wait3A_228] : memref<20x128xi32, #tpu.memory_space<vmem>> -> memref<1x128xi32, #tpu.memory_space<vmem>>
      %dma_wait3A_230 = tpu.memref_squeeze %dma_wait3A_229 : memref<1x128xi32, #tpu.memory_space<vmem>> -> memref<128xi32, #tpu.memory_space<vmem>>
      %dma_wait3A_231 = arith.constant 0 : i32
      %dma_wait3A_232 = arith.constant 0 : i32
      %dma_wait3A_233 = tpu.memref_slice %arg2[%dma_wait3A_231, %dma_wait3A_232] : memref<20000x128xbf16, #tpu.memory_space<hbm>> -> memref<20000x128xbf16, #tpu.memory_space<hbm>>
      tpu.wait_indirect_dma semaphore(%arg16 : memref<!tpu.dma_semaphore, #tpu.memory_space<semaphore_mem>>) src(%dma_wait3A_233 : memref<20000x128xbf16, #tpu.memory_space<hbm>>) dst(%arg11 : memref<128x128xbf16, #tpu.memory_space<vmem>>)
      "tpu.region"() ({
        %run_scoped3A = tpu.sem_alloc : memref<!tpu.dma_semaphore, #tpu.memory_space<semaphore_mem>>
        %dma_start3A_241 = arith.constant 0 : i32
        %dma_start3A_242 = tpu.memref_slice %arg7[%add3A_227, %dma_start3A_241] : memref<20x128xi32, #tpu.memory_space<vmem>> -> memref<1x128xi32, #tpu.memory_space<vmem>>
        %dma_start3A_243 = tpu.memref_squeeze %dma_start3A_242 : memref<1x128xi32, #tpu.memory_space<vmem>> -> memref<128xi32, #tpu.memory_space<vmem>>
        %dma_start3A_244 = arith.constant 0 : i32
        %dma_start3A_245 = arith.constant 0 : i32
        %dma_start3A_246 = tpu.memref_slice %arg12[%dma_start3A_244, %dma_start3A_245] : memref<10016x128xbf16, #tpu.memory_space<vmem_shared>> -> memref<10016x128xbf16, #tpu.memory_space<vmem_shared>>
        tpu.enqueue_indirect_dma source(%arg11 : memref<128x128xbf16, #tpu.memory_space<vmem>>) target(%dma_start3A_246 : memref<10016x128xbf16, #tpu.memory_space<vmem_shared>>) offsets(%dma_start3A_243 : memref<128xi32, #tpu.memory_space<vmem>>) semaphore(%run_scoped3A : memref<!tpu.dma_semaphore, #tpu.memory_space<semaphore_mem>>) {add = true}
        %dma_wait3A_247 = arith.constant 0 : i32
        %dma_wait3A_248 = tpu.memref_slice %arg7[%add3A_227, %dma_wait3A_247] : memref<20x128xi32, #tpu.memory_space<vmem>> -> memref<1x128xi32, #tpu.memory_space<vmem>>
        %dma_wait3A_249 = tpu.memref_squeeze %dma_wait3A_248 : memref<1x128xi32, #tpu.memory_space<vmem>> -> memref<128xi32, #tpu.memory_space<vmem>>
        %dma_wait3A_250 = arith.constant 0 : i32
        %dma_wait3A_251 = arith.constant 0 : i32
        %dma_wait3A_252 = tpu.memref_slice %arg12[%dma_wait3A_250, %dma_wait3A_251] : memref<10016x128xbf16, #tpu.memory_space<vmem_shared>> -> memref<10016x128xbf16, #tpu.memory_space<vmem_shared>>
        tpu.wait_indirect_dma semaphore(%run_scoped3A : memref<!tpu.dma_semaphore, #tpu.memory_space<semaphore_mem>>) src(%arg11 : memref<128x128xbf16, #tpu.memory_space<vmem>>) dst(%dma_wait3A_252 : memref<10016x128xbf16, #tpu.memory_space<vmem_shared>>)
        tpu.yield
      }) : () -> ()
      %add3A_234 = arith.constant 4 : i32
      %add3A_235 = arith.addi %add3A_227, %add3A_234 : i32
      %lt3A_236 = arith.constant 20 : i32
      %lt3A_237 = arith.cmpi slt, %add3A_235, %lt3A_236 : i32
      %convert_element_type3A_238 = arith.extui %lt3A_237 : i1 to i32
      %cond3A_239 = arith.constant 0 : i32
      %cond3A_240 = arith.cmpi ne, %convert_element_type3A_238, %cond3A_239 : i32
      scf.if %cond3A_240 {
        %dma_start3A_241 = arith.constant 0 : i32
        %dma_start3A_242 = tpu.memref_slice %arg6[%add3A_235, %dma_start3A_241] : memref<20x128xi32, #tpu.memory_space<vmem>> -> memref<1x128xi32, #tpu.memory_space<vmem>>
        %dma_start3A_243 = tpu.memref_squeeze %dma_start3A_242 : memref<1x128xi32, #tpu.memory_space<vmem>> -> memref<128xi32, #tpu.memory_space<vmem>>
        %dma_start3A_244 = arith.constant 0 : i32
        %dma_start3A_245 = arith.constant 0 : i32
        %dma_start3A_246 = tpu.memref_slice %arg2[%dma_start3A_244, %dma_start3A_245] : memref<20000x128xbf16, #tpu.memory_space<hbm>> -> memref<20000x128xbf16, #tpu.memory_space<hbm>>
        tpu.enqueue_indirect_dma source(%dma_start3A_246 : memref<20000x128xbf16, #tpu.memory_space<hbm>>) target(%arg11 : memref<128x128xbf16, #tpu.memory_space<vmem>>) offsets(%dma_start3A_243 : memref<128xi32, #tpu.memory_space<vmem>>) semaphore(%arg16 : memref<!tpu.dma_semaphore, #tpu.memory_space<semaphore_mem>>)
      } else {
      }
    }
    %scan3A_92 = arith.constant 5 : i32
    "tpu.region"() ({
      %run_scoped3A = tpu.sem_alloc : memref<!tpu.dma_semaphore, #tpu.memory_space<semaphore_mem>>
      %dma_start3A_174 = arith.constant 40 : i32
      %dma_start3A_175 = arith.constant 0 : i32
      %dma_start3A_176 = tpu.memref_slice %arg3[%arg0, %arg1, %dma_start3A_174, %dma_start3A_175] : memref<2x16x80x128xi32, #tpu.memory_space<hbm>> -> memref<1x1x20x128xi32, #tpu.memory_space<hbm>>
      %dma_start3A_177 = tpu.memref_squeeze %dma_start3A_176 : memref<1x1x20x128xi32, #tpu.memory_space<hbm>> -> memref<20x128xi32, #tpu.memory_space<hbm>>
      %dma_start3A_178 = arith.constant 40 : i32
      %dma_start3A_179 = arith.constant 0 : i32
      %dma_start3A_180 = tpu.memref_slice %arg3[%arg0, %arg1, %dma_start3A_178, %dma_start3A_179] : memref<2x16x80x128xi32, #tpu.memory_space<hbm>> -> memref<1x1x20x128xi32, #tpu.memory_space<hbm>>
      %dma_start3A_181 = tpu.memref_squeeze %dma_start3A_180 : memref<1x1x20x128xi32, #tpu.memory_space<hbm>> -> memref<20x128xi32, #tpu.memory_space<hbm>>
      tpu.enqueue_dma source(%dma_start3A_181 : memref<20x128xi32, #tpu.memory_space<hbm>>) target(%arg6 : memref<20x128xi32, #tpu.memory_space<vmem>>) target_semaphore(%run_scoped3A : memref<!tpu.dma_semaphore, #tpu.memory_space<semaphore_mem>>)
      %dma_wait3A = arith.constant 40 : i32
      %dma_wait3A_182 = arith.constant 0 : i32
      %dma_wait3A_183 = tpu.memref_slice %arg3[%arg0, %arg1, %dma_wait3A, %dma_wait3A_182] : memref<2x16x80x128xi32, #tpu.memory_space<hbm>> -> memref<1x1x20x128xi32, #tpu.memory_space<hbm>>
      %dma_wait3A_184 = tpu.memref_squeeze %dma_wait3A_183 : memref<1x1x20x128xi32, #tpu.memory_space<hbm>> -> memref<20x128xi32, #tpu.memory_space<hbm>>
      %dma_wait3A_185 = arith.constant 40 : i32
      %dma_wait3A_186 = arith.constant 0 : i32
      %dma_wait3A_187 = tpu.memref_slice %arg3[%arg0, %arg1, %dma_wait3A_185, %dma_wait3A_186] : memref<2x16x80x128xi32, #tpu.memory_space<hbm>> -> memref<1x1x20x128xi32, #tpu.memory_space<hbm>>
      %dma_wait3A_188 = tpu.memref_squeeze %dma_wait3A_187 : memref<1x1x20x128xi32, #tpu.memory_space<hbm>> -> memref<20x128xi32, #tpu.memory_space<hbm>>
      tpu.wait_dma2 semaphore(%run_scoped3A : memref<!tpu.dma_semaphore, #tpu.memory_space<semaphore_mem>>) src(%dma_wait3A_188 : memref<20x128xi32, #tpu.memory_space<hbm>>) dst(%arg6 : memref<20x128xi32, #tpu.memory_space<vmem>>)
      tpu.yield
    }) : () -> ()
    "tpu.region"() ({
      %run_scoped3A = tpu.sem_alloc : memref<!tpu.dma_semaphore, #tpu.memory_space<semaphore_mem>>
      %dma_start3A_174 = arith.constant 40 : i32
      %dma_start3A_175 = arith.constant 0 : i32
      %dma_start3A_176 = tpu.memref_slice %arg4[%arg1, %dma_start3A_174, %dma_start3A_175] : memref<16x80x128xi32, #tpu.memory_space<hbm>> -> memref<1x20x128xi32, #tpu.memory_space<hbm>>
      %dma_start3A_177 = tpu.memref_squeeze %dma_start3A_176 : memref<1x20x128xi32, #tpu.memory_space<hbm>> -> memref<20x128xi32, #tpu.memory_space<hbm>>
      %dma_start3A_178 = arith.constant 40 : i32
      %dma_start3A_179 = arith.constant 0 : i32
      %dma_start3A_180 = tpu.memref_slice %arg4[%arg1, %dma_start3A_178, %dma_start3A_179] : memref<16x80x128xi32, #tpu.memory_space<hbm>> -> memref<1x20x128xi32, #tpu.memory_space<hbm>>
      %dma_start3A_181 = tpu.memref_squeeze %dma_start3A_180 : memref<1x20x128xi32, #tpu.memory_space<hbm>> -> memref<20x128xi32, #tpu.memory_space<hbm>>
      tpu.enqueue_dma source(%dma_start3A_181 : memref<20x128xi32, #tpu.memory_space<hbm>>) target(%arg7 : memref<20x128xi32, #tpu.memory_space<vmem>>) target_semaphore(%run_scoped3A : memref<!tpu.dma_semaphore, #tpu.memory_space<semaphore_mem>>)
      %dma_wait3A = arith.constant 40 : i32
      %dma_wait3A_182 = arith.constant 0 : i32
      %dma_wait3A_183 = tpu.memref_slice %arg4[%arg1, %dma_wait3A, %dma_wait3A_182] : memref<16x80x128xi32, #tpu.memory_space<hbm>> -> memref<1x20x128xi32, #tpu.memory_space<hbm>>
      %dma_wait3A_184 = tpu.memref_squeeze %dma_wait3A_183 : memref<1x20x128xi32, #tpu.memory_space<hbm>> -> memref<20x128xi32, #tpu.memory_space<hbm>>
      %dma_wait3A_185 = arith.constant 40 : i32
      %dma_wait3A_186 = arith.constant 0 : i32
      %dma_wait3A_187 = tpu.memref_slice %arg4[%arg1, %dma_wait3A_185, %dma_wait3A_186] : memref<16x80x128xi32, #tpu.memory_space<hbm>> -> memref<1x20x128xi32, #tpu.memory_space<hbm>>
      %dma_wait3A_188 = tpu.memref_squeeze %dma_wait3A_187 : memref<1x20x128xi32, #tpu.memory_space<hbm>> -> memref<20x128xi32, #tpu.memory_space<hbm>>
      tpu.wait_dma2 semaphore(%run_scoped3A : memref<!tpu.dma_semaphore, #tpu.memory_space<semaphore_mem>>) src(%dma_wait3A_188 : memref<20x128xi32, #tpu.memory_space<hbm>>) dst(%arg7 : memref<20x128xi32, #tpu.memory_space<vmem>>)
      tpu.yield
    }) : () -> ()
    %dma_start3A_93 = arith.constant 0 : i32
    %dma_start3A_94 = arith.constant 0 : i32
    %dma_start3A_95 = tpu.memref_slice %arg6[%dma_start3A_93, %dma_start3A_94] : memref<20x128xi32, #tpu.memory_space<vmem>> -> memref<1x128xi32, #tpu.memory_space<vmem>>
    %dma_start3A_96 = tpu.memref_squeeze %dma_start3A_95 : memref<1x128xi32, #tpu.memory_space<vmem>> -> memref<128xi32, #tpu.memory_space<vmem>>
    %dma_start3A_97 = arith.constant 0 : i32
    %dma_start3A_98 = arith.constant 0 : i32
    %dma_start3A_99 = tpu.memref_slice %arg2[%dma_start3A_97, %dma_start3A_98] : memref<20000x128xbf16, #tpu.memory_space<hbm>> -> memref<20000x128xbf16, #tpu.memory_space<hbm>>
    tpu.enqueue_indirect_dma source(%dma_start3A_99 : memref<20000x128xbf16, #tpu.memory_space<hbm>>) target(%arg8 : memref<128x128xbf16, #tpu.memory_space<vmem>>) offsets(%dma_start3A_96 : memref<128xi32, #tpu.memory_space<vmem>>) semaphore(%arg13 : memref<!tpu.dma_semaphore, #tpu.memory_space<semaphore_mem>>)
    %dma_start3A_100 = arith.constant 1 : i32
    %dma_start3A_101 = arith.constant 0 : i32
    %dma_start3A_102 = tpu.memref_slice %arg6[%dma_start3A_100, %dma_start3A_101] : memref<20x128xi32, #tpu.memory_space<vmem>> -> memref<1x128xi32, #tpu.memory_space<vmem>>
    %dma_start3A_103 = tpu.memref_squeeze %dma_start3A_102 : memref<1x128xi32, #tpu.memory_space<vmem>> -> memref<128xi32, #tpu.memory_space<vmem>>
    %dma_start3A_104 = arith.constant 0 : i32
    %dma_start3A_105 = arith.constant 0 : i32
    %dma_start3A_106 = tpu.memref_slice %arg2[%dma_start3A_104, %dma_start3A_105] : memref<20000x128xbf16, #tpu.memory_space<hbm>> -> memref<20000x128xbf16, #tpu.memory_space<hbm>>
    tpu.enqueue_indirect_dma source(%dma_start3A_106 : memref<20000x128xbf16, #tpu.memory_space<hbm>>) target(%arg9 : memref<128x128xbf16, #tpu.memory_space<vmem>>) offsets(%dma_start3A_103 : memref<128xi32, #tpu.memory_space<vmem>>) semaphore(%arg14 : memref<!tpu.dma_semaphore, #tpu.memory_space<semaphore_mem>>)
    %dma_start3A_107 = arith.constant 2 : i32
    %dma_start3A_108 = arith.constant 0 : i32
    %dma_start3A_109 = tpu.memref_slice %arg6[%dma_start3A_107, %dma_start3A_108] : memref<20x128xi32, #tpu.memory_space<vmem>> -> memref<1x128xi32, #tpu.memory_space<vmem>>
    %dma_start3A_110 = tpu.memref_squeeze %dma_start3A_109 : memref<1x128xi32, #tpu.memory_space<vmem>> -> memref<128xi32, #tpu.memory_space<vmem>>
    %dma_start3A_111 = arith.constant 0 : i32
    %dma_start3A_112 = arith.constant 0 : i32
    %dma_start3A_113 = tpu.memref_slice %arg2[%dma_start3A_111, %dma_start3A_112] : memref<20000x128xbf16, #tpu.memory_space<hbm>> -> memref<20000x128xbf16, #tpu.memory_space<hbm>>
    tpu.enqueue_indirect_dma source(%dma_start3A_113 : memref<20000x128xbf16, #tpu.memory_space<hbm>>) target(%arg10 : memref<128x128xbf16, #tpu.memory_space<vmem>>) offsets(%dma_start3A_110 : memref<128xi32, #tpu.memory_space<vmem>>) semaphore(%arg15 : memref<!tpu.dma_semaphore, #tpu.memory_space<semaphore_mem>>)
    %dma_start3A_114 = arith.constant 3 : i32
    %dma_start3A_115 = arith.constant 0 : i32
    %dma_start3A_116 = tpu.memref_slice %arg6[%dma_start3A_114, %dma_start3A_115] : memref<20x128xi32, #tpu.memory_space<vmem>> -> memref<1x128xi32, #tpu.memory_space<vmem>>
    %dma_start3A_117 = tpu.memref_squeeze %dma_start3A_116 : memref<1x128xi32, #tpu.memory_space<vmem>> -> memref<128xi32, #tpu.memory_space<vmem>>
    %dma_start3A_118 = arith.constant 0 : i32
    %dma_start3A_119 = arith.constant 0 : i32
    %dma_start3A_120 = tpu.memref_slice %arg2[%dma_start3A_118, %dma_start3A_119] : memref<20000x128xbf16, #tpu.memory_space<hbm>> -> memref<20000x128xbf16, #tpu.memory_space<hbm>>
    tpu.enqueue_indirect_dma source(%dma_start3A_120 : memref<20000x128xbf16, #tpu.memory_space<hbm>>) target(%arg11 : memref<128x128xbf16, #tpu.memory_space<vmem>>) offsets(%dma_start3A_117 : memref<128xi32, #tpu.memory_space<vmem>>) semaphore(%arg16 : memref<!tpu.dma_semaphore, #tpu.memory_space<semaphore_mem>>)
    %scan3A_121 = arith.constant 0 : i32
    %scan3A_122 = arith.constant 0 : i32
    %scan3A_123 = arith.constant 5 : i32
    %scan3A_124 = arith.addi %scan3A_122, %scan3A_123 : i32
    %scan3A_125 = arith.constant 1 : i32
    scf.for %scan3A_174 = %scan3A_122 to %scan3A_124 step %scan3A_125  : i32 {
      %mul3A_175 = arith.constant 4 : i32
      %mul3A_176 = arith.muli %mul3A_175, %scan3A_174 : i32
      %add3A_177 = arith.constant 0 : i32
      %add3A_178 = arith.addi %mul3A_176, %add3A_177 : i32
      %dma_wait3A = arith.constant 0 : i32
      %dma_wait3A_179 = tpu.memref_slice %arg6[%add3A_178, %dma_wait3A] : memref<20x128xi32, #tpu.memory_space<vmem>> -> memref<1x128xi32, #tpu.memory_space<vmem>>
      %dma_wait3A_180 = tpu.memref_squeeze %dma_wait3A_179 : memref<1x128xi32, #tpu.memory_space<vmem>> -> memref<128xi32, #tpu.memory_space<vmem>>
      %dma_wait3A_181 = arith.constant 0 : i32
      %dma_wait3A_182 = arith.constant 0 : i32
      %dma_wait3A_183 = tpu.memref_slice %arg2[%dma_wait3A_181, %dma_wait3A_182] : memref<20000x128xbf16, #tpu.memory_space<hbm>> -> memref<20000x128xbf16, #tpu.memory_space<hbm>>
      tpu.wait_indirect_dma semaphore(%arg13 : memref<!tpu.dma_semaphore, #tpu.memory_space<semaphore_mem>>) src(%dma_wait3A_183 : memref<20000x128xbf16, #tpu.memory_space<hbm>>) dst(%arg8 : memref<128x128xbf16, #tpu.memory_space<vmem>>)
      "tpu.region"() ({
        %run_scoped3A = tpu.sem_alloc : memref<!tpu.dma_semaphore, #tpu.memory_space<semaphore_mem>>
        %dma_start3A_241 = arith.constant 0 : i32
        %dma_start3A_242 = tpu.memref_slice %arg7[%add3A_178, %dma_start3A_241] : memref<20x128xi32, #tpu.memory_space<vmem>> -> memref<1x128xi32, #tpu.memory_space<vmem>>
        %dma_start3A_243 = tpu.memref_squeeze %dma_start3A_242 : memref<1x128xi32, #tpu.memory_space<vmem>> -> memref<128xi32, #tpu.memory_space<vmem>>
        %dma_start3A_244 = arith.constant 0 : i32
        %dma_start3A_245 = arith.constant 0 : i32
        %dma_start3A_246 = tpu.memref_slice %arg12[%dma_start3A_244, %dma_start3A_245] : memref<10016x128xbf16, #tpu.memory_space<vmem_shared>> -> memref<10016x128xbf16, #tpu.memory_space<vmem_shared>>
        tpu.enqueue_indirect_dma source(%arg8 : memref<128x128xbf16, #tpu.memory_space<vmem>>) target(%dma_start3A_246 : memref<10016x128xbf16, #tpu.memory_space<vmem_shared>>) offsets(%dma_start3A_243 : memref<128xi32, #tpu.memory_space<vmem>>) semaphore(%run_scoped3A : memref<!tpu.dma_semaphore, #tpu.memory_space<semaphore_mem>>) {add = true}
        %dma_wait3A_247 = arith.constant 0 : i32
        %dma_wait3A_248 = tpu.memref_slice %arg7[%add3A_178, %dma_wait3A_247] : memref<20x128xi32, #tpu.memory_space<vmem>> -> memref<1x128xi32, #tpu.memory_space<vmem>>
        %dma_wait3A_249 = tpu.memref_squeeze %dma_wait3A_248 : memref<1x128xi32, #tpu.memory_space<vmem>> -> memref<128xi32, #tpu.memory_space<vmem>>
        %dma_wait3A_250 = arith.constant 0 : i32
        %dma_wait3A_251 = arith.constant 0 : i32
        %dma_wait3A_252 = tpu.memref_slice %arg12[%dma_wait3A_250, %dma_wait3A_251] : memref<10016x128xbf16, #tpu.memory_space<vmem_shared>> -> memref<10016x128xbf16, #tpu.memory_space<vmem_shared>>
        tpu.wait_indirect_dma semaphore(%run_scoped3A : memref<!tpu.dma_semaphore, #tpu.memory_space<semaphore_mem>>) src(%arg8 : memref<128x128xbf16, #tpu.memory_space<vmem>>) dst(%dma_wait3A_252 : memref<10016x128xbf16, #tpu.memory_space<vmem_shared>>)
        tpu.yield
      }) : () -> ()
      %add3A_184 = arith.constant 4 : i32
      %add3A_185 = arith.addi %add3A_178, %add3A_184 : i32
      %lt3A = arith.constant 20 : i32
      %lt3A_186 = arith.cmpi slt, %add3A_185, %lt3A : i32
      %convert_element_type3A_187 = arith.extui %lt3A_186 : i1 to i32
      %cond3A_188 = arith.constant 0 : i32
      %cond3A_189 = arith.cmpi ne, %convert_element_type3A_187, %cond3A_188 : i32
      scf.if %cond3A_189 {
        %dma_start3A_241 = arith.constant 0 : i32
        %dma_start3A_242 = tpu.memref_slice %arg6[%add3A_185, %dma_start3A_241] : memref<20x128xi32, #tpu.memory_space<vmem>> -> memref<1x128xi32, #tpu.memory_space<vmem>>
        %dma_start3A_243 = tpu.memref_squeeze %dma_start3A_242 : memref<1x128xi32, #tpu.memory_space<vmem>> -> memref<128xi32, #tpu.memory_space<vmem>>
        %dma_start3A_244 = arith.constant 0 : i32
        %dma_start3A_245 = arith.constant 0 : i32
        %dma_start3A_246 = tpu.memref_slice %arg2[%dma_start3A_244, %dma_start3A_245] : memref<20000x128xbf16, #tpu.memory_space<hbm>> -> memref<20000x128xbf16, #tpu.memory_space<hbm>>
        tpu.enqueue_indirect_dma source(%dma_start3A_246 : memref<20000x128xbf16, #tpu.memory_space<hbm>>) target(%arg8 : memref<128x128xbf16, #tpu.memory_space<vmem>>) offsets(%dma_start3A_243 : memref<128xi32, #tpu.memory_space<vmem>>) semaphore(%arg13 : memref<!tpu.dma_semaphore, #tpu.memory_space<semaphore_mem>>)
      } else {
      }
      %mul3A_190 = arith.constant 4 : i32
      %mul3A_191 = arith.muli %mul3A_190, %scan3A_174 : i32
      %add3A_192 = arith.constant 1 : i32
      %add3A_193 = arith.addi %mul3A_191, %add3A_192 : i32
      %dma_wait3A_194 = arith.constant 0 : i32
      %dma_wait3A_195 = tpu.memref_slice %arg6[%add3A_193, %dma_wait3A_194] : memref<20x128xi32, #tpu.memory_space<vmem>> -> memref<1x128xi32, #tpu.memory_space<vmem>>
      %dma_wait3A_196 = tpu.memref_squeeze %dma_wait3A_195 : memref<1x128xi32, #tpu.memory_space<vmem>> -> memref<128xi32, #tpu.memory_space<vmem>>
      %dma_wait3A_197 = arith.constant 0 : i32
      %dma_wait3A_198 = arith.constant 0 : i32
      %dma_wait3A_199 = tpu.memref_slice %arg2[%dma_wait3A_197, %dma_wait3A_198] : memref<20000x128xbf16, #tpu.memory_space<hbm>> -> memref<20000x128xbf16, #tpu.memory_space<hbm>>
      tpu.wait_indirect_dma semaphore(%arg14 : memref<!tpu.dma_semaphore, #tpu.memory_space<semaphore_mem>>) src(%dma_wait3A_199 : memref<20000x128xbf16, #tpu.memory_space<hbm>>) dst(%arg9 : memref<128x128xbf16, #tpu.memory_space<vmem>>)
      "tpu.region"() ({
        %run_scoped3A = tpu.sem_alloc : memref<!tpu.dma_semaphore, #tpu.memory_space<semaphore_mem>>
        %dma_start3A_241 = arith.constant 0 : i32
        %dma_start3A_242 = tpu.memref_slice %arg7[%add3A_193, %dma_start3A_241] : memref<20x128xi32, #tpu.memory_space<vmem>> -> memref<1x128xi32, #tpu.memory_space<vmem>>
        %dma_start3A_243 = tpu.memref_squeeze %dma_start3A_242 : memref<1x128xi32, #tpu.memory_space<vmem>> -> memref<128xi32, #tpu.memory_space<vmem>>
        %dma_start3A_244 = arith.constant 0 : i32
        %dma_start3A_245 = arith.constant 0 : i32
        %dma_start3A_246 = tpu.memref_slice %arg12[%dma_start3A_244, %dma_start3A_245] : memref<10016x128xbf16, #tpu.memory_space<vmem_shared>> -> memref<10016x128xbf16, #tpu.memory_space<vmem_shared>>
        tpu.enqueue_indirect_dma source(%arg9 : memref<128x128xbf16, #tpu.memory_space<vmem>>) target(%dma_start3A_246 : memref<10016x128xbf16, #tpu.memory_space<vmem_shared>>) offsets(%dma_start3A_243 : memref<128xi32, #tpu.memory_space<vmem>>) semaphore(%run_scoped3A : memref<!tpu.dma_semaphore, #tpu.memory_space<semaphore_mem>>) {add = true}
        %dma_wait3A_247 = arith.constant 0 : i32
        %dma_wait3A_248 = tpu.memref_slice %arg7[%add3A_193, %dma_wait3A_247] : memref<20x128xi32, #tpu.memory_space<vmem>> -> memref<1x128xi32, #tpu.memory_space<vmem>>
        %dma_wait3A_249 = tpu.memref_squeeze %dma_wait3A_248 : memref<1x128xi32, #tpu.memory_space<vmem>> -> memref<128xi32, #tpu.memory_space<vmem>>
        %dma_wait3A_250 = arith.constant 0 : i32
        %dma_wait3A_251 = arith.constant 0 : i32
        %dma_wait3A_252 = tpu.memref_slice %arg12[%dma_wait3A_250, %dma_wait3A_251] : memref<10016x128xbf16, #tpu.memory_space<vmem_shared>> -> memref<10016x128xbf16, #tpu.memory_space<vmem_shared>>
        tpu.wait_indirect_dma semaphore(%run_scoped3A : memref<!tpu.dma_semaphore, #tpu.memory_space<semaphore_mem>>) src(%arg9 : memref<128x128xbf16, #tpu.memory_space<vmem>>) dst(%dma_wait3A_252 : memref<10016x128xbf16, #tpu.memory_space<vmem_shared>>)
        tpu.yield
      }) : () -> ()
      %add3A_200 = arith.constant 4 : i32
      %add3A_201 = arith.addi %add3A_193, %add3A_200 : i32
      %lt3A_202 = arith.constant 20 : i32
      %lt3A_203 = arith.cmpi slt, %add3A_201, %lt3A_202 : i32
      %convert_element_type3A_204 = arith.extui %lt3A_203 : i1 to i32
      %cond3A_205 = arith.constant 0 : i32
      %cond3A_206 = arith.cmpi ne, %convert_element_type3A_204, %cond3A_205 : i32
      scf.if %cond3A_206 {
        %dma_start3A_241 = arith.constant 0 : i32
        %dma_start3A_242 = tpu.memref_slice %arg6[%add3A_201, %dma_start3A_241] : memref<20x128xi32, #tpu.memory_space<vmem>> -> memref<1x128xi32, #tpu.memory_space<vmem>>
        %dma_start3A_243 = tpu.memref_squeeze %dma_start3A_242 : memref<1x128xi32, #tpu.memory_space<vmem>> -> memref<128xi32, #tpu.memory_space<vmem>>
        %dma_start3A_244 = arith.constant 0 : i32
        %dma_start3A_245 = arith.constant 0 : i32
        %dma_start3A_246 = tpu.memref_slice %arg2[%dma_start3A_244, %dma_start3A_245] : memref<20000x128xbf16, #tpu.memory_space<hbm>> -> memref<20000x128xbf16, #tpu.memory_space<hbm>>
        tpu.enqueue_indirect_dma source(%dma_start3A_246 : memref<20000x128xbf16, #tpu.memory_space<hbm>>) target(%arg9 : memref<128x128xbf16, #tpu.memory_space<vmem>>) offsets(%dma_start3A_243 : memref<128xi32, #tpu.memory_space<vmem>>) semaphore(%arg14 : memref<!tpu.dma_semaphore, #tpu.memory_space<semaphore_mem>>)
      } else {
      }
      %mul3A_207 = arith.constant 4 : i32
      %mul3A_208 = arith.muli %mul3A_207, %scan3A_174 : i32
      %add3A_209 = arith.constant 2 : i32
      %add3A_210 = arith.addi %mul3A_208, %add3A_209 : i32
      %dma_wait3A_211 = arith.constant 0 : i32
      %dma_wait3A_212 = tpu.memref_slice %arg6[%add3A_210, %dma_wait3A_211] : memref<20x128xi32, #tpu.memory_space<vmem>> -> memref<1x128xi32, #tpu.memory_space<vmem>>
      %dma_wait3A_213 = tpu.memref_squeeze %dma_wait3A_212 : memref<1x128xi32, #tpu.memory_space<vmem>> -> memref<128xi32, #tpu.memory_space<vmem>>
      %dma_wait3A_214 = arith.constant 0 : i32
      %dma_wait3A_215 = arith.constant 0 : i32
      %dma_wait3A_216 = tpu.memref_slice %arg2[%dma_wait3A_214, %dma_wait3A_215] : memref<20000x128xbf16, #tpu.memory_space<hbm>> -> memref<20000x128xbf16, #tpu.memory_space<hbm>>
      tpu.wait_indirect_dma semaphore(%arg15 : memref<!tpu.dma_semaphore, #tpu.memory_space<semaphore_mem>>) src(%dma_wait3A_216 : memref<20000x128xbf16, #tpu.memory_space<hbm>>) dst(%arg10 : memref<128x128xbf16, #tpu.memory_space<vmem>>)
      "tpu.region"() ({
        %run_scoped3A = tpu.sem_alloc : memref<!tpu.dma_semaphore, #tpu.memory_space<semaphore_mem>>
        %dma_start3A_241 = arith.constant 0 : i32
        %dma_start3A_242 = tpu.memref_slice %arg7[%add3A_210, %dma_start3A_241] : memref<20x128xi32, #tpu.memory_space<vmem>> -> memref<1x128xi32, #tpu.memory_space<vmem>>
        %dma_start3A_243 = tpu.memref_squeeze %dma_start3A_242 : memref<1x128xi32, #tpu.memory_space<vmem>> -> memref<128xi32, #tpu.memory_space<vmem>>
        %dma_start3A_244 = arith.constant 0 : i32
        %dma_start3A_245 = arith.constant 0 : i32
        %dma_start3A_246 = tpu.memref_slice %arg12[%dma_start3A_244, %dma_start3A_245] : memref<10016x128xbf16, #tpu.memory_space<vmem_shared>> -> memref<10016x128xbf16, #tpu.memory_space<vmem_shared>>
        tpu.enqueue_indirect_dma source(%arg10 : memref<128x128xbf16, #tpu.memory_space<vmem>>) target(%dma_start3A_246 : memref<10016x128xbf16, #tpu.memory_space<vmem_shared>>) offsets(%dma_start3A_243 : memref<128xi32, #tpu.memory_space<vmem>>) semaphore(%run_scoped3A : memref<!tpu.dma_semaphore, #tpu.memory_space<semaphore_mem>>) {add = true}
        %dma_wait3A_247 = arith.constant 0 : i32
        %dma_wait3A_248 = tpu.memref_slice %arg7[%add3A_210, %dma_wait3A_247] : memref<20x128xi32, #tpu.memory_space<vmem>> -> memref<1x128xi32, #tpu.memory_space<vmem>>
        %dma_wait3A_249 = tpu.memref_squeeze %dma_wait3A_248 : memref<1x128xi32, #tpu.memory_space<vmem>> -> memref<128xi32, #tpu.memory_space<vmem>>
        %dma_wait3A_250 = arith.constant 0 : i32
        %dma_wait3A_251 = arith.constant 0 : i32
        %dma_wait3A_252 = tpu.memref_slice %arg12[%dma_wait3A_250, %dma_wait3A_251] : memref<10016x128xbf16, #tpu.memory_space<vmem_shared>> -> memref<10016x128xbf16, #tpu.memory_space<vmem_shared>>
        tpu.wait_indirect_dma semaphore(%run_scoped3A : memref<!tpu.dma_semaphore, #tpu.memory_space<semaphore_mem>>) src(%arg10 : memref<128x128xbf16, #tpu.memory_space<vmem>>) dst(%dma_wait3A_252 : memref<10016x128xbf16, #tpu.memory_space<vmem_shared>>)
        tpu.yield
      }) : () -> ()
      %add3A_217 = arith.constant 4 : i32
      %add3A_218 = arith.addi %add3A_210, %add3A_217 : i32
      %lt3A_219 = arith.constant 20 : i32
      %lt3A_220 = arith.cmpi slt, %add3A_218, %lt3A_219 : i32
      %convert_element_type3A_221 = arith.extui %lt3A_220 : i1 to i32
      %cond3A_222 = arith.constant 0 : i32
      %cond3A_223 = arith.cmpi ne, %convert_element_type3A_221, %cond3A_222 : i32
      scf.if %cond3A_223 {
        %dma_start3A_241 = arith.constant 0 : i32
        %dma_start3A_242 = tpu.memref_slice %arg6[%add3A_218, %dma_start3A_241] : memref<20x128xi32, #tpu.memory_space<vmem>> -> memref<1x128xi32, #tpu.memory_space<vmem>>
        %dma_start3A_243 = tpu.memref_squeeze %dma_start3A_242 : memref<1x128xi32, #tpu.memory_space<vmem>> -> memref<128xi32, #tpu.memory_space<vmem>>
        %dma_start3A_244 = arith.constant 0 : i32
        %dma_start3A_245 = arith.constant 0 : i32
        %dma_start3A_246 = tpu.memref_slice %arg2[%dma_start3A_244, %dma_start3A_245] : memref<20000x128xbf16, #tpu.memory_space<hbm>> -> memref<20000x128xbf16, #tpu.memory_space<hbm>>
        tpu.enqueue_indirect_dma source(%dma_start3A_246 : memref<20000x128xbf16, #tpu.memory_space<hbm>>) target(%arg10 : memref<128x128xbf16, #tpu.memory_space<vmem>>) offsets(%dma_start3A_243 : memref<128xi32, #tpu.memory_space<vmem>>) semaphore(%arg15 : memref<!tpu.dma_semaphore, #tpu.memory_space<semaphore_mem>>)
      } else {
      }
      %mul3A_224 = arith.constant 4 : i32
      %mul3A_225 = arith.muli %mul3A_224, %scan3A_174 : i32
      %add3A_226 = arith.constant 3 : i32
      %add3A_227 = arith.addi %mul3A_225, %add3A_226 : i32
      %dma_wait3A_228 = arith.constant 0 : i32
      %dma_wait3A_229 = tpu.memref_slice %arg6[%add3A_227, %dma_wait3A_228] : memref<20x128xi32, #tpu.memory_space<vmem>> -> memref<1x128xi32, #tpu.memory_space<vmem>>
      %dma_wait3A_230 = tpu.memref_squeeze %dma_wait3A_229 : memref<1x128xi32, #tpu.memory_space<vmem>> -> memref<128xi32, #tpu.memory_space<vmem>>
      %dma_wait3A_231 = arith.constant 0 : i32
      %dma_wait3A_232 = arith.constant 0 : i32
      %dma_wait3A_233 = tpu.memref_slice %arg2[%dma_wait3A_231, %dma_wait3A_232] : memref<20000x128xbf16, #tpu.memory_space<hbm>> -> memref<20000x128xbf16, #tpu.memory_space<hbm>>
      tpu.wait_indirect_dma semaphore(%arg16 : memref<!tpu.dma_semaphore, #tpu.memory_space<semaphore_mem>>) src(%dma_wait3A_233 : memref<20000x128xbf16, #tpu.memory_space<hbm>>) dst(%arg11 : memref<128x128xbf16, #tpu.memory_space<vmem>>)
      "tpu.region"() ({
        %run_scoped3A = tpu.sem_alloc : memref<!tpu.dma_semaphore, #tpu.memory_space<semaphore_mem>>
        %dma_start3A_241 = arith.constant 0 : i32
        %dma_start3A_242 = tpu.memref_slice %arg7[%add3A_227, %dma_start3A_241] : memref<20x128xi32, #tpu.memory_space<vmem>> -> memref<1x128xi32, #tpu.memory_space<vmem>>
        %dma_start3A_243 = tpu.memref_squeeze %dma_start3A_242 : memref<1x128xi32, #tpu.memory_space<vmem>> -> memref<128xi32, #tpu.memory_space<vmem>>
        %dma_start3A_244 = arith.constant 0 : i32
        %dma_start3A_245 = arith.constant 0 : i32
        %dma_start3A_246 = tpu.memref_slice %arg12[%dma_start3A_244, %dma_start3A_245] : memref<10016x128xbf16, #tpu.memory_space<vmem_shared>> -> memref<10016x128xbf16, #tpu.memory_space<vmem_shared>>
        tpu.enqueue_indirect_dma source(%arg11 : memref<128x128xbf16, #tpu.memory_space<vmem>>) target(%dma_start3A_246 : memref<10016x128xbf16, #tpu.memory_space<vmem_shared>>) offsets(%dma_start3A_243 : memref<128xi32, #tpu.memory_space<vmem>>) semaphore(%run_scoped3A : memref<!tpu.dma_semaphore, #tpu.memory_space<semaphore_mem>>) {add = true}
        %dma_wait3A_247 = arith.constant 0 : i32
        %dma_wait3A_248 = tpu.memref_slice %arg7[%add3A_227, %dma_wait3A_247] : memref<20x128xi32, #tpu.memory_space<vmem>> -> memref<1x128xi32, #tpu.memory_space<vmem>>
        %dma_wait3A_249 = tpu.memref_squeeze %dma_wait3A_248 : memref<1x128xi32, #tpu.memory_space<vmem>> -> memref<128xi32, #tpu.memory_space<vmem>>
        %dma_wait3A_250 = arith.constant 0 : i32
        %dma_wait3A_251 = arith.constant 0 : i32
        %dma_wait3A_252 = tpu.memref_slice %arg12[%dma_wait3A_250, %dma_wait3A_251] : memref<10016x128xbf16, #tpu.memory_space<vmem_shared>> -> memref<10016x128xbf16, #tpu.memory_space<vmem_shared>>
        tpu.wait_indirect_dma semaphore(%run_scoped3A : memref<!tpu.dma_semaphore, #tpu.memory_space<semaphore_mem>>) src(%arg11 : memref<128x128xbf16, #tpu.memory_space<vmem>>) dst(%dma_wait3A_252 : memref<10016x128xbf16, #tpu.memory_space<vmem_shared>>)
        tpu.yield
      }) : () -> ()
      %add3A_234 = arith.constant 4 : i32
      %add3A_235 = arith.addi %add3A_227, %add3A_234 : i32
      %lt3A_236 = arith.constant 20 : i32
      %lt3A_237 = arith.cmpi slt, %add3A_235, %lt3A_236 : i32
      %convert_element_type3A_238 = arith.extui %lt3A_237 : i1 to i32
      %cond3A_239 = arith.constant 0 : i32
      %cond3A_240 = arith.cmpi ne, %convert_element_type3A_238, %cond3A_239 : i32
      scf.if %cond3A_240 {
        %dma_start3A_241 = arith.constant 0 : i32
        %dma_start3A_242 = tpu.memref_slice %arg6[%add3A_235, %dma_start3A_241] : memref<20x128xi32, #tpu.memory_space<vmem>> -> memref<1x128xi32, #tpu.memory_space<vmem>>
        %dma_start3A_243 = tpu.memref_squeeze %dma_start3A_242 : memref<1x128xi32, #tpu.memory_space<vmem>> -> memref<128xi32, #tpu.memory_space<vmem>>
        %dma_start3A_244 = arith.constant 0 : i32
        %dma_start3A_245 = arith.constant 0 : i32
        %dma_start3A_246 = tpu.memref_slice %arg2[%dma_start3A_244, %dma_start3A_245] : memref<20000x128xbf16, #tpu.memory_space<hbm>> -> memref<20000x128xbf16, #tpu.memory_space<hbm>>
        tpu.enqueue_indirect_dma source(%dma_start3A_246 : memref<20000x128xbf16, #tpu.memory_space<hbm>>) target(%arg11 : memref<128x128xbf16, #tpu.memory_space<vmem>>) offsets(%dma_start3A_243 : memref<128xi32, #tpu.memory_space<vmem>>) semaphore(%arg16 : memref<!tpu.dma_semaphore, #tpu.memory_space<semaphore_mem>>)
      } else {
      }
    }
    %scan3A_126 = arith.constant 5 : i32
    "tpu.region"() ({
      %run_scoped3A = tpu.sem_alloc : memref<!tpu.dma_semaphore, #tpu.memory_space<semaphore_mem>>
      %dma_start3A_174 = arith.constant 60 : i32
      %dma_start3A_175 = arith.constant 0 : i32
      %dma_start3A_176 = tpu.memref_slice %arg3[%arg0, %arg1, %dma_start3A_174, %dma_start3A_175] : memref<2x16x80x128xi32, #tpu.memory_space<hbm>> -> memref<1x1x20x128xi32, #tpu.memory_space<hbm>>
      %dma_start3A_177 = tpu.memref_squeeze %dma_start3A_176 : memref<1x1x20x128xi32, #tpu.memory_space<hbm>> -> memref<20x128xi32, #tpu.memory_space<hbm>>
      %dma_start3A_178 = arith.constant 60 : i32
      %dma_start3A_179 = arith.constant 0 : i32
      %dma_start3A_180 = tpu.memref_slice %arg3[%arg0, %arg1, %dma_start3A_178, %dma_start3A_179] : memref<2x16x80x128xi32, #tpu.memory_space<hbm>> -> memref<1x1x20x128xi32, #tpu.memory_space<hbm>>
      %dma_start3A_181 = tpu.memref_squeeze %dma_start3A_180 : memref<1x1x20x128xi32, #tpu.memory_space<hbm>> -> memref<20x128xi32, #tpu.memory_space<hbm>>
      tpu.enqueue_dma source(%dma_start3A_181 : memref<20x128xi32, #tpu.memory_space<hbm>>) target(%arg6 : memref<20x128xi32, #tpu.memory_space<vmem>>) target_semaphore(%run_scoped3A : memref<!tpu.dma_semaphore, #tpu.memory_space<semaphore_mem>>)
      %dma_wait3A = arith.constant 60 : i32
      %dma_wait3A_182 = arith.constant 0 : i32
      %dma_wait3A_183 = tpu.memref_slice %arg3[%arg0, %arg1, %dma_wait3A, %dma_wait3A_182] : memref<2x16x80x128xi32, #tpu.memory_space<hbm>> -> memref<1x1x20x128xi32, #tpu.memory_space<hbm>>
      %dma_wait3A_184 = tpu.memref_squeeze %dma_wait3A_183 : memref<1x1x20x128xi32, #tpu.memory_space<hbm>> -> memref<20x128xi32, #tpu.memory_space<hbm>>
      %dma_wait3A_185 = arith.constant 60 : i32
      %dma_wait3A_186 = arith.constant 0 : i32
      %dma_wait3A_187 = tpu.memref_slice %arg3[%arg0, %arg1, %dma_wait3A_185, %dma_wait3A_186] : memref<2x16x80x128xi32, #tpu.memory_space<hbm>> -> memref<1x1x20x128xi32, #tpu.memory_space<hbm>>
      %dma_wait3A_188 = tpu.memref_squeeze %dma_wait3A_187 : memref<1x1x20x128xi32, #tpu.memory_space<hbm>> -> memref<20x128xi32, #tpu.memory_space<hbm>>
      tpu.wait_dma2 semaphore(%run_scoped3A : memref<!tpu.dma_semaphore, #tpu.memory_space<semaphore_mem>>) src(%dma_wait3A_188 : memref<20x128xi32, #tpu.memory_space<hbm>>) dst(%arg6 : memref<20x128xi32, #tpu.memory_space<vmem>>)
      tpu.yield
    }) : () -> ()
    "tpu.region"() ({
      %run_scoped3A = tpu.sem_alloc : memref<!tpu.dma_semaphore, #tpu.memory_space<semaphore_mem>>
      %dma_start3A_174 = arith.constant 60 : i32
      %dma_start3A_175 = arith.constant 0 : i32
      %dma_start3A_176 = tpu.memref_slice %arg4[%arg1, %dma_start3A_174, %dma_start3A_175] : memref<16x80x128xi32, #tpu.memory_space<hbm>> -> memref<1x20x128xi32, #tpu.memory_space<hbm>>
      %dma_start3A_177 = tpu.memref_squeeze %dma_start3A_176 : memref<1x20x128xi32, #tpu.memory_space<hbm>> -> memref<20x128xi32, #tpu.memory_space<hbm>>
      %dma_start3A_178 = arith.constant 60 : i32
      %dma_start3A_179 = arith.constant 0 : i32
      %dma_start3A_180 = tpu.memref_slice %arg4[%arg1, %dma_start3A_178, %dma_start3A_179] : memref<16x80x128xi32, #tpu.memory_space<hbm>> -> memref<1x20x128xi32, #tpu.memory_space<hbm>>
      %dma_start3A_181 = tpu.memref_squeeze %dma_start3A_180 : memref<1x20x128xi32, #tpu.memory_space<hbm>> -> memref<20x128xi32, #tpu.memory_space<hbm>>
      tpu.enqueue_dma source(%dma_start3A_181 : memref<20x128xi32, #tpu.memory_space<hbm>>) target(%arg7 : memref<20x128xi32, #tpu.memory_space<vmem>>) target_semaphore(%run_scoped3A : memref<!tpu.dma_semaphore, #tpu.memory_space<semaphore_mem>>)
      %dma_wait3A = arith.constant 60 : i32
      %dma_wait3A_182 = arith.constant 0 : i32
      %dma_wait3A_183 = tpu.memref_slice %arg4[%arg1, %dma_wait3A, %dma_wait3A_182] : memref<16x80x128xi32, #tpu.memory_space<hbm>> -> memref<1x20x128xi32, #tpu.memory_space<hbm>>
      %dma_wait3A_184 = tpu.memref_squeeze %dma_wait3A_183 : memref<1x20x128xi32, #tpu.memory_space<hbm>> -> memref<20x128xi32, #tpu.memory_space<hbm>>
      %dma_wait3A_185 = arith.constant 60 : i32
      %dma_wait3A_186 = arith.constant 0 : i32
      %dma_wait3A_187 = tpu.memref_slice %arg4[%arg1, %dma_wait3A_185, %dma_wait3A_186] : memref<16x80x128xi32, #tpu.memory_space<hbm>> -> memref<1x20x128xi32, #tpu.memory_space<hbm>>
      %dma_wait3A_188 = tpu.memref_squeeze %dma_wait3A_187 : memref<1x20x128xi32, #tpu.memory_space<hbm>> -> memref<20x128xi32, #tpu.memory_space<hbm>>
      tpu.wait_dma2 semaphore(%run_scoped3A : memref<!tpu.dma_semaphore, #tpu.memory_space<semaphore_mem>>) src(%dma_wait3A_188 : memref<20x128xi32, #tpu.memory_space<hbm>>) dst(%arg7 : memref<20x128xi32, #tpu.memory_space<vmem>>)
      tpu.yield
    }) : () -> ()
    %dma_start3A_127 = arith.constant 0 : i32
    %dma_start3A_128 = arith.constant 0 : i32
    %dma_start3A_129 = tpu.memref_slice %arg6[%dma_start3A_127, %dma_start3A_128] : memref<20x128xi32, #tpu.memory_space<vmem>> -> memref<1x128xi32, #tpu.memory_space<vmem>>
    %dma_start3A_130 = tpu.memref_squeeze %dma_start3A_129 : memref<1x128xi32, #tpu.memory_space<vmem>> -> memref<128xi32, #tpu.memory_space<vmem>>
    %dma_start3A_131 = arith.constant 0 : i32
    %dma_start3A_132 = arith.constant 0 : i32
    %dma_start3A_133 = tpu.memref_slice %arg2[%dma_start3A_131, %dma_start3A_132] : memref<20000x128xbf16, #tpu.memory_space<hbm>> -> memref<20000x128xbf16, #tpu.memory_space<hbm>>
    tpu.enqueue_indirect_dma source(%dma_start3A_133 : memref<20000x128xbf16, #tpu.memory_space<hbm>>) target(%arg8 : memref<128x128xbf16, #tpu.memory_space<vmem>>) offsets(%dma_start3A_130 : memref<128xi32, #tpu.memory_space<vmem>>) semaphore(%arg13 : memref<!tpu.dma_semaphore, #tpu.memory_space<semaphore_mem>>)
    %dma_start3A_134 = arith.constant 1 : i32
    %dma_start3A_135 = arith.constant 0 : i32
    %dma_start3A_136 = tpu.memref_slice %arg6[%dma_start3A_134, %dma_start3A_135] : memref<20x128xi32, #tpu.memory_space<vmem>> -> memref<1x128xi32, #tpu.memory_space<vmem>>
    %dma_start3A_137 = tpu.memref_squeeze %dma_start3A_136 : memref<1x128xi32, #tpu.memory_space<vmem>> -> memref<128xi32, #tpu.memory_space<vmem>>
    %dma_start3A_138 = arith.constant 0 : i32
    %dma_start3A_139 = arith.constant 0 : i32
    %dma_start3A_140 = tpu.memref_slice %arg2[%dma_start3A_138, %dma_start3A_139] : memref<20000x128xbf16, #tpu.memory_space<hbm>> -> memref<20000x128xbf16, #tpu.memory_space<hbm>>
    tpu.enqueue_indirect_dma source(%dma_start3A_140 : memref<20000x128xbf16, #tpu.memory_space<hbm>>) target(%arg9 : memref<128x128xbf16, #tpu.memory_space<vmem>>) offsets(%dma_start3A_137 : memref<128xi32, #tpu.memory_space<vmem>>) semaphore(%arg14 : memref<!tpu.dma_semaphore, #tpu.memory_space<semaphore_mem>>)
    %dma_start3A_141 = arith.constant 2 : i32
    %dma_start3A_142 = arith.constant 0 : i32
    %dma_start3A_143 = tpu.memref_slice %arg6[%dma_start3A_141, %dma_start3A_142] : memref<20x128xi32, #tpu.memory_space<vmem>> -> memref<1x128xi32, #tpu.memory_space<vmem>>
    %dma_start3A_144 = tpu.memref_squeeze %dma_start3A_143 : memref<1x128xi32, #tpu.memory_space<vmem>> -> memref<128xi32, #tpu.memory_space<vmem>>
    %dma_start3A_145 = arith.constant 0 : i32
    %dma_start3A_146 = arith.constant 0 : i32
    %dma_start3A_147 = tpu.memref_slice %arg2[%dma_start3A_145, %dma_start3A_146] : memref<20000x128xbf16, #tpu.memory_space<hbm>> -> memref<20000x128xbf16, #tpu.memory_space<hbm>>
    tpu.enqueue_indirect_dma source(%dma_start3A_147 : memref<20000x128xbf16, #tpu.memory_space<hbm>>) target(%arg10 : memref<128x128xbf16, #tpu.memory_space<vmem>>) offsets(%dma_start3A_144 : memref<128xi32, #tpu.memory_space<vmem>>) semaphore(%arg15 : memref<!tpu.dma_semaphore, #tpu.memory_space<semaphore_mem>>)
    %dma_start3A_148 = arith.constant 3 : i32
    %dma_start3A_149 = arith.constant 0 : i32
    %dma_start3A_150 = tpu.memref_slice %arg6[%dma_start3A_148, %dma_start3A_149] : memref<20x128xi32, #tpu.memory_space<vmem>> -> memref<1x128xi32, #tpu.memory_space<vmem>>
    %dma_start3A_151 = tpu.memref_squeeze %dma_start3A_150 : memref<1x128xi32, #tpu.memory_space<vmem>> -> memref<128xi32, #tpu.memory_space<vmem>>
    %dma_start3A_152 = arith.constant 0 : i32
    %dma_start3A_153 = arith.constant 0 : i32
    %dma_start3A_154 = tpu.memref_slice %arg2[%dma_start3A_152, %dma_start3A_153] : memref<20000x128xbf16, #tpu.memory_space<hbm>> -> memref<20000x128xbf16, #tpu.memory_space<hbm>>
    tpu.enqueue_indirect_dma source(%dma_start3A_154 : memref<20000x128xbf16, #tpu.memory_space<hbm>>) target(%arg11 : memref<128x128xbf16, #tpu.memory_space<vmem>>) offsets(%dma_start3A_151 : memref<128xi32, #tpu.memory_space<vmem>>) semaphore(%arg16 : memref<!tpu.dma_semaphore, #tpu.memory_space<semaphore_mem>>)
    %scan3A_155 = arith.constant 0 : i32
    %scan3A_156 = arith.constant 0 : i32
    %scan3A_157 = arith.constant 5 : i32
    %scan3A_158 = arith.addi %scan3A_156, %scan3A_157 : i32
    %scan3A_159 = arith.constant 1 : i32
    scf.for %scan3A_174 = %scan3A_156 to %scan3A_158 step %scan3A_159  : i32 {
      %mul3A_175 = arith.constant 4 : i32
      %mul3A_176 = arith.muli %mul3A_175, %scan3A_174 : i32
      %add3A_177 = arith.constant 0 : i32
      %add3A_178 = arith.addi %mul3A_176, %add3A_177 : i32
      %dma_wait3A = arith.constant 0 : i32
      %dma_wait3A_179 = tpu.memref_slice %arg6[%add3A_178, %dma_wait3A] : memref<20x128xi32, #tpu.memory_space<vmem>> -> memref<1x128xi32, #tpu.memory_space<vmem>>
      %dma_wait3A_180 = tpu.memref_squeeze %dma_wait3A_179 : memref<1x128xi32, #tpu.memory_space<vmem>> -> memref<128xi32, #tpu.memory_space<vmem>>
      %dma_wait3A_181 = arith.constant 0 : i32
      %dma_wait3A_182 = arith.constant 0 : i32
      %dma_wait3A_183 = tpu.memref_slice %arg2[%dma_wait3A_181, %dma_wait3A_182] : memref<20000x128xbf16, #tpu.memory_space<hbm>> -> memref<20000x128xbf16, #tpu.memory_space<hbm>>
      tpu.wait_indirect_dma semaphore(%arg13 : memref<!tpu.dma_semaphore, #tpu.memory_space<semaphore_mem>>) src(%dma_wait3A_183 : memref<20000x128xbf16, #tpu.memory_space<hbm>>) dst(%arg8 : memref<128x128xbf16, #tpu.memory_space<vmem>>)
      "tpu.region"() ({
        %run_scoped3A = tpu.sem_alloc : memref<!tpu.dma_semaphore, #tpu.memory_space<semaphore_mem>>
        %dma_start3A_241 = arith.constant 0 : i32
        %dma_start3A_242 = tpu.memref_slice %arg7[%add3A_178, %dma_start3A_241] : memref<20x128xi32, #tpu.memory_space<vmem>> -> memref<1x128xi32, #tpu.memory_space<vmem>>
        %dma_start3A_243 = tpu.memref_squeeze %dma_start3A_242 : memref<1x128xi32, #tpu.memory_space<vmem>> -> memref<128xi32, #tpu.memory_space<vmem>>
        %dma_start3A_244 = arith.constant 0 : i32
        %dma_start3A_245 = arith.constant 0 : i32
        %dma_start3A_246 = tpu.memref_slice %arg12[%dma_start3A_244, %dma_start3A_245] : memref<10016x128xbf16, #tpu.memory_space<vmem_shared>> -> memref<10016x128xbf16, #tpu.memory_space<vmem_shared>>
        tpu.enqueue_indirect_dma source(%arg8 : memref<128x128xbf16, #tpu.memory_space<vmem>>) target(%dma_start3A_246 : memref<10016x128xbf16, #tpu.memory_space<vmem_shared>>) offsets(%dma_start3A_243 : memref<128xi32, #tpu.memory_space<vmem>>) semaphore(%run_scoped3A : memref<!tpu.dma_semaphore, #tpu.memory_space<semaphore_mem>>) {add = true}
        %dma_wait3A_247 = arith.constant 0 : i32
        %dma_wait3A_248 = tpu.memref_slice %arg7[%add3A_178, %dma_wait3A_247] : memref<20x128xi32, #tpu.memory_space<vmem>> -> memref<1x128xi32, #tpu.memory_space<vmem>>
        %dma_wait3A_249 = tpu.memref_squeeze %dma_wait3A_248 : memref<1x128xi32, #tpu.memory_space<vmem>> -> memref<128xi32, #tpu.memory_space<vmem>>
        %dma_wait3A_250 = arith.constant 0 : i32
        %dma_wait3A_251 = arith.constant 0 : i32
        %dma_wait3A_252 = tpu.memref_slice %arg12[%dma_wait3A_250, %dma_wait3A_251] : memref<10016x128xbf16, #tpu.memory_space<vmem_shared>> -> memref<10016x128xbf16, #tpu.memory_space<vmem_shared>>
        tpu.wait_indirect_dma semaphore(%run_scoped3A : memref<!tpu.dma_semaphore, #tpu.memory_space<semaphore_mem>>) src(%arg8 : memref<128x128xbf16, #tpu.memory_space<vmem>>) dst(%dma_wait3A_252 : memref<10016x128xbf16, #tpu.memory_space<vmem_shared>>)
        tpu.yield
      }) : () -> ()
      %add3A_184 = arith.constant 4 : i32
      %add3A_185 = arith.addi %add3A_178, %add3A_184 : i32
      %lt3A = arith.constant 20 : i32
      %lt3A_186 = arith.cmpi slt, %add3A_185, %lt3A : i32
      %convert_element_type3A_187 = arith.extui %lt3A_186 : i1 to i32
      %cond3A_188 = arith.constant 0 : i32
      %cond3A_189 = arith.cmpi ne, %convert_element_type3A_187, %cond3A_188 : i32
      scf.if %cond3A_189 {
        %dma_start3A_241 = arith.constant 0 : i32
        %dma_start3A_242 = tpu.memref_slice %arg6[%add3A_185, %dma_start3A_241] : memref<20x128xi32, #tpu.memory_space<vmem>> -> memref<1x128xi32, #tpu.memory_space<vmem>>
        %dma_start3A_243 = tpu.memref_squeeze %dma_start3A_242 : memref<1x128xi32, #tpu.memory_space<vmem>> -> memref<128xi32, #tpu.memory_space<vmem>>
        %dma_start3A_244 = arith.constant 0 : i32
        %dma_start3A_245 = arith.constant 0 : i32
        %dma_start3A_246 = tpu.memref_slice %arg2[%dma_start3A_244, %dma_start3A_245] : memref<20000x128xbf16, #tpu.memory_space<hbm>> -> memref<20000x128xbf16, #tpu.memory_space<hbm>>
        tpu.enqueue_indirect_dma source(%dma_start3A_246 : memref<20000x128xbf16, #tpu.memory_space<hbm>>) target(%arg8 : memref<128x128xbf16, #tpu.memory_space<vmem>>) offsets(%dma_start3A_243 : memref<128xi32, #tpu.memory_space<vmem>>) semaphore(%arg13 : memref<!tpu.dma_semaphore, #tpu.memory_space<semaphore_mem>>)
      } else {
      }
      %mul3A_190 = arith.constant 4 : i32
      %mul3A_191 = arith.muli %mul3A_190, %scan3A_174 : i32
      %add3A_192 = arith.constant 1 : i32
      %add3A_193 = arith.addi %mul3A_191, %add3A_192 : i32
      %dma_wait3A_194 = arith.constant 0 : i32
      %dma_wait3A_195 = tpu.memref_slice %arg6[%add3A_193, %dma_wait3A_194] : memref<20x128xi32, #tpu.memory_space<vmem>> -> memref<1x128xi32, #tpu.memory_space<vmem>>
      %dma_wait3A_196 = tpu.memref_squeeze %dma_wait3A_195 : memref<1x128xi32, #tpu.memory_space<vmem>> -> memref<128xi32, #tpu.memory_space<vmem>>
      %dma_wait3A_197 = arith.constant 0 : i32
      %dma_wait3A_198 = arith.constant 0 : i32
      %dma_wait3A_199 = tpu.memref_slice %arg2[%dma_wait3A_197, %dma_wait3A_198] : memref<20000x128xbf16, #tpu.memory_space<hbm>> -> memref<20000x128xbf16, #tpu.memory_space<hbm>>
      tpu.wait_indirect_dma semaphore(%arg14 : memref<!tpu.dma_semaphore, #tpu.memory_space<semaphore_mem>>) src(%dma_wait3A_199 : memref<20000x128xbf16, #tpu.memory_space<hbm>>) dst(%arg9 : memref<128x128xbf16, #tpu.memory_space<vmem>>)
      "tpu.region"() ({
        %run_scoped3A = tpu.sem_alloc : memref<!tpu.dma_semaphore, #tpu.memory_space<semaphore_mem>>
        %dma_start3A_241 = arith.constant 0 : i32
        %dma_start3A_242 = tpu.memref_slice %arg7[%add3A_193, %dma_start3A_241] : memref<20x128xi32, #tpu.memory_space<vmem>> -> memref<1x128xi32, #tpu.memory_space<vmem>>
        %dma_start3A_243 = tpu.memref_squeeze %dma_start3A_242 : memref<1x128xi32, #tpu.memory_space<vmem>> -> memref<128xi32, #tpu.memory_space<vmem>>
        %dma_start3A_244 = arith.constant 0 : i32
        %dma_start3A_245 = arith.constant 0 : i32
        %dma_start3A_246 = tpu.memref_slice %arg12[%dma_start3A_244, %dma_start3A_245] : memref<10016x128xbf16, #tpu.memory_space<vmem_shared>> -> memref<10016x128xbf16, #tpu.memory_space<vmem_shared>>
        tpu.enqueue_indirect_dma source(%arg9 : memref<128x128xbf16, #tpu.memory_space<vmem>>) target(%dma_start3A_246 : memref<10016x128xbf16, #tpu.memory_space<vmem_shared>>) offsets(%dma_start3A_243 : memref<128xi32, #tpu.memory_space<vmem>>) semaphore(%run_scoped3A : memref<!tpu.dma_semaphore, #tpu.memory_space<semaphore_mem>>) {add = true}
        %dma_wait3A_247 = arith.constant 0 : i32
        %dma_wait3A_248 = tpu.memref_slice %arg7[%add3A_193, %dma_wait3A_247] : memref<20x128xi32, #tpu.memory_space<vmem>> -> memref<1x128xi32, #tpu.memory_space<vmem>>
        %dma_wait3A_249 = tpu.memref_squeeze %dma_wait3A_248 : memref<1x128xi32, #tpu.memory_space<vmem>> -> memref<128xi32, #tpu.memory_space<vmem>>
        %dma_wait3A_250 = arith.constant 0 : i32
        %dma_wait3A_251 = arith.constant 0 : i32
        %dma_wait3A_252 = tpu.memref_slice %arg12[%dma_wait3A_250, %dma_wait3A_251] : memref<10016x128xbf16, #tpu.memory_space<vmem_shared>> -> memref<10016x128xbf16, #tpu.memory_space<vmem_shared>>
        tpu.wait_indirect_dma semaphore(%run_scoped3A : memref<!tpu.dma_semaphore, #tpu.memory_space<semaphore_mem>>) src(%arg9 : memref<128x128xbf16, #tpu.memory_space<vmem>>) dst(%dma_wait3A_252 : memref<10016x128xbf16, #tpu.memory_space<vmem_shared>>)
        tpu.yield
      }) : () -> ()
      %add3A_200 = arith.constant 4 : i32
      %add3A_201 = arith.addi %add3A_193, %add3A_200 : i32
      %lt3A_202 = arith.constant 20 : i32
      %lt3A_203 = arith.cmpi slt, %add3A_201, %lt3A_202 : i32
      %convert_element_type3A_204 = arith.extui %lt3A_203 : i1 to i32
      %cond3A_205 = arith.constant 0 : i32
      %cond3A_206 = arith.cmpi ne, %convert_element_type3A_204, %cond3A_205 : i32
      scf.if %cond3A_206 {
        %dma_start3A_241 = arith.constant 0 : i32
        %dma_start3A_242 = tpu.memref_slice %arg6[%add3A_201, %dma_start3A_241] : memref<20x128xi32, #tpu.memory_space<vmem>> -> memref<1x128xi32, #tpu.memory_space<vmem>>
        %dma_start3A_243 = tpu.memref_squeeze %dma_start3A_242 : memref<1x128xi32, #tpu.memory_space<vmem>> -> memref<128xi32, #tpu.memory_space<vmem>>
        %dma_start3A_244 = arith.constant 0 : i32
        %dma_start3A_245 = arith.constant 0 : i32
        %dma_start3A_246 = tpu.memref_slice %arg2[%dma_start3A_244, %dma_start3A_245] : memref<20000x128xbf16, #tpu.memory_space<hbm>> -> memref<20000x128xbf16, #tpu.memory_space<hbm>>
        tpu.enqueue_indirect_dma source(%dma_start3A_246 : memref<20000x128xbf16, #tpu.memory_space<hbm>>) target(%arg9 : memref<128x128xbf16, #tpu.memory_space<vmem>>) offsets(%dma_start3A_243 : memref<128xi32, #tpu.memory_space<vmem>>) semaphore(%arg14 : memref<!tpu.dma_semaphore, #tpu.memory_space<semaphore_mem>>)
      } else {
      }
      %mul3A_207 = arith.constant 4 : i32
      %mul3A_208 = arith.muli %mul3A_207, %scan3A_174 : i32
      %add3A_209 = arith.constant 2 : i32
      %add3A_210 = arith.addi %mul3A_208, %add3A_209 : i32
      %dma_wait3A_211 = arith.constant 0 : i32
      %dma_wait3A_212 = tpu.memref_slice %arg6[%add3A_210, %dma_wait3A_211] : memref<20x128xi32, #tpu.memory_space<vmem>> -> memref<1x128xi32, #tpu.memory_space<vmem>>
      %dma_wait3A_213 = tpu.memref_squeeze %dma_wait3A_212 : memref<1x128xi32, #tpu.memory_space<vmem>> -> memref<128xi32, #tpu.memory_space<vmem>>
      %dma_wait3A_214 = arith.constant 0 : i32
      %dma_wait3A_215 = arith.constant 0 : i32
      %dma_wait3A_216 = tpu.memref_slice %arg2[%dma_wait3A_214, %dma_wait3A_215] : memref<20000x128xbf16, #tpu.memory_space<hbm>> -> memref<20000x128xbf16, #tpu.memory_space<hbm>>
      tpu.wait_indirect_dma semaphore(%arg15 : memref<!tpu.dma_semaphore, #tpu.memory_space<semaphore_mem>>) src(%dma_wait3A_216 : memref<20000x128xbf16, #tpu.memory_space<hbm>>) dst(%arg10 : memref<128x128xbf16, #tpu.memory_space<vmem>>)
      "tpu.region"() ({
        %run_scoped3A = tpu.sem_alloc : memref<!tpu.dma_semaphore, #tpu.memory_space<semaphore_mem>>
        %dma_start3A_241 = arith.constant 0 : i32
        %dma_start3A_242 = tpu.memref_slice %arg7[%add3A_210, %dma_start3A_241] : memref<20x128xi32, #tpu.memory_space<vmem>> -> memref<1x128xi32, #tpu.memory_space<vmem>>
        %dma_start3A_243 = tpu.memref_squeeze %dma_start3A_242 : memref<1x128xi32, #tpu.memory_space<vmem>> -> memref<128xi32, #tpu.memory_space<vmem>>
        %dma_start3A_244 = arith.constant 0 : i32
        %dma_start3A_245 = arith.constant 0 : i32
        %dma_start3A_246 = tpu.memref_slice %arg12[%dma_start3A_244, %dma_start3A_245] : memref<10016x128xbf16, #tpu.memory_space<vmem_shared>> -> memref<10016x128xbf16, #tpu.memory_space<vmem_shared>>
        tpu.enqueue_indirect_dma source(%arg10 : memref<128x128xbf16, #tpu.memory_space<vmem>>) target(%dma_start3A_246 : memref<10016x128xbf16, #tpu.memory_space<vmem_shared>>) offsets(%dma_start3A_243 : memref<128xi32, #tpu.memory_space<vmem>>) semaphore(%run_scoped3A : memref<!tpu.dma_semaphore, #tpu.memory_space<semaphore_mem>>) {add = true}
        %dma_wait3A_247 = arith.constant 0 : i32
        %dma_wait3A_248 = tpu.memref_slice %arg7[%add3A_210, %dma_wait3A_247] : memref<20x128xi32, #tpu.memory_space<vmem>> -> memref<1x128xi32, #tpu.memory_space<vmem>>
        %dma_wait3A_249 = tpu.memref_squeeze %dma_wait3A_248 : memref<1x128xi32, #tpu.memory_space<vmem>> -> memref<128xi32, #tpu.memory_space<vmem>>
        %dma_wait3A_250 = arith.constant 0 : i32
        %dma_wait3A_251 = arith.constant 0 : i32
        %dma_wait3A_252 = tpu.memref_slice %arg12[%dma_wait3A_250, %dma_wait3A_251] : memref<10016x128xbf16, #tpu.memory_space<vmem_shared>> -> memref<10016x128xbf16, #tpu.memory_space<vmem_shared>>
        tpu.wait_indirect_dma semaphore(%run_scoped3A : memref<!tpu.dma_semaphore, #tpu.memory_space<semaphore_mem>>) src(%arg10 : memref<128x128xbf16, #tpu.memory_space<vmem>>) dst(%dma_wait3A_252 : memref<10016x128xbf16, #tpu.memory_space<vmem_shared>>)
        tpu.yield
      }) : () -> ()
      %add3A_217 = arith.constant 4 : i32
      %add3A_218 = arith.addi %add3A_210, %add3A_217 : i32
      %lt3A_219 = arith.constant 20 : i32
      %lt3A_220 = arith.cmpi slt, %add3A_218, %lt3A_219 : i32
      %convert_element_type3A_221 = arith.extui %lt3A_220 : i1 to i32
      %cond3A_222 = arith.constant 0 : i32
      %cond3A_223 = arith.cmpi ne, %convert_element_type3A_221, %cond3A_222 : i32
      scf.if %cond3A_223 {
        %dma_start3A_241 = arith.constant 0 : i32
        %dma_start3A_242 = tpu.memref_slice %arg6[%add3A_218, %dma_start3A_241] : memref<20x128xi32, #tpu.memory_space<vmem>> -> memref<1x128xi32, #tpu.memory_space<vmem>>
        %dma_start3A_243 = tpu.memref_squeeze %dma_start3A_242 : memref<1x128xi32, #tpu.memory_space<vmem>> -> memref<128xi32, #tpu.memory_space<vmem>>
        %dma_start3A_244 = arith.constant 0 : i32
        %dma_start3A_245 = arith.constant 0 : i32
        %dma_start3A_246 = tpu.memref_slice %arg2[%dma_start3A_244, %dma_start3A_245] : memref<20000x128xbf16, #tpu.memory_space<hbm>> -> memref<20000x128xbf16, #tpu.memory_space<hbm>>
        tpu.enqueue_indirect_dma source(%dma_start3A_246 : memref<20000x128xbf16, #tpu.memory_space<hbm>>) target(%arg10 : memref<128x128xbf16, #tpu.memory_space<vmem>>) offsets(%dma_start3A_243 : memref<128xi32, #tpu.memory_space<vmem>>) semaphore(%arg15 : memref<!tpu.dma_semaphore, #tpu.memory_space<semaphore_mem>>)
      } else {
      }
      %mul3A_224 = arith.constant 4 : i32
      %mul3A_225 = arith.muli %mul3A_224, %scan3A_174 : i32
      %add3A_226 = arith.constant 3 : i32
      %add3A_227 = arith.addi %mul3A_225, %add3A_226 : i32
      %dma_wait3A_228 = arith.constant 0 : i32
      %dma_wait3A_229 = tpu.memref_slice %arg6[%add3A_227, %dma_wait3A_228] : memref<20x128xi32, #tpu.memory_space<vmem>> -> memref<1x128xi32, #tpu.memory_space<vmem>>
      %dma_wait3A_230 = tpu.memref_squeeze %dma_wait3A_229 : memref<1x128xi32, #tpu.memory_space<vmem>> -> memref<128xi32, #tpu.memory_space<vmem>>
      %dma_wait3A_231 = arith.constant 0 : i32
      %dma_wait3A_232 = arith.constant 0 : i32
      %dma_wait3A_233 = tpu.memref_slice %arg2[%dma_wait3A_231, %dma_wait3A_232] : memref<20000x128xbf16, #tpu.memory_space<hbm>> -> memref<20000x128xbf16, #tpu.memory_space<hbm>>
      tpu.wait_indirect_dma semaphore(%arg16 : memref<!tpu.dma_semaphore, #tpu.memory_space<semaphore_mem>>) src(%dma_wait3A_233 : memref<20000x128xbf16, #tpu.memory_space<hbm>>) dst(%arg11 : memref<128x128xbf16, #tpu.memory_space<vmem>>)
      "tpu.region"() ({
        %run_scoped3A = tpu.sem_alloc : memref<!tpu.dma_semaphore, #tpu.memory_space<semaphore_mem>>
        %dma_start3A_241 = arith.constant 0 : i32
        %dma_start3A_242 = tpu.memref_slice %arg7[%add3A_227, %dma_start3A_241] : memref<20x128xi32, #tpu.memory_space<vmem>> -> memref<1x128xi32, #tpu.memory_space<vmem>>
        %dma_start3A_243 = tpu.memref_squeeze %dma_start3A_242 : memref<1x128xi32, #tpu.memory_space<vmem>> -> memref<128xi32, #tpu.memory_space<vmem>>
        %dma_start3A_244 = arith.constant 0 : i32
        %dma_start3A_245 = arith.constant 0 : i32
        %dma_start3A_246 = tpu.memref_slice %arg12[%dma_start3A_244, %dma_start3A_245] : memref<10016x128xbf16, #tpu.memory_space<vmem_shared>> -> memref<10016x128xbf16, #tpu.memory_space<vmem_shared>>
        tpu.enqueue_indirect_dma source(%arg11 : memref<128x128xbf16, #tpu.memory_space<vmem>>) target(%dma_start3A_246 : memref<10016x128xbf16, #tpu.memory_space<vmem_shared>>) offsets(%dma_start3A_243 : memref<128xi32, #tpu.memory_space<vmem>>) semaphore(%run_scoped3A : memref<!tpu.dma_semaphore, #tpu.memory_space<semaphore_mem>>) {add = true}
        %dma_wait3A_247 = arith.constant 0 : i32
        %dma_wait3A_248 = tpu.memref_slice %arg7[%add3A_227, %dma_wait3A_247] : memref<20x128xi32, #tpu.memory_space<vmem>> -> memref<1x128xi32, #tpu.memory_space<vmem>>
        %dma_wait3A_249 = tpu.memref_squeeze %dma_wait3A_248 : memref<1x128xi32, #tpu.memory_space<vmem>> -> memref<128xi32, #tpu.memory_space<vmem>>
        %dma_wait3A_250 = arith.constant 0 : i32
        %dma_wait3A_251 = arith.constant 0 : i32
        %dma_wait3A_252 = tpu.memref_slice %arg12[%dma_wait3A_250, %dma_wait3A_251] : memref<10016x128xbf16, #tpu.memory_space<vmem_shared>> -> memref<10016x128xbf16, #tpu.memory_space<vmem_shared>>
        tpu.wait_indirect_dma semaphore(%run_scoped3A : memref<!tpu.dma_semaphore, #tpu.memory_space<semaphore_mem>>) src(%arg11 : memref<128x128xbf16, #tpu.memory_space<vmem>>) dst(%dma_wait3A_252 : memref<10016x128xbf16, #tpu.memory_space<vmem_shared>>)
        tpu.yield
      }) : () -> ()
      %add3A_234 = arith.constant 4 : i32
      %add3A_235 = arith.addi %add3A_227, %add3A_234 : i32
      %lt3A_236 = arith.constant 20 : i32
      %lt3A_237 = arith.cmpi slt, %add3A_235, %lt3A_236 : i32
      %convert_element_type3A_238 = arith.extui %lt3A_237 : i1 to i32
      %cond3A_239 = arith.constant 0 : i32
      %cond3A_240 = arith.cmpi ne, %convert_element_type3A_238, %cond3A_239 : i32
      scf.if %cond3A_240 {
        %dma_start3A_241 = arith.constant 0 : i32
        %dma_start3A_242 = tpu.memref_slice %arg6[%add3A_235, %dma_start3A_241] : memref<20x128xi32, #tpu.memory_space<vmem>> -> memref<1x128xi32, #tpu.memory_space<vmem>>
        %dma_start3A_243 = tpu.memref_squeeze %dma_start3A_242 : memref<1x128xi32, #tpu.memory_space<vmem>> -> memref<128xi32, #tpu.memory_space<vmem>>
        %dma_start3A_244 = arith.constant 0 : i32
        %dma_start3A_245 = arith.constant 0 : i32
        %dma_start3A_246 = tpu.memref_slice %arg2[%dma_start3A_244, %dma_start3A_245] : memref<20000x128xbf16, #tpu.memory_space<hbm>> -> memref<20000x128xbf16, #tpu.memory_space<hbm>>
        tpu.enqueue_indirect_dma source(%dma_start3A_246 : memref<20000x128xbf16, #tpu.memory_space<hbm>>) target(%arg11 : memref<128x128xbf16, #tpu.memory_space<vmem>>) offsets(%dma_start3A_243 : memref<128xi32, #tpu.memory_space<vmem>>) semaphore(%arg16 : memref<!tpu.dma_semaphore, #tpu.memory_space<semaphore_mem>>)
      } else {
      }
    }
    %scan3A_160 = arith.constant 5 : i32
    %barrier3A_161 = arith.constant 0 : index
    tpu.barrier barrier_id(%barrier3A_161)
    %mul3A_162 = arith.constant 624 : i32
    %mul3A_163 = arith.muli %arg1, %mul3A_162 : i32
    %mul3A_164 = arith.constant 10000 : i32
    %mul3A_165 = arith.muli %arg0, %mul3A_164 : i32
    %mul3A_166 = arith.constant 624 : i32
    %mul3A_167 = arith.muli %arg1, %mul3A_166 : i32
    %add3A_168 = arith.addi %mul3A_165, %mul3A_167 : i32
    "tpu.region"() ({
      %run_scoped3A = tpu.sem_alloc : memref<!tpu.dma_semaphore, #tpu.memory_space<semaphore_mem>>
      %dma_start3A_174 = arith.constant 0 : i32
      %dma_start3A_175 = tpu.memref_slice %arg5[%add3A_168, %dma_start3A_174] : memref<20000x128xbf16, #tpu.memory_space<hbm>> -> memref<624x128xbf16, #tpu.memory_space<hbm>>
      %dma_start3A_176 = arith.constant 0 : i32
      %dma_start3A_177 = tpu.memref_slice %arg12[%mul3A_163, %dma_start3A_176] : memref<10016x128xbf16, #tpu.memory_space<vmem_shared>> -> memref<624x128xbf16, #tpu.memory_space<vmem_shared>>
      tpu.enqueue_dma source(%dma_start3A_177 : memref<624x128xbf16, #tpu.memory_space<vmem_shared>>) target(%dma_start3A_175 : memref<624x128xbf16, #tpu.memory_space<hbm>>) target_semaphore(%run_scoped3A : memref<!tpu.dma_semaphore, #tpu.memory_space<semaphore_mem>>)
      %dma_wait3A = arith.constant 0 : i32
      %dma_wait3A_178 = tpu.memref_slice %arg5[%add3A_168, %dma_wait3A] : memref<20000x128xbf16, #tpu.memory_space<hbm>> -> memref<624x128xbf16, #tpu.memory_space<hbm>>
      %dma_wait3A_179 = arith.constant 0 : i32
      %dma_wait3A_180 = tpu.memref_slice %arg12[%mul3A_163, %dma_wait3A_179] : memref<10016x128xbf16, #tpu.memory_space<vmem_shared>> -> memref<624x128xbf16, #tpu.memory_space<vmem_shared>>
      tpu.wait_dma2 semaphore(%run_scoped3A : memref<!tpu.dma_semaphore, #tpu.memory_space<semaphore_mem>>) src(%dma_wait3A_180 : memref<624x128xbf16, #tpu.memory_space<vmem_shared>>) dst(%dma_wait3A_178 : memref<624x128xbf16, #tpu.memory_space<hbm>>)
      tpu.yield
    }) : () -> ()
    %eq3A_169 = arith.constant 15 : i32
    %eq3A_170 = arith.cmpi eq, %arg1, %eq3A_169 : i32
    %convert_element_type3A_171 = arith.extui %eq3A_170 : i1 to i32
    %cond3A_172 = arith.constant 0 : i32
    %cond3A_173 = arith.cmpi ne, %convert_element_type3A_171, %cond3A_172 : i32
    scf.if %cond3A_173 {
      %mul3A_174 = arith.constant 10000 : i32
      %mul3A_175 = arith.muli %arg0, %mul3A_174 : i32
      %add3A_176 = arith.constant 9984 : i32
      %add3A_177 = arith.addi %mul3A_175, %add3A_176 : i32
      "tpu.region"() ({
        %run_scoped3A = tpu.sem_alloc : memref<!tpu.dma_semaphore, #tpu.memory_space<semaphore_mem>>
        %dma_start3A_178 = arith.constant 0 : i32
        %dma_start3A_179 = tpu.memref_slice %arg5[%add3A_177, %dma_start3A_178] : memref<20000x128xbf16, #tpu.memory_space<hbm>> -> memref<16x128xbf16, #tpu.memory_space<hbm>>
        %dma_start3A_180 = arith.constant 9984 : i32
        %dma_start3A_181 = arith.constant 0 : i32
        %dma_start3A_182 = tpu.memref_slice %arg12[%dma_start3A_180, %dma_start3A_181] : memref<10016x128xbf16, #tpu.memory_space<vmem_shared>> -> memref<16x128xbf16, #tpu.memory_space<vmem_shared>>
        tpu.enqueue_dma source(%dma_start3A_182 : memref<16x128xbf16, #tpu.memory_space<vmem_shared>>) target(%dma_start3A_179 : memref<16x128xbf16, #tpu.memory_space<hbm>>) target_semaphore(%run_scoped3A : memref<!tpu.dma_semaphore, #tpu.memory_space<semaphore_mem>>)
        %dma_wait3A = arith.constant 0 : i32
        %dma_wait3A_183 = tpu.memref_slice %arg5[%add3A_177, %dma_wait3A] : memref<20000x128xbf16, #tpu.memory_space<hbm>> -> memref<16x128xbf16, #tpu.memory_space<hbm>>
        %dma_wait3A_184 = arith.constant 9984 : i32
        %dma_wait3A_185 = arith.constant 0 : i32
        %dma_wait3A_186 = tpu.memref_slice %arg12[%dma_wait3A_184, %dma_wait3A_185] : memref<10016x128xbf16, #tpu.memory_space<vmem_shared>> -> memref<16x128xbf16, #tpu.memory_space<vmem_shared>>
        tpu.wait_dma2 semaphore(%run_scoped3A : memref<!tpu.dma_semaphore, #tpu.memory_space<semaphore_mem>>) src(%dma_wait3A_186 : memref<16x128xbf16, #tpu.memory_space<vmem_shared>>) dst(%dma_wait3A_183 : memref<16x128xbf16, #tpu.memory_space<hbm>>)
        tpu.yield
      }) : () -> ()
    } else {
    }
    return
  }
}

#map = affine_map<(d0, d1) -> (0, 0, 0)>
#map1 = affine_map<(d0, d1) -> (0, 0)>
module attributes {stable_mosaic.version = 14 : i64} {
  func.func @_sc_deg(%arg0: i32, %arg1: i32, %arg2: memref<32x40x128xi32, #tpu.memory_space<hbm>>, %arg3: memref<128x16xf32, #tpu.memory_space<hbm>>, %arg4: memref<624x16xf32, #tpu.memory_space<hbm>>, %arg5: memref<20000x16xf32, #tpu.memory_space<hbm>>, %arg6: memref<40x128xi32, #tpu.memory_space<vmem>>, %arg7: memref<128x16xf32, #tpu.memory_space<vmem>>, %arg8: memref<10016x16xf32, #tpu.memory_space<vmem_shared>>) attributes {dimension_semantics = [#tpu.dimension_semantics<core_parallel>, #tpu.dimension_semantics<subcore_parallel>], iteration_bounds = array<i64: 2, 16>, scalar_prefetch = 0 : i64, scratch_operands = 3 : i64, tpu.core_type = #tpu.core_type<sc_vector_subcore>, window_params = [{transform_indices = #map}, {transform_indices = #map1}, {transform_indices = #map1}, {transform_indices = #map1}]} {
    %mul3A = arith.constant 624 : i32
    %mul3A_0 = arith.muli %arg1, %mul3A : i32
    "tpu.region"() ({
      %run_scoped3A = tpu.sem_alloc : memref<!tpu.dma_semaphore, #tpu.memory_space<semaphore_mem>>
      %dma_start3A = arith.constant 0 : i32
      %dma_start3A_23 = tpu.memref_slice %arg8[%mul3A_0, %dma_start3A] : memref<10016x16xf32, #tpu.memory_space<vmem_shared>> -> memref<624x16xf32, #tpu.memory_space<vmem_shared>>
      %dma_start3A_24 = arith.constant 0 : i32
      %dma_start3A_25 = arith.constant 0 : i32
      %dma_start3A_26 = tpu.memref_slice %arg4[%dma_start3A_24, %dma_start3A_25] : memref<624x16xf32, #tpu.memory_space<hbm>> -> memref<624x16xf32, #tpu.memory_space<hbm>>
      tpu.enqueue_dma source(%dma_start3A_26 : memref<624x16xf32, #tpu.memory_space<hbm>>) target(%dma_start3A_23 : memref<624x16xf32, #tpu.memory_space<vmem_shared>>) target_semaphore(%run_scoped3A : memref<!tpu.dma_semaphore, #tpu.memory_space<semaphore_mem>>)
      %dma_wait3A = arith.constant 0 : i32
      %dma_wait3A_27 = tpu.memref_slice %arg8[%mul3A_0, %dma_wait3A] : memref<10016x16xf32, #tpu.memory_space<vmem_shared>> -> memref<624x16xf32, #tpu.memory_space<vmem_shared>>
      %dma_wait3A_28 = arith.constant 0 : i32
      %dma_wait3A_29 = arith.constant 0 : i32
      %dma_wait3A_30 = tpu.memref_slice %arg4[%dma_wait3A_28, %dma_wait3A_29] : memref<624x16xf32, #tpu.memory_space<hbm>> -> memref<624x16xf32, #tpu.memory_space<hbm>>
      tpu.wait_dma2 semaphore(%run_scoped3A : memref<!tpu.dma_semaphore, #tpu.memory_space<semaphore_mem>>) src(%dma_wait3A_30 : memref<624x16xf32, #tpu.memory_space<hbm>>) dst(%dma_wait3A_27 : memref<624x16xf32, #tpu.memory_space<vmem_shared>>)
      tpu.yield
    }) : () -> ()
    %eq3A = arith.constant 15 : i32
    %eq3A_1 = arith.cmpi eq, %arg1, %eq3A : i32
    %convert_element_type3A = arith.extui %eq3A_1 : i1 to i32
    %cond3A = arith.constant 0 : i32
    %cond3A_2 = arith.cmpi ne, %convert_element_type3A, %cond3A : i32
    scf.if %cond3A_2 {
      "tpu.region"() ({
        %run_scoped3A = tpu.sem_alloc : memref<!tpu.dma_semaphore, #tpu.memory_space<semaphore_mem>>
        %dma_start3A = arith.constant 9984 : i32
        %dma_start3A_23 = arith.constant 0 : i32
        %dma_start3A_24 = tpu.memref_slice %arg8[%dma_start3A, %dma_start3A_23] : memref<10016x16xf32, #tpu.memory_space<vmem_shared>> -> memref<32x16xf32, #tpu.memory_space<vmem_shared>>
        %dma_start3A_25 = arith.constant 0 : i32
        %dma_start3A_26 = arith.constant 0 : i32
        %dma_start3A_27 = tpu.memref_slice %arg4[%dma_start3A_25, %dma_start3A_26] : memref<624x16xf32, #tpu.memory_space<hbm>> -> memref<32x16xf32, #tpu.memory_space<hbm>>
        tpu.enqueue_dma source(%dma_start3A_27 : memref<32x16xf32, #tpu.memory_space<hbm>>) target(%dma_start3A_24 : memref<32x16xf32, #tpu.memory_space<vmem_shared>>) target_semaphore(%run_scoped3A : memref<!tpu.dma_semaphore, #tpu.memory_space<semaphore_mem>>)
        %dma_wait3A = arith.constant 9984 : i32
        %dma_wait3A_28 = arith.constant 0 : i32
        %dma_wait3A_29 = tpu.memref_slice %arg8[%dma_wait3A, %dma_wait3A_28] : memref<10016x16xf32, #tpu.memory_space<vmem_shared>> -> memref<32x16xf32, #tpu.memory_space<vmem_shared>>
        %dma_wait3A_30 = arith.constant 0 : i32
        %dma_wait3A_31 = arith.constant 0 : i32
        %dma_wait3A_32 = tpu.memref_slice %arg4[%dma_wait3A_30, %dma_wait3A_31] : memref<624x16xf32, #tpu.memory_space<hbm>> -> memref<32x16xf32, #tpu.memory_space<hbm>>
        tpu.wait_dma2 semaphore(%run_scoped3A : memref<!tpu.dma_semaphore, #tpu.memory_space<semaphore_mem>>) src(%dma_wait3A_32 : memref<32x16xf32, #tpu.memory_space<hbm>>) dst(%dma_wait3A_29 : memref<32x16xf32, #tpu.memory_space<vmem_shared>>)
        tpu.yield
      }) : () -> ()
    } else {
    }
    "tpu.region"() ({
      %run_scoped3A = tpu.sem_alloc : memref<!tpu.dma_semaphore, #tpu.memory_space<semaphore_mem>>
      tpu.enqueue_dma source(%arg3 : memref<128x16xf32, #tpu.memory_space<hbm>>) target(%arg7 : memref<128x16xf32, #tpu.memory_space<vmem>>) target_semaphore(%run_scoped3A : memref<!tpu.dma_semaphore, #tpu.memory_space<semaphore_mem>>)
      tpu.wait_dma2 semaphore(%run_scoped3A : memref<!tpu.dma_semaphore, #tpu.memory_space<semaphore_mem>>) src(%arg3 : memref<128x16xf32, #tpu.memory_space<hbm>>) dst(%arg7 : memref<128x16xf32, #tpu.memory_space<vmem>>)
      tpu.yield
    }) : () -> ()
    %mul3A_3 = arith.constant 16 : i32
    %mul3A_4 = arith.muli %arg0, %mul3A_3 : i32
    %add3A = arith.addi %mul3A_4, %arg1 : i32
    "tpu.region"() ({
      %run_scoped3A = tpu.sem_alloc : memref<!tpu.dma_semaphore, #tpu.memory_space<semaphore_mem>>
      %dma_start3A = arith.constant 0 : i32
      %dma_start3A_23 = arith.constant 0 : i32
      %dma_start3A_24 = tpu.memref_slice %arg2[%add3A, %dma_start3A, %dma_start3A_23] : memref<32x40x128xi32, #tpu.memory_space<hbm>> -> memref<1x40x128xi32, #tpu.memory_space<hbm>>
      %dma_start3A_25 = tpu.memref_squeeze %dma_start3A_24 : memref<1x40x128xi32, #tpu.memory_space<hbm>> -> memref<40x128xi32, #tpu.memory_space<hbm>>
      %dma_start3A_26 = arith.constant 0 : i32
      %dma_start3A_27 = arith.constant 0 : i32
      %dma_start3A_28 = tpu.memref_slice %arg2[%add3A, %dma_start3A_26, %dma_start3A_27] : memref<32x40x128xi32, #tpu.memory_space<hbm>> -> memref<1x40x128xi32, #tpu.memory_space<hbm>>
      %dma_start3A_29 = tpu.memref_squeeze %dma_start3A_28 : memref<1x40x128xi32, #tpu.memory_space<hbm>> -> memref<40x128xi32, #tpu.memory_space<hbm>>
      tpu.enqueue_dma source(%dma_start3A_29 : memref<40x128xi32, #tpu.memory_space<hbm>>) target(%arg6 : memref<40x128xi32, #tpu.memory_space<vmem>>) target_semaphore(%run_scoped3A : memref<!tpu.dma_semaphore, #tpu.memory_space<semaphore_mem>>)
      %dma_wait3A = arith.constant 0 : i32
      %dma_wait3A_30 = arith.constant 0 : i32
      %dma_wait3A_31 = tpu.memref_slice %arg2[%add3A, %dma_wait3A, %dma_wait3A_30] : memref<32x40x128xi32, #tpu.memory_space<hbm>> -> memref<1x40x128xi32, #tpu.memory_space<hbm>>
      %dma_wait3A_32 = tpu.memref_squeeze %dma_wait3A_31 : memref<1x40x128xi32, #tpu.memory_space<hbm>> -> memref<40x128xi32, #tpu.memory_space<hbm>>
      %dma_wait3A_33 = arith.constant 0 : i32
      %dma_wait3A_34 = arith.constant 0 : i32
      %dma_wait3A_35 = tpu.memref_slice %arg2[%add3A, %dma_wait3A_33, %dma_wait3A_34] : memref<32x40x128xi32, #tpu.memory_space<hbm>> -> memref<1x40x128xi32, #tpu.memory_space<hbm>>
      %dma_wait3A_36 = tpu.memref_squeeze %dma_wait3A_35 : memref<1x40x128xi32, #tpu.memory_space<hbm>> -> memref<40x128xi32, #tpu.memory_space<hbm>>
      tpu.wait_dma2 semaphore(%run_scoped3A : memref<!tpu.dma_semaphore, #tpu.memory_space<semaphore_mem>>) src(%dma_wait3A_36 : memref<40x128xi32, #tpu.memory_space<hbm>>) dst(%arg6 : memref<40x128xi32, #tpu.memory_space<vmem>>)
      tpu.yield
    }) : () -> ()
    %barrier3A = arith.constant 0 : index
    tpu.barrier barrier_id(%barrier3A)
    %scan3A = arith.constant 0 : i32
    %scan3A_5 = arith.constant 0 : i32
    %scan3A_6 = arith.constant 40 : i32
    %scan3A_7 = arith.addi %scan3A_5, %scan3A_6 : i32
    %scan3A_8 = arith.constant 1 : i32
    scf.for %scan3A_23 = %scan3A_5 to %scan3A_7 step %scan3A_8  : i32 {
      "tpu.region"() ({
        %run_scoped3A = tpu.sem_alloc : memref<!tpu.dma_semaphore, #tpu.memory_space<semaphore_mem>>
        %dma_start3A = arith.constant 0 : i32
        %dma_start3A_24 = tpu.memref_slice %arg6[%scan3A_23, %dma_start3A] : memref<40x128xi32, #tpu.memory_space<vmem>> -> memref<1x128xi32, #tpu.memory_space<vmem>>
        %dma_start3A_25 = tpu.memref_squeeze %dma_start3A_24 : memref<1x128xi32, #tpu.memory_space<vmem>> -> memref<128xi32, #tpu.memory_space<vmem>>
        %dma_start3A_26 = arith.constant 0 : i32
        %dma_start3A_27 = arith.constant 0 : i32
        %dma_start3A_28 = tpu.memref_slice %arg8[%dma_start3A_26, %dma_start3A_27] : memref<10016x16xf32, #tpu.memory_space<vmem_shared>> -> memref<10016x16xf32, #tpu.memory_space<vmem_shared>>
        tpu.enqueue_indirect_dma source(%arg7 : memref<128x16xf32, #tpu.memory_space<vmem>>) target(%dma_start3A_28 : memref<10016x16xf32, #tpu.memory_space<vmem_shared>>) offsets(%dma_start3A_25 : memref<128xi32, #tpu.memory_space<vmem>>) semaphore(%run_scoped3A : memref<!tpu.dma_semaphore, #tpu.memory_space<semaphore_mem>>) {add = true}
        %dma_wait3A = arith.constant 0 : i32
        %dma_wait3A_29 = tpu.memref_slice %arg6[%scan3A_23, %dma_wait3A] : memref<40x128xi32, #tpu.memory_space<vmem>> -> memref<1x128xi32, #tpu.memory_space<vmem>>
        %dma_wait3A_30 = tpu.memref_squeeze %dma_wait3A_29 : memref<1x128xi32, #tpu.memory_space<vmem>> -> memref<128xi32, #tpu.memory_space<vmem>>
        %dma_wait3A_31 = arith.constant 0 : i32
        %dma_wait3A_32 = arith.constant 0 : i32
        %dma_wait3A_33 = tpu.memref_slice %arg8[%dma_wait3A_31, %dma_wait3A_32] : memref<10016x16xf32, #tpu.memory_space<vmem_shared>> -> memref<10016x16xf32, #tpu.memory_space<vmem_shared>>
        tpu.wait_indirect_dma semaphore(%run_scoped3A : memref<!tpu.dma_semaphore, #tpu.memory_space<semaphore_mem>>) src(%arg7 : memref<128x16xf32, #tpu.memory_space<vmem>>) dst(%dma_wait3A_33 : memref<10016x16xf32, #tpu.memory_space<vmem_shared>>)
        tpu.yield
      }) : () -> ()
    }
    %scan3A_9 = arith.constant 40 : i32
    %barrier3A_10 = arith.constant 0 : index
    tpu.barrier barrier_id(%barrier3A_10)
    %mul3A_11 = arith.constant 624 : i32
    %mul3A_12 = arith.muli %arg1, %mul3A_11 : i32
    %mul3A_13 = arith.constant 10000 : i32
    %mul3A_14 = arith.muli %arg0, %mul3A_13 : i32
    %mul3A_15 = arith.constant 624 : i32
    %mul3A_16 = arith.muli %arg1, %mul3A_15 : i32
    %add3A_17 = arith.addi %mul3A_14, %mul3A_16 : i32
    "tpu.region"() ({
      %run_scoped3A = tpu.sem_alloc : memref<!tpu.dma_semaphore, #tpu.memory_space<semaphore_mem>>
      %dma_start3A = arith.constant 0 : i32
      %dma_start3A_23 = tpu.memref_slice %arg5[%add3A_17, %dma_start3A] : memref<20000x16xf32, #tpu.memory_space<hbm>> -> memref<624x16xf32, #tpu.memory_space<hbm>>
      %dma_start3A_24 = arith.constant 0 : i32
      %dma_start3A_25 = tpu.memref_slice %arg8[%mul3A_12, %dma_start3A_24] : memref<10016x16xf32, #tpu.memory_space<vmem_shared>> -> memref<624x16xf32, #tpu.memory_space<vmem_shared>>
      tpu.enqueue_dma source(%dma_start3A_25 : memref<624x16xf32, #tpu.memory_space<vmem_shared>>) target(%dma_start3A_23 : memref<624x16xf32, #tpu.memory_space<hbm>>) target_semaphore(%run_scoped3A : memref<!tpu.dma_semaphore, #tpu.memory_space<semaphore_mem>>)
      %dma_wait3A = arith.constant 0 : i32
      %dma_wait3A_26 = tpu.memref_slice %arg5[%add3A_17, %dma_wait3A] : memref<20000x16xf32, #tpu.memory_space<hbm>> -> memref<624x16xf32, #tpu.memory_space<hbm>>
      %dma_wait3A_27 = arith.constant 0 : i32
      %dma_wait3A_28 = tpu.memref_slice %arg8[%mul3A_12, %dma_wait3A_27] : memref<10016x16xf32, #tpu.memory_space<vmem_shared>> -> memref<624x16xf32, #tpu.memory_space<vmem_shared>>
      tpu.wait_dma2 semaphore(%run_scoped3A : memref<!tpu.dma_semaphore, #tpu.memory_space<semaphore_mem>>) src(%dma_wait3A_28 : memref<624x16xf32, #tpu.memory_space<vmem_shared>>) dst(%dma_wait3A_26 : memref<624x16xf32, #tpu.memory_space<hbm>>)
      tpu.yield
    }) : () -> ()
    %eq3A_18 = arith.constant 15 : i32
    %eq3A_19 = arith.cmpi eq, %arg1, %eq3A_18 : i32
    %convert_element_type3A_20 = arith.extui %eq3A_19 : i1 to i32
    %cond3A_21 = arith.constant 0 : i32
    %cond3A_22 = arith.cmpi ne, %convert_element_type3A_20, %cond3A_21 : i32
    scf.if %cond3A_22 {
      %mul3A_23 = arith.constant 10000 : i32
      %mul3A_24 = arith.muli %arg0, %mul3A_23 : i32
      %add3A_25 = arith.constant 9984 : i32
      %add3A_26 = arith.addi %mul3A_24, %add3A_25 : i32
      "tpu.region"() ({
        %run_scoped3A = tpu.sem_alloc : memref<!tpu.dma_semaphore, #tpu.memory_space<semaphore_mem>>
        %dma_start3A = arith.constant 0 : i32
        %dma_start3A_27 = tpu.memref_slice %arg5[%add3A_26, %dma_start3A] : memref<20000x16xf32, #tpu.memory_space<hbm>> -> memref<16x16xf32, #tpu.memory_space<hbm>>
        %dma_start3A_28 = arith.constant 9984 : i32
        %dma_start3A_29 = arith.constant 0 : i32
        %dma_start3A_30 = tpu.memref_slice %arg8[%dma_start3A_28, %dma_start3A_29] : memref<10016x16xf32, #tpu.memory_space<vmem_shared>> -> memref<16x16xf32, #tpu.memory_space<vmem_shared>>
        tpu.enqueue_dma source(%dma_start3A_30 : memref<16x16xf32, #tpu.memory_space<vmem_shared>>) target(%dma_start3A_27 : memref<16x16xf32, #tpu.memory_space<hbm>>) target_semaphore(%run_scoped3A : memref<!tpu.dma_semaphore, #tpu.memory_space<semaphore_mem>>)
        %dma_wait3A = arith.constant 0 : i32
        %dma_wait3A_31 = tpu.memref_slice %arg5[%add3A_26, %dma_wait3A] : memref<20000x16xf32, #tpu.memory_space<hbm>> -> memref<16x16xf32, #tpu.memory_space<hbm>>
        %dma_wait3A_32 = arith.constant 9984 : i32
        %dma_wait3A_33 = arith.constant 0 : i32
        %dma_wait3A_34 = tpu.memref_slice %arg8[%dma_wait3A_32, %dma_wait3A_33] : memref<10016x16xf32, #tpu.memory_space<vmem_shared>> -> memref<16x16xf32, #tpu.memory_space<vmem_shared>>
        tpu.wait_dma2 semaphore(%run_scoped3A : memref<!tpu.dma_semaphore, #tpu.memory_space<semaphore_mem>>) src(%dma_wait3A_34 : memref<16x16xf32, #tpu.memory_space<vmem_shared>>) dst(%dma_wait3A_31 : memref<16x16xf32, #tpu.memory_space<hbm>>)
        tpu.yield
      }) : () -> ()
    } else {
    }
    return
  }
}

#map = affine_map<(d0, d1) -> (0, 0)>
#map1 = affine_map<(d0, d1) -> (0, 0, 0)>
module attributes {stable_mosaic.version = 14 : i64} {
  func.func @_sc_agg2(%arg0: i32, %arg1: i32, %arg2: memref<10000x16xf32, #tpu.memory_space<hbm>>, %arg3: memref<32x40x128xi32, #tpu.memory_space<hbm>>, %arg4: memref<32x40x128xi32, #tpu.memory_space<hbm>>, %arg5: memref<624x16xf32, #tpu.memory_space<hbm>>, %arg6: memref<20000x16xf32, #tpu.memory_space<hbm>>, %arg7: memref<40x128xi32, #tpu.memory_space<vmem>>, %arg8: memref<40x128xi32, #tpu.memory_space<vmem>>, %arg9: memref<128x16xf32, #tpu.memory_space<vmem>>, %arg10: memref<128x16xf32, #tpu.memory_space<vmem>>, %arg11: memref<128x16xf32, #tpu.memory_space<vmem>>, %arg12: memref<128x16xf32, #tpu.memory_space<vmem>>, %arg13: memref<10016x16xf32, #tpu.memory_space<vmem_shared>>, %arg14: memref<!tpu.dma_semaphore, #tpu.memory_space<semaphore_mem>>, %arg15: memref<!tpu.dma_semaphore, #tpu.memory_space<semaphore_mem>>, %arg16: memref<!tpu.dma_semaphore, #tpu.memory_space<semaphore_mem>>, %arg17: memref<!tpu.dma_semaphore, #tpu.memory_space<semaphore_mem>>) attributes {dimension_semantics = [#tpu.dimension_semantics<core_parallel>, #tpu.dimension_semantics<subcore_parallel>], iteration_bounds = array<i64: 2, 16>, scalar_prefetch = 0 : i64, scratch_operands = 11 : i64, tpu.core_type = #tpu.core_type<sc_vector_subcore>, window_params = [{transform_indices = #map}, {transform_indices = #map1}, {transform_indices = #map1}, {transform_indices = #map}, {transform_indices = #map}]} {
    %mul3A = arith.constant 624 : i32
    %mul3A_0 = arith.muli %arg1, %mul3A : i32
    "tpu.region"() ({
      %run_scoped3A = tpu.sem_alloc : memref<!tpu.dma_semaphore, #tpu.memory_space<semaphore_mem>>
      %dma_start3A_50 = arith.constant 0 : i32
      %dma_start3A_51 = tpu.memref_slice %arg13[%mul3A_0, %dma_start3A_50] : memref<10016x16xf32, #tpu.memory_space<vmem_shared>> -> memref<624x16xf32, #tpu.memory_space<vmem_shared>>
      %dma_start3A_52 = arith.constant 0 : i32
      %dma_start3A_53 = arith.constant 0 : i32
      %dma_start3A_54 = tpu.memref_slice %arg5[%dma_start3A_52, %dma_start3A_53] : memref<624x16xf32, #tpu.memory_space<hbm>> -> memref<624x16xf32, #tpu.memory_space<hbm>>
      tpu.enqueue_dma source(%dma_start3A_54 : memref<624x16xf32, #tpu.memory_space<hbm>>) target(%dma_start3A_51 : memref<624x16xf32, #tpu.memory_space<vmem_shared>>) target_semaphore(%run_scoped3A : memref<!tpu.dma_semaphore, #tpu.memory_space<semaphore_mem>>)
      %dma_wait3A = arith.constant 0 : i32
      %dma_wait3A_55 = tpu.memref_slice %arg13[%mul3A_0, %dma_wait3A] : memref<10016x16xf32, #tpu.memory_space<vmem_shared>> -> memref<624x16xf32, #tpu.memory_space<vmem_shared>>
      %dma_wait3A_56 = arith.constant 0 : i32
      %dma_wait3A_57 = arith.constant 0 : i32
      %dma_wait3A_58 = tpu.memref_slice %arg5[%dma_wait3A_56, %dma_wait3A_57] : memref<624x16xf32, #tpu.memory_space<hbm>> -> memref<624x16xf32, #tpu.memory_space<hbm>>
      tpu.wait_dma2 semaphore(%run_scoped3A : memref<!tpu.dma_semaphore, #tpu.memory_space<semaphore_mem>>) src(%dma_wait3A_58 : memref<624x16xf32, #tpu.memory_space<hbm>>) dst(%dma_wait3A_55 : memref<624x16xf32, #tpu.memory_space<vmem_shared>>)
      tpu.yield
    }) : () -> ()
    %eq3A = arith.constant 15 : i32
    %eq3A_1 = arith.cmpi eq, %arg1, %eq3A : i32
    %convert_element_type3A = arith.extui %eq3A_1 : i1 to i32
    %cond3A = arith.constant 0 : i32
    %cond3A_2 = arith.cmpi ne, %convert_element_type3A, %cond3A : i32
    scf.if %cond3A_2 {
      "tpu.region"() ({
        %run_scoped3A = tpu.sem_alloc : memref<!tpu.dma_semaphore, #tpu.memory_space<semaphore_mem>>
        %dma_start3A_50 = arith.constant 9984 : i32
        %dma_start3A_51 = arith.constant 0 : i32
        %dma_start3A_52 = tpu.memref_slice %arg13[%dma_start3A_50, %dma_start3A_51] : memref<10016x16xf32, #tpu.memory_space<vmem_shared>> -> memref<32x16xf32, #tpu.memory_space<vmem_shared>>
        %dma_start3A_53 = arith.constant 0 : i32
        %dma_start3A_54 = arith.constant 0 : i32
        %dma_start3A_55 = tpu.memref_slice %arg5[%dma_start3A_53, %dma_start3A_54] : memref<624x16xf32, #tpu.memory_space<hbm>> -> memref<32x16xf32, #tpu.memory_space<hbm>>
        tpu.enqueue_dma source(%dma_start3A_55 : memref<32x16xf32, #tpu.memory_space<hbm>>) target(%dma_start3A_52 : memref<32x16xf32, #tpu.memory_space<vmem_shared>>) target_semaphore(%run_scoped3A : memref<!tpu.dma_semaphore, #tpu.memory_space<semaphore_mem>>)
        %dma_wait3A = arith.constant 9984 : i32
        %dma_wait3A_56 = arith.constant 0 : i32
        %dma_wait3A_57 = tpu.memref_slice %arg13[%dma_wait3A, %dma_wait3A_56] : memref<10016x16xf32, #tpu.memory_space<vmem_shared>> -> memref<32x16xf32, #tpu.memory_space<vmem_shared>>
        %dma_wait3A_58 = arith.constant 0 : i32
        %dma_wait3A_59 = arith.constant 0 : i32
        %dma_wait3A_60 = tpu.memref_slice %arg5[%dma_wait3A_58, %dma_wait3A_59] : memref<624x16xf32, #tpu.memory_space<hbm>> -> memref<32x16xf32, #tpu.memory_space<hbm>>
        tpu.wait_dma2 semaphore(%run_scoped3A : memref<!tpu.dma_semaphore, #tpu.memory_space<semaphore_mem>>) src(%dma_wait3A_60 : memref<32x16xf32, #tpu.memory_space<hbm>>) dst(%dma_wait3A_57 : memref<32x16xf32, #tpu.memory_space<vmem_shared>>)
        tpu.yield
      }) : () -> ()
    } else {
    }
    %mul3A_3 = arith.constant 16 : i32
    %mul3A_4 = arith.muli %arg0, %mul3A_3 : i32
    %add3A = arith.addi %mul3A_4, %arg1 : i32
    "tpu.region"() ({
      %run_scoped3A = tpu.sem_alloc : memref<!tpu.dma_semaphore, #tpu.memory_space<semaphore_mem>>
      %dma_start3A_50 = arith.constant 0 : i32
      %dma_start3A_51 = arith.constant 0 : i32
      %dma_start3A_52 = tpu.memref_slice %arg3[%add3A, %dma_start3A_50, %dma_start3A_51] : memref<32x40x128xi32, #tpu.memory_space<hbm>> -> memref<1x40x128xi32, #tpu.memory_space<hbm>>
      %dma_start3A_53 = tpu.memref_squeeze %dma_start3A_52 : memref<1x40x128xi32, #tpu.memory_space<hbm>> -> memref<40x128xi32, #tpu.memory_space<hbm>>
      %dma_start3A_54 = arith.constant 0 : i32
      %dma_start3A_55 = arith.constant 0 : i32
      %dma_start3A_56 = tpu.memref_slice %arg3[%add3A, %dma_start3A_54, %dma_start3A_55] : memref<32x40x128xi32, #tpu.memory_space<hbm>> -> memref<1x40x128xi32, #tpu.memory_space<hbm>>
      %dma_start3A_57 = tpu.memref_squeeze %dma_start3A_56 : memref<1x40x128xi32, #tpu.memory_space<hbm>> -> memref<40x128xi32, #tpu.memory_space<hbm>>
      tpu.enqueue_dma source(%dma_start3A_57 : memref<40x128xi32, #tpu.memory_space<hbm>>) target(%arg7 : memref<40x128xi32, #tpu.memory_space<vmem>>) target_semaphore(%run_scoped3A : memref<!tpu.dma_semaphore, #tpu.memory_space<semaphore_mem>>)
      %dma_wait3A = arith.constant 0 : i32
      %dma_wait3A_58 = arith.constant 0 : i32
      %dma_wait3A_59 = tpu.memref_slice %arg3[%add3A, %dma_wait3A, %dma_wait3A_58] : memref<32x40x128xi32, #tpu.memory_space<hbm>> -> memref<1x40x128xi32, #tpu.memory_space<hbm>>
      %dma_wait3A_60 = tpu.memref_squeeze %dma_wait3A_59 : memref<1x40x128xi32, #tpu.memory_space<hbm>> -> memref<40x128xi32, #tpu.memory_space<hbm>>
      %dma_wait3A_61 = arith.constant 0 : i32
      %dma_wait3A_62 = arith.constant 0 : i32
      %dma_wait3A_63 = tpu.memref_slice %arg3[%add3A, %dma_wait3A_61, %dma_wait3A_62] : memref<32x40x128xi32, #tpu.memory_space<hbm>> -> memref<1x40x128xi32, #tpu.memory_space<hbm>>
      %dma_wait3A_64 = tpu.memref_squeeze %dma_wait3A_63 : memref<1x40x128xi32, #tpu.memory_space<hbm>> -> memref<40x128xi32, #tpu.memory_space<hbm>>
      tpu.wait_dma2 semaphore(%run_scoped3A : memref<!tpu.dma_semaphore, #tpu.memory_space<semaphore_mem>>) src(%dma_wait3A_64 : memref<40x128xi32, #tpu.memory_space<hbm>>) dst(%arg7 : memref<40x128xi32, #tpu.memory_space<vmem>>)
      tpu.yield
    }) : () -> ()
    "tpu.region"() ({
      %run_scoped3A = tpu.sem_alloc : memref<!tpu.dma_semaphore, #tpu.memory_space<semaphore_mem>>
      %dma_start3A_50 = arith.constant 0 : i32
      %dma_start3A_51 = arith.constant 0 : i32
      %dma_start3A_52 = tpu.memref_slice %arg4[%add3A, %dma_start3A_50, %dma_start3A_51] : memref<32x40x128xi32, #tpu.memory_space<hbm>> -> memref<1x40x128xi32, #tpu.memory_space<hbm>>
      %dma_start3A_53 = tpu.memref_squeeze %dma_start3A_52 : memref<1x40x128xi32, #tpu.memory_space<hbm>> -> memref<40x128xi32, #tpu.memory_space<hbm>>
      %dma_start3A_54 = arith.constant 0 : i32
      %dma_start3A_55 = arith.constant 0 : i32
      %dma_start3A_56 = tpu.memref_slice %arg4[%add3A, %dma_start3A_54, %dma_start3A_55] : memref<32x40x128xi32, #tpu.memory_space<hbm>> -> memref<1x40x128xi32, #tpu.memory_space<hbm>>
      %dma_start3A_57 = tpu.memref_squeeze %dma_start3A_56 : memref<1x40x128xi32, #tpu.memory_space<hbm>> -> memref<40x128xi32, #tpu.memory_space<hbm>>
      tpu.enqueue_dma source(%dma_start3A_57 : memref<40x128xi32, #tpu.memory_space<hbm>>) target(%arg8 : memref<40x128xi32, #tpu.memory_space<vmem>>) target_semaphore(%run_scoped3A : memref<!tpu.dma_semaphore, #tpu.memory_space<semaphore_mem>>)
      %dma_wait3A = arith.constant 0 : i32
      %dma_wait3A_58 = arith.constant 0 : i32
      %dma_wait3A_59 = tpu.memref_slice %arg4[%add3A, %dma_wait3A, %dma_wait3A_58] : memref<32x40x128xi32, #tpu.memory_space<hbm>> -> memref<1x40x128xi32, #tpu.memory_space<hbm>>
      %dma_wait3A_60 = tpu.memref_squeeze %dma_wait3A_59 : memref<1x40x128xi32, #tpu.memory_space<hbm>> -> memref<40x128xi32, #tpu.memory_space<hbm>>
      %dma_wait3A_61 = arith.constant 0 : i32
      %dma_wait3A_62 = arith.constant 0 : i32
      %dma_wait3A_63 = tpu.memref_slice %arg4[%add3A, %dma_wait3A_61, %dma_wait3A_62] : memref<32x40x128xi32, #tpu.memory_space<hbm>> -> memref<1x40x128xi32, #tpu.memory_space<hbm>>
      %dma_wait3A_64 = tpu.memref_squeeze %dma_wait3A_63 : memref<1x40x128xi32, #tpu.memory_space<hbm>> -> memref<40x128xi32, #tpu.memory_space<hbm>>
      tpu.wait_dma2 semaphore(%run_scoped3A : memref<!tpu.dma_semaphore, #tpu.memory_space<semaphore_mem>>) src(%dma_wait3A_64 : memref<40x128xi32, #tpu.memory_space<hbm>>) dst(%arg8 : memref<40x128xi32, #tpu.memory_space<vmem>>)
      tpu.yield
    }) : () -> ()
    %barrier3A = arith.constant 0 : index
    tpu.barrier barrier_id(%barrier3A)
    %dma_start3A = arith.constant 0 : i32
    %dma_start3A_5 = arith.constant 0 : i32
    %dma_start3A_6 = tpu.memref_slice %arg7[%dma_start3A, %dma_start3A_5] : memref<40x128xi32, #tpu.memory_space<vmem>> -> memref<1x128xi32, #tpu.memory_space<vmem>>
    %dma_start3A_7 = tpu.memref_squeeze %dma_start3A_6 : memref<1x128xi32, #tpu.memory_space<vmem>> -> memref<128xi32, #tpu.memory_space<vmem>>
    %dma_start3A_8 = arith.constant 0 : i32
    %dma_start3A_9 = arith.constant 0 : i32
    %dma_start3A_10 = tpu.memref_slice %arg2[%dma_start3A_8, %dma_start3A_9] : memref<10000x16xf32, #tpu.memory_space<hbm>> -> memref<10000x16xf32, #tpu.memory_space<hbm>>
    tpu.enqueue_indirect_dma source(%dma_start3A_10 : memref<10000x16xf32, #tpu.memory_space<hbm>>) target(%arg9 : memref<128x16xf32, #tpu.memory_space<vmem>>) offsets(%dma_start3A_7 : memref<128xi32, #tpu.memory_space<vmem>>) semaphore(%arg14 : memref<!tpu.dma_semaphore, #tpu.memory_space<semaphore_mem>>)
    %dma_start3A_11 = arith.constant 1 : i32
    %dma_start3A_12 = arith.constant 0 : i32
    %dma_start3A_13 = tpu.memref_slice %arg7[%dma_start3A_11, %dma_start3A_12] : memref<40x128xi32, #tpu.memory_space<vmem>> -> memref<1x128xi32, #tpu.memory_space<vmem>>
    %dma_start3A_14 = tpu.memref_squeeze %dma_start3A_13 : memref<1x128xi32, #tpu.memory_space<vmem>> -> memref<128xi32, #tpu.memory_space<vmem>>
    %dma_start3A_15 = arith.constant 0 : i32
    %dma_start3A_16 = arith.constant 0 : i32
    %dma_start3A_17 = tpu.memref_slice %arg2[%dma_start3A_15, %dma_start3A_16] : memref<10000x16xf32, #tpu.memory_space<hbm>> -> memref<10000x16xf32, #tpu.memory_space<hbm>>
    tpu.enqueue_indirect_dma source(%dma_start3A_17 : memref<10000x16xf32, #tpu.memory_space<hbm>>) target(%arg10 : memref<128x16xf32, #tpu.memory_space<vmem>>) offsets(%dma_start3A_14 : memref<128xi32, #tpu.memory_space<vmem>>) semaphore(%arg15 : memref<!tpu.dma_semaphore, #tpu.memory_space<semaphore_mem>>)
    %dma_start3A_18 = arith.constant 2 : i32
    %dma_start3A_19 = arith.constant 0 : i32
    %dma_start3A_20 = tpu.memref_slice %arg7[%dma_start3A_18, %dma_start3A_19] : memref<40x128xi32, #tpu.memory_space<vmem>> -> memref<1x128xi32, #tpu.memory_space<vmem>>
    %dma_start3A_21 = tpu.memref_squeeze %dma_start3A_20 : memref<1x128xi32, #tpu.memory_space<vmem>> -> memref<128xi32, #tpu.memory_space<vmem>>
    %dma_start3A_22 = arith.constant 0 : i32
    %dma_start3A_23 = arith.constant 0 : i32
    %dma_start3A_24 = tpu.memref_slice %arg2[%dma_start3A_22, %dma_start3A_23] : memref<10000x16xf32, #tpu.memory_space<hbm>> -> memref<10000x16xf32, #tpu.memory_space<hbm>>
    tpu.enqueue_indirect_dma source(%dma_start3A_24 : memref<10000x16xf32, #tpu.memory_space<hbm>>) target(%arg11 : memref<128x16xf32, #tpu.memory_space<vmem>>) offsets(%dma_start3A_21 : memref<128xi32, #tpu.memory_space<vmem>>) semaphore(%arg16 : memref<!tpu.dma_semaphore, #tpu.memory_space<semaphore_mem>>)
    %dma_start3A_25 = arith.constant 3 : i32
    %dma_start3A_26 = arith.constant 0 : i32
    %dma_start3A_27 = tpu.memref_slice %arg7[%dma_start3A_25, %dma_start3A_26] : memref<40x128xi32, #tpu.memory_space<vmem>> -> memref<1x128xi32, #tpu.memory_space<vmem>>
    %dma_start3A_28 = tpu.memref_squeeze %dma_start3A_27 : memref<1x128xi32, #tpu.memory_space<vmem>> -> memref<128xi32, #tpu.memory_space<vmem>>
    %dma_start3A_29 = arith.constant 0 : i32
    %dma_start3A_30 = arith.constant 0 : i32
    %dma_start3A_31 = tpu.memref_slice %arg2[%dma_start3A_29, %dma_start3A_30] : memref<10000x16xf32, #tpu.memory_space<hbm>> -> memref<10000x16xf32, #tpu.memory_space<hbm>>
    tpu.enqueue_indirect_dma source(%dma_start3A_31 : memref<10000x16xf32, #tpu.memory_space<hbm>>) target(%arg12 : memref<128x16xf32, #tpu.memory_space<vmem>>) offsets(%dma_start3A_28 : memref<128xi32, #tpu.memory_space<vmem>>) semaphore(%arg17 : memref<!tpu.dma_semaphore, #tpu.memory_space<semaphore_mem>>)
    %scan3A = arith.constant 0 : i32
    %scan3A_32 = arith.constant 0 : i32
    %scan3A_33 = arith.constant 10 : i32
    %scan3A_34 = arith.addi %scan3A_32, %scan3A_33 : i32
    %scan3A_35 = arith.constant 1 : i32
    scf.for %scan3A_50 = %scan3A_32 to %scan3A_34 step %scan3A_35  : i32 {
      %mul3A_51 = arith.constant 4 : i32
      %mul3A_52 = arith.muli %mul3A_51, %scan3A_50 : i32
      %add3A_53 = arith.constant 0 : i32
      %add3A_54 = arith.addi %mul3A_52, %add3A_53 : i32
      %dma_wait3A = arith.constant 0 : i32
      %dma_wait3A_55 = tpu.memref_slice %arg7[%add3A_54, %dma_wait3A] : memref<40x128xi32, #tpu.memory_space<vmem>> -> memref<1x128xi32, #tpu.memory_space<vmem>>
      %dma_wait3A_56 = tpu.memref_squeeze %dma_wait3A_55 : memref<1x128xi32, #tpu.memory_space<vmem>> -> memref<128xi32, #tpu.memory_space<vmem>>
      %dma_wait3A_57 = arith.constant 0 : i32
      %dma_wait3A_58 = arith.constant 0 : i32
      %dma_wait3A_59 = tpu.memref_slice %arg2[%dma_wait3A_57, %dma_wait3A_58] : memref<10000x16xf32, #tpu.memory_space<hbm>> -> memref<10000x16xf32, #tpu.memory_space<hbm>>
      tpu.wait_indirect_dma semaphore(%arg14 : memref<!tpu.dma_semaphore, #tpu.memory_space<semaphore_mem>>) src(%dma_wait3A_59 : memref<10000x16xf32, #tpu.memory_space<hbm>>) dst(%arg9 : memref<128x16xf32, #tpu.memory_space<vmem>>)
      "tpu.region"() ({
        %run_scoped3A = tpu.sem_alloc : memref<!tpu.dma_semaphore, #tpu.memory_space<semaphore_mem>>
        %dma_start3A_117 = arith.constant 0 : i32
        %dma_start3A_118 = tpu.memref_slice %arg8[%add3A_54, %dma_start3A_117] : memref<40x128xi32, #tpu.memory_space<vmem>> -> memref<1x128xi32, #tpu.memory_space<vmem>>
        %dma_start3A_119 = tpu.memref_squeeze %dma_start3A_118 : memref<1x128xi32, #tpu.memory_space<vmem>> -> memref<128xi32, #tpu.memory_space<vmem>>
        %dma_start3A_120 = arith.constant 0 : i32
        %dma_start3A_121 = arith.constant 0 : i32
        %dma_start3A_122 = tpu.memref_slice %arg13[%dma_start3A_120, %dma_start3A_121] : memref<10016x16xf32, #tpu.memory_space<vmem_shared>> -> memref<10016x16xf32, #tpu.memory_space<vmem_shared>>
        tpu.enqueue_indirect_dma source(%arg9 : memref<128x16xf32, #tpu.memory_space<vmem>>) target(%dma_start3A_122 : memref<10016x16xf32, #tpu.memory_space<vmem_shared>>) offsets(%dma_start3A_119 : memref<128xi32, #tpu.memory_space<vmem>>) semaphore(%run_scoped3A : memref<!tpu.dma_semaphore, #tpu.memory_space<semaphore_mem>>) {add = true}
        %dma_wait3A_123 = arith.constant 0 : i32
        %dma_wait3A_124 = tpu.memref_slice %arg8[%add3A_54, %dma_wait3A_123] : memref<40x128xi32, #tpu.memory_space<vmem>> -> memref<1x128xi32, #tpu.memory_space<vmem>>
        %dma_wait3A_125 = tpu.memref_squeeze %dma_wait3A_124 : memref<1x128xi32, #tpu.memory_space<vmem>> -> memref<128xi32, #tpu.memory_space<vmem>>
        %dma_wait3A_126 = arith.constant 0 : i32
        %dma_wait3A_127 = arith.constant 0 : i32
        %dma_wait3A_128 = tpu.memref_slice %arg13[%dma_wait3A_126, %dma_wait3A_127] : memref<10016x16xf32, #tpu.memory_space<vmem_shared>> -> memref<10016x16xf32, #tpu.memory_space<vmem_shared>>
        tpu.wait_indirect_dma semaphore(%run_scoped3A : memref<!tpu.dma_semaphore, #tpu.memory_space<semaphore_mem>>) src(%arg9 : memref<128x16xf32, #tpu.memory_space<vmem>>) dst(%dma_wait3A_128 : memref<10016x16xf32, #tpu.memory_space<vmem_shared>>)
        tpu.yield
      }) : () -> ()
      %add3A_60 = arith.constant 4 : i32
      %add3A_61 = arith.addi %add3A_54, %add3A_60 : i32
      %lt3A = arith.constant 40 : i32
      %lt3A_62 = arith.cmpi slt, %add3A_61, %lt3A : i32
      %convert_element_type3A_63 = arith.extui %lt3A_62 : i1 to i32
      %cond3A_64 = arith.constant 0 : i32
      %cond3A_65 = arith.cmpi ne, %convert_element_type3A_63, %cond3A_64 : i32
      scf.if %cond3A_65 {
        %dma_start3A_117 = arith.constant 0 : i32
        %dma_start3A_118 = tpu.memref_slice %arg7[%add3A_61, %dma_start3A_117] : memref<40x128xi32, #tpu.memory_space<vmem>> -> memref<1x128xi32, #tpu.memory_space<vmem>>
        %dma_start3A_119 = tpu.memref_squeeze %dma_start3A_118 : memref<1x128xi32, #tpu.memory_space<vmem>> -> memref<128xi32, #tpu.memory_space<vmem>>
        %dma_start3A_120 = arith.constant 0 : i32
        %dma_start3A_121 = arith.constant 0 : i32
        %dma_start3A_122 = tpu.memref_slice %arg2[%dma_start3A_120, %dma_start3A_121] : memref<10000x16xf32, #tpu.memory_space<hbm>> -> memref<10000x16xf32, #tpu.memory_space<hbm>>
        tpu.enqueue_indirect_dma source(%dma_start3A_122 : memref<10000x16xf32, #tpu.memory_space<hbm>>) target(%arg9 : memref<128x16xf32, #tpu.memory_space<vmem>>) offsets(%dma_start3A_119 : memref<128xi32, #tpu.memory_space<vmem>>) semaphore(%arg14 : memref<!tpu.dma_semaphore, #tpu.memory_space<semaphore_mem>>)
      } else {
      }
      %mul3A_66 = arith.constant 4 : i32
      %mul3A_67 = arith.muli %mul3A_66, %scan3A_50 : i32
      %add3A_68 = arith.constant 1 : i32
      %add3A_69 = arith.addi %mul3A_67, %add3A_68 : i32
      %dma_wait3A_70 = arith.constant 0 : i32
      %dma_wait3A_71 = tpu.memref_slice %arg7[%add3A_69, %dma_wait3A_70] : memref<40x128xi32, #tpu.memory_space<vmem>> -> memref<1x128xi32, #tpu.memory_space<vmem>>
      %dma_wait3A_72 = tpu.memref_squeeze %dma_wait3A_71 : memref<1x128xi32, #tpu.memory_space<vmem>> -> memref<128xi32, #tpu.memory_space<vmem>>
      %dma_wait3A_73 = arith.constant 0 : i32
      %dma_wait3A_74 = arith.constant 0 : i32
      %dma_wait3A_75 = tpu.memref_slice %arg2[%dma_wait3A_73, %dma_wait3A_74] : memref<10000x16xf32, #tpu.memory_space<hbm>> -> memref<10000x16xf32, #tpu.memory_space<hbm>>
      tpu.wait_indirect_dma semaphore(%arg15 : memref<!tpu.dma_semaphore, #tpu.memory_space<semaphore_mem>>) src(%dma_wait3A_75 : memref<10000x16xf32, #tpu.memory_space<hbm>>) dst(%arg10 : memref<128x16xf32, #tpu.memory_space<vmem>>)
      "tpu.region"() ({
        %run_scoped3A = tpu.sem_alloc : memref<!tpu.dma_semaphore, #tpu.memory_space<semaphore_mem>>
        %dma_start3A_117 = arith.constant 0 : i32
        %dma_start3A_118 = tpu.memref_slice %arg8[%add3A_69, %dma_start3A_117] : memref<40x128xi32, #tpu.memory_space<vmem>> -> memref<1x128xi32, #tpu.memory_space<vmem>>
        %dma_start3A_119 = tpu.memref_squeeze %dma_start3A_118 : memref<1x128xi32, #tpu.memory_space<vmem>> -> memref<128xi32, #tpu.memory_space<vmem>>
        %dma_start3A_120 = arith.constant 0 : i32
        %dma_start3A_121 = arith.constant 0 : i32
        %dma_start3A_122 = tpu.memref_slice %arg13[%dma_start3A_120, %dma_start3A_121] : memref<10016x16xf32, #tpu.memory_space<vmem_shared>> -> memref<10016x16xf32, #tpu.memory_space<vmem_shared>>
        tpu.enqueue_indirect_dma source(%arg10 : memref<128x16xf32, #tpu.memory_space<vmem>>) target(%dma_start3A_122 : memref<10016x16xf32, #tpu.memory_space<vmem_shared>>) offsets(%dma_start3A_119 : memref<128xi32, #tpu.memory_space<vmem>>) semaphore(%run_scoped3A : memref<!tpu.dma_semaphore, #tpu.memory_space<semaphore_mem>>) {add = true}
        %dma_wait3A_123 = arith.constant 0 : i32
        %dma_wait3A_124 = tpu.memref_slice %arg8[%add3A_69, %dma_wait3A_123] : memref<40x128xi32, #tpu.memory_space<vmem>> -> memref<1x128xi32, #tpu.memory_space<vmem>>
        %dma_wait3A_125 = tpu.memref_squeeze %dma_wait3A_124 : memref<1x128xi32, #tpu.memory_space<vmem>> -> memref<128xi32, #tpu.memory_space<vmem>>
        %dma_wait3A_126 = arith.constant 0 : i32
        %dma_wait3A_127 = arith.constant 0 : i32
        %dma_wait3A_128 = tpu.memref_slice %arg13[%dma_wait3A_126, %dma_wait3A_127] : memref<10016x16xf32, #tpu.memory_space<vmem_shared>> -> memref<10016x16xf32, #tpu.memory_space<vmem_shared>>
        tpu.wait_indirect_dma semaphore(%run_scoped3A : memref<!tpu.dma_semaphore, #tpu.memory_space<semaphore_mem>>) src(%arg10 : memref<128x16xf32, #tpu.memory_space<vmem>>) dst(%dma_wait3A_128 : memref<10016x16xf32, #tpu.memory_space<vmem_shared>>)
        tpu.yield
      }) : () -> ()
      %add3A_76 = arith.constant 4 : i32
      %add3A_77 = arith.addi %add3A_69, %add3A_76 : i32
      %lt3A_78 = arith.constant 40 : i32
      %lt3A_79 = arith.cmpi slt, %add3A_77, %lt3A_78 : i32
      %convert_element_type3A_80 = arith.extui %lt3A_79 : i1 to i32
      %cond3A_81 = arith.constant 0 : i32
      %cond3A_82 = arith.cmpi ne, %convert_element_type3A_80, %cond3A_81 : i32
      scf.if %cond3A_82 {
        %dma_start3A_117 = arith.constant 0 : i32
        %dma_start3A_118 = tpu.memref_slice %arg7[%add3A_77, %dma_start3A_117] : memref<40x128xi32, #tpu.memory_space<vmem>> -> memref<1x128xi32, #tpu.memory_space<vmem>>
        %dma_start3A_119 = tpu.memref_squeeze %dma_start3A_118 : memref<1x128xi32, #tpu.memory_space<vmem>> -> memref<128xi32, #tpu.memory_space<vmem>>
        %dma_start3A_120 = arith.constant 0 : i32
        %dma_start3A_121 = arith.constant 0 : i32
        %dma_start3A_122 = tpu.memref_slice %arg2[%dma_start3A_120, %dma_start3A_121] : memref<10000x16xf32, #tpu.memory_space<hbm>> -> memref<10000x16xf32, #tpu.memory_space<hbm>>
        tpu.enqueue_indirect_dma source(%dma_start3A_122 : memref<10000x16xf32, #tpu.memory_space<hbm>>) target(%arg10 : memref<128x16xf32, #tpu.memory_space<vmem>>) offsets(%dma_start3A_119 : memref<128xi32, #tpu.memory_space<vmem>>) semaphore(%arg15 : memref<!tpu.dma_semaphore, #tpu.memory_space<semaphore_mem>>)
      } else {
      }
      %mul3A_83 = arith.constant 4 : i32
      %mul3A_84 = arith.muli %mul3A_83, %scan3A_50 : i32
      %add3A_85 = arith.constant 2 : i32
      %add3A_86 = arith.addi %mul3A_84, %add3A_85 : i32
      %dma_wait3A_87 = arith.constant 0 : i32
      %dma_wait3A_88 = tpu.memref_slice %arg7[%add3A_86, %dma_wait3A_87] : memref<40x128xi32, #tpu.memory_space<vmem>> -> memref<1x128xi32, #tpu.memory_space<vmem>>
      %dma_wait3A_89 = tpu.memref_squeeze %dma_wait3A_88 : memref<1x128xi32, #tpu.memory_space<vmem>> -> memref<128xi32, #tpu.memory_space<vmem>>
      %dma_wait3A_90 = arith.constant 0 : i32
      %dma_wait3A_91 = arith.constant 0 : i32
      %dma_wait3A_92 = tpu.memref_slice %arg2[%dma_wait3A_90, %dma_wait3A_91] : memref<10000x16xf32, #tpu.memory_space<hbm>> -> memref<10000x16xf32, #tpu.memory_space<hbm>>
      tpu.wait_indirect_dma semaphore(%arg16 : memref<!tpu.dma_semaphore, #tpu.memory_space<semaphore_mem>>) src(%dma_wait3A_92 : memref<10000x16xf32, #tpu.memory_space<hbm>>) dst(%arg11 : memref<128x16xf32, #tpu.memory_space<vmem>>)
      "tpu.region"() ({
        %run_scoped3A = tpu.sem_alloc : memref<!tpu.dma_semaphore, #tpu.memory_space<semaphore_mem>>
        %dma_start3A_117 = arith.constant 0 : i32
        %dma_start3A_118 = tpu.memref_slice %arg8[%add3A_86, %dma_start3A_117] : memref<40x128xi32, #tpu.memory_space<vmem>> -> memref<1x128xi32, #tpu.memory_space<vmem>>
        %dma_start3A_119 = tpu.memref_squeeze %dma_start3A_118 : memref<1x128xi32, #tpu.memory_space<vmem>> -> memref<128xi32, #tpu.memory_space<vmem>>
        %dma_start3A_120 = arith.constant 0 : i32
        %dma_start3A_121 = arith.constant 0 : i32
        %dma_start3A_122 = tpu.memref_slice %arg13[%dma_start3A_120, %dma_start3A_121] : memref<10016x16xf32, #tpu.memory_space<vmem_shared>> -> memref<10016x16xf32, #tpu.memory_space<vmem_shared>>
        tpu.enqueue_indirect_dma source(%arg11 : memref<128x16xf32, #tpu.memory_space<vmem>>) target(%dma_start3A_122 : memref<10016x16xf32, #tpu.memory_space<vmem_shared>>) offsets(%dma_start3A_119 : memref<128xi32, #tpu.memory_space<vmem>>) semaphore(%run_scoped3A : memref<!tpu.dma_semaphore, #tpu.memory_space<semaphore_mem>>) {add = true}
        %dma_wait3A_123 = arith.constant 0 : i32
        %dma_wait3A_124 = tpu.memref_slice %arg8[%add3A_86, %dma_wait3A_123] : memref<40x128xi32, #tpu.memory_space<vmem>> -> memref<1x128xi32, #tpu.memory_space<vmem>>
        %dma_wait3A_125 = tpu.memref_squeeze %dma_wait3A_124 : memref<1x128xi32, #tpu.memory_space<vmem>> -> memref<128xi32, #tpu.memory_space<vmem>>
        %dma_wait3A_126 = arith.constant 0 : i32
        %dma_wait3A_127 = arith.constant 0 : i32
        %dma_wait3A_128 = tpu.memref_slice %arg13[%dma_wait3A_126, %dma_wait3A_127] : memref<10016x16xf32, #tpu.memory_space<vmem_shared>> -> memref<10016x16xf32, #tpu.memory_space<vmem_shared>>
        tpu.wait_indirect_dma semaphore(%run_scoped3A : memref<!tpu.dma_semaphore, #tpu.memory_space<semaphore_mem>>) src(%arg11 : memref<128x16xf32, #tpu.memory_space<vmem>>) dst(%dma_wait3A_128 : memref<10016x16xf32, #tpu.memory_space<vmem_shared>>)
        tpu.yield
      }) : () -> ()
      %add3A_93 = arith.constant 4 : i32
      %add3A_94 = arith.addi %add3A_86, %add3A_93 : i32
      %lt3A_95 = arith.constant 40 : i32
      %lt3A_96 = arith.cmpi slt, %add3A_94, %lt3A_95 : i32
      %convert_element_type3A_97 = arith.extui %lt3A_96 : i1 to i32
      %cond3A_98 = arith.constant 0 : i32
      %cond3A_99 = arith.cmpi ne, %convert_element_type3A_97, %cond3A_98 : i32
      scf.if %cond3A_99 {
        %dma_start3A_117 = arith.constant 0 : i32
        %dma_start3A_118 = tpu.memref_slice %arg7[%add3A_94, %dma_start3A_117] : memref<40x128xi32, #tpu.memory_space<vmem>> -> memref<1x128xi32, #tpu.memory_space<vmem>>
        %dma_start3A_119 = tpu.memref_squeeze %dma_start3A_118 : memref<1x128xi32, #tpu.memory_space<vmem>> -> memref<128xi32, #tpu.memory_space<vmem>>
        %dma_start3A_120 = arith.constant 0 : i32
        %dma_start3A_121 = arith.constant 0 : i32
        %dma_start3A_122 = tpu.memref_slice %arg2[%dma_start3A_120, %dma_start3A_121] : memref<10000x16xf32, #tpu.memory_space<hbm>> -> memref<10000x16xf32, #tpu.memory_space<hbm>>
        tpu.enqueue_indirect_dma source(%dma_start3A_122 : memref<10000x16xf32, #tpu.memory_space<hbm>>) target(%arg11 : memref<128x16xf32, #tpu.memory_space<vmem>>) offsets(%dma_start3A_119 : memref<128xi32, #tpu.memory_space<vmem>>) semaphore(%arg16 : memref<!tpu.dma_semaphore, #tpu.memory_space<semaphore_mem>>)
      } else {
      }
      %mul3A_100 = arith.constant 4 : i32
      %mul3A_101 = arith.muli %mul3A_100, %scan3A_50 : i32
      %add3A_102 = arith.constant 3 : i32
      %add3A_103 = arith.addi %mul3A_101, %add3A_102 : i32
      %dma_wait3A_104 = arith.constant 0 : i32
      %dma_wait3A_105 = tpu.memref_slice %arg7[%add3A_103, %dma_wait3A_104] : memref<40x128xi32, #tpu.memory_space<vmem>> -> memref<1x128xi32, #tpu.memory_space<vmem>>
      %dma_wait3A_106 = tpu.memref_squeeze %dma_wait3A_105 : memref<1x128xi32, #tpu.memory_space<vmem>> -> memref<128xi32, #tpu.memory_space<vmem>>
      %dma_wait3A_107 = arith.constant 0 : i32
      %dma_wait3A_108 = arith.constant 0 : i32
      %dma_wait3A_109 = tpu.memref_slice %arg2[%dma_wait3A_107, %dma_wait3A_108] : memref<10000x16xf32, #tpu.memory_space<hbm>> -> memref<10000x16xf32, #tpu.memory_space<hbm>>
      tpu.wait_indirect_dma semaphore(%arg17 : memref<!tpu.dma_semaphore, #tpu.memory_space<semaphore_mem>>) src(%dma_wait3A_109 : memref<10000x16xf32, #tpu.memory_space<hbm>>) dst(%arg12 : memref<128x16xf32, #tpu.memory_space<vmem>>)
      "tpu.region"() ({
        %run_scoped3A = tpu.sem_alloc : memref<!tpu.dma_semaphore, #tpu.memory_space<semaphore_mem>>
        %dma_start3A_117 = arith.constant 0 : i32
        %dma_start3A_118 = tpu.memref_slice %arg8[%add3A_103, %dma_start3A_117] : memref<40x128xi32, #tpu.memory_space<vmem>> -> memref<1x128xi32, #tpu.memory_space<vmem>>
        %dma_start3A_119 = tpu.memref_squeeze %dma_start3A_118 : memref<1x128xi32, #tpu.memory_space<vmem>> -> memref<128xi32, #tpu.memory_space<vmem>>
        %dma_start3A_120 = arith.constant 0 : i32
        %dma_start3A_121 = arith.constant 0 : i32
        %dma_start3A_122 = tpu.memref_slice %arg13[%dma_start3A_120, %dma_start3A_121] : memref<10016x16xf32, #tpu.memory_space<vmem_shared>> -> memref<10016x16xf32, #tpu.memory_space<vmem_shared>>
        tpu.enqueue_indirect_dma source(%arg12 : memref<128x16xf32, #tpu.memory_space<vmem>>) target(%dma_start3A_122 : memref<10016x16xf32, #tpu.memory_space<vmem_shared>>) offsets(%dma_start3A_119 : memref<128xi32, #tpu.memory_space<vmem>>) semaphore(%run_scoped3A : memref<!tpu.dma_semaphore, #tpu.memory_space<semaphore_mem>>) {add = true}
        %dma_wait3A_123 = arith.constant 0 : i32
        %dma_wait3A_124 = tpu.memref_slice %arg8[%add3A_103, %dma_wait3A_123] : memref<40x128xi32, #tpu.memory_space<vmem>> -> memref<1x128xi32, #tpu.memory_space<vmem>>
        %dma_wait3A_125 = tpu.memref_squeeze %dma_wait3A_124 : memref<1x128xi32, #tpu.memory_space<vmem>> -> memref<128xi32, #tpu.memory_space<vmem>>
        %dma_wait3A_126 = arith.constant 0 : i32
        %dma_wait3A_127 = arith.constant 0 : i32
        %dma_wait3A_128 = tpu.memref_slice %arg13[%dma_wait3A_126, %dma_wait3A_127] : memref<10016x16xf32, #tpu.memory_space<vmem_shared>> -> memref<10016x16xf32, #tpu.memory_space<vmem_shared>>
        tpu.wait_indirect_dma semaphore(%run_scoped3A : memref<!tpu.dma_semaphore, #tpu.memory_space<semaphore_mem>>) src(%arg12 : memref<128x16xf32, #tpu.memory_space<vmem>>) dst(%dma_wait3A_128 : memref<10016x16xf32, #tpu.memory_space<vmem_shared>>)
        tpu.yield
      }) : () -> ()
      %add3A_110 = arith.constant 4 : i32
      %add3A_111 = arith.addi %add3A_103, %add3A_110 : i32
      %lt3A_112 = arith.constant 40 : i32
      %lt3A_113 = arith.cmpi slt, %add3A_111, %lt3A_112 : i32
      %convert_element_type3A_114 = arith.extui %lt3A_113 : i1 to i32
      %cond3A_115 = arith.constant 0 : i32
      %cond3A_116 = arith.cmpi ne, %convert_element_type3A_114, %cond3A_115 : i32
      scf.if %cond3A_116 {
        %dma_start3A_117 = arith.constant 0 : i32
        %dma_start3A_118 = tpu.memref_slice %arg7[%add3A_111, %dma_start3A_117] : memref<40x128xi32, #tpu.memory_space<vmem>> -> memref<1x128xi32, #tpu.memory_space<vmem>>
        %dma_start3A_119 = tpu.memref_squeeze %dma_start3A_118 : memref<1x128xi32, #tpu.memory_space<vmem>> -> memref<128xi32, #tpu.memory_space<vmem>>
        %dma_start3A_120 = arith.constant 0 : i32
        %dma_start3A_121 = arith.constant 0 : i32
        %dma_start3A_122 = tpu.memref_slice %arg2[%dma_start3A_120, %dma_start3A_121] : memref<10000x16xf32, #tpu.memory_space<hbm>> -> memref<10000x16xf32, #tpu.memory_space<hbm>>
        tpu.enqueue_indirect_dma source(%dma_start3A_122 : memref<10000x16xf32, #tpu.memory_space<hbm>>) target(%arg12 : memref<128x16xf32, #tpu.memory_space<vmem>>) offsets(%dma_start3A_119 : memref<128xi32, #tpu.memory_space<vmem>>) semaphore(%arg17 : memref<!tpu.dma_semaphore, #tpu.memory_space<semaphore_mem>>)
      } else {
      }
    }
    %scan3A_36 = arith.constant 10 : i32
    %barrier3A_37 = arith.constant 0 : index
    tpu.barrier barrier_id(%barrier3A_37)
    %mul3A_38 = arith.constant 624 : i32
    %mul3A_39 = arith.muli %arg1, %mul3A_38 : i32
    %mul3A_40 = arith.constant 10000 : i32
    %mul3A_41 = arith.muli %arg0, %mul3A_40 : i32
    %mul3A_42 = arith.constant 624 : i32
    %mul3A_43 = arith.muli %arg1, %mul3A_42 : i32
    %add3A_44 = arith.addi %mul3A_41, %mul3A_43 : i32
    "tpu.region"() ({
      %run_scoped3A = tpu.sem_alloc : memref<!tpu.dma_semaphore, #tpu.memory_space<semaphore_mem>>
      %dma_start3A_50 = arith.constant 0 : i32
      %dma_start3A_51 = tpu.memref_slice %arg6[%add3A_44, %dma_start3A_50] : memref<20000x16xf32, #tpu.memory_space<hbm>> -> memref<624x16xf32, #tpu.memory_space<hbm>>
      %dma_start3A_52 = arith.constant 0 : i32
      %dma_start3A_53 = tpu.memref_slice %arg13[%mul3A_39, %dma_start3A_52] : memref<10016x16xf32, #tpu.memory_space<vmem_shared>> -> memref<624x16xf32, #tpu.memory_space<vmem_shared>>
      tpu.enqueue_dma source(%dma_start3A_53 : memref<624x16xf32, #tpu.memory_space<vmem_shared>>) target(%dma_start3A_51 : memref<624x16xf32, #tpu.memory_space<hbm>>) target_semaphore(%run_scoped3A : memref<!tpu.dma_semaphore, #tpu.memory_space<semaphore_mem>>)
      %dma_wait3A = arith.constant 0 : i32
      %dma_wait3A_54 = tpu.memref_slice %arg6[%add3A_44, %dma_wait3A] : memref<20000x16xf32, #tpu.memory_space<hbm>> -> memref<624x16xf32, #tpu.memory_space<hbm>>
      %dma_wait3A_55 = arith.constant 0 : i32
      %dma_wait3A_56 = tpu.memref_slice %arg13[%mul3A_39, %dma_wait3A_55] : memref<10016x16xf32, #tpu.memory_space<vmem_shared>> -> memref<624x16xf32, #tpu.memory_space<vmem_shared>>
      tpu.wait_dma2 semaphore(%run_scoped3A : memref<!tpu.dma_semaphore, #tpu.memory_space<semaphore_mem>>) src(%dma_wait3A_56 : memref<624x16xf32, #tpu.memory_space<vmem_shared>>) dst(%dma_wait3A_54 : memref<624x16xf32, #tpu.memory_space<hbm>>)
      tpu.yield
    }) : () -> ()
    %eq3A_45 = arith.constant 15 : i32
    %eq3A_46 = arith.cmpi eq, %arg1, %eq3A_45 : i32
    %convert_element_type3A_47 = arith.extui %eq3A_46 : i1 to i32
    %cond3A_48 = arith.constant 0 : i32
    %cond3A_49 = arith.cmpi ne, %convert_element_type3A_47, %cond3A_48 : i32
    scf.if %cond3A_49 {
      %mul3A_50 = arith.constant 10000 : i32
      %mul3A_51 = arith.muli %arg0, %mul3A_50 : i32
      %add3A_52 = arith.constant 9984 : i32
      %add3A_53 = arith.addi %mul3A_51, %add3A_52 : i32
      "tpu.region"() ({
        %run_scoped3A = tpu.sem_alloc : memref<!tpu.dma_semaphore, #tpu.memory_space<semaphore_mem>>
        %dma_start3A_54 = arith.constant 0 : i32
        %dma_start3A_55 = tpu.memref_slice %arg6[%add3A_53, %dma_start3A_54] : memref<20000x16xf32, #tpu.memory_space<hbm>> -> memref<16x16xf32, #tpu.memory_space<hbm>>
        %dma_start3A_56 = arith.constant 9984 : i32
        %dma_start3A_57 = arith.constant 0 : i32
        %dma_start3A_58 = tpu.memref_slice %arg13[%dma_start3A_56, %dma_start3A_57] : memref<10016x16xf32, #tpu.memory_space<vmem_shared>> -> memref<16x16xf32, #tpu.memory_space<vmem_shared>>
        tpu.enqueue_dma source(%dma_start3A_58 : memref<16x16xf32, #tpu.memory_space<vmem_shared>>) target(%dma_start3A_55 : memref<16x16xf32, #tpu.memory_space<hbm>>) target_semaphore(%run_scoped3A : memref<!tpu.dma_semaphore, #tpu.memory_space<semaphore_mem>>)
        %dma_wait3A = arith.constant 0 : i32
        %dma_wait3A_59 = tpu.memref_slice %arg6[%add3A_53, %dma_wait3A] : memref<20000x16xf32, #tpu.memory_space<hbm>> -> memref<16x16xf32, #tpu.memory_space<hbm>>
        %dma_wait3A_60 = arith.constant 9984 : i32
        %dma_wait3A_61 = arith.constant 0 : i32
        %dma_wait3A_62 = tpu.memref_slice %arg13[%dma_wait3A_60, %dma_wait3A_61] : memref<10016x16xf32, #tpu.memory_space<vmem_shared>> -> memref<16x16xf32, #tpu.memory_space<vmem_shared>>
        tpu.wait_dma2 semaphore(%run_scoped3A : memref<!tpu.dma_semaphore, #tpu.memory_space<semaphore_mem>>) src(%dma_wait3A_62 : memref<16x16xf32, #tpu.memory_space<vmem_shared>>) dst(%dma_wait3A_59 : memref<16x16xf32, #tpu.memory_space<hbm>>)
        tpu.yield
      }) : () -> ()
    } else {
    }
    return
  }
}

module attributes {stable_mosaic.version = 14 : i64} {
  func.func @_mm_body(%arg0: i32, %arg1: memref<1000x256xf32, #tpu.memory_space<vmem>>, %arg2: memref<256x256xf32, #tpu.memory_space<vmem>>, %arg3: memref<1000x256xf32, #tpu.memory_space<vmem>>) attributes {dimension_semantics = [#tpu.dimension_semantics<arbitrary>], iteration_bounds = array<i64: 10>, scalar_prefetch = 0 : i64, scratch_operands = 0 : i64, tpu.core_type = #tpu.core_type<tc>, window_params = [{transform_indices = @transform_0, window_bounds = array<i64: 1000, 256>}, {pipeline_mode = #tpu.pipeline_mode<synchronous>, transform_indices = @transform_1, window_bounds = array<i64: 256, 256>}, {transform_indices = @transform_2, window_bounds = array<i64: 1000, 256>}]} {
    %get3A = arith.constant 0 : index
    %get3A_0 = arith.constant 0 : index
    %get3A_1 = vector.load %arg1[%get3A, %get3A_0] : memref<1000x256xf32, #tpu.memory_space<vmem>>, vector<1000x256xf32>
    %get3A_2 = arith.constant 0 : index
    %get3A_3 = arith.constant 0 : index
    %get3A_4 = vector.load %arg2[%get3A_2, %get3A_3] : memref<256x256xf32, #tpu.memory_space<vmem>>, vector<256x256xf32>
    %dot_general3A = arith.constant dense<0.000000e+00> : vector<1000x256xf32>
    %dot_general3A_5 = tpu.matmul %get3A_1, %get3A_4, %dot_general3A {dimension_numbers = #tpu.dot_dimension_numbers<[1], [0], [0], [1], [0, 0, 1, 1], [], []>, transpose_lhs_hint = false} : vector<1000x256xf32>, vector<256x256xf32>, vector<1000x256xf32> -> vector<1000x256xf32>
    %swap3A = arith.constant 0 : index
    %swap3A_6 = arith.constant 0 : index
    %swap3A_7 = vector.load %arg3[%swap3A, %swap3A_6] : memref<1000x256xf32, #tpu.memory_space<vmem>>, vector<1000x256xf32>
    tpu.vector_store %arg3[%swap3A, %swap3A_6], %dot_general3A_5 {strides = array<i32>} : memref<1000x256xf32, #tpu.memory_space<vmem>>, vector<1000x256xf32>,
    return
  }
  func.func @transform_0(%arg0: i32) -> (i32, i32) {
    %c0_i32 = arith.constant 0 : i32
    %c0_i32_0 = arith.constant 0 : i32
    return %arg0, %c0_i32 : i32, i32
  }
  func.func @transform_1(%arg0: i32) -> (i32, i32) {
    %c0_i32 = arith.constant 0 : i32
    %c0_i32_0 = arith.constant 0 : i32
    %c0_i32_1 = arith.constant 0 : i32
    return %c0_i32, %c0_i32_0 : i32, i32
  }
  func.func @transform_2(%arg0: i32) -> (i32, i32) {
    %c0_i32 = arith.constant 0 : i32
    %c0_i32_0 = arith.constant 0 : i32
    return %arg0, %c0_i32 : i32, i32
  }
}

module attributes {stable_mosaic.version = 14 : i64} {
  func.func @_scale_body(%arg0: i32, %arg1: memref<1000x256xf32, #tpu.memory_space<vmem>>, %arg2: memref<1000x16xf32, #tpu.memory_space<vmem>>, %arg3: memref<1000x16xf32, #tpu.memory_space<vmem>>, %arg4: memref<2x1000x128xbf16, #tpu.memory_space<vmem>>) attributes {dimension_semantics = [#tpu.dimension_semantics<arbitrary>], iteration_bounds = array<i64: 10>, scalar_prefetch = 0 : i64, scratch_operands = 0 : i64, tpu.core_type = #tpu.core_type<tc>, window_params = [{transform_indices = @transform_0, window_bounds = array<i64: 1000, 256>}, {transform_indices = @transform_1, window_bounds = array<i64: 1000, 16>}, {transform_indices = @transform_2, window_bounds = array<i64: 1000, 16>}, {transform_indices = @transform_3, window_bounds = array<i64: 2, 1000, 128>}]} {
    %get3A = arith.constant 0 : index
    %get3A_0 = arith.constant 0 : index
    %get3A_1 = vector.load %arg1[%get3A, %get3A_0] : memref<1000x256xf32, #tpu.memory_space<vmem>>, vector<1000x256xf32>
    %get3A_2 = arith.constant 0 : index
    %get3A_3 = arith.constant 0 : index
    %get3A_4 = vector.load %arg2[%get3A_2, %get3A_3] : memref<1000x16xf32, #tpu.memory_space<vmem>>, vector<1000x1xf32>
    %add3A = arith.constant 1.000000e+00 : f32
    %add3A_5 = vector.broadcast %add3A : f32 to vector<1000x1xf32>
    %add3A_6 = arith.addf %add3A_5, %get3A_4 : vector<1000x1xf32>
    %get3A_7 = arith.constant 0 : index
    %get3A_8 = arith.constant 0 : index
    %get3A_9 = vector.load %arg3[%get3A_7, %get3A_8] : memref<1000x16xf32, #tpu.memory_space<vmem>>, vector<1000x1xf32>
    %add3A_10 = arith.addf %add3A_6, %get3A_9 : vector<1000x1xf32>
    %rsqrt3A = math.rsqrt %add3A_10 : vector<1000x1xf32>
    %mul3A = vector.broadcast %rsqrt3A : vector<1000x1xf32> to vector<1000x256xf32>
    %mul3A_11 = arith.mulf %get3A_1, %mul3A : vector<1000x256xf32>
    %convert_element_type3A = arith.truncf %mul3A_11 : vector<1000x256xf32> to vector<1000x256xbf16>
    %slice3A = vector.extract_strided_slice %convert_element_type3A {offsets = [0, 0], sizes = [1000, 128], strides = [1, 1]} : vector<1000x256xbf16> to vector<1000x128xbf16>
    %swap3A = arith.constant 0 : index
    %swap3A_12 = arith.constant 0 : index
    %swap3A_13 = arith.constant 0 : index
    %swap3A_14 = vector.load %arg4[%swap3A, %swap3A_12, %swap3A_13] : memref<2x1000x128xbf16, #tpu.memory_space<vmem>>, vector<1x1000x128xbf16>
    %swap3A_15 = vector.shape_cast %swap3A_14 : vector<1x1000x128xbf16> to vector<1000x128xbf16>
    %swap3A_16 = vector.shape_cast %slice3A : vector<1000x128xbf16> to vector<1x1000x128xbf16>
    tpu.vector_store %arg4[%swap3A, %swap3A_12, %swap3A_13], %swap3A_16 {strides = array<i32>} : memref<2x1000x128xbf16, #tpu.memory_space<vmem>>, vector<1x1000x128xbf16>,
    %slice3A_17 = vector.extract_strided_slice %convert_element_type3A {offsets = [0, 128], sizes = [1000, 128], strides = [1, 1]} : vector<1000x256xbf16> to vector<1000x128xbf16>
    %swap3A_18 = arith.constant 1 : index
    %swap3A_19 = arith.constant 0 : index
    %swap3A_20 = arith.constant 0 : index
    %swap3A_21 = vector.load %arg4[%swap3A_18, %swap3A_19, %swap3A_20] : memref<2x1000x128xbf16, #tpu.memory_space<vmem>>, vector<1x1000x128xbf16>
    %swap3A_22 = vector.shape_cast %swap3A_21 : vector<1x1000x128xbf16> to vector<1000x128xbf16>
    %swap3A_23 = vector.shape_cast %slice3A_17 : vector<1000x128xbf16> to vector<1x1000x128xbf16>
    tpu.vector_store %arg4[%swap3A_18, %swap3A_19, %swap3A_20], %swap3A_23 {strides = array<i32>} : memref<2x1000x128xbf16, #tpu.memory_space<vmem>>, vector<1x1000x128xbf16>,
    return
  }
  func.func @transform_0(%arg0: i32) -> (i32, i32) {
    %c0_i32 = arith.constant 0 : i32
    %c0_i32_0 = arith.constant 0 : i32
    return %arg0, %c0_i32 : i32, i32
  }
  func.func @transform_1(%arg0: i32) -> (i32, i32) {
    %c0_i32 = arith.constant 0 : i32
    %c0_i32_0 = arith.constant 0 : i32
    return %arg0, %c0_i32 : i32, i32
  }
  func.func @transform_2(%arg0: i32) -> (i32, i32) {
    %add3A = arith.constant 10 : i32
    %add3A_0 = arith.addi %arg0, %add3A : i32
    %c0_i32 = arith.constant 0 : i32
    %c0_i32_1 = arith.constant 0 : i32
    return %add3A_0, %c0_i32 : i32, i32
  }
  func.func @transform_3(%arg0: i32) -> (i32, i32, i32) {
    %c0_i32 = arith.constant 0 : i32
    %c0_i32_0 = arith.constant 0 : i32
    %c0_i32_1 = arith.constant 0 : i32
    return %c0_i32, %arg0, %c0_i32_0 : i32, i32, i32
  }
}

module attributes {stable_mosaic.version = 14 : i64} {
  func.func @_l1_body(%arg0: i32, %arg1: memref<1000x128xbf16, #tpu.memory_space<vmem>>, %arg2: memref<1000x128xbf16, #tpu.memory_space<vmem>>, %arg3: memref<1000x256xf32, #tpu.memory_space<vmem>>, %arg4: memref<1000x16xf32, #tpu.memory_space<vmem>>, %arg5: memref<1000x16xf32, #tpu.memory_space<vmem>>, %arg6: memref<1x256xf32, #tpu.memory_space<vmem>>, %arg7: memref<256x16xf32, #tpu.memory_space<vmem>>, %arg8: memref<1000x16xf32, #tpu.memory_space<vmem>>) attributes {dimension_semantics = [#tpu.dimension_semantics<arbitrary>], iteration_bounds = array<i64: 10>, scalar_prefetch = 0 : i64, scratch_operands = 0 : i64, tpu.core_type = #tpu.core_type<tc>, window_params = [{transform_indices = @transform_0, window_bounds = array<i64: 1000, 128>}, {transform_indices = @transform_1, window_bounds = array<i64: 1000, 128>}, {transform_indices = @transform_2, window_bounds = array<i64: 1000, 256>}, {transform_indices = @transform_3, window_bounds = array<i64: 1000, 16>}, {transform_indices = @transform_4, window_bounds = array<i64: 1000, 16>}, {pipeline_mode = #tpu.pipeline_mode<synchronous>, transform_indices = @transform_5, window_bounds = array<i64: 1, 256>}, {pipeline_mode = #tpu.pipeline_mode<synchronous>, transform_indices = @transform_6, window_bounds = array<i64: 256, 16>}, {transform_indices = @transform_7, window_bounds = array<i64: 1000, 16>}]} {
    %get3A = arith.constant 0 : index
    %get3A_0 = arith.constant 0 : index
    %get3A_1 = vector.load %arg4[%get3A, %get3A_0] : memref<1000x16xf32, #tpu.memory_space<vmem>>, vector<1000x1xf32>
    %add3A = arith.constant 1.000000e+00 : f32
    %add3A_2 = vector.broadcast %add3A : f32 to vector<1000x1xf32>
    %add3A_3 = arith.addf %add3A_2, %get3A_1 : vector<1000x1xf32>
    %get3A_4 = arith.constant 0 : index
    %get3A_5 = arith.constant 0 : index
    %get3A_6 = vector.load %arg5[%get3A_4, %get3A_5] : memref<1000x16xf32, #tpu.memory_space<vmem>>, vector<1000x1xf32>
    %add3A_7 = arith.addf %add3A_3, %get3A_6 : vector<1000x1xf32>
    %rsqrt3A = math.rsqrt %add3A_7 : vector<1000x1xf32>
    %get3A_8 = arith.constant 0 : index
    %get3A_9 = arith.constant 0 : index
    %get3A_10 = vector.load %arg1[%get3A_8, %get3A_9] : memref<1000x128xbf16, #tpu.memory_space<vmem>>, vector<1000x128xbf16>
    %get3A_11 = arith.constant 0 : index
    %get3A_12 = arith.constant 0 : index
    %get3A_13 = vector.load %arg2[%get3A_11, %get3A_12] : memref<1000x128xbf16, #tpu.memory_space<vmem>>, vector<1000x128xbf16>
    %concatenate3A = tpu.concatenate %get3A_10, %get3A_13 in 1 : vector<1000x128xbf16>, vector<1000x128xbf16> -> vector<1000x256xbf16>
    %convert_element_type3A = arith.extf %concatenate3A : vector<1000x256xbf16> to vector<1000x256xf32>
    %get3A_14 = arith.constant 0 : index
    %get3A_15 = arith.constant 0 : index
    %get3A_16 = vector.load %arg3[%get3A_14, %get3A_15] : memref<1000x256xf32, #tpu.memory_space<vmem>>, vector<1000x256xf32>
    %mul3A = vector.broadcast %rsqrt3A : vector<1000x1xf32> to vector<1000x256xf32>
    %mul3A_17 = arith.mulf %get3A_16, %mul3A : vector<1000x256xf32>
    %add3A_18 = arith.addf %convert_element_type3A, %mul3A_17 : vector<1000x256xf32>
    %mul3A_19 = vector.broadcast %rsqrt3A : vector<1000x1xf32> to vector<1000x256xf32>
    %mul3A_20 = arith.mulf %add3A_18, %mul3A_19 : vector<1000x256xf32>
    %get3A_21 = arith.constant 0 : index
    %get3A_22 = arith.constant 0 : index
    %get3A_23 = vector.load %arg6[%get3A_21, %get3A_22] : memref<1x256xf32, #tpu.memory_space<vmem>>, vector<1x256xf32>
    %add3A_24 = vector.broadcast %get3A_23 : vector<1x256xf32> to vector<1000x256xf32>
    %add3A_25 = arith.addf %mul3A_20, %add3A_24 : vector<1000x256xf32>
    %max3A = arith.constant 0.000000e+00 : f32
    %max3A_26 = vector.broadcast %max3A : f32 to vector<1000x256xf32>
    %max3A_27 = arith.maximumf %add3A_25, %max3A_26 : vector<1000x256xf32>
    %get3A_28 = arith.constant 0 : index
    %get3A_29 = arith.constant 0 : index
    %get3A_30 = vector.load %arg7[%get3A_28, %get3A_29] : memref<256x16xf32, #tpu.memory_space<vmem>>, vector<256x16xf32>
    %dot_general3A = arith.constant dense<0.000000e+00> : vector<1000x16xf32>
    %dot_general3A_31 = tpu.matmul %max3A_27, %get3A_30, %dot_general3A {dimension_numbers = #tpu.dot_dimension_numbers<[1], [0], [0], [1], [0, 0, 1, 1], [], []>, transpose_lhs_hint = false} : vector<1000x256xf32>, vector<256x16xf32>, vector<1000x16xf32> -> vector<1000x16xf32>
    %mul3A_32 = vector.broadcast %rsqrt3A : vector<1000x1xf32> to vector<1000x16xf32>
    %mul3A_33 = arith.mulf %dot_general3A_31, %mul3A_32 : vector<1000x16xf32>
    %swap3A = arith.constant 0 : index
    %swap3A_34 = arith.constant 0 : index
    %swap3A_35 = vector.load %arg8[%swap3A, %swap3A_34] : memref<1000x16xf32, #tpu.memory_space<vmem>>, vector<1000x16xf32>
    tpu.vector_store %arg8[%swap3A, %swap3A_34], %mul3A_33 {strides = array<i32>} : memref<1000x16xf32, #tpu.memory_space<vmem>>, vector<1000x16xf32>,
    return
  }
  func.func @transform_0(%arg0: i32) -> (i32, i32) {
    %c0_i32 = arith.constant 0 : i32
    %c0_i32_0 = arith.constant 0 : i32
    return %arg0, %c0_i32 : i32, i32
  }
  func.func @transform_1(%arg0: i32) -> (i32, i32) {
    %add3A = arith.constant 10 : i32
    %add3A_0 = arith.addi %arg0, %add3A : i32
    %c0_i32 = arith.constant 0 : i32
    %c0_i32_1 = arith.constant 0 : i32
    return %add3A_0, %c0_i32 : i32, i32
  }
  func.func @transform_2(%arg0: i32) -> (i32, i32) {
    %c0_i32 = arith.constant 0 : i32
    %c0_i32_0 = arith.constant 0 : i32
    return %arg0, %c0_i32 : i32, i32
  }
  func.func @transform_3(%arg0: i32) -> (i32, i32) {
    %c0_i32 = arith.constant 0 : i32
    %c0_i32_0 = arith.constant 0 : i32
    return %arg0, %c0_i32 : i32, i32
  }
  func.func @transform_4(%arg0: i32) -> (i32, i32) {
    %add3A = arith.constant 10 : i32
    %add3A_0 = arith.addi %arg0, %add3A : i32
    %c0_i32 = arith.constant 0 : i32
    %c0_i32_1 = arith.constant 0 : i32
    return %add3A_0, %c0_i32 : i32, i32
  }
  func.func @transform_5(%arg0: i32) -> (i32, i32) {
    %c0_i32 = arith.constant 0 : i32
    %c0_i32_0 = arith.constant 0 : i32
    %c0_i32_1 = arith.constant 0 : i32
    return %c0_i32, %c0_i32_0 : i32, i32
  }
  func.func @transform_6(%arg0: i32) -> (i32, i32) {
    %c0_i32 = arith.constant 0 : i32
    %c0_i32_0 = arith.constant 0 : i32
    %c0_i32_1 = arith.constant 0 : i32
    return %c0_i32, %c0_i32_0 : i32, i32
  }
  func.func @transform_7(%arg0: i32) -> (i32, i32) {
    %c0_i32 = arith.constant 0 : i32
    %c0_i32_0 = arith.constant 0 : i32
    return %arg0, %c0_i32 : i32, i32
  }
}

module attributes {stable_mosaic.version = 14 : i64} {
  func.func @_fin_body(%arg0: i32, %arg1: memref<1000x16xf32, #tpu.memory_space<vmem>>, %arg2: memref<1000x16xf32, #tpu.memory_space<vmem>>, %arg3: memref<1000x16xf32, #tpu.memory_space<vmem>>, %arg4: memref<1000x16xf32, #tpu.memory_space<vmem>>, %arg5: memref<1000x16xf32, #tpu.memory_space<vmem>>, %arg6: memref<1x16xf32, #tpu.memory_space<vmem>>, %arg7: memref<256x16xf32, #tpu.memory_space<vmem>>, %arg8: memref<1x16xf32, #tpu.memory_space<vmem>>, %arg9: memref<1000x16xf32, #tpu.memory_space<vmem>>) attributes {dimension_semantics = [#tpu.dimension_semantics<arbitrary>], iteration_bounds = array<i64: 10>, scalar_prefetch = 0 : i64, scratch_operands = 0 : i64, tpu.core_type = #tpu.core_type<tc>, window_params = [{transform_indices = @transform_0, window_bounds = array<i64: 1000, 16>}, {transform_indices = @transform_1, window_bounds = array<i64: 1000, 16>}, {transform_indices = @transform_2, window_bounds = array<i64: 1000, 16>}, {transform_indices = @transform_3, window_bounds = array<i64: 1000, 16>}, {transform_indices = @transform_4, window_bounds = array<i64: 1000, 16>}, {pipeline_mode = #tpu.pipeline_mode<synchronous>, transform_indices = @transform_5, window_bounds = array<i64: 1, 16>}, {pipeline_mode = #tpu.pipeline_mode<synchronous>, transform_indices = @transform_6, window_bounds = array<i64: 256, 16>}, {pipeline_mode = #tpu.pipeline_mode<synchronous>, transform_indices = @transform_7, window_bounds = array<i64: 1, 16>}, {transform_indices = @transform_8, window_bounds = array<i64: 1000, 16>}]} {
    %get3A = arith.constant 0 : index
    %get3A_0 = arith.constant 0 : index
    %get3A_1 = vector.load %arg4[%get3A, %get3A_0] : memref<1000x16xf32, #tpu.memory_space<vmem>>, vector<1000x1xf32>
    %add3A = arith.constant 1.000000e+00 : f32
    %add3A_2 = vector.broadcast %add3A : f32 to vector<1000x1xf32>
    %add3A_3 = arith.addf %add3A_2, %get3A_1 : vector<1000x1xf32>
    %get3A_4 = arith.constant 0 : index
    %get3A_5 = arith.constant 0 : index
    %get3A_6 = vector.load %arg5[%get3A_4, %get3A_5] : memref<1000x16xf32, #tpu.memory_space<vmem>>, vector<1000x1xf32>
    %add3A_7 = arith.addf %add3A_3, %get3A_6 : vector<1000x1xf32>
    %rsqrt3A = math.rsqrt %add3A_7 : vector<1000x1xf32>
    %get3A_8 = arith.constant 0 : index
    %get3A_9 = arith.constant 0 : index
    %get3A_10 = vector.load %arg1[%get3A_8, %get3A_9] : memref<1000x16xf32, #tpu.memory_space<vmem>>, vector<1000x16xf32>
    %get3A_11 = arith.constant 0 : index
    %get3A_12 = arith.constant 0 : index
    %get3A_13 = vector.load %arg2[%get3A_11, %get3A_12] : memref<1000x16xf32, #tpu.memory_space<vmem>>, vector<1000x16xf32>
    %add3A_14 = arith.addf %get3A_10, %get3A_13 : vector<1000x16xf32>
    %get3A_15 = arith.constant 0 : index
    %get3A_16 = arith.constant 0 : index
    %get3A_17 = vector.load %arg3[%get3A_15, %get3A_16] : memref<1000x16xf32, #tpu.memory_space<vmem>>, vector<1000x16xf32>
    %add3A_18 = arith.addf %add3A_14, %get3A_17 : vector<1000x16xf32>
    %mul3A = vector.broadcast %rsqrt3A : vector<1000x1xf32> to vector<1000x16xf32>
    %mul3A_19 = arith.mulf %add3A_18, %mul3A : vector<1000x16xf32>
    %get3A_20 = arith.constant 0 : index
    %get3A_21 = arith.constant 0 : index
    %get3A_22 = vector.load %arg6[%get3A_20, %get3A_21] : memref<1x16xf32, #tpu.memory_space<vmem>>, vector<1x16xf32>
    %add3A_23 = vector.broadcast %get3A_22 : vector<1x16xf32> to vector<1000x16xf32>
    %add3A_24 = arith.addf %mul3A_19, %add3A_23 : vector<1000x16xf32>
    %iota3A = tpu.iota {dimensions = array<i32: 0>} : vector<16x256xi32>
    %iota3A_25 = tpu.iota {dimensions = array<i32: 1>} : vector<16x256xi32>
    %jit3A = arith.constant 16 : i32
    %eq3A = arith.constant 0 : i32
    %eq3A_26 = arith.cmpi eq, %jit3A, %eq3A : i32
    %jit3A_27 = arith.constant 1 : i32
    %select_n3A = arith.select %eq3A_26, %jit3A_27, %jit3A : i32
    %rem3A = vector.broadcast %select_n3A : i32 to vector<16x256xi32>
    %rem3A_28 = arith.remsi %iota3A_25, %rem3A : vector<16x256xi32>
    %ne3A = arith.constant 0 : i32
    %ne3A_29 = vector.broadcast %ne3A : i32 to vector<16x256xi32>
    %ne3A_30 = arith.cmpi ne, %rem3A_28, %ne3A_29 : vector<16x256xi32>
    %lt3A = arith.constant 0 : i32
    %lt3A_31 = vector.broadcast %lt3A : i32 to vector<16x256xi32>
    %lt3A_32 = arith.cmpi slt, %rem3A_28, %lt3A_31 : vector<16x256xi32>
    %lt3A_33 = arith.constant 0 : i32
    %lt3A_34 = arith.cmpi slt, %select_n3A, %lt3A_33 : i32
    %ne3A_35 = vector.broadcast %lt3A_34 : i1 to vector<16x256xi1>
    %ne3A_36 = vector.broadcast %ne3A_35 : vector<16x256xi1> to vector<16x256xi1>
    %ne3A_37 = arith.xori %lt3A_32, %ne3A_36 : vector<16x256xi1>
    %and3A = arith.andi %ne3A_37, %ne3A_30 : vector<16x256xi1>
    %add3A_38 = vector.broadcast %select_n3A : i32 to vector<16x256xi32>
    %add3A_39 = arith.addi %rem3A_28, %add3A_38 : vector<16x256xi32>
    %select_n3A_40 = arith.select %and3A, %add3A_39, %rem3A_28 : vector<16x256xi1>, vector<16x256xi32>
    %eq3A_41 = arith.cmpi eq, %iota3A, %select_n3A_40 : vector<16x256xi32>
    %convert_element_type3A = arith.extui %eq3A_41 : vector<16x256xi1> to vector<16x256xi32>
    %convert_element_type3A_42 = arith.sitofp %convert_element_type3A : vector<16x256xi32> to vector<16x256xf32>
    %jit3A_43 = arith.constant 16 : i32
    %div3A = vector.broadcast %jit3A_43 : i32 to vector<16x256xi32>
    %div3A_44 = arith.divsi %iota3A_25, %div3A : vector<16x256xi32>
    %sign3A = arith.constant 0 : i32
    %sign3A_45 = vector.broadcast %sign3A : i32 to vector<16x256xi32>
    %sign3A_46 = arith.cmpi sgt, %iota3A_25, %sign3A_45 : vector<16x256xi32>
    %sign3A_47 = arith.extui %sign3A_46 : vector<16x256xi1> to vector<16x256xi32>
    %sign3A_48 = arith.constant 0 : i32
    %sign3A_49 = vector.broadcast %sign3A_48 : i32 to vector<16x256xi32>
    %sign3A_50 = arith.cmpi slt, %iota3A_25, %sign3A_49 : vector<16x256xi32>
    %sign3A_51 = arith.extui %sign3A_50 : vector<16x256xi1> to vector<16x256xi32>
    %sign3A_52 = arith.subi %sign3A_47, %sign3A_51 : vector<16x256xi32>
    %sign3A_53 = arith.constant 0 : i32
    %sign3A_54 = arith.cmpi sgt, %jit3A_43, %sign3A_53 : i32
    %sign3A_55 = arith.extui %sign3A_54 : i1 to i32
    %sign3A_56 = arith.constant 0 : i32
    %sign3A_57 = arith.cmpi slt, %jit3A_43, %sign3A_56 : i32
    %sign3A_58 = arith.extui %sign3A_57 : i1 to i32
    %sign3A_59 = arith.subi %sign3A_55, %sign3A_58 : i32
    %ne3A_60 = vector.broadcast %sign3A_59 : i32 to vector<16x256xi32>
    %ne3A_61 = arith.cmpi ne, %sign3A_52, %ne3A_60 : vector<16x256xi32>
    %rem3A_62 = vector.broadcast %jit3A_43 : i32 to vector<16x256xi32>
    %rem3A_63 = arith.remsi %iota3A_25, %rem3A_62 : vector<16x256xi32>
    %ne3A_64 = arith.constant 0 : i32
    %ne3A_65 = vector.broadcast %ne3A_64 : i32 to vector<16x256xi32>
    %ne3A_66 = arith.cmpi ne, %rem3A_63, %ne3A_65 : vector<16x256xi32>
    %and3A_67 = arith.andi %ne3A_61, %ne3A_66 : vector<16x256xi1>
    %sub3A = arith.constant 1 : i32
    %sub3A_68 = vector.broadcast %sub3A : i32 to vector<16x256xi32>
    %sub3A_69 = arith.subi %div3A_44, %sub3A_68 : vector<16x256xi32>
    %select_n3A_70 = arith.select %and3A_67, %sub3A_69, %div3A_44 : vector<16x256xi1>, vector<16x256xi32>
    %eq3A_71 = arith.cmpi eq, %iota3A, %select_n3A_70 : vector<16x256xi32>
    %convert_element_type3A_72 = arith.extui %eq3A_71 : vector<16x256xi1> to vector<16x256xi32>
    %convert_element_type3A_73 = arith.sitofp %convert_element_type3A_72 : vector<16x256xi32> to vector<16x256xf32>
    %dot_general3A = arith.constant dense<0.000000e+00> : vector<1000x256xf32>
    %dot_general3A_74 = tpu.matmul %add3A_24, %convert_element_type3A_42, %dot_general3A {dimension_numbers = #tpu.dot_dimension_numbers<[1], [0], [0], [1], [0, 0, 1, 1], [], []>, precision = #tpu.contract_precision<fp32>, transpose_lhs_hint = false} : vector<1000x16xf32>, vector<16x256xf32>, vector<1000x256xf32> -> vector<1000x256xf32>
    %dot_general3A_75 = arith.constant dense<0.000000e+00> : vector<1000x256xf32>
    %dot_general3A_76 = tpu.matmul %add3A_24, %convert_element_type3A_73, %dot_general3A_75 {dimension_numbers = #tpu.dot_dimension_numbers<[1], [0], [0], [1], [0, 0, 1, 1], [], []>, precision = #tpu.contract_precision<fp32>, transpose_lhs_hint = false} : vector<1000x16xf32>, vector<16x256xf32>, vector<1000x256xf32> -> vector<1000x256xf32>
    %mul3A_77 = arith.mulf %dot_general3A_74, %dot_general3A_76 : vector<1000x256xf32>
    %mul3A_78 = arith.mulf %mul3A_77, %mul3A_77 : vector<1000x256xf32>
    %reduce_sum3A = arith.constant dense<0.000000e+00> : vector<1000xf32>
    %reduce_sum3A_79 = vector.multi_reduction <add>, %mul3A_78, %reduce_sum3A [1] : vector<1000x256xf32> to vector<1000xf32>
    %broadcast_in_dim3A = vector.shape_cast %reduce_sum3A_79 : vector<1000xf32> to vector<1000x1xf32>
    %sqrt3A = math.sqrt %broadcast_in_dim3A : vector<1000x1xf32>
    %max3A = arith.constant 1.000000e-15 : f32
    %max3A_80 = vector.broadcast %max3A : f32 to vector<1000x1xf32>
    %max3A_81 = arith.maximumf %sqrt3A, %max3A_80 : vector<1000x1xf32>
    %gt3A = arith.constant 0.995999991 : f32
    %gt3A_82 = vector.broadcast %gt3A : f32 to vector<1000x1xf32>
    %gt3A_83 = arith.cmpf ogt, %max3A_81, %gt3A_82 : vector<1000x1xf32>
    %div3A_84 = vector.broadcast %max3A_81 : vector<1000x1xf32> to vector<1000x256xf32>
    %div3A_85 = arith.divf %mul3A_77, %div3A_84 : vector<1000x256xf32>
    %mul3A_86 = arith.constant 0.995999991 : f32
    %mul3A_87 = vector.broadcast %mul3A_86 : f32 to vector<1000x256xf32>
    %mul3A_88 = arith.mulf %div3A_85, %mul3A_87 : vector<1000x256xf32>
    %broadcast_in_dim3A_89 = vector.shape_cast %gt3A_83 : vector<1000x1xi1> to vector<1000x1xi1>
    %broadcast_in_dim3A_90 = vector.broadcast %broadcast_in_dim3A_89 : vector<1000x1xi1> to vector<1000x256xi1>
    %select_n3A_91 = arith.select %broadcast_in_dim3A_90, %mul3A_88, %mul3A_77 : vector<1000x256xi1>, vector<1000x256xf32>
    %mul3A_92 = arith.mulf %select_n3A_91, %select_n3A_91 : vector<1000x256xf32>
    %reduce_sum3A_93 = arith.constant dense<0.000000e+00> : vector<1000xf32>
    %reduce_sum3A_94 = vector.multi_reduction <add>, %mul3A_92, %reduce_sum3A_93 [1] : vector<1000x256xf32> to vector<1000xf32>
    %broadcast_in_dim3A_95 = vector.shape_cast %reduce_sum3A_94 : vector<1000xf32> to vector<1000x1xf32>
    %sqrt3A_96 = math.sqrt %broadcast_in_dim3A_95 : vector<1000x1xf32>
    %max3A_97 = arith.constant 1.000000e-15 : f32
    %max3A_98 = vector.broadcast %max3A_97 : f32 to vector<1000x1xf32>
    %max3A_99 = arith.maximumf %sqrt3A_96, %max3A_98 : vector<1000x1xf32>
    %jit3A_100 = arith.constant -0.99999988 : f32
    %jit3A_101 = arith.constant 0.99999988 : f32
    %max3A_102 = vector.broadcast %jit3A_100 : f32 to vector<1000x1xf32>
    %max3A_103 = arith.maximumf %max3A_102, %max3A_99 : vector<1000x1xf32>
    %min3A = vector.broadcast %jit3A_101 : f32 to vector<1000x1xf32>
    %min3A_104 = arith.minimumf %min3A, %max3A_103 : vector<1000x1xf32>
    %add3A_105 = arith.constant 1.000000e+00 : f32
    %add3A_106 = vector.broadcast %add3A_105 : f32 to vector<1000x1xf32>
    %add3A_107 = arith.addf %add3A_106, %min3A_104 : vector<1000x1xf32>
    %sub3A_108 = arith.constant 1.000000e+00 : f32
    %sub3A_109 = vector.broadcast %sub3A_108 : f32 to vector<1000x1xf32>
    %sub3A_110 = arith.subf %sub3A_109, %min3A_104 : vector<1000x1xf32>
    %div3A_111 = arith.divf %add3A_107, %sub3A_110 : vector<1000x1xf32>
    %log3A = math.log %div3A_111 : vector<1000x1xf32>
    %mul3A_112 = arith.constant 5.000000e-01 : f32
    %mul3A_113 = vector.broadcast %mul3A_112 : f32 to vector<1000x1xf32>
    %mul3A_114 = arith.mulf %mul3A_113, %log3A : vector<1000x1xf32>
    %div3A_115 = arith.divf %mul3A_114, %max3A_99 : vector<1000x1xf32>
    %mul3A_116 = vector.broadcast %div3A_115 : vector<1000x1xf32> to vector<1000x256xf32>
    %mul3A_117 = arith.mulf %mul3A_116, %select_n3A_91 : vector<1000x256xf32>
    %get3A_118 = arith.constant 0 : index
    %get3A_119 = arith.constant 0 : index
    %get3A_120 = vector.load %arg7[%get3A_118, %get3A_119] : memref<256x16xf32, #tpu.memory_space<vmem>>, vector<256x16xf32>
    %dot_general3A_121 = arith.constant dense<0.000000e+00> : vector<1000x16xf32>
    %dot_general3A_122 = tpu.matmul %mul3A_117, %get3A_120, %dot_general3A_121 {dimension_numbers = #tpu.dot_dimension_numbers<[1], [0], [0], [1], [0, 0, 1, 1], [], []>, transpose_lhs_hint = false} : vector<1000x256xf32>, vector<256x16xf32>, vector<1000x16xf32> -> vector<1000x16xf32>
    %get3A_123 = arith.constant 0 : index
    %get3A_124 = arith.constant 0 : index
    %get3A_125 = vector.load %arg8[%get3A_123, %get3A_124] : memref<1x16xf32, #tpu.memory_space<vmem>>, vector<1x16xf32>
    %add3A_126 = vector.broadcast %get3A_125 : vector<1x16xf32> to vector<1000x16xf32>
    %add3A_127 = arith.addf %dot_general3A_122, %add3A_126 : vector<1000x16xf32>
    %mul3A_128 = arith.mulf %add3A_127, %add3A_127 : vector<1000x16xf32>
    %reduce_sum3A_129 = arith.constant dense<0.000000e+00> : vector<1000xf32>
    %reduce_sum3A_130 = vector.multi_reduction <add>, %mul3A_128, %reduce_sum3A_129 [1] : vector<1000x16xf32> to vector<1000xf32>
    %broadcast_in_dim3A_131 = vector.shape_cast %reduce_sum3A_130 : vector<1000xf32> to vector<1000x1xf32>
    %sqrt3A_132 = math.sqrt %broadcast_in_dim3A_131 : vector<1000x1xf32>
    %max3A_133 = arith.constant 1.000000e-15 : f32
    %max3A_134 = vector.broadcast %max3A_133 : f32 to vector<1000x1xf32>
    %max3A_135 = arith.maximumf %sqrt3A_132, %max3A_134 : vector<1000x1xf32>
    %tanh3A = math.tanh %max3A_135 : vector<1000x1xf32>
    %mul3A_136 = vector.broadcast %tanh3A : vector<1000x1xf32> to vector<1000x16xf32>
    %mul3A_137 = arith.mulf %mul3A_136, %add3A_127 : vector<1000x16xf32>
    %div3A_138 = vector.broadcast %max3A_135 : vector<1000x1xf32> to vector<1000x16xf32>
    %div3A_139 = arith.divf %mul3A_137, %div3A_138 : vector<1000x16xf32>
    %mul3A_140 = arith.mulf %div3A_139, %div3A_139 : vector<1000x16xf32>
    %reduce_sum3A_141 = arith.constant dense<0.000000e+00> : vector<1000xf32>
    %reduce_sum3A_142 = vector.multi_reduction <add>, %mul3A_140, %reduce_sum3A_141 [1] : vector<1000x16xf32> to vector<1000xf32>
    %broadcast_in_dim3A_143 = vector.shape_cast %reduce_sum3A_142 : vector<1000xf32> to vector<1000x1xf32>
    %sqrt3A_144 = math.sqrt %broadcast_in_dim3A_143 : vector<1000x1xf32>
    %max3A_145 = arith.constant 1.000000e-15 : f32
    %max3A_146 = vector.broadcast %max3A_145 : f32 to vector<1000x1xf32>
    %max3A_147 = arith.maximumf %sqrt3A_144, %max3A_146 : vector<1000x1xf32>
    %gt3A_148 = arith.constant 0.995999991 : f32
    %gt3A_149 = vector.broadcast %gt3A_148 : f32 to vector<1000x1xf32>
    %gt3A_150 = arith.cmpf ogt, %max3A_147, %gt3A_149 : vector<1000x1xf32>
    %div3A_151 = vector.broadcast %max3A_147 : vector<1000x1xf32> to vector<1000x16xf32>
    %div3A_152 = arith.divf %div3A_139, %div3A_151 : vector<1000x16xf32>
    %mul3A_153 = arith.constant 0.995999991 : f32
    %mul3A_154 = vector.broadcast %mul3A_153 : f32 to vector<1000x16xf32>
    %mul3A_155 = arith.mulf %div3A_152, %mul3A_154 : vector<1000x16xf32>
    %broadcast_in_dim3A_156 = vector.shape_cast %gt3A_150 : vector<1000x1xi1> to vector<1000x1xi1>
    %broadcast_in_dim3A_157 = vector.broadcast %broadcast_in_dim3A_156 : vector<1000x1xi1> to vector<1000x16xi1>
    %select_n3A_158 = arith.select %broadcast_in_dim3A_157, %mul3A_155, %div3A_139 : vector<1000x16xi1>, vector<1000x16xf32>
    %reduce_max3A = arith.constant dense<0xFF800000> : vector<1000xf32>
    %reduce_max3A_159 = vector.multi_reduction <maximumf>, %select_n3A_158, %reduce_max3A [1] : vector<1000x16xf32> to vector<1000xf32>
    %broadcast_in_dim3A_160 = vector.shape_cast %reduce_max3A_159 : vector<1000xf32> to vector<1000x1xf32>
    %sub3A_161 = vector.broadcast %broadcast_in_dim3A_160 : vector<1000x1xf32> to vector<1000x16xf32>
    %sub3A_162 = arith.subf %select_n3A_158, %sub3A_161 : vector<1000x16xf32>
    %exp3A = math.exp %sub3A_162 : vector<1000x16xf32>
    %reduce_sum3A_163 = arith.constant dense<0.000000e+00> : vector<1000xf32>
    %reduce_sum3A_164 = vector.multi_reduction <add>, %exp3A, %reduce_sum3A_163 [1] : vector<1000x16xf32> to vector<1000xf32>
    %broadcast_in_dim3A_165 = vector.shape_cast %reduce_sum3A_164 : vector<1000xf32> to vector<1000x1xf32>
    %log3A_166 = math.log %broadcast_in_dim3A_165 : vector<1000x1xf32>
    %sub3A_167 = vector.broadcast %log3A_166 : vector<1000x1xf32> to vector<1000x16xf32>
    %sub3A_168 = arith.subf %sub3A_162, %sub3A_167 : vector<1000x16xf32>
    %swap3A = arith.constant 0 : index
    %swap3A_169 = arith.constant 0 : index
    %swap3A_170 = vector.load %arg9[%swap3A, %swap3A_169] : memref<1000x16xf32, #tpu.memory_space<vmem>>, vector<1000x16xf32>
    tpu.vector_store %arg9[%swap3A, %swap3A_169], %sub3A_168 {strides = array<i32>} : memref<1000x16xf32, #tpu.memory_space<vmem>>, vector<1000x16xf32>,
    return
  }
  func.func @transform_0(%arg0: i32) -> (i32, i32) {
    %c0_i32 = arith.constant 0 : i32
    %c0_i32_0 = arith.constant 0 : i32
    return %arg0, %c0_i32 : i32, i32
  }
  func.func @transform_1(%arg0: i32) -> (i32, i32) {
    %add3A = arith.constant 10 : i32
    %add3A_0 = arith.addi %arg0, %add3A : i32
    %c0_i32 = arith.constant 0 : i32
    %c0_i32_1 = arith.constant 0 : i32
    return %add3A_0, %c0_i32 : i32, i32
  }
  func.func @transform_2(%arg0: i32) -> (i32, i32) {
    %c0_i32 = arith.constant 0 : i32
    %c0_i32_0 = arith.constant 0 : i32
    return %arg0, %c0_i32 : i32, i32
  }
  func.func @transform_3(%arg0: i32) -> (i32, i32) {
    %c0_i32 = arith.constant 0 : i32
    %c0_i32_0 = arith.constant 0 : i32
    return %arg0, %c0_i32 : i32, i32
  }
  func.func @transform_4(%arg0: i32) -> (i32, i32) {
    %add3A = arith.constant 10 : i32
    %add3A_0 = arith.addi %arg0, %add3A : i32
    %c0_i32 = arith.constant 0 : i32
    %c0_i32_1 = arith.constant 0 : i32
    return %add3A_0, %c0_i32 : i32, i32
  }
  func.func @transform_5(%arg0: i32) -> (i32, i32) {
    %c0_i32 = arith.constant 0 : i32
    %c0_i32_0 = arith.constant 0 : i32
    %c0_i32_1 = arith.constant 0 : i32
    return %c0_i32, %c0_i32_0 : i32, i32
  }
  func.func @transform_6(%arg0: i32) -> (i32, i32) {
    %c0_i32 = arith.constant 0 : i32
    %c0_i32_0 = arith.constant 0 : i32
    %c0_i32_1 = arith.constant 0 : i32
    return %c0_i32, %c0_i32_0 : i32, i32
  }
  func.func @transform_7(%arg0: i32) -> (i32, i32) {
    %c0_i32 = arith.constant 0 : i32
    %c0_i32_0 = arith.constant 0 : i32
    %c0_i32_1 = arith.constant 0 : i32
    return %c0_i32, %c0_i32_0 : i32, i32
  }
  func.func @transform_8(%arg0: i32) -> (i32, i32) {
    %c0_i32 = arith.constant 0 : i32
    %c0_i32_0 = arith.constant 0 : i32
    return %arg0, %c0_i32 : i32, i32
  }
}

</mosaic_0001>

<sc_bundles>
// kernel: kernel.12.cloned.1.call-start
scs
__scs_entry_jumppad:
0x0: {  	(pc) =	sbr.rel $0x88, $3  }
0x1: {  	(tag) =	ssettag $0x0;
	lr =	simm.s32 $0x1  }
0x2: {  	[smem:$0x3F99] =	sst lr;
	_ =	strace $0xD0000000  }
0x3: {  	_ = 	snop  }
0x4: {  	_ = 	snop  }
0x5: {  	_ = 	snop  }
0x6: {  	_ = 	snop  }
0x7: {  	_ = 	snop  }
__scs_overlays_trampoline_lowered:
0x8: {  	[smem:$0x3FA8] =	sst s0  }
0x9: {  	[smem:$0x3FA9] =	sst s1  }
0xa: {  	[smem:$0x3FAA] =	sst s2  }
0xb: {  	[smem:$0x3FAB] =	sst s3  }
0xc: {  	[smem:$0x3FAC] =	sst s4  }
0xd: {  	[smem:$0x3FAD] =	sst s5  }
0xe: {  	[smem:$0x3FAE] =	sst s6  }
0xf: {  	[smem:$0x3FAF] =	sst s7  }
0x10: {  	[smem:$0x3FB0] =	sst s8  }
0x11: {  	[smem:$0x3FB1] =	sst s9;
	s0 =	simm.s32 @!p0 $0x0  }
0x12: {  	s1 =	sld [smem:$0x3F97];
	s0 =	simm.s32 @p0 $0x1  }
0x13: {  	[smem:$0x3FB2] =	sst s0;
	s0 =	simm.s32 @!p1 $0x0  }
0x14: {  	s2 =	sld [smem:$0x3F96];
	s0 =	simm.s32 @p1 $0x1  }
0x15: {  	[smem:$0x3FB3] =	sst s0;
	s0 =	simm.s32 @!p2 $0x0  }
0x16: {  	s3 =	sld [smem:$0x3FDB];
	s0 =	simm.s32 @p2 $0x1  }
0x17: {  	s4 =	simm.s32 $0x1BF5;
	[smem:$0x3FB5] =	sst s0  }
0x18: {  	s0 =	sld [smem:$0x3F98];
	_ =	swait.ge [sflag:s4], $0x0  }
0x19: {  	s7 =	sld [smem:$0x3F99]  }
0x1a: {  	s8 =	sadd.s32 $0xFFFFE003, lr  }
0x1b: {  	s9 =	sadd.s32 $0xFFFFFEF7, lr;
	s5 =	simm.s32 $0xFFFFFFFF;
	p2 =	slt.u32 s8, $0xFFFFF086  }
0x1c: {  	p1 =	slt.u32 s9, $0xF7A;
	s5 =	simm.s32 @!p2 $0x0  }
0x1d: {  	s5 =	simm.s32 @p1 $0x1;
	p0 =	seq.s32 s7, s2  }
0x1e: {  	s7 =	smul.u32 @!p0 $0xF7A, s2;
	p2 =	seq.s32 @!p0 s5, $0x0  }
0x1f: {  	s9 =	smul.u32 $0xF7A, s1;
	s8 =	simm.s32 @!p0 $0x1BF5;
	p2 =	por !p2, p0  }
0x20: {  	[sflag:s8] =	ssyncset.s32 @!p0 $0xFFFFF086;
	s6 =	sadd.s32 @!p0 s3, s7;
	s7 =	simm.s32 @!p0 $0x108  }
0x21: {  	s3 =	sadd.s32 s3, s9;
	s6 =	sadd.s32 @!p0 $0x88, s6;
	s7 =	simm.s32 @p2 $0x1082  }
0x22: {  	[simem:s7], [sflag:s8] =	dma.local @!p0 [hbm:s6], $0xF7A  }
0x23: {  	s9 =	sor.u32 $0xD0000000, s2;
	s6 =	simm.s32 $0x108;
	_ =	swait.ge @!p0 [sflag:s8], $0x0  }
0x24: {  	s3 =	sadd.s32 $0x88, s3;
	s6 =	simm.s32 @!p1 $0x1082;
	[sflag:s4] =	ssyncset.s32 $0xFFFFF086  }
0x25: {  	[simem:s6], [sflag:s4] =	dma.local [hbm:s3], $0xF7A  }
0x26: {  	[smem:$0x3F99] =	sst s1;
	(tag) =	ssettag s2;
	_ =	strace s9  }
0x27: {  	s1 =	sld [smem:$0x3FA9]  }
0x28: {  	s2 =	sld [smem:$0x3FAA]  }
0x29: {  	s4 =	sld [smem:$0x3FAC]  }
0x2a: {  	p0 =	seq.s32 s5, $0x0;
	s5 =	sld [smem:$0x3FAD]  }
0x2b: {  	s6 =	sld [smem:$0x3FAE]  }
0x2c: {  	s7 =	sld [smem:$0x3FAF]  }
0x2d: {  	s3 =	simm.s32 $0x108;
	s8 =	sld [smem:$0x3FB0]  }
0x2e: {  	s3 =	simm.s32 @!p0 $0x1082;
	s9 =	sld [smem:$0x3FB1]  }
0x2f: {  	lr =	sadd.s32 s0, s3;
	s0 =	sld [smem:$0x3FA8]  }
0x30: {  	s3 =	sld [smem:$0x3FAB]  }
0x31: {  	[smem:$0x3FB4] =	sst s10  }
0x32: {  	s10 =	sld [smem:$0x3FB2];
	_ =	sdelay $0x3  }
0x33: {  	p0 =	seq.s32 s10, $0x1;
	s10 =	sld [smem:$0x3FB4];
	_ =	sdelay $0x3  }
0x34: {  	[smem:$0x3FB4] =	sst s10  }
0x35: {  	s10 =	sld [smem:$0x3FB3];
	_ =	sdelay $0x3  }
0x36: {  	p1 =	seq.s32 s10, $0x1;
	s10 =	sld [smem:$0x3FB4];
	_ =	sdelay $0x3  }
0x37: {  	[smem:$0x3FB4] =	sst s10  }
0x38: {  	s10 =	sld [smem:$0x3FB5]  }
0x39: {  	_ = 	snop;
	(pc) =	sbr.ind lr, $3  }
0x3a: {  	_ = 	snop  }
0x3b: {  	_ = 	snop  }
0x3c: {  	p2 =	seq.s32 s10, $0x1;
	s10 =	sld [smem:$0x3FB4]  }
0x3d: {  	_ =	shalt  }
0x3e: {  	_ =	shalt  }
0x3f: {  	_ =	shalt  }
0x40: {  	_ =	shalt  }
0x41: {  	_ =	shalt  }
0x42: {  	_ =	shalt  }
0x43: {  	_ =	shalt  }
0x44: {  	_ =	shalt  }
0x45: {  	_ =	shalt  }
0x46: {  	_ =	shalt  }
0x47: {  	_ =	shalt  }
0x48: {  	_ =	shalt  }
0x49: {  	_ =	shalt  }
0x4a: {  	_ =	shalt  }
0x4b: {  	_ =	shalt  }
0x4c: {  	_ =	shalt  }
0x4d: {  	_ =	shalt  }
0x4e: {  	_ =	shalt  }
0x4f: {  	_ =	shalt  }
0x50: {  	_ =	shalt  }
0x51: {  	_ =	shalt  }
0x52: {  	_ =	shalt  }
0x53: {  	_ =	shalt  }
0x54: {  	_ =	shalt  }
0x55: {  	_ =	shalt  }
0x56: {  	_ =	shalt  }
0x57: {  	_ =	shalt  }
0x58: {  	_ =	shalt  }
0x59: {  	_ =	shalt  }
0x5a: {  	_ =	shalt  }
0x5b: {  	_ =	shalt  }
0x5c: {  	_ =	shalt  }
0x5d: {  	_ =	shalt  }
0x5e: {  	_ =	shalt  }
0x5f: {  	_ =	shalt  }
0x60: {  	_ =	shalt  }
0x61: {  	_ =	shalt  }
0x62: {  	_ =	shalt  }
0x63: {  	_ =	shalt  }
0x64: {  	_ =	shalt  }
0x65: {  	_ =	shalt  }
0x66: {  	_ =	shalt  }
0x67: {  	_ =	shalt  }
0x68: {  	_ =	shalt  }
0x69: {  	_ =	shalt  }
0x6a: {  	_ =	shalt  }
0x6b: {  	_ =	shalt  }
0x6c: {  	_ =	shalt  }
0x6d: {  	_ =	shalt  }
0x6e: {  	_ =	shalt  }
0x6f: {  	_ =	shalt  }
0x70: {  	_ =	shalt  }
0x71: {  	_ =	shalt  }
0x72: {  	_ =	shalt  }
0x73: {  	_ =	shalt  }
0x74: {  	_ =	shalt  }
0x75: {  	_ =	shalt  }
0x76: {  	_ =	shalt  }
0x77: {  	_ =	shalt  }
0x78: {  	_ =	shalt  }
0x79: {  	_ =	shalt  }
0x7a: {  	_ =	shalt  }
0x7b: {  	_ =	shalt  }
0x7c: {  	_ =	shalt  }
0x7d: {  	_ =	shalt  }
0x7e: {  	_ =	shalt  }
0x7f: {  	_ =	shalt  }
0x80: {  	_ =	shalt  }
0x81: {  	_ =	shalt  }
0x82: {  	_ =	shalt  }
0x83: {  	_ =	shalt  }
0x84: {  	_ =	shalt  }
0x85: {  	_ =	shalt  }
0x86: {  	_ =	shalt  }
0x87: {  	_ =	shalt  }
.Lfunc_end0:
.L_simem_size_0:
called_computation.1_lowered:
.L_overlay_start_0:
0x88: {  	s2 =	sld [smem:$0x3FD9]  }
0x89: {  	s3 =	sld [smem:$0x3FFE];
	_ =	sdelay $0x1  }
0x8a: {  	s1 =	srdreg.scid  }
0x8b: {  	s0 =	sand.u32 $0x1, s1  }
0x8c: {  	s16 =	sshll.u32 s0, $0xA;
	s2 =	sadd.s32 s3, s2  }
0x8d: {  	s2 =	sadd.s32 s2, s16  }
0x8e: {  	[smem:$0x3FC0] =	sst s2  }
0x8f: {  	_ = 	snop  }
0x90: {  	(tm) =	ssettm $0x1  }
0x91: {  	s17 =	sld [smem:$0x3FFB];
	_ =	sdelay $0x3  }
0x92: {  	_ =	strace s17  }
0x93: {  	s2 =	sld [smem:$0x3FFC];
	_ =	sdelay $0x3  }
0x94: {  	_ =	strace s2  }
0x95: {  	s2 =	sld [smem:$0x3FFD];
	_ =	sdelay $0x3  }
0x96: {  	_ =	strace s2  }
0x97: {  	_ =	strace $0x8FFFFFFF  }
0x98: {  	s18 =	sld [smem:$0x3FDB];
	_ =	sdelay $0x1  }
0x99: {  	s19 =	simm.s32 $_scs_section_size  }
0x9a: {  	s4 =	simm.s32 $_size__tile_overlayer_lowered;
	s5 =	simm.s32 $_tile_overlayer_lowered  }
0x9b: {  	s22 =	simm.s32 $0x1BFF;
	s21 =	sshll.u32 s5, $0x1;
	s2 =	sadd.s32 s19, s18  }
0x9c: {  	s6 =	simm.s32 $0x0;
	s20 =	sshll.u32 s4, $0x1;
	s4 =	sadd.s32 s21, s2  }
0x9d: {  	[timem:s6], [sflag:s22] =	dma.local [hbm:s4], s20  }
0x9e: {  	_ =	swait.ge [sflag:s22], s20  }
0x9f: {  	s3 =	ssub.s32 $0x0, s20;
	[sflag:s22] =	ssyncset.done $0x0  }
0xa0: {  	[sflag:s22] =	ssyncadd.s32 s3;
	_ =	sdelay $0x1  }
0xa1: {  	s23 =	simm.s32 $0x1B8B  }
0xa2: {  	_ =	swait.ge [sflag:s23], $0x1  }
0xa3: {  	[sflag:s23] =	ssyncset.done $0x0  }
0xa4: {  	s25 =	simm.s32 $0x1B8E;
	s24 =	sld [smem:$0x3FFE];
	[sflag:s23] =	ssyncadd.s32 $0xFFFFFFFF  }
0xa5: {  	s26 =	simm.s32 $execute0_lowered;
	[smem:$0x3FD2] =	sst s25  }
0xa6: {  	s4 =	sshll.u32 s26, $0x1;
	_ =	strace $0x80000049;
	[dreg:$0x1] =	wrdreg $0xFFFFFFFF  }
0xa7: {  	s28 =	simm.s32 $_size_execute0_lowered;
	s2 =	sadd.s32 s2, s4;
	[dreg:$0x0] =	wrdreg $0x0  }
0xa8: {  	s4 =	sshll.u32 s28, $0x1;
	[dreg:$0x2] =	wrdreg s2  }
0xa9: {  	[dreg:$0x3] =	wrdreg s4  }
0xaa: {  	[dreg:$0x4] =	wrdreg $0xC0  }
0xab: {  	_ =	task [dreg:s6], $0x5FFFF  }
0xac: {  	[dreg:$0x1] =	wrdreg $0xFFFFFFFF  }
0xad: {  	[dreg:$0x0] =	wrdreg $0x60  }
0xae: {  	[dreg:$0x2] =	wrdreg s24  }
0xaf: {  	[dreg:$0x3] =	wrdreg $0x94000  }
0xb0: {  	[dreg:$0x4] =	wrdreg $0x9  }
0xb1: {  	_ =	task.clear_ibuf [dreg:s6], $0x5FFFF;
	_ =	strace $0x90000049  }
0xb2: {  	s29 =	simm.s32 $0x9;
	_ =	strace $0x8000004B  }
0xb3: {  	_ =	swait.ge [sflag:s29], $0x1  }
0xb4: {  	[sflag:s29] =	ssyncadd.s32 $0xFFFFFFFF  }
0xb5: {  	_ =	strace $0x9000004B  }
0xb6: {  	_ =	sfence  }
0xb7: {  	s30 =	sld [smem:$0x0];
	_ =	sdelay $0x2  }
0xb8: {  	s31 =	sshll.u32 s1, $0xD;
	s1 =	sshrl.u32 s1, $0x2  }
0xb9: {  	s3 =	sand.u32 $0x4000, s31;
	s1 =	sadd.s32 s1, s30  }
0xba: {  	s0 =	sor.u32 s3, s0;
	s1 =	sshll.u32 s1, $0x11  }
0xbb: {  	s0 =	sor.u32 s1, s0  }
0xbc: {  	s0 =	sadd.s32 $0x8F2B, s0  }
0xbd: {  	[sflag:s0] =	ssyncadd.remote.s32 $0x1  }
0xbe: {  	_ =	sfence.sel $0xFFFF  }
0xbf: {  	[dreg:$0x0] =	wrdreg $0xFFFFFFFF;
	(pc) =	sbr.abs _section_cstart, $3  }
0xc0: {  	[dreg:$0x1] =	wrdreg $0xFFFFFFFF  }
0xc1: {  	_ =	task.clear_ibuf [dreg:s6], $0x2FFFF;
	_ =	strace $0x9FFFFFFF  }
0xc2: {  	(tm) =	ssettm $0x7FFFFFFF  }
0xc3: {  	_ =	shalt  }
tec
execute0_lowered:
.L_overlay_start_1:
0x0: {  	(tag) =	ssettag $0x1  }
0x1: {  	s0 =	rddreg [dreg:$0x0];
	s1 =	srdreg.scid  }
0x2: {  	s2 =	rddreg [dreg:$0x1];
	s7 =	stileid.u32;
	s18 =	simm.s32 $0x0  }
0x3: {  	s29 =	simm.s32 $0x5400;
	s31 =	simm.s32 $0x7400;
	s5 =	smul.u32 $0x2800, s7  }
0x4: {  	s1 =	sand.u32 $0x1, s1;
	[smem:$0x7FF] =	sst s18;
	s3 =	smul.u32 $0x27000, s7  }
0x5: {  	s14 =	smul.u32 $0x1380, s7;
	s17 =	sadd.s32 $0x9C000, s2;
	p0 =	sne.s32 s7, $0xF  }
0x6: {  	s4 =	smul.u32 $0x28000, s1;
	_ =	strace $0x8000004A;
	s8 =	ssub.s32 $0x2, s1  }
0x7: {  	[dreg:$0x8] =	wrdreg s17;
	s21 =	smul.u32 $0x138800, s1;
	s3 =	sshrl.u32 s3, $0x2  }
0x8: {  	s1 =	smul.u32 $0x13880, s1;
	s9 =	sshrl.u32 s8, $0x1;
	s13 =	sadd.s32 s3, s2  }
0x9: {  	s6 =	sadd.s32 s5, s4;
	s11 =	sadd.s32 $0x2000, s13;
	[dreg:$0x3] =	wrdreg s13  }
0xa: {  	s4 =	sadd.s32 $0x6E400, s0;
	s15 =	sadd.s32 $0x4000, s13;
	[dreg:$0x4] =	wrdreg s11  }
0xb: {  	s5 =	sshrl.u32 s5, $0x3;
	s16 =	sadd.s32 $0x6000, s13;
	[dreg:$0x5] =	wrdreg s15  }
0xc: {  	s8 =	ssub.s32 s8, s9;
	s9 =	sadd.s32 $0x8000, s13;
	[dreg:$0x6] =	wrdreg s16  }
0xd: {  	s5 =	sadd.s32 s5, s0;
	s30 =	smax.u32 s8, $0x1;
	[dreg:$0x7] =	wrdreg s9  }
0xe: {  	s1 =	sadd.s32 s14, s1;
	s20 =	sadd.s32 $0x1E00, s5;
	[dreg:$0x13] =	wrdreg s30  }
0xf: {  	s6 =	sshrl.u32 s6, $0x3;
	s23 =	sadd.s32 $0x1F40, s5;
	[dreg:$0xa] =	wrdreg s20  }
0x10: {  	s13 =	simm.s32 $0x4;
	s25 =	sadd.s32 $0x2080, s5;
	[dreg:$0xc] =	wrdreg s23  }
0x11: {  	s6 =	sadd.s32 s6, s0;
	s5 =	sadd.s32 $0x21C0, s5;
	[dreg:$0xe] =	wrdreg s25  }
0x12: {  	s8 =	simm.s32 $0x0;
	s19 =	sadd.s32 $0x16200, s6;
	[dreg:$0x10] =	wrdreg s5  }
0x13: {  	s0 =	sadd.s32 $0x95600, s0;
	s22 =	sadd.s32 $0x16340, s6;
	[dreg:$0x9] =	wrdreg s19  }
0x14: {  	s9 =	sshrl.u32 s21, $0x4;
	s24 =	sadd.s32 $0x16480, s6;
	[dreg:$0xb] =	wrdreg s22  }
0x15: {  	s6 =	sadd.s32 $0x165C0, s6;
	s26 =	sadd.s32 s0, s9;
	[dreg:$0xd] =	wrdreg s24  }
0x16: {  	s0 =	sadd.s32 s0, s1;
	s23 =	simm.s32 $0x5;
	[dreg:$0xf] =	wrdreg s6  }
0x17: {  	s25 =	simm.s32 $0x80;
	s9 =	simm.s32 $0x3;
	[dreg:$0x11] =	wrdreg s0  }
0x18: {  	s28 =	sadd.s32 $0x13800, s26;
	s22 =	simm.s32 $0x1400;
	s26 =	simm.s32 $0x3400  }
0x19: {  	v0 =	vimm.bf16 $0.0e+00;
	s0 =	simm.s32 $0x1;
	s6 =	simm.s32 $0x2;
	[dreg:$0x12] =	wrdreg s28  }
.LBB2_1:
0x1a: {  	s12 =	simm.s32 $0x100;
	s11 =	simm.s32 $0x0  }
.LBB2_2:
0x1b: {  	p1 =	sne.s32 s12, $0x7F00;
	[tilespmem:s11+$0x1430] =	vst v0;
	s14 =	smov.u32 s12;
	s12 =	sadd.s32 $0x100, s12  }
.Ltmp0:
0x1c: {  	[tilespmem:s11+$0x1420] =	vst v0;
	(pc) =	sbr.rel @p1 .LBB2_2-.Ltmp0, $3  }
0x1d: {  	[tilespmem:s11+$0x1400] =	vst v0  }
0x1e: {  	[tilespmem:s11+$0x1410] =	vst v0;
	_ =	sdelay $0x1  }
0x1f: {  	s11 =	sshra.s32 s14, $0x2  }
0x20: {  	[tilespmem:s11+$0x1430] =	vst v0  }
0x21: {  	[tilespmem:s11+$0x1420] =	vst v0  }
0x22: {  	[tilespmem:s11+$0x1400] =	vst v0  }
0x23: {  	[tilespmem:s11+$0x1410] =	vst v0;
	s1 =	rddreg [dreg:$0x3]  }
0x24: {  	[spmem:s1] =	stream.linear.scatter [tilespmem:s22], [sflag:$0x5], $0x2000, $0x38;
	[tilespmem:$0x13080] =	vst v63  }
0x25: {  	_ =	swait.ge [sflag:s23], $0x2000  }
0x26: {  	[sflag:s23] =	ssyncset.done $0x0  }
0x27: {  	s28 =	rddreg [dreg:$0x4];
	[sflag:s23] =	ssyncadd.s32 $0xFFFFE000  }
0x28: {  	[spmem:s28] =	stream.linear.scatter [tilespmem:s22], [sflag:$0x5], $0x2000, $0x38;
	[tilespmem:$0x13080] =	vst v63  }
0x29: {  	_ =	swait.ge [sflag:s23], $0x2000  }
0x2a: {  	[sflag:s23] =	ssyncset.done $0x0  }
0x2b: {  	s30 =	rddreg [dreg:$0x5];
	[sflag:s23] =	ssyncadd.s32 $0xFFFFE000  }
0x2c: {  	[spmem:s30] =	stream.linear.scatter [tilespmem:s22], [sflag:$0x5], $0x2000, $0x38;
	[tilespmem:$0x13080] =	vst v63  }
0x2d: {  	_ =	swait.ge [sflag:s23], $0x2000  }
0x2e: {  	[sflag:s23] =	ssyncset.done $0x0  }
0x2f: {  	s1 =	rddreg [dreg:$0x6];
	[sflag:s23] =	ssyncadd.s32 $0xFFFFE000  }
0x30: {  	[spmem:s1] =	stream.linear.scatter [tilespmem:s22], [sflag:$0x5], $0x2000, $0x38;
	[tilespmem:$0x13080] =	vst v63  }
0x31: {  	_ =	swait.ge [sflag:s23], $0x2000  }
0x32: {  	[sflag:s23] =	ssyncset.done $0x0  }
0x33: {  	s3 =	rddreg [dreg:$0x7];
	[sflag:s23] =	ssyncadd.s32 $0xFFFFE000  }
0x34: {  	[spmem:s3] =	stream.linear.scatter [tilespmem:s22], [sflag:$0x5], $0x1C00, $0x38;
	[tilespmem:$0x13080] =	vst v63  }
0x35: {  	_ =	swait.ge [sflag:s23], $0x1C00  }
0x36: {  	[sflag:s23] =	ssyncset.done $0x0  }
0x37: {  	s11 =	simm.s32 @!p0 $0x1400;
	s1 =	rddreg [dreg:$0x8];
	[sflag:s23] =	ssyncadd.s32 $0xFFFFE400  }
0x38: {  	[spmem:s1] =	stream.linear.scatter @!p0 [tilespmem:s11], [sflag:$0x5], $0x800, $0x38;
	[tilespmem:$0x13080] =	vst v63  }
0x39: {  	s1 =	simm.s32 @!p0 $0x5  }
0x3a: {  	_ =	swait.ge @!p0 [sflag:s1], $0x800  }
0x3b: {  	[sflag:s1] =	ssyncset.done @!p0 $0x0  }
0x3c: {  	[sflag:s1] =	ssyncadd.s32 @!p0 $0xFFFFF800  }
0x3d: {  	[bflag:$0x0] =	sbarrier.arrive $0xFFFF  }
0x3e: {  	s12 =	rddreg [dreg:$0x9]  }
0x3f: {  	[tilespmem:s18], [sflag:$0x5] =	stream.linear.gather [hbm4b:s12+s18], $0xA00, $0x38;
	[tilespmem:$0x13080] =	vst v63  }
0x40: {  	_ =	swait.ge [sflag:s23], $0xA00  }
0x41: {  	[sflag:s23] =	ssyncset.done $0x0  }
0x42: {  	s3 =	simm.s32 $0xA00;
	s5 =	rddreg [dreg:$0xa];
	[sflag:s23] =	ssyncadd.s32 $0xFFFFF600  }
0x43: {  	[tilespmem:s3], [sflag:$0x5] =	stream.linear.gather [hbm4b:s5+s18], $0xA00, $0x38;
	[tilespmem:$0x13080] =	vst v63  }
0x44: {  	_ =	swait.ge [sflag:s23], $0xA00  }
0x45: {  	[sflag:s23] =	ssyncset.done $0x0  }
0x46: {  	[sflag:s23] =	ssyncadd.s32 $0xFFFFF600  }
0x47: {  	[tilespmem:s22], [sflag:$0x1] =	stream.indirect.gather [hbm4b:s4+s25], $0x40, s18, s25, $0xb8;
	[tilespmem:$0x13080] =	vst v63  }
0x48: {  	_ = 	snop  }
0x49: {  	[tilespmem:s26], [sflag:$0x2] =	stream.indirect.gather [hbm4b:s4+s25], $0x40, s25, s25, $0xb8;
	[tilespmem:$0x13080] =	vst v63  }
0x4a: {  	s7 =	simm.s32 $0x100  }
0x4b: {  	[tilespmem:s29], [sflag:$0x3] =	stream.indirect.gather [hbm4b:s4+s25], $0x40, s7, s25, $0xb8;
	[tilespmem:$0x13080] =	vst v63  }
0x4c: {  	s10 =	simm.s32 $0x180  }
0x4d: {  	[tilespmem:s31], [sflag:$0x4] =	stream.indirect.gather [hbm4b:s4+s25], $0x40, s10, s25, $0xb8;
	[tilespmem:$0x13080] =	vst v63  }
0x4e: {  	_ =	swait.ge [sflag:s0], $0x2000  }
0x4f: {  	[sflag:s0] =	ssyncset.done $0x0  }
0x50: {  	[sflag:s0] =	ssyncadd.s32 $0xFFFFE000  }
0x51: {  	[spmem:s2] =	stream.indirect.scatter.add.bf16 [tilespmem:s22], [sflag:$0x5], $0x40, s3, s25, $0xb8;
	[tilespmem:$0x13080] =	vst v63  }
0x52: {  	_ =	swait.ge [sflag:s23], $0x2000  }
0x53: {  	[sflag:s23] =	ssyncset.done $0x0  }
0x54: {  	s11 =	simm.s32 $0x200;
	[sflag:s23] =	ssyncadd.s32 $0xFFFFE000  }
0x55: {  	[tilespmem:s22], [sflag:$0x1] =	stream.indirect.gather [hbm4b:s4+s25], $0x40, s11, s25, $0xb8;
	[tilespmem:$0x13080] =	vst v63  }
0x56: {  	_ =	swait.ge [sflag:s6], $0x2000  }
0x57: {  	[sflag:s6] =	ssyncset.done $0x0  }
0x58: {  	s12 =	simm.s32 $0xA80;
	[sflag:s6] =	ssyncadd.s32 $0xFFFFE000  }
0x59: {  	[spmem:s2] =	stream.indirect.scatter.add.bf16 [tilespmem:s26], [sflag:$0x5], $0x40, s12, s25, $0xb8;
	[tilespmem:$0x13080] =	vst v63  }
0x5a: {  	_ =	swait.ge [sflag:s23], $0x2000  }
0x5b: {  	[sflag:s23] =	ssyncset.done $0x0  }
0x5c: {  	s14 =	simm.s32 $0x280;
	[sflag:s23] =	ssyncadd.s32 $0xFFFFE000  }
0x5d: {  	[tilespmem:s26], [sflag:$0x2] =	stream.indirect.gather [hbm4b:s4+s25], $0x40, s14, s25, $0xb8;
	[tilespmem:$0x13080] =	vst v63  }
0x5e: {  	_ =	swait.ge [sflag:s9], $0x2000  }
0x5f: {  	[sflag:s9] =	ssyncset.done $0x0  }
0x60: {  	s15 =	simm.s32 $0xB00;
	[sflag:s9] =	ssyncadd.s32 $0xFFFFE000  }
0x61: {  	[spmem:s2] =	stream.indirect.scatter.add.bf16 [tilespmem:s29], [sflag:$0x5], $0x40, s15, s25, $0xb8;
	[tilespmem:$0x13080] =	vst v63  }
0x62: {  	_ =	swait.ge [sflag:s23], $0x2000  }
0x63: {  	[sflag:s23] =	ssyncset.done $0x0  }
0x64: {  	s16 =	simm.s32 $0x300;
	[sflag:s23] =	ssyncadd.s32 $0xFFFFE000  }
0x65: {  	[tilespmem:s29], [sflag:$0x3] =	stream.indirect.gather [hbm4b:s4+s25], $0x40, s16, s25, $0xb8;
	[tilespmem:$0x13080] =	vst v63  }
0x66: {  	_ =	swait.ge [sflag:s13], $0x2000  }
0x67: {  	[sflag:s13] =	ssyncset.done $0x0  }
0x68: {  	s17 =	simm.s32 $0xB80;
	[sflag:s13] =	ssyncadd.s32 $0xFFFFE000  }
0x69: {  	[spmem:s2] =	stream.indirect.scatter.add.bf16 [tilespmem:s31], [sflag:$0x5], $0x40, s17, s25, $0xb8;
	[tilespmem:$0x13080] =	vst v63  }
0x6a: {  	_ =	swait.ge [sflag:s23], $0x2000  }
0x6b: {  	[sflag:s23] =	ssyncset.done $0x0  }
0x6c: {  	s19 =	simm.s32 $0x380;
	[sflag:s23] =	ssyncadd.s32 $0xFFFFE000  }
0x6d: {  	[tilespmem:s31], [sflag:$0x4] =	stream.indirect.gather [hbm4b:s4+s25], $0x40, s19, s25, $0xb8;
	[tilespmem:$0x13080] =	vst v63  }
0x6e: {  	_ =	swait.ge [sflag:s0], $0x2000  }
0x6f: {  	[sflag:s0] =	ssyncset.done $0x0  }
0x70: {  	s20 =	simm.s32 $0xC00;
	[sflag:s0] =	ssyncadd.s32 $0xFFFFE000  }
0x71: {  	[spmem:s2] =	stream.indirect.scatter.add.bf16 [tilespmem:s22], [sflag:$0x5], $0x40, s20, s25, $0xb8;
	[tilespmem:$0x13080] =	vst v63  }
0x72: {  	_ =	swait.ge [sflag:s23], $0x2000  }
0x73: {  	[sflag:s23] =	ssyncset.done $0x0  }
0x74: {  	s21 =	simm.s32 $0x400;
	[sflag:s23] =	ssyncadd.s32 $0xFFFFE000  }
0x75: {  	[tilespmem:s22], [sflag:$0x1] =	stream.indirect.gather [hbm4b:s4+s25], $0x40, s21, s25, $0xb8;
	[tilespmem:$0x13080] =	vst v63  }
0x76: {  	_ =	swait.ge [sflag:s6], $0x2000  }
0x77: {  	[sflag:s6] =	ssyncset.done $0x0  }
0x78: {  	s24 =	simm.s32 $0xC80;
	[sflag:s6] =	ssyncadd.s32 $0xFFFFE000  }
0x79: {  	[spmem:s2] =	stream.indirect.scatter.add.bf16 [tilespmem:s26], [sflag:$0x5], $0x40, s24, s25, $0xb8;
	[tilespmem:$0x13080] =	vst v63  }
0x7a: {  	_ =	swait.ge [sflag:s23], $0x2000  }
0x7b: {  	[sflag:s23] =	ssyncset.done $0x0  }
0x7c: {  	s28 =	simm.s32 $0x480;
	[sflag:s23] =	ssyncadd.s32 $0xFFFFE000  }
0x7d: {  	[tilespmem:s26], [sflag:$0x2] =	stream.indirect.gather [hbm4b:s4+s25], $0x40, s28, s25, $0xb8;
	[tilespmem:$0x13080] =	vst v63  }
0x7e: {  	_ =	swait.ge [sflag:s9], $0x2000  }
0x7f: {  	[sflag:s9] =	ssyncset.done $0x0  }
0x80: {  	s30 =	simm.s32 $0xD00;
	[sflag:s9] =	ssyncadd.s32 $0xFFFFE000  }
0x81: {  	[spmem:s2] =	stream.indirect.scatter.add.bf16 [tilespmem:s29], [sflag:$0x5], $0x40, s30, s25, $0xb8;
	[tilespmem:$0x13080] =	vst v63  }
0x82: {  	_ =	swait.ge [sflag:s23], $0x2000  }
0x83: {  	[sflag:s23] =	ssyncset.done $0x0  }
0x84: {  	s1 =	simm.s32 $0x500;
	[sflag:s23] =	ssyncadd.s32 $0xFFFFE000  }
0x85: {  	[tilespmem:s29], [sflag:$0x3] =	stream.indirect.gather [hbm4b:s4+s25], $0x40, s1, s25, $0xb8;
	[tilespmem:$0x13080] =	vst v63  }
0x86: {  	_ =	swait.ge [sflag:s13], $0x2000  }
0x87: {  	[sflag:s13] =	ssyncset.done $0x0  }
0x88: {  	s11 =	simm.s32 $0xD80;
	[sflag:s13] =	ssyncadd.s32 $0xFFFFE000  }
0x89: {  	[spmem:s2] =	stream.indirect.scatter.add.bf16 [tilespmem:s31], [sflag:$0x5], $0x40, s11, s25, $0xb8;
	[tilespmem:$0x13080] =	vst v63  }
0x8a: {  	_ =	swait.ge [sflag:s23], $0x2000  }
0x8b: {  	[sflag:s23] =	ssyncset.done $0x0  }
0x8c: {  	s14 =	simm.s32 $0x580;
	[sflag:s23] =	ssyncadd.s32 $0xFFFFE000  }
0x8d: {  	[tilespmem:s31], [sflag:$0x4] =	stream.indirect.gather [hbm4b:s4+s25], $0x40, s14, s25, $0xb8;
	[tilespmem:$0x13080] =	vst v63  }
0x8e: {  	_ =	swait.ge [sflag:s0], $0x2000  }
0x8f: {  	[sflag:s0] =	ssyncset.done $0x0  }
0x90: {  	s15 =	simm.s32 $0xE00;
	[sflag:s0] =	ssyncadd.s32 $0xFFFFE000  }
0x91: {  	[spmem:s2] =	stream.indirect.scatter.add.bf16 [tilespmem:s22], [sflag:$0x5], $0x40, s15, s25, $0xb8;
	[tilespmem:$0x13080] =	vst v63  }
0x92: {  	_ =	swait.ge [sflag:s23], $0x2000  }
0x93: {  	[sflag:s23] =	ssyncset.done $0x0  }
0x94: {  	s16 =	simm.s32 $0x600;
	[sflag:s23] =	ssyncadd.s32 $0xFFFFE000  }
0x95: {  	[tilespmem:s22], [sflag:$0x1] =	stream.indirect.gather [hbm4b:s4+s25], $0x40, s16, s25, $0xb8;
	[tilespmem:$0x13080] =	vst v63  }
0x96: {  	_ =	swait.ge [sflag:s6], $0x2000  }
0x97: {  	[sflag:s6] =	ssyncset.done $0x0  }
0x98: {  	s17 =	simm.s32 $0xE80;
	[sflag:s6] =	ssyncadd.s32 $0xFFFFE000  }
0x99: {  	[spmem:s2] =	stream.indirect.scatter.add.bf16 [tilespmem:s26], [sflag:$0x5], $0x40, s17, s25, $0xb8;
	[tilespmem:$0x13080] =	vst v63  }
0x9a: {  	_ =	swait.ge [sflag:s23], $0x2000  }
0x9b: {  	[sflag:s23] =	ssyncset.done $0x0  }
0x9c: {  	s19 =	simm.s32 $0x680;
	[sflag:s23] =	ssyncadd.s32 $0xFFFFE000  }
0x9d: {  	[tilespmem:s26], [sflag:$0x2] =	stream.indirect.gather [hbm4b:s4+s25], $0x40, s19, s25, $0xb8;
	[tilespmem:$0x13080] =	vst v63  }
0x9e: {  	_ =	swait.ge [sflag:s9], $0x2000  }
0x9f: {  	[sflag:s9] =	ssyncset.done $0x0  }
0xa0: {  	s20 =	simm.s32 $0xF00;
	[sflag:s9] =	ssyncadd.s32 $0xFFFFE000  }
0xa1: {  	[spmem:s2] =	stream.indirect.scatter.add.bf16 [tilespmem:s29], [sflag:$0x5], $0x40, s20, s25, $0xb8;
	[tilespmem:$0x13080] =	vst v63  }
0xa2: {  	_ =	swait.ge [sflag:s23], $0x2000  }
0xa3: {  	[sflag:s23] =	ssyncset.done $0x0  }
0xa4: {  	s21 =	simm.s32 $0x700;
	[sflag:s23] =	ssyncadd.s32 $0xFFFFE000  }
0xa5: {  	[tilespmem:s29], [sflag:$0x3] =	stream.indirect.gather [hbm4b:s4+s25], $0x40, s21, s25, $0xb8;
	[tilespmem:$0x13080] =	vst v63  }
0xa6: {  	_ =	swait.ge [sflag:s13], $0x2000  }
0xa7: {  	[sflag:s13] =	ssyncset.done $0x0  }
0xa8: {  	s24 =	simm.s32 $0xF80;
	[sflag:s13] =	ssyncadd.s32 $0xFFFFE000  }
0xa9: {  	[spmem:s2] =	stream.indirect.scatter.add.bf16 [tilespmem:s31], [sflag:$0x5], $0x40, s24, s25, $0xb8;
	[tilespmem:$0x13080] =	vst v63  }
0xaa: {  	_ =	swait.ge [sflag:s23], $0x2000  }
0xab: {  	[sflag:s23] =	ssyncset.done $0x0  }
0xac: {  	s28 =	simm.s32 $0x780;
	[sflag:s23] =	ssyncadd.s32 $0xFFFFE000  }
0xad: {  	[tilespmem:s31], [sflag:$0x4] =	stream.indirect.gather [hbm4b:s4+s25], $0x40, s28, s25, $0xb8;
	[tilespmem:$0x13080] =	vst v63  }
0xae: {  	_ =	swait.ge [sflag:s0], $0x2000  }
0xaf: {  	[sflag:s0] =	ssyncset.done $0x0  }
0xb0: {  	s30 =	simm.s32 $0x1000;
	[sflag:s0] =	ssyncadd.s32 $0xFFFFE000  }
0xb1: {  	[spmem:s2] =	stream.indirect.scatter.add.bf16 [tilespmem:s22], [sflag:$0x5], $0x40, s30, s25, $0xb8;
	[tilespmem:$0x13080] =	vst v63  }
0xb2: {  	_ =	swait.ge [sflag:s23], $0x2000  }
0xb3: {  	[sflag:s23] =	ssyncset.done $0x0  }
0xb4: {  	s1 =	simm.s32 $0x800;
	[sflag:s23] =	ssyncadd.s32 $0xFFFFE000  }
0xb5: {  	[tilespmem:s22], [sflag:$0x1] =	stream.indirect.gather [hbm4b:s4+s25], $0x40, s1, s25, $0xb8;
	[tilespmem:$0x13080] =	vst v63  }
0xb6: {  	_ =	swait.ge [sflag:s6], $0x2000  }
0xb7: {  	[sflag:s6] =	ssyncset.done $0x0  }
0xb8: {  	s11 =	simm.s32 $0x1080;
	[sflag:s6] =	ssyncadd.s32 $0xFFFFE000  }
0xb9: {  	[spmem:s2] =	stream.indirect.scatter.add.bf16 [tilespmem:s26], [sflag:$0x5], $0x40, s11, s25, $0xb8;
	[tilespmem:$0x13080] =	vst v63  }
0xba: {  	_ =	swait.ge [sflag:s23], $0x2000  }
0xbb: {  	[sflag:s23] =	ssyncset.done $0x0  }
0xbc: {  	s14 =	simm.s32 $0x880;
	[sflag:s23] =	ssyncadd.s32 $0xFFFFE000  }
0xbd: {  	[tilespmem:s26], [sflag:$0x2] =	stream.indirect.gather [hbm4b:s4+s25], $0x40, s14, s25, $0xb8;
	[tilespmem:$0x13080] =	vst v63  }
0xbe: {  	_ =	swait.ge [sflag:s9], $0x2000  }
0xbf: {  	[sflag:s9] =	ssyncset.done $0x0  }
0xc0: {  	s15 =	simm.s32 $0x1100;
	[sflag:s9] =	ssyncadd.s32 $0xFFFFE000  }
0xc1: {  	[spmem:s2] =	stream.indirect.scatter.add.bf16 [tilespmem:s29], [sflag:$0x5], $0x40, s15, s25, $0xb8;
	[tilespmem:$0x13080] =	vst v63  }
0xc2: {  	_ =	swait.ge [sflag:s23], $0x2000  }
0xc3: {  	[sflag:s23] =	ssyncset.done $0x0  }
0xc4: {  	s16 =	simm.s32 $0x900;
	[sflag:s23] =	ssyncadd.s32 $0xFFFFE000  }
0xc5: {  	[tilespmem:s29], [sflag:$0x3] =	stream.indirect.gather [hbm4b:s4+s25], $0x40, s16, s25, $0xb8;
	[tilespmem:$0x13080] =	vst v63  }
0xc6: {  	_ =	swait.ge [sflag:s13], $0x2000  }
0xc7: {  	[sflag:s13] =	ssyncset.done $0x0  }
0xc8: {  	s17 =	simm.s32 $0x1180;
	[sflag:s13] =	ssyncadd.s32 $0xFFFFE000  }
0xc9: {  	[spmem:s2] =	stream.indirect.scatter.add.bf16 [tilespmem:s31], [sflag:$0x5], $0x40, s17, s25, $0xb8;
	[tilespmem:$0x13080] =	vst v63  }
0xca: {  	_ =	swait.ge [sflag:s23], $0x2000  }
0xcb: {  	[sflag:s23] =	ssyncset.done $0x0  }
0xcc: {  	s24 =	simm.s32 $0x980;
	[sflag:s23] =	ssyncadd.s32 $0xFFFFE000  }
0xcd: {  	[tilespmem:s31], [sflag:$0x4] =	stream.indirect.gather [hbm4b:s4+s25], $0x40, s24, s25, $0xb8;
	[tilespmem:$0x13080] =	vst v63  }
0xce: {  	_ =	swait.ge [sflag:s0], $0x2000  }
0xcf: {  	[sflag:s0] =	ssyncset.done $0x0  }
0xd0: {  	s1 =	simm.s32 $0x1200;
	[sflag:s0] =	ssyncadd.s32 $0xFFFFE000  }
0xd1: {  	[spmem:s2] =	stream.indirect.scatter.add.bf16 [tilespmem:s22], [sflag:$0x5], $0x40, s1, s25, $0xb8;
	[tilespmem:$0x13080] =	vst v63  }
0xd2: {  	_ =	swait.ge [sflag:s23], $0x2000  }
0xd3: {  	[sflag:s23] =	ssyncset.done $0x0  }
0xd4: {  	[sflag:s23] =	ssyncadd.s32 $0xFFFFE000  }
0xd5: {  	_ =	swait.ge [sflag:s6], $0x2000  }
0xd6: {  	[sflag:s6] =	ssyncset.done $0x0  }
0xd7: {  	s11 =	simm.s32 $0x1280;
	[sflag:s6] =	ssyncadd.s32 $0xFFFFE000  }
0xd8: {  	[spmem:s2] =	stream.indirect.scatter.add.bf16 [tilespmem:s26], [sflag:$0x5], $0x40, s11, s25, $0xb8;
	[tilespmem:$0x13080] =	vst v63  }
0xd9: {  	_ =	swait.ge [sflag:s23], $0x2000  }
0xda: {  	[sflag:s23] =	ssyncset.done $0x0  }
0xdb: {  	[sflag:s23] =	ssyncadd.s32 $0xFFFFE000  }
0xdc: {  	_ =	swait.ge [sflag:s9], $0x2000  }
0xdd: {  	[sflag:s9] =	ssyncset.done $0x0  }
0xde: {  	s14 =	simm.s32 $0x1300;
	[sflag:s9] =	ssyncadd.s32 $0xFFFFE000  }
0xdf: {  	[spmem:s2] =	stream.indirect.scatter.add.bf16 [tilespmem:s29], [sflag:$0x5], $0x40, s14, s25, $0xb8;
	[tilespmem:$0x13080] =	vst v63  }
0xe0: {  	_ =	swait.ge [sflag:s23], $0x2000  }
0xe1: {  	[sflag:s23] =	ssyncset.done $0x0  }
0xe2: {  	[sflag:s23] =	ssyncadd.s32 $0xFFFFE000  }
0xe3: {  	_ =	swait.ge [sflag:s13], $0x2000  }
0xe4: {  	[sflag:s13] =	ssyncset.done $0x0  }
0xe5: {  	s15 =	simm.s32 $0x1380;
	[sflag:s13] =	ssyncadd.s32 $0xFFFFE000  }
0xe6: {  	[spmem:s2] =	stream.indirect.scatter.add.bf16 [tilespmem:s31], [sflag:$0x5], $0x40, s15, s25, $0xb8;
	[tilespmem:$0x13080] =	vst v63  }
0xe7: {  	_ =	swait.ge [sflag:s23], $0x2000  }
0xe8: {  	[sflag:s23] =	ssyncset.done $0x0  }
0xe9: {  	s16 =	rddreg [dreg:$0xb];
	[sflag:s23] =	ssyncadd.s32 $0xFFFFE000  }
0xea: {  	[tilespmem:s18], [sflag:$0x5] =	stream.linear.gather [hbm4b:s16+s18], $0xA00, $0x38;
	[tilespmem:$0x13080] =	vst v63  }
0xeb: {  	_ =	swait.ge [sflag:s23], $0xA00  }
0xec: {  	[sflag:s23] =	ssyncset.done $0x0  }
0xed: {  	s17 =	rddreg [dreg:$0xc];
	[sflag:s23] =	ssyncadd.s32 $0xFFFFF600  }
0xee: {  	[tilespmem:s3], [sflag:$0x5] =	stream.linear.gather [hbm4b:s17+s18], $0xA00, $0x38;
	[tilespmem:$0x13080] =	vst v63  }
0xef: {  	_ =	swait.ge [sflag:s23], $0xA00  }
0xf0: {  	[sflag:s23] =	ssyncset.done $0x0  }
0xf1: {  	[sflag:s23] =	ssyncadd.s32 $0xFFFFF600  }
0xf2: {  	[tilespmem:s22], [sflag:$0x1] =	stream.indirect.gather [hbm4b:s4+s25], $0x40, s18, s25, $0xb8;
	[tilespmem:$0x13080] =	vst v63  }
0xf3: {  	_ = 	snop  }
0xf4: {  	[tilespmem:s26], [sflag:$0x2] =	stream.indirect.gather [hbm4b:s4+s25], $0x40, s25, s25, $0xb8;
	[tilespmem:$0x13080] =	vst v63  }
0xf5: {  	s24 =	simm.s32 $0x100  }
0xf6: {  	[tilespmem:s29], [sflag:$0x3] =	stream.indirect.gather [hbm4b:s4+s25], $0x40, s24, s25, $0xb8;
	[tilespmem:$0x13080] =	vst v63  }
0xf7: {  	s7 =	simm.s32 $0x180  }
0xf8: {  	[tilespmem:s31], [sflag:$0x4] =	stream.indirect.gather [hbm4b:s4+s25], $0x40, s7, s25, $0xb8;
	[tilespmem:$0x13080] =	vst v63  }
0xf9: {  	_ =	swait.ge [sflag:s0], $0x2000  }
0xfa: {  	[sflag:s0] =	ssyncset.done $0x0  }
0xfb: {  	[sflag:s0] =	ssyncadd.s32 $0xFFFFE000  }
0xfc: {  	[spmem:s2] =	stream.indirect.scatter.add.bf16 [tilespmem:s22], [sflag:$0x5], $0x40, s3, s25, $0xb8;
	[tilespmem:$0x13080] =	vst v63  }
0xfd: {  	_ =	swait.ge [sflag:s23], $0x2000  }
0xfe: {  	[sflag:s23] =	ssyncset.done $0x0  }
0xff: {  	s10 =	simm.s32 $0x200;
	[sflag:s23] =	ssyncadd.s32 $0xFFFFE000  }
0x100: {  	[tilespmem:s22], [sflag:$0x1] =	stream.indirect.gather [hbm4b:s4+s25], $0x40, s10, s25, $0xb8;
	[tilespmem:$0x13080] =	vst v63  }
0x101: {  	_ =	swait.ge [sflag:s6], $0x2000  }
0x102: {  	[sflag:s6] =	ssyncset.done $0x0  }
0x103: {  	s11 =	simm.s32 $0xA80;
	[sflag:s6] =	ssyncadd.s32 $0xFFFFE000  }
0x104: {  	[spmem:s2] =	stream.indirect.scatter.add.bf16 [tilespmem:s26], [sflag:$0x5], $0x40, s11, s25, $0xb8;
	[tilespmem:$0x13080] =	vst v63  }
0x105: {  	_ =	swait.ge [sflag:s23], $0x2000  }
0x106: {  	[sflag:s23] =	ssyncset.done $0x0  }
0x107: {  	s14 =	simm.s32 $0x280;
	[sflag:s23] =	ssyncadd.s32 $0xFFFFE000  }
0x108: {  	[tilespmem:s26], [sflag:$0x2] =	stream.indirect.gather [hbm4b:s4+s25], $0x40, s14, s25, $0xb8;
	[tilespmem:$0x13080] =	vst v63  }
0x109: {  	_ =	swait.ge [sflag:s9], $0x2000  }
0x10a: {  	[sflag:s9] =	ssyncset.done $0x0  }
0x10b: {  	s15 =	simm.s32 $0xB00;
	[sflag:s9] =	ssyncadd.s32 $0xFFFFE000  }
0x10c: {  	[spmem:s2] =	stream.indirect.scatter.add.bf16 [tilespmem:s29], [sflag:$0x5], $0x40, s15, s25, $0xb8;
	[tilespmem:$0x13080] =	vst v63  }
0x10d: {  	_ =	swait.ge [sflag:s23], $0x2000  }
0x10e: {  	[sflag:s23] =	ssyncset.done $0x0  }
0x10f: {  	s7 =	simm.s32 $0x300;
	[sflag:s23] =	ssyncadd.s32 $0xFFFFE000  }
0x110: {  	[tilespmem:s29], [sflag:$0x3] =	stream.indirect.gather [hbm4b:s4+s25], $0x40, s7, s25, $0xb8;
	[tilespmem:$0x13080] =	vst v63  }
0x111: {  	_ =	swait.ge [sflag:s13], $0x2000  }
0x112: {  	[sflag:s13] =	ssyncset.done $0x0  }
0x113: {  	s16 =	simm.s32 $0xB80;
	[sflag:s13] =	ssyncadd.s32 $0xFFFFE000  }
0x114: {  	[spmem:s2] =	stream.indirect.scatter.add.bf16 [tilespmem:s31], [sflag:$0x5], $0x40, s16, s25, $0xb8;
	[tilespmem:$0x13080] =	vst v63  }
0x115: {  	_ =	swait.ge [sflag:s23], $0x2000  }
0x116: {  	[sflag:s23] =	ssyncset.done $0x0  }
0x117: {  	s17 =	simm.s32 $0x380;
	[sflag:s23] =	ssyncadd.s32 $0xFFFFE000  }
0x118: {  	[tilespmem:s31], [sflag:$0x4] =	stream.indirect.gather [hbm4b:s4+s25], $0x40, s17, s25, $0xb8;
	[tilespmem:$0x13080] =	vst v63  }
0x119: {  	_ =	swait.ge [sflag:s0], $0x2000  }
0x11a: {  	[sflag:s0] =	ssyncset.done $0x0  }
0x11b: {  	s1 =	simm.s32 $0xC00;
	[sflag:s0] =	ssyncadd.s32 $0xFFFFE000  }
0x11c: {  	[spmem:s2] =	stream.indirect.scatter.add.bf16 [tilespmem:s22], [sflag:$0x5], $0x40, s1, s25, $0xb8;
	[tilespmem:$0x13080] =	vst v63  }
0x11d: {  	_ =	swait.ge [sflag:s23], $0x2000  }
0x11e: {  	[sflag:s23] =	ssyncset.done $0x0  }
0x11f: {  	s5 =	simm.s32 $0x400;
	[sflag:s23] =	ssyncadd.s32 $0xFFFFE000  }
0x120: {  	[tilespmem:s22], [sflag:$0x1] =	stream.indirect.gather [hbm4b:s4+s25], $0x40, s5, s25, $0xb8;
	[tilespmem:$0x13080] =	vst v63  }
0x121: {  	_ =	swait.ge [sflag:s6], $0x2000  }
0x122: {  	[sflag:s6] =	ssyncset.done $0x0  }
0x123: {  	s5 =	simm.s32 $0xC80;
	[sflag:s6] =	ssyncadd.s32 $0xFFFFE000  }
0x124: {  	[spmem:s2] =	stream.indirect.scatter.add.bf16 [tilespmem:s26], [sflag:$0x5], $0x40, s5, s25, $0xb8;
	[tilespmem:$0x13080] =	vst v63  }
0x125: {  	_ =	swait.ge [sflag:s23], $0x2000  }
0x126: {  	[sflag:s23] =	ssyncset.done $0x0  }
0x127: {  	s10 =	simm.s32 $0x480;
	[sflag:s23] =	ssyncadd.s32 $0xFFFFE000  }
0x128: {  	[tilespmem:s26], [sflag:$0x2] =	stream.indirect.gather [hbm4b:s4+s25], $0x40, s10, s25, $0xb8;
	[tilespmem:$0x13080] =	vst v63  }
0x129: {  	_ =	swait.ge [sflag:s9], $0x2000  }
0x12a: {  	[sflag:s9] =	ssyncset.done $0x0  }
0x12b: {  	s12 =	simm.s32 $0xD00;
	[sflag:s9] =	ssyncadd.s32 $0xFFFFE000  }
0x12c: {  	[spmem:s2] =	stream.indirect.scatter.add.bf16 [tilespmem:s29], [sflag:$0x5], $0x40, s12, s25, $0xb8;
	[tilespmem:$0x13080] =	vst v63  }
0x12d: {  	_ =	swait.ge [sflag:s23], $0x2000  }
0x12e: {  	[sflag:s23] =	ssyncset.done $0x0  }
0x12f: {  	s12 =	simm.s32 $0x500;
	[sflag:s23] =	ssyncadd.s32 $0xFFFFE000  }
0x130: {  	[tilespmem:s29], [sflag:$0x3] =	stream.indirect.gather [hbm4b:s4+s25], $0x40, s12, s25, $0xb8;
	[tilespmem:$0x13080] =	vst v63  }
0x131: {  	_ =	swait.ge [sflag:s13], $0x2000  }
0x132: {  	[sflag:s13] =	ssyncset.done $0x0  }
0x133: {  	s12 =	simm.s32 $0xD80;
	[sflag:s13] =	ssyncadd.s32 $0xFFFFE000  }
0x134: {  	[spmem:s2] =	stream.indirect.scatter.add.bf16 [tilespmem:s31], [sflag:$0x5], $0x40, s12, s25, $0xb8;
	[tilespmem:$0x13080] =	vst v63  }
0x135: {  	_ =	swait.ge [sflag:s23], $0x2000  }
0x136: {  	[sflag:s23] =	ssyncset.done $0x0  }
0x137: {  	s12 =	simm.s32 $0x580;
	[sflag:s23] =	ssyncadd.s32 $0xFFFFE000  }
0x138: {  	[tilespmem:s31], [sflag:$0x4] =	stream.indirect.gather [hbm4b:s4+s25], $0x40, s12, s25, $0xb8;
	[tilespmem:$0x13080] =	vst v63  }
0x139: {  	_ =	swait.ge [sflag:s0], $0x2000  }
0x13a: {  	[sflag:s0] =	ssyncset.done $0x0  }
0x13b: {  	s12 =	simm.s32 $0xE00;
	[sflag:s0] =	ssyncadd.s32 $0xFFFFE000  }
0x13c: {  	[spmem:s2] =	stream.indirect.scatter.add.bf16 [tilespmem:s22], [sflag:$0x5], $0x40, s12, s25, $0xb8;
	[tilespmem:$0x13080] =	vst v63  }
0x13d: {  	_ =	swait.ge [sflag:s23], $0x2000  }
0x13e: {  	[sflag:s23] =	ssyncset.done $0x0  }
0x13f: {  	s12 =	simm.s32 $0x600;
	[sflag:s23] =	ssyncadd.s32 $0xFFFFE000  }
0x140: {  	[tilespmem:s22], [sflag:$0x1] =	stream.indirect.gather [hbm4b:s4+s25], $0x40, s12, s25, $0xb8;
	[tilespmem:$0x13080] =	vst v63  }
0x141: {  	_ =	swait.ge [sflag:s6], $0x2000  }
0x142: {  	[sflag:s6] =	ssyncset.done $0x0  }
0x143: {  	s12 =	simm.s32 $0xE80;
	[sflag:s6] =	ssyncadd.s32 $0xFFFFE000  }
0x144: {  	[spmem:s2] =	stream.indirect.scatter.add.bf16 [tilespmem:s26], [sflag:$0x5], $0x40, s12, s25, $0xb8;
	[tilespmem:$0x13080] =	vst v63  }
0x145: {  	_ =	swait.ge [sflag:s23], $0x2000  }
0x146: {  	[sflag:s23] =	ssyncset.done $0x0  }
0x147: {  	s12 =	simm.s32 $0x680;
	[sflag:s23] =	ssyncadd.s32 $0xFFFFE000  }
0x148: {  	[tilespmem:s26], [sflag:$0x2] =	stream.indirect.gather [hbm4b:s4+s25], $0x40, s12, s25, $0xb8;
	[tilespmem:$0x13080] =	vst v63  }
0x149: {  	_ =	swait.ge [sflag:s9], $0x2000  }
0x14a: {  	[sflag:s9] =	ssyncset.done $0x0  }
0x14b: {  	s12 =	simm.s32 $0xF00;
	[sflag:s9] =	ssyncadd.s32 $0xFFFFE000  }
0x14c: {  	[spmem:s2] =	stream.indirect.scatter.add.bf16 [tilespmem:s29], [sflag:$0x5], $0x40, s12, s25, $0xb8;
	[tilespmem:$0x13080] =	vst v63  }
0x14d: {  	_ =	swait.ge [sflag:s23], $0x2000  }
0x14e: {  	[sflag:s23] =	ssyncset.done $0x0  }
0x14f: {  	s12 =	simm.s32 $0x700;
	[sflag:s23] =	ssyncadd.s32 $0xFFFFE000  }
0x150: {  	[tilespmem:s29], [sflag:$0x3] =	stream.indirect.gather [hbm4b:s4+s25], $0x40, s12, s25, $0xb8;
	[tilespmem:$0x13080] =	vst v63  }
0x151: {  	_ =	swait.ge [sflag:s13], $0x2000  }
0x152: {  	[sflag:s13] =	ssyncset.done $0x0  }
0x153: {  	s12 =	simm.s32 $0xF80;
	[sflag:s13] =	ssyncadd.s32 $0xFFFFE000  }
0x154: {  	[spmem:s2] =	stream.indirect.scatter.add.bf16 [tilespmem:s31], [sflag:$0x5], $0x40, s12, s25, $0xb8;
	[tilespmem:$0x13080] =	vst v63  }
0x155: {  	_ =	swait.ge [sflag:s23], $0x2000  }
0x156: {  	[sflag:s23] =	ssyncset.done $0x0  }
0x157: {  	s19 =	simm.s32 $0x780;
	[sflag:s23] =	ssyncadd.s32 $0xFFFFE000  }
0x158: {  	[tilespmem:s31], [sflag:$0x4] =	stream.indirect.gather [hbm4b:s4+s25], $0x40, s19, s25, $0xb8;
	[tilespmem:$0x13080] =	vst v63  }
0x159: {  	_ =	swait.ge [sflag:s0], $0x2000  }
0x15a: {  	[sflag:s0] =	ssyncset.done $0x0  }
0x15b: {  	s20 =	simm.s32 $0x1000;
	[sflag:s0] =	ssyncadd.s32 $0xFFFFE000  }
0x15c: {  	[spmem:s2] =	stream.indirect.scatter.add.bf16 [tilespmem:s22], [sflag:$0x5], $0x40, s20, s25, $0xb8;
	[tilespmem:$0x13080] =	vst v63  }
0x15d: {  	_ =	swait.ge [sflag:s23], $0x2000  }
0x15e: {  	[sflag:s23] =	ssyncset.done $0x0  }
0x15f: {  	s21 =	simm.s32 $0x800;
	[sflag:s23] =	ssyncadd.s32 $0xFFFFE000  }
0x160: {  	[tilespmem:s22], [sflag:$0x1] =	stream.indirect.gather [hbm4b:s4+s25], $0x40, s21, s25, $0xb8;
	[tilespmem:$0x13080] =	vst v63  }
0x161: {  	_ =	swait.ge [sflag:s6], $0x2000  }
0x162: {  	[sflag:s6] =	ssyncset.done $0x0  }
0x163: {  	s28 =	simm.s32 $0x1080;
	[sflag:s6] =	ssyncadd.s32 $0xFFFFE000  }
0x164: {  	[spmem:s2] =	stream.indirect.scatter.add.bf16 [tilespmem:s26], [sflag:$0x5], $0x40, s28, s25, $0xb8;
	[tilespmem:$0x13080] =	vst v63  }
0x165: {  	_ =	swait.ge [sflag:s23], $0x2000  }
0x166: {  	[sflag:s23] =	ssyncset.done $0x0  }
0x167: {  	s30 =	simm.s32 $0x880;
	[sflag:s23] =	ssyncadd.s32 $0xFFFFE000  }
0x168: {  	[tilespmem:s26], [sflag:$0x2] =	stream.indirect.gather [hbm4b:s4+s25], $0x40, s30, s25, $0xb8;
	[tilespmem:$0x13080] =	vst v63  }
0x169: {  	_ =	swait.ge [sflag:s9], $0x2000  }
0x16a: {  	[sflag:s9] =	ssyncset.done $0x0  }
0x16b: {  	s20 =	simm.s32 $0x1100;
	[sflag:s9] =	ssyncadd.s32 $0xFFFFE000  }
0x16c: {  	[spmem:s2] =	stream.indirect.scatter.add.bf16 [tilespmem:s29], [sflag:$0x5], $0x40, s20, s25, $0xb8;
	[tilespmem:$0x13080] =	vst v63  }
0x16d: {  	_ =	swait.ge [sflag:s23], $0x2000  }
0x16e: {  	[sflag:s23] =	ssyncset.done $0x0  }
0x16f: {  	s21 =	simm.s32 $0x900;
	[sflag:s23] =	ssyncadd.s32 $0xFFFFE000  }
0x170: {  	[tilespmem:s29], [sflag:$0x3] =	stream.indirect.gather [hbm4b:s4+s25], $0x40, s21, s25, $0xb8;
	[tilespmem:$0x13080] =	vst v63  }
0x171: {  	_ =	swait.ge [sflag:s13], $0x2000  }
0x172: {  	[sflag:s13] =	ssyncset.done $0x0  }
0x173: {  	s28 =	simm.s32 $0x1180;
	[sflag:s13] =	ssyncadd.s32 $0xFFFFE000  }
0x174: {  	[spmem:s2] =	stream.indirect.scatter.add.bf16 [tilespmem:s31], [sflag:$0x5], $0x40, s28, s25, $0xb8;
	[tilespmem:$0x13080] =	vst v63  }
0x175: {  	_ =	swait.ge [sflag:s23], $0x2000  }
0x176: {  	[sflag:s23] =	ssyncset.done $0x0  }
0x177: {  	s30 =	simm.s32 $0x980;
	[sflag:s23] =	ssyncadd.s32 $0xFFFFE000  }
0x178: {  	[tilespmem:s31], [sflag:$0x4] =	stream.indirect.gather [hbm4b:s4+s25], $0x40, s30, s25, $0xb8;
	[tilespmem:$0x13080] =	vst v63  }
0x179: {  	_ =	swait.ge [sflag:s0], $0x2000  }
0x17a: {  	[sflag:s0] =	ssyncset.done $0x0  }
0x17b: {  	s19 =	simm.s32 $0x1200;
	[sflag:s0] =	ssyncadd.s32 $0xFFFFE000  }
0x17c: {  	[spmem:s2] =	stream.indirect.scatter.add.bf16 [tilespmem:s22], [sflag:$0x5], $0x40, s19, s25, $0xb8;
	[tilespmem:$0x13080] =	vst v63  }
0x17d: {  	_ =	swait.ge [sflag:s23], $0x2000  }
0x17e: {  	[sflag:s23] =	ssyncset.done $0x0  }
0x17f: {  	[sflag:s23] =	ssyncadd.s32 $0xFFFFE000  }
0x180: {  	_ =	swait.ge [sflag:s6], $0x2000  }
0x181: {  	[sflag:s6] =	ssyncset.done $0x0  }
0x182: {  	s20 =	simm.s32 $0x1280;
	[sflag:s6] =	ssyncadd.s32 $0xFFFFE000  }
0x183: {  	[spmem:s2] =	stream.indirect.scatter.add.bf16 [tilespmem:s26], [sflag:$0x5], $0x40, s20, s25, $0xb8;
	[tilespmem:$0x13080] =	vst v63  }
0x184: {  	_ =	swait.ge [sflag:s23], $0x2000  }
0x185: {  	[sflag:s23] =	ssyncset.done $0x0  }
0x186: {  	[sflag:s23] =	ssyncadd.s32 $0xFFFFE000  }
0x187: {  	_ =	swait.ge [sflag:s9], $0x2000  }
0x188: {  	[sflag:s9] =	ssyncset.done $0x0  }
0x189: {  	s21 =	simm.s32 $0x1300;
	[sflag:s9] =	ssyncadd.s32 $0xFFFFE000  }
0x18a: {  	[spmem:s2] =	stream.indirect.scatter.add.bf16 [tilespmem:s29], [sflag:$0x5], $0x40, s21, s25, $0xb8;
	[tilespmem:$0x13080] =	vst v63  }
0x18b: {  	_ =	swait.ge [sflag:s23], $0x2000  }
0x18c: {  	[sflag:s23] =	ssyncset.done $0x0  }
0x18d: {  	[sflag:s23] =	ssyncadd.s32 $0xFFFFE000  }
0x18e: {  	_ =	swait.ge [sflag:s13], $0x2000  }
0x18f: {  	[sflag:s13] =	ssyncset.done $0x0  }
0x190: {  	s28 =	simm.s32 $0x1380;
	[sflag:s13] =	ssyncadd.s32 $0xFFFFE000  }
0x191: {  	[spmem:s2] =	stream.indirect.scatter.add.bf16 [tilespmem:s31], [sflag:$0x5], $0x40, s28, s25, $0xb8;
	[tilespmem:$0x13080] =	vst v63  }
0x192: {  	_ =	swait.ge [sflag:s23], $0x2000  }
0x193: {  	[sflag:s23] =	ssyncset.done $0x0  }
0x194: {  	s30 =	rddreg [dreg:$0xd];
	[sflag:s23] =	ssyncadd.s32 $0xFFFFE000  }
0x195: {  	[tilespmem:s18], [sflag:$0x5] =	stream.linear.gather [hbm4b:s30+s18], $0xA00, $0x38;
	[tilespmem:$0x13080] =	vst v63  }
0x196: {  	_ =	swait.ge [sflag:s23], $0xA00  }
0x197: {  	[sflag:s23] =	ssyncset.done $0x0  }
0x198: {  	s19 =	rddreg [dreg:$0xe];
	[sflag:s23] =	ssyncadd.s32 $0xFFFFF600  }
0x199: {  	[tilespmem:s3], [sflag:$0x5] =	stream.linear.gather [hbm4b:s19+s18], $0xA00, $0x38;
	[tilespmem:$0x13080] =	vst v63  }
0x19a: {  	_ =	swait.ge [sflag:s23], $0xA00  }
0x19b: {  	[sflag:s23] =	ssyncset.done $0x0  }
0x19c: {  	[sflag:s23] =	ssyncadd.s32 $0xFFFFF600  }
0x19d: {  	[tilespmem:s22], [sflag:$0x1] =	stream.indirect.gather [hbm4b:s4+s25], $0x40, s18, s25, $0xb8;
	[tilespmem:$0x13080] =	vst v63  }
0x19e: {  	_ = 	snop  }
0x19f: {  	[tilespmem:s26], [sflag:$0x2] =	stream.indirect.gather [hbm4b:s4+s25], $0x40, s25, s25, $0xb8;
	[tilespmem:$0x13080] =	vst v63  }
0x1a0: {  	_ = 	snop  }
0x1a1: {  	[tilespmem:s29], [sflag:$0x3] =	stream.indirect.gather [hbm4b:s4+s25], $0x40, s24, s25, $0xb8;
	[tilespmem:$0x13080] =	vst v63  }
0x1a2: {  	s20 =	simm.s32 $0x180  }
0x1a3: {  	[tilespmem:s31], [sflag:$0x4] =	stream.indirect.gather [hbm4b:s4+s25], $0x40, s20, s25, $0xb8;
	[tilespmem:$0x13080] =	vst v63  }
0x1a4: {  	_ =	swait.ge [sflag:s0], $0x2000  }
0x1a5: {  	[sflag:s0] =	ssyncset.done $0x0  }
0x1a6: {  	[sflag:s0] =	ssyncadd.s32 $0xFFFFE000  }
0x1a7: {  	[spmem:s2] =	stream.indirect.scatter.add.bf16 [tilespmem:s22], [sflag:$0x5], $0x40, s3, s25, $0xb8;
	[tilespmem:$0x13080] =	vst v63  }
0x1a8: {  	_ =	swait.ge [sflag:s23], $0x2000  }
0x1a9: {  	[sflag:s23] =	ssyncset.done $0x0  }
0x1aa: {  	s21 =	simm.s32 $0x200;
	[sflag:s23] =	ssyncadd.s32 $0xFFFFE000  }
0x1ab: {  	[tilespmem:s22], [sflag:$0x1] =	stream.indirect.gather [hbm4b:s4+s25], $0x40, s21, s25, $0xb8;
	[tilespmem:$0x13080] =	vst v63  }
0x1ac: {  	_ =	swait.ge [sflag:s6], $0x2000  }
0x1ad: {  	[sflag:s6] =	ssyncset.done $0x0  }
0x1ae: {  	[sflag:s6] =	ssyncadd.s32 $0xFFFFE000  }
0x1af: {  	[spmem:s2] =	stream.indirect.scatter.add.bf16 [tilespmem:s26], [sflag:$0x5], $0x40, s11, s25, $0xb8;
	[tilespmem:$0x13080] =	vst v63  }
0x1b0: {  	_ =	swait.ge [sflag:s23], $0x2000  }
0x1b1: {  	[sflag:s23] =	ssyncset.done $0x0  }
0x1b2: {  	[sflag:s23] =	ssyncadd.s32 $0xFFFFE000  }
0x1b3: {  	[tilespmem:s26], [sflag:$0x2] =	stream.indirect.gather [hbm4b:s4+s25], $0x40, s14, s25, $0xb8;
	[tilespmem:$0x13080] =	vst v63  }
0x1b4: {  	_ =	swait.ge [sflag:s9], $0x2000  }
0x1b5: {  	[sflag:s9] =	ssyncset.done $0x0  }
0x1b6: {  	[sflag:s9] =	ssyncadd.s32 $0xFFFFE000  }
0x1b7: {  	[spmem:s2] =	stream.indirect.scatter.add.bf16 [tilespmem:s29], [sflag:$0x5], $0x40, s15, s25, $0xb8;
	[tilespmem:$0x13080] =	vst v63  }
0x1b8: {  	_ =	swait.ge [sflag:s23], $0x2000  }
0x1b9: {  	[sflag:s23] =	ssyncset.done $0x0  }
0x1ba: {  	[sflag:s23] =	ssyncadd.s32 $0xFFFFE000  }
0x1bb: {  	[tilespmem:s29], [sflag:$0x3] =	stream.indirect.gather [hbm4b:s4+s25], $0x40, s7, s25, $0xb8;
	[tilespmem:$0x13080] =	vst v63  }
0x1bc: {  	_ =	swait.ge [sflag:s13], $0x2000  }
0x1bd: {  	[sflag:s13] =	ssyncset.done $0x0  }
0x1be: {  	[sflag:s13] =	ssyncadd.s32 $0xFFFFE000  }
0x1bf: {  	[spmem:s2] =	stream.indirect.scatter.add.bf16 [tilespmem:s31], [sflag:$0x5], $0x40, s16, s25, $0xb8;
	[tilespmem:$0x13080] =	vst v63  }
0x1c0: {  	_ =	swait.ge [sflag:s23], $0x2000  }
0x1c1: {  	[sflag:s23] =	ssyncset.done $0x0  }
0x1c2: {  	[sflag:s23] =	ssyncadd.s32 $0xFFFFE000  }
0x1c3: {  	[tilespmem:s31], [sflag:$0x4] =	stream.indirect.gather [hbm4b:s4+s25], $0x40, s17, s25, $0xb8;
	[tilespmem:$0x13080] =	vst v63  }
0x1c4: {  	_ =	swait.ge [sflag:s0], $0x2000  }
0x1c5: {  	[sflag:s0] =	ssyncset.done $0x0  }
0x1c6: {  	[sflag:s0] =	ssyncadd.s32 $0xFFFFE000  }
0x1c7: {  	[spmem:s2] =	stream.indirect.scatter.add.bf16 [tilespmem:s22], [sflag:$0x5], $0x40, s1, s25, $0xb8;
	[tilespmem:$0x13080] =	vst v63  }
0x1c8: {  	_ =	swait.ge [sflag:s23], $0x2000  }
0x1c9: {  	[sflag:s23] =	ssyncset.done $0x0  }
0x1ca: {  	s28 =	simm.s32 $0x400;
	[sflag:s23] =	ssyncadd.s32 $0xFFFFE000  }
0x1cb: {  	[tilespmem:s22], [sflag:$0x1] =	stream.indirect.gather [hbm4b:s4+s25], $0x40, s28, s25, $0xb8;
	[tilespmem:$0x13080] =	vst v63  }
0x1cc: {  	_ =	swait.ge [sflag:s6], $0x2000  }
0x1cd: {  	[sflag:s6] =	ssyncset.done $0x0  }
0x1ce: {  	[sflag:s6] =	ssyncadd.s32 $0xFFFFE000  }
0x1cf: {  	[spmem:s2] =	stream.indirect.scatter.add.bf16 [tilespmem:s26], [sflag:$0x5], $0x40, s5, s25, $0xb8;
	[tilespmem:$0x13080] =	vst v63  }
0x1d0: {  	_ =	swait.ge [sflag:s23], $0x2000  }
0x1d1: {  	[sflag:s23] =	ssyncset.done $0x0  }
0x1d2: {  	[sflag:s23] =	ssyncadd.s32 $0xFFFFE000  }
0x1d3: {  	[tilespmem:s26], [sflag:$0x2] =	stream.indirect.gather [hbm4b:s4+s25], $0x40, s10, s25, $0xb8;
	[tilespmem:$0x13080] =	vst v63  }
0x1d4: {  	_ =	swait.ge [sflag:s9], $0x2000  }
0x1d5: {  	[sflag:s9] =	ssyncset.done $0x0  }
0x1d6: {  	s30 =	simm.s32 $0xD00;
	[sflag:s9] =	ssyncadd.s32 $0xFFFFE000  }
0x1d7: {  	[spmem:s2] =	stream.indirect.scatter.add.bf16 [tilespmem:s29], [sflag:$0x5], $0x40, s30, s25, $0xb8;
	[tilespmem:$0x13080] =	vst v63  }
0x1d8: {  	_ =	swait.ge [sflag:s23], $0x2000  }
0x1d9: {  	[sflag:s23] =	ssyncset.done $0x0  }
0x1da: {  	s19 =	simm.s32 $0x500;
	[sflag:s23] =	ssyncadd.s32 $0xFFFFE000  }
0x1db: {  	[tilespmem:s29], [sflag:$0x3] =	stream.indirect.gather [hbm4b:s4+s25], $0x40, s19, s25, $0xb8;
	[tilespmem:$0x13080] =	vst v63  }
0x1dc: {  	_ =	swait.ge [sflag:s13], $0x2000  }
0x1dd: {  	[sflag:s13] =	ssyncset.done $0x0  }
0x1de: {  	s20 =	simm.s32 $0xD80;
	[sflag:s13] =	ssyncadd.s32 $0xFFFFE000  }
0x1df: {  	[spmem:s2] =	stream.indirect.scatter.add.bf16 [tilespmem:s31], [sflag:$0x5], $0x40, s20, s25, $0xb8;
	[tilespmem:$0x13080] =	vst v63  }
0x1e0: {  	_ =	swait.ge [sflag:s23], $0x2000  }
0x1e1: {  	[sflag:s23] =	ssyncset.done $0x0  }
0x1e2: {  	s21 =	simm.s32 $0x580;
	[sflag:s23] =	ssyncadd.s32 $0xFFFFE000  }
0x1e3: {  	[tilespmem:s31], [sflag:$0x4] =	stream.indirect.gather [hbm4b:s4+s25], $0x40, s21, s25, $0xb8;
	[tilespmem:$0x13080] =	vst v63  }
0x1e4: {  	_ =	swait.ge [sflag:s0], $0x2000  }
0x1e5: {  	[sflag:s0] =	ssyncset.done $0x0  }
0x1e6: {  	s28 =	simm.s32 $0xE00;
	[sflag:s0] =	ssyncadd.s32 $0xFFFFE000  }
0x1e7: {  	[spmem:s2] =	stream.indirect.scatter.add.bf16 [tilespmem:s22], [sflag:$0x5], $0x40, s28, s25, $0xb8;
	[tilespmem:$0x13080] =	vst v63  }
0x1e8: {  	_ =	swait.ge [sflag:s23], $0x2000  }
0x1e9: {  	[sflag:s23] =	ssyncset.done $0x0  }
0x1ea: {  	s30 =	simm.s32 $0x600;
	[sflag:s23] =	ssyncadd.s32 $0xFFFFE000  }
0x1eb: {  	[tilespmem:s22], [sflag:$0x1] =	stream.indirect.gather [hbm4b:s4+s25], $0x40, s30, s25, $0xb8;
	[tilespmem:$0x13080] =	vst v63  }
0x1ec: {  	_ =	swait.ge [sflag:s6], $0x2000  }
0x1ed: {  	[sflag:s6] =	ssyncset.done $0x0  }
0x1ee: {  	s12 =	simm.s32 $0xE80;
	[sflag:s6] =	ssyncadd.s32 $0xFFFFE000  }
0x1ef: {  	[spmem:s2] =	stream.indirect.scatter.add.bf16 [tilespmem:s26], [sflag:$0x5], $0x40, s12, s25, $0xb8;
	[tilespmem:$0x13080] =	vst v63  }
0x1f0: {  	_ =	swait.ge [sflag:s23], $0x2000  }
0x1f1: {  	[sflag:s23] =	ssyncset.done $0x0  }
0x1f2: {  	s12 =	simm.s32 $0x680;
	[sflag:s23] =	ssyncadd.s32 $0xFFFFE000  }
0x1f3: {  	[tilespmem:s26], [sflag:$0x2] =	stream.indirect.gather [hbm4b:s4+s25], $0x40, s12, s25, $0xb8;
	[tilespmem:$0x13080] =	vst v63  }
0x1f4: {  	_ =	swait.ge [sflag:s9], $0x2000  }
0x1f5: {  	[sflag:s9] =	ssyncset.done $0x0  }
0x1f6: {  	s12 =	simm.s32 $0xF00;
	[sflag:s9] =	ssyncadd.s32 $0xFFFFE000  }
0x1f7: {  	[spmem:s2] =	stream.indirect.scatter.add.bf16 [tilespmem:s29], [sflag:$0x5], $0x40, s12, s25, $0xb8;
	[tilespmem:$0x13080] =	vst v63  }
0x1f8: {  	_ =	swait.ge [sflag:s23], $0x2000  }
0x1f9: {  	[sflag:s23] =	ssyncset.done $0x0  }
0x1fa: {  	s12 =	simm.s32 $0x700;
	[sflag:s23] =	ssyncadd.s32 $0xFFFFE000  }
0x1fb: {  	[tilespmem:s29], [sflag:$0x3] =	stream.indirect.gather [hbm4b:s4+s25], $0x40, s12, s25, $0xb8;
	[tilespmem:$0x13080] =	vst v63  }
0x1fc: {  	_ =	swait.ge [sflag:s13], $0x2000  }
0x1fd: {  	[sflag:s13] =	ssyncset.done $0x0  }
0x1fe: {  	s12 =	simm.s32 $0xF80;
	[sflag:s13] =	ssyncadd.s32 $0xFFFFE000  }
0x1ff: {  	[spmem:s2] =	stream.indirect.scatter.add.bf16 [tilespmem:s31], [sflag:$0x5], $0x40, s12, s25, $0xb8;
	[tilespmem:$0x13080] =	vst v63  }
0x200: {  	_ =	swait.ge [sflag:s23], $0x2000  }
0x201: {  	[sflag:s23] =	ssyncset.done $0x0  }
0x202: {  	s12 =	simm.s32 $0x780;
	[sflag:s23] =	ssyncadd.s32 $0xFFFFE000  }
0x203: {  	[tilespmem:s31], [sflag:$0x4] =	stream.indirect.gather [hbm4b:s4+s25], $0x40, s12, s25, $0xb8;
	[tilespmem:$0x13080] =	vst v63  }
0x204: {  	_ =	swait.ge [sflag:s0], $0x2000  }
0x205: {  	[sflag:s0] =	ssyncset.done $0x0  }
0x206: {  	s12 =	simm.s32 $0x1000;
	[sflag:s0] =	ssyncadd.s32 $0xFFFFE000  }
0x207: {  	[spmem:s2] =	stream.indirect.scatter.add.bf16 [tilespmem:s22], [sflag:$0x5], $0x40, s12, s25, $0xb8;
	[tilespmem:$0x13080] =	vst v63  }
0x208: {  	_ =	swait.ge [sflag:s23], $0x2000  }
0x209: {  	[sflag:s23] =	ssyncset.done $0x0  }
0x20a: {  	s12 =	simm.s32 $0x800;
	[sflag:s23] =	ssyncadd.s32 $0xFFFFE000  }
0x20b: {  	[tilespmem:s22], [sflag:$0x1] =	stream.indirect.gather [hbm4b:s4+s25], $0x40, s12, s25, $0xb8;
	[tilespmem:$0x13080] =	vst v63  }
0x20c: {  	_ =	swait.ge [sflag:s6], $0x2000  }
0x20d: {  	[sflag:s6] =	ssyncset.done $0x0  }
0x20e: {  	s12 =	simm.s32 $0x1080;
	[sflag:s6] =	ssyncadd.s32 $0xFFFFE000  }
0x20f: {  	[spmem:s2] =	stream.indirect.scatter.add.bf16 [tilespmem:s26], [sflag:$0x5], $0x40, s12, s25, $0xb8;
	[tilespmem:$0x13080] =	vst v63  }
0x210: {  	_ =	swait.ge [sflag:s23], $0x2000  }
0x211: {  	[sflag:s23] =	ssyncset.done $0x0  }
0x212: {  	s12 =	simm.s32 $0x880;
	[sflag:s23] =	ssyncadd.s32 $0xFFFFE000  }
0x213: {  	[tilespmem:s26], [sflag:$0x2] =	stream.indirect.gather [hbm4b:s4+s25], $0x40, s12, s25, $0xb8;
	[tilespmem:$0x13080] =	vst v63  }
0x214: {  	_ =	swait.ge [sflag:s9], $0x2000  }
0x215: {  	[sflag:s9] =	ssyncset.done $0x0  }
0x216: {  	s12 =	simm.s32 $0x1100;
	[sflag:s9] =	ssyncadd.s32 $0xFFFFE000  }
0x217: {  	[spmem:s2] =	stream.indirect.scatter.add.bf16 [tilespmem:s29], [sflag:$0x5], $0x40, s12, s25, $0xb8;
	[tilespmem:$0x13080] =	vst v63  }
0x218: {  	_ =	swait.ge [sflag:s23], $0x2000  }
0x219: {  	[sflag:s23] =	ssyncset.done $0x0  }
0x21a: {  	s12 =	simm.s32 $0x900;
	[sflag:s23] =	ssyncadd.s32 $0xFFFFE000  }
0x21b: {  	[tilespmem:s29], [sflag:$0x3] =	stream.indirect.gather [hbm4b:s4+s25], $0x40, s12, s25, $0xb8;
	[tilespmem:$0x13080] =	vst v63  }
0x21c: {  	_ =	swait.ge [sflag:s13], $0x2000  }
0x21d: {  	[sflag:s13] =	ssyncset.done $0x0  }
0x21e: {  	s12 =	simm.s32 $0x1180;
	[sflag:s13] =	ssyncadd.s32 $0xFFFFE000  }
0x21f: {  	[spmem:s2] =	stream.indirect.scatter.add.bf16 [tilespmem:s31], [sflag:$0x5], $0x40, s12, s25, $0xb8;
	[tilespmem:$0x13080] =	vst v63  }
0x220: {  	_ =	swait.ge [sflag:s23], $0x2000  }
0x221: {  	[sflag:s23] =	ssyncset.done $0x0  }
0x222: {  	s12 =	simm.s32 $0x980;
	[sflag:s23] =	ssyncadd.s32 $0xFFFFE000  }
0x223: {  	[tilespmem:s31], [sflag:$0x4] =	stream.indirect.gather [hbm4b:s4+s25], $0x40, s12, s25, $0xb8;
	[tilespmem:$0x13080] =	vst v63  }
0x224: {  	_ =	swait.ge [sflag:s0], $0x2000  }
0x225: {  	[sflag:s0] =	ssyncset.done $0x0  }
0x226: {  	s12 =	simm.s32 $0x1200;
	[sflag:s0] =	ssyncadd.s32 $0xFFFFE000  }
0x227: {  	[spmem:s2] =	stream.indirect.scatter.add.bf16 [tilespmem:s22], [sflag:$0x5], $0x40, s12, s25, $0xb8;
	[tilespmem:$0x13080] =	vst v63  }
0x228: {  	_ =	swait.ge [sflag:s23], $0x2000  }
0x229: {  	[sflag:s23] =	ssyncset.done $0x0  }
0x22a: {  	[sflag:s23] =	ssyncadd.s32 $0xFFFFE000  }
0x22b: {  	_ =	swait.ge [sflag:s6], $0x2000  }
0x22c: {  	[sflag:s6] =	ssyncset.done $0x0  }
0x22d: {  	s12 =	simm.s32 $0x1280;
	[sflag:s6] =	ssyncadd.s32 $0xFFFFE000  }
0x22e: {  	[spmem:s2] =	stream.indirect.scatter.add.bf16 [tilespmem:s26], [sflag:$0x5], $0x40, s12, s25, $0xb8;
	[tilespmem:$0x13080] =	vst v63  }
0x22f: {  	_ =	swait.ge [sflag:s23], $0x2000  }
0x230: {  	[sflag:s23] =	ssyncset.done $0x0  }
0x231: {  	[sflag:s23] =	ssyncadd.s32 $0xFFFFE000  }
0x232: {  	_ =	swait.ge [sflag:s9], $0x2000  }
0x233: {  	[sflag:s9] =	ssyncset.done $0x0  }
0x234: {  	s12 =	simm.s32 $0x1300;
	[sflag:s9] =	ssyncadd.s32 $0xFFFFE000  }
0x235: {  	[spmem:s2] =	stream.indirect.scatter.add.bf16 [tilespmem:s29], [sflag:$0x5], $0x40, s12, s25, $0xb8;
	[tilespmem:$0x13080] =	vst v63  }
0x236: {  	_ =	swait.ge [sflag:s23], $0x2000  }
0x237: {  	[sflag:s23] =	ssyncset.done $0x0  }
0x238: {  	[sflag:s23] =	ssyncadd.s32 $0xFFFFE000  }
0x239: {  	_ =	swait.ge [sflag:s13], $0x2000  }
0x23a: {  	[sflag:s13] =	ssyncset.done $0x0  }
0x23b: {  	s12 =	simm.s32 $0x1380;
	[sflag:s13] =	ssyncadd.s32 $0xFFFFE000  }
0x23c: {  	[spmem:s2] =	stream.indirect.scatter.add.bf16 [tilespmem:s31], [sflag:$0x5], $0x40, s12, s25, $0xb8;
	[tilespmem:$0x13080] =	vst v63  }
0x23d: {  	_ =	swait.ge [sflag:s23], $0x2000  }
0x23e: {  	[sflag:s23] =	ssyncset.done $0x0  }
0x23f: {  	s12 =	rddreg [dreg:$0xf];
	[sflag:s23] =	ssyncadd.s32 $0xFFFFE000  }
0x240: {  	[tilespmem:s18], [sflag:$0x5] =	stream.linear.gather [hbm4b:s12+s18], $0xA00, $0x38;
	[tilespmem:$0x13080] =	vst v63  }
0x241: {  	_ =	swait.ge [sflag:s23], $0xA00  }
0x242: {  	[sflag:s23] =	ssyncset.done $0x0  }
0x243: {  	s12 =	rddreg [dreg:$0x10];
	[sflag:s23] =	ssyncadd.s32 $0xFFFFF600  }
0x244: {  	[tilespmem:s3], [sflag:$0x5] =	stream.linear.gather [hbm4b:s12+s18], $0xA00, $0x38;
	[tilespmem:$0x13080] =	vst v63  }
0x245: {  	_ =	swait.ge [sflag:s23], $0xA00  }
0x246: {  	[sflag:s23] =	ssyncset.done $0x0  }
0x247: {  	[sflag:s23] =	ssyncadd.s32 $0xFFFFF600  }
0x248: {  	[tilespmem:s22], [sflag:$0x1] =	stream.indirect.gather [hbm4b:s4+s25], $0x40, s18, s25, $0xb8;
	[tilespmem:$0x13080] =	vst v63  }
0x249: {  	_ = 	snop  }
0x24a: {  	[tilespmem:s26], [sflag:$0x2] =	stream.indirect.gather [hbm4b:s4+s25], $0x40, s25, s25, $0xb8;
	[tilespmem:$0x13080] =	vst v63  }
0x24b: {  	s24 =	simm.s32 $0x100  }
0x24c: {  	[tilespmem:s29], [sflag:$0x3] =	stream.indirect.gather [hbm4b:s4+s25], $0x40, s24, s25, $0xb8;
	[tilespmem:$0x13080] =	vst v63  }
0x24d: {  	s24 =	simm.s32 $0x180  }
0x24e: {  	[tilespmem:s31], [sflag:$0x4] =	stream.indirect.gather [hbm4b:s4+s25], $0x40, s24, s25, $0xb8;
	[tilespmem:$0x13080] =	vst v63  }
0x24f: {  	_ =	swait.ge [sflag:s0], $0x2000  }
0x250: {  	[sflag:s0] =	ssyncset.done $0x0  }
0x251: {  	[sflag:s0] =	ssyncadd.s32 $0xFFFFE000  }
0x252: {  	[spmem:s2] =	stream.indirect.scatter.add.bf16 [tilespmem:s22], [sflag:$0x5], $0x40, s3, s25, $0xb8;
	[tilespmem:$0x13080] =	vst v63  }
0x253: {  	_ =	swait.ge [sflag:s23], $0x2000  }
0x254: {  	[sflag:s23] =	ssyncset.done $0x0  }
0x255: {  	s12 =	simm.s32 $0x200;
	[sflag:s23] =	ssyncadd.s32 $0xFFFFE000  }
0x256: {  	[tilespmem:s22], [sflag:$0x1] =	stream.indirect.gather [hbm4b:s4+s25], $0x40, s12, s25, $0xb8;
	[tilespmem:$0x13080] =	vst v63  }
0x257: {  	_ =	swait.ge [sflag:s6], $0x2000  }
0x258: {  	[sflag:s6] =	ssyncset.done $0x0  }
0x259: {  	s11 =	simm.s32 $0xA80;
	[sflag:s6] =	ssyncadd.s32 $0xFFFFE000  }
0x25a: {  	[spmem:s2] =	stream.indirect.scatter.add.bf16 [tilespmem:s26], [sflag:$0x5], $0x40, s11, s25, $0xb8;
	[tilespmem:$0x13080] =	vst v63  }
0x25b: {  	_ =	swait.ge [sflag:s23], $0x2000  }
0x25c: {  	[sflag:s23] =	ssyncset.done $0x0  }
0x25d: {  	s14 =	simm.s32 $0x280;
	[sflag:s23] =	ssyncadd.s32 $0xFFFFE000  }
0x25e: {  	[tilespmem:s26], [sflag:$0x2] =	stream.indirect.gather [hbm4b:s4+s25], $0x40, s14, s25, $0xb8;
	[tilespmem:$0x13080] =	vst v63  }
0x25f: {  	_ =	swait.ge [sflag:s9], $0x2000  }
0x260: {  	[sflag:s9] =	ssyncset.done $0x0  }
0x261: {  	s15 =	simm.s32 $0xB00;
	[sflag:s9] =	ssyncadd.s32 $0xFFFFE000  }
0x262: {  	[spmem:s2] =	stream.indirect.scatter.add.bf16 [tilespmem:s29], [sflag:$0x5], $0x40, s15, s25, $0xb8;
	[tilespmem:$0x13080] =	vst v63  }
0x263: {  	_ =	swait.ge [sflag:s23], $0x2000  }
0x264: {  	[sflag:s23] =	ssyncset.done $0x0  }
0x265: {  	s7 =	simm.s32 $0x300;
	[sflag:s23] =	ssyncadd.s32 $0xFFFFE000  }
0x266: {  	[tilespmem:s29], [sflag:$0x3] =	stream.indirect.gather [hbm4b:s4+s25], $0x40, s7, s25, $0xb8;
	[tilespmem:$0x13080] =	vst v63  }
0x267: {  	_ =	swait.ge [sflag:s13], $0x2000  }
0x268: {  	[sflag:s13] =	ssyncset.done $0x0  }
0x269: {  	s16 =	simm.s32 $0xB80;
	[sflag:s13] =	ssyncadd.s32 $0xFFFFE000  }
0x26a: {  	[spmem:s2] =	stream.indirect.scatter.add.bf16 [tilespmem:s31], [sflag:$0x5], $0x40, s16, s25, $0xb8;
	[tilespmem:$0x13080] =	vst v63  }
0x26b: {  	_ =	swait.ge [sflag:s23], $0x2000  }
0x26c: {  	[sflag:s23] =	ssyncset.done $0x0  }
0x26d: {  	s17 =	simm.s32 $0x380;
	[sflag:s23] =	ssyncadd.s32 $0xFFFFE000  }
0x26e: {  	[tilespmem:s31], [sflag:$0x4] =	stream.indirect.gather [hbm4b:s4+s25], $0x40, s17, s25, $0xb8;
	[tilespmem:$0x13080] =	vst v63  }
0x26f: {  	_ =	swait.ge [sflag:s0], $0x2000  }
0x270: {  	[sflag:s0] =	ssyncset.done $0x0  }
0x271: {  	s1 =	simm.s32 $0xC00;
	[sflag:s0] =	ssyncadd.s32 $0xFFFFE000  }
0x272: {  	[spmem:s2] =	stream.indirect.scatter.add.bf16 [tilespmem:s22], [sflag:$0x5], $0x40, s1, s25, $0xb8;
	[tilespmem:$0x13080] =	vst v63  }
0x273: {  	_ =	swait.ge [sflag:s23], $0x2000  }
0x274: {  	[sflag:s23] =	ssyncset.done $0x0  }
0x275: {  	s15 =	simm.s32 $0x400;
	[sflag:s23] =	ssyncadd.s32 $0xFFFFE000  }
0x276: {  	[tilespmem:s22], [sflag:$0x1] =	stream.indirect.gather [hbm4b:s4+s25], $0x40, s15, s25, $0xb8;
	[tilespmem:$0x13080] =	vst v63  }
0x277: {  	_ =	swait.ge [sflag:s6], $0x2000  }
0x278: {  	[sflag:s6] =	ssyncset.done $0x0  }
0x279: {  	s5 =	simm.s32 $0xC80;
	[sflag:s6] =	ssyncadd.s32 $0xFFFFE000  }
0x27a: {  	[spmem:s2] =	stream.indirect.scatter.add.bf16 [tilespmem:s26], [sflag:$0x5], $0x40, s5, s25, $0xb8;
	[tilespmem:$0x13080] =	vst v63  }
0x27b: {  	_ =	swait.ge [sflag:s23], $0x2000  }
0x27c: {  	[sflag:s23] =	ssyncset.done $0x0  }
0x27d: {  	s10 =	simm.s32 $0x480;
	[sflag:s23] =	ssyncadd.s32 $0xFFFFE000  }
0x27e: {  	[tilespmem:s26], [sflag:$0x2] =	stream.indirect.gather [hbm4b:s4+s25], $0x40, s10, s25, $0xb8;
	[tilespmem:$0x13080] =	vst v63  }
0x27f: {  	_ =	swait.ge [sflag:s9], $0x2000  }
0x280: {  	[sflag:s9] =	ssyncset.done $0x0  }
0x281: {  	s16 =	simm.s32 $0xD00;
	[sflag:s9] =	ssyncadd.s32 $0xFFFFE000  }
0x282: {  	[spmem:s2] =	stream.indirect.scatter.add.bf16 [tilespmem:s29], [sflag:$0x5], $0x40, s16, s25, $0xb8;
	[tilespmem:$0x13080] =	vst v63  }
0x283: {  	_ =	swait.ge [sflag:s23], $0x2000  }
0x284: {  	[sflag:s23] =	ssyncset.done $0x0  }
0x285: {  	s19 =	simm.s32 $0x500;
	[sflag:s23] =	ssyncadd.s32 $0xFFFFE000  }
0x286: {  	[tilespmem:s29], [sflag:$0x3] =	stream.indirect.gather [hbm4b:s4+s25], $0x40, s19, s25, $0xb8;
	[tilespmem:$0x13080] =	vst v63  }
0x287: {  	_ =	swait.ge [sflag:s13], $0x2000  }
0x288: {  	[sflag:s13] =	ssyncset.done $0x0  }
0x289: {  	s20 =	simm.s32 $0xD80;
	[sflag:s13] =	ssyncadd.s32 $0xFFFFE000  }
0x28a: {  	[spmem:s2] =	stream.indirect.scatter.add.bf16 [tilespmem:s31], [sflag:$0x5], $0x40, s20, s25, $0xb8;
	[tilespmem:$0x13080] =	vst v63  }
0x28b: {  	_ =	swait.ge [sflag:s23], $0x2000  }
0x28c: {  	[sflag:s23] =	ssyncset.done $0x0  }
0x28d: {  	s21 =	simm.s32 $0x580;
	[sflag:s23] =	ssyncadd.s32 $0xFFFFE000  }
0x28e: {  	[tilespmem:s31], [sflag:$0x4] =	stream.indirect.gather [hbm4b:s4+s25], $0x40, s21, s25, $0xb8;
	[tilespmem:$0x13080] =	vst v63  }
0x28f: {  	_ =	swait.ge [sflag:s0], $0x2000  }
0x290: {  	[sflag:s0] =	ssyncset.done $0x0  }
0x291: {  	s28 =	simm.s32 $0xE00;
	[sflag:s0] =	ssyncadd.s32 $0xFFFFE000  }
0x292: {  	[spmem:s2] =	stream.indirect.scatter.add.bf16 [tilespmem:s22], [sflag:$0x5], $0x40, s28, s25, $0xb8;
	[tilespmem:$0x13080] =	vst v63  }
0x293: {  	_ =	swait.ge [sflag:s23], $0x2000  }
0x294: {  	[sflag:s23] =	ssyncset.done $0x0  }
0x295: {  	s30 =	simm.s32 $0x600;
	[sflag:s23] =	ssyncadd.s32 $0xFFFFE000  }
0x296: {  	[tilespmem:s22], [sflag:$0x1] =	stream.indirect.gather [hbm4b:s4+s25], $0x40, s30, s25, $0xb8;
	[tilespmem:$0x13080] =	vst v63  }
0x297: {  	_ =	swait.ge [sflag:s6], $0x2000  }
0x298: {  	[sflag:s6] =	ssyncset.done $0x0  }
0x299: {  	s17 =	simm.s32 $0xE80;
	[sflag:s6] =	ssyncadd.s32 $0xFFFFE000  }
0x29a: {  	[spmem:s2] =	stream.indirect.scatter.add.bf16 [tilespmem:s26], [sflag:$0x5], $0x40, s17, s25, $0xb8;
	[tilespmem:$0x13080] =	vst v63  }
0x29b: {  	_ =	swait.ge [sflag:s23], $0x2000  }
0x29c: {  	[sflag:s23] =	ssyncset.done $0x0  }
0x29d: {  	s19 =	simm.s32 $0x680;
	[sflag:s23] =	ssyncadd.s32 $0xFFFFE000  }
0x29e: {  	[tilespmem:s26], [sflag:$0x2] =	stream.indirect.gather [hbm4b:s4+s25], $0x40, s19, s25, $0xb8;
	[tilespmem:$0x13080] =	vst v63  }
0x29f: {  	_ =	swait.ge [sflag:s9], $0x2000  }
0x2a0: {  	[sflag:s9] =	ssyncset.done $0x0  }
0x2a1: {  	s20 =	simm.s32 $0xF00;
	[sflag:s9] =	ssyncadd.s32 $0xFFFFE000  }
0x2a2: {  	[spmem:s2] =	stream.indirect.scatter.add.bf16 [tilespmem:s29], [sflag:$0x5], $0x40, s20, s25, $0xb8;
	[tilespmem:$0x13080] =	vst v63  }
0x2a3: {  	_ =	swait.ge [sflag:s23], $0x2000  }
0x2a4: {  	[sflag:s23] =	ssyncset.done $0x0  }
0x2a5: {  	s21 =	simm.s32 $0x700;
	[sflag:s23] =	ssyncadd.s32 $0xFFFFE000  }
0x2a6: {  	[tilespmem:s29], [sflag:$0x3] =	stream.indirect.gather [hbm4b:s4+s25], $0x40, s21, s25, $0xb8;
	[tilespmem:$0x13080] =	vst v63  }
0x2a7: {  	_ =	swait.ge [sflag:s13], $0x2000  }
0x2a8: {  	[sflag:s13] =	ssyncset.done $0x0  }
0x2a9: {  	s24 =	simm.s32 $0xF80;
	[sflag:s13] =	ssyncadd.s32 $0xFFFFE000  }
0x2aa: {  	[spmem:s2] =	stream.indirect.scatter.add.bf16 [tilespmem:s31], [sflag:$0x5], $0x40, s24, s25, $0xb8;
	[tilespmem:$0x13080] =	vst v63  }
0x2ab: {  	_ =	swait.ge [sflag:s23], $0x2000  }
0x2ac: {  	[sflag:s23] =	ssyncset.done $0x0  }
0x2ad: {  	s28 =	simm.s32 $0x780;
	[sflag:s23] =	ssyncadd.s32 $0xFFFFE000  }
0x2ae: {  	[tilespmem:s31], [sflag:$0x4] =	stream.indirect.gather [hbm4b:s4+s25], $0x40, s28, s25, $0xb8;
	[tilespmem:$0x13080] =	vst v63  }
0x2af: {  	_ =	swait.ge [sflag:s0], $0x2000  }
0x2b0: {  	[sflag:s0] =	ssyncset.done $0x0  }
0x2b1: {  	s30 =	simm.s32 $0x1000;
	[sflag:s0] =	ssyncadd.s32 $0xFFFFE000  }
0x2b2: {  	[spmem:s2] =	stream.indirect.scatter.add.bf16 [tilespmem:s22], [sflag:$0x5], $0x40, s30, s25, $0xb8;
	[tilespmem:$0x13080] =	vst v63  }
0x2b3: {  	_ =	swait.ge [sflag:s23], $0x2000  }
0x2b4: {  	[sflag:s23] =	ssyncset.done $0x0  }
0x2b5: {  	s3 =	simm.s32 $0x800;
	[sflag:s23] =	ssyncadd.s32 $0xFFFFE000  }
0x2b6: {  	[tilespmem:s22], [sflag:$0x1] =	stream.indirect.gather [hbm4b:s4+s25], $0x40, s3, s25, $0xb8;
	[tilespmem:$0x13080] =	vst v63  }
0x2b7: {  	_ =	swait.ge [sflag:s6], $0x2000  }
0x2b8: {  	[sflag:s6] =	ssyncset.done $0x0  }
0x2b9: {  	s5 =	simm.s32 $0x1080;
	[sflag:s6] =	ssyncadd.s32 $0xFFFFE000  }
0x2ba: {  	[spmem:s2] =	stream.indirect.scatter.add.bf16 [tilespmem:s26], [sflag:$0x5], $0x40, s5, s25, $0xb8;
	[tilespmem:$0x13080] =	vst v63  }
0x2bb: {  	_ =	swait.ge [sflag:s23], $0x2000  }
0x2bc: {  	[sflag:s23] =	ssyncset.done $0x0  }
0x2bd: {  	s7 =	simm.s32 $0x880;
	[sflag:s23] =	ssyncadd.s32 $0xFFFFE000  }
0x2be: {  	[tilespmem:s26], [sflag:$0x2] =	stream.indirect.gather [hbm4b:s4+s25], $0x40, s7, s25, $0xb8;
	[tilespmem:$0x13080] =	vst v63  }
0x2bf: {  	_ =	swait.ge [sflag:s9], $0x2000  }
0x2c0: {  	[sflag:s9] =	ssyncset.done $0x0  }
0x2c1: {  	s10 =	simm.s32 $0x1100;
	[sflag:s9] =	ssyncadd.s32 $0xFFFFE000  }
0x2c2: {  	[spmem:s2] =	stream.indirect.scatter.add.bf16 [tilespmem:s29], [sflag:$0x5], $0x40, s10, s25, $0xb8;
	[tilespmem:$0x13080] =	vst v63  }
0x2c3: {  	_ =	swait.ge [sflag:s23], $0x2000  }
0x2c4: {  	[sflag:s23] =	ssyncset.done $0x0  }
0x2c5: {  	s11 =	simm.s32 $0x900;
	[sflag:s23] =	ssyncadd.s32 $0xFFFFE000  }
0x2c6: {  	[tilespmem:s29], [sflag:$0x3] =	stream.indirect.gather [hbm4b:s4+s25], $0x40, s11, s25, $0xb8;
	[tilespmem:$0x13080] =	vst v63  }
0x2c7: {  	_ =	swait.ge [sflag:s13], $0x2000  }
0x2c8: {  	[sflag:s13] =	ssyncset.done $0x0  }
0x2c9: {  	s12 =	simm.s32 $0x1180;
	[sflag:s13] =	ssyncadd.s32 $0xFFFFE000  }
0x2ca: {  	[spmem:s2] =	stream.indirect.scatter.add.bf16 [tilespmem:s31], [sflag:$0x5], $0x40, s12, s25, $0xb8;
	[tilespmem:$0x13080] =	vst v63  }
0x2cb: {  	_ =	swait.ge [sflag:s23], $0x2000  }
0x2cc: {  	[sflag:s23] =	ssyncset.done $0x0  }
0x2cd: {  	s14 =	simm.s32 $0x980;
	[sflag:s23] =	ssyncadd.s32 $0xFFFFE000  }
0x2ce: {  	[tilespmem:s31], [sflag:$0x4] =	stream.indirect.gather [hbm4b:s4+s25], $0x40, s14, s25, $0xb8;
	[tilespmem:$0x13080] =	vst v63  }
0x2cf: {  	_ =	swait.ge [sflag:s0], $0x2000  }
0x2d0: {  	[sflag:s0] =	ssyncset.done $0x0  }
0x2d1: {  	s15 =	simm.s32 $0x1200;
	[sflag:s0] =	ssyncadd.s32 $0xFFFFE000  }
0x2d2: {  	[spmem:s2] =	stream.indirect.scatter.add.bf16 [tilespmem:s22], [sflag:$0x5], $0x40, s15, s25, $0xb8;
	[tilespmem:$0x13080] =	vst v63  }
0x2d3: {  	_ =	swait.ge [sflag:s23], $0x2000  }
0x2d4: {  	[sflag:s23] =	ssyncset.done $0x0  }
0x2d5: {  	[sflag:s23] =	ssyncadd.s32 $0xFFFFE000  }
0x2d6: {  	_ =	swait.ge [sflag:s6], $0x2000  }
0x2d7: {  	[sflag:s6] =	ssyncset.done $0x0  }
0x2d8: {  	s16 =	simm.s32 $0x1280;
	[sflag:s6] =	ssyncadd.s32 $0xFFFFE000  }
0x2d9: {  	[spmem:s2] =	stream.indirect.scatter.add.bf16 [tilespmem:s26], [sflag:$0x5], $0x40, s16, s25, $0xb8;
	[tilespmem:$0x13080] =	vst v63  }
0x2da: {  	_ =	swait.ge [sflag:s23], $0x2000  }
0x2db: {  	[sflag:s23] =	ssyncset.done $0x0  }
0x2dc: {  	[sflag:s23] =	ssyncadd.s32 $0xFFFFE000  }
0x2dd: {  	_ =	swait.ge [sflag:s9], $0x2000  }
0x2de: {  	[sflag:s9] =	ssyncset.done $0x0  }
0x2df: {  	s17 =	simm.s32 $0x1300;
	[sflag:s9] =	ssyncadd.s32 $0xFFFFE000  }
0x2e0: {  	[spmem:s2] =	stream.indirect.scatter.add.bf16 [tilespmem:s29], [sflag:$0x5], $0x40, s17, s25, $0xb8;
	[tilespmem:$0x13080] =	vst v63  }
0x2e1: {  	_ =	swait.ge [sflag:s23], $0x2000  }
0x2e2: {  	[sflag:s23] =	ssyncset.done $0x0  }
0x2e3: {  	[sflag:s23] =	ssyncadd.s32 $0xFFFFE000  }
0x2e4: {  	_ =	swait.ge [sflag:s13], $0x2000  }
0x2e5: {  	[sflag:s13] =	ssyncset.done $0x0  }
0x2e6: {  	s19 =	simm.s32 $0x1380;
	[sflag:s13] =	ssyncadd.s32 $0xFFFFE000  }
0x2e7: {  	[spmem:s2] =	stream.indirect.scatter.add.bf16 [tilespmem:s31], [sflag:$0x5], $0x40, s19, s25, $0xb8;
	[tilespmem:$0x13080] =	vst v63  }
0x2e8: {  	_ =	swait.ge [sflag:s23], $0x2000  }
0x2e9: {  	[sflag:s23] =	ssyncset.done $0x0  }
0x2ea: {  	[sflag:s23] =	ssyncadd.s32 $0xFFFFE000  }
0x2eb: {  	s20 =	stileid.u32;
	[bflag:$0x0] =	sbarrier.arrive $0xFFFF  }
0x2ec: {  	s12 =	sshll.u32 s20, $0x6;
	s21 =	rddreg [dreg:$0x3]  }
0x2ed: {  	s12 =	sor.u32 $0x1C05, s12;
	s28 =	rddreg [dreg:$0x11];
	s24 =	sshrl.u32 s21, $0x3  }
0x2ee: {  	[hbm:s28], [sflag:s12] =	dma.local [spmem:s24], $0x1380  }
0x2ef: {  	_ =	swait.ge [sflag:s23], $0x1380  }
0x2f0: {  	s1 =	rddreg [dreg:$0x8]  }
0x2f1: {  	[sflag:s23] =	ssyncset.done $0x0;
	s15 =	rddreg [dreg:$0x12]  }
0x2f2: {  	[sflag:s23] =	ssyncadd.s32 $0xFFFFEC80;
	s14 =	sshrl.u32 @!p0 s1, $0x3;
	s1 =	simm.s32 @!p0 $0x5  }
0x2f3: {  	[hbm:s15], [sflag:s12] =	dma.local @!p0 [spmem:s14], $0x80  }
0x2f4: {  	_ =	swait.ge @!p0 [sflag:s1], $0x80  }
0x2f5: {  	s8 =	sadd.s32 $0x1, s8;
	s30 =	rddreg [dreg:$0x13]  }
0x2f6: {  	p1 =	sne.s32 s8, s30  }
.Ltmp1:
0x2f7: {  	_ = 	snop;
	(pc) =	sbr.rel @p1 .LBB2_1-.Ltmp1, $3  }
0x2f8: {  	_ =	sdelay $0x1  }
0x2f9: {  	[sflag:s1] =	ssyncset.done @!p0 $0x0;
	s1 =	simm.s32 @!p0 $0x5  }
0x2fa: {  	[sflag:s1] =	ssyncadd.s32 @!p0 $0xFFFFFF80  }
0x2fb: {  	_ =	sfence.sel $0x180000  }
0x2fc: {  	[bflag:$0x0] =	sbarrier.arrive $0xFFFF  }
0x2fd: {  	_ =	strace $0x9000004A  }
0x2fe: {  	s0 =	stileid.u32;
	[bflag:$0x2] =	sbarrier.arrive $0xFFFF  }
0x2ff: {  	p0 =	sne.s32 s0, $0x0;
	s0 =	rddreg [dreg:$0x2]  }
0x300: {  	s0 =	sadd.s32 @!p0 $0x100000, s0  }
0x301: {  	[sflag:s0] =	ssyncadd.tile.s32 @!p0 $0x1;
	_ =	shalt  }
.Lfunc_end2:
_tile_overlayer_lowered:
.L_overlay_start_2:
0x302: {  	(tag) =	ssettag $0x2  }
0x303: {  	s0 =	rddreg [dreg:$0x0];
	s2 =	stileid.u32  }
0x304: {  	s1 =	rddreg [dreg:$0x1];
	p0 =	sne.s32 s2, $0x0  }
0x305: {  	s3 =	rddreg [dreg:$0x2];
	[bflag:$0x3] =	sbarrier.arrive $0xFFFF;
	s2 =	simm.s32 @!p0 $0x1C05  }
0x306: {  	[timem:s3], [sflag:s2] =	dma.local @!p0 [hbm:s0], s1  }
0x307: {  	s0 =	simm.s32 @!p0 $0x5  }
0x308: {  	_ =	swait.ge @!p0 [sflag:s0], s1  }
0x309: {  	s1 =	ssub.s32 @!p0 $0x0, s1;
	[sflag:s0] =	ssyncset.done @!p0 $0x0  }
0x30a: {  	[sflag:s0] =	ssyncadd.s32 @!p0 s1  }
0x30b: {  	[bflag:$0x3] =	sbarrier.arrive $0xFFFF  }
0x30c: {  	_ =	shalt  }

// kernel: kernel.15.cloned.1.call-start
scs
__scs_entry_jumppad:
0x0: {  	(pc) =	sbr.rel $0x88, $3  }
0x1: {  	(tag) =	ssettag $0x0;
	lr =	simm.s32 $0x1  }
0x2: {  	[smem:$0x3F99] =	sst lr;
	_ =	strace $0xD0000000  }
0x3: {  	_ = 	snop  }
0x4: {  	_ = 	snop  }
0x5: {  	_ = 	snop  }
0x6: {  	_ = 	snop  }
0x7: {  	_ = 	snop  }
__scs_overlays_trampoline_lowered:
0x8: {  	[smem:$0x3FA8] =	sst s0  }
0x9: {  	[smem:$0x3FA9] =	sst s1  }
0xa: {  	[smem:$0x3FAA] =	sst s2  }
0xb: {  	[smem:$0x3FAB] =	sst s3  }
0xc: {  	[smem:$0x3FAC] =	sst s4  }
0xd: {  	[smem:$0x3FAD] =	sst s5  }
0xe: {  	[smem:$0x3FAE] =	sst s6  }
0xf: {  	[smem:$0x3FAF] =	sst s7  }
0x10: {  	[smem:$0x3FB0] =	sst s8  }
0x11: {  	[smem:$0x3FB1] =	sst s9;
	s0 =	simm.s32 @!p0 $0x0  }
0x12: {  	s1 =	sld [smem:$0x3F97];
	s0 =	simm.s32 @p0 $0x1  }
0x13: {  	[smem:$0x3FB2] =	sst s0;
	s0 =	simm.s32 @!p1 $0x0  }
0x14: {  	s2 =	sld [smem:$0x3F96];
	s0 =	simm.s32 @p1 $0x1  }
0x15: {  	[smem:$0x3FB3] =	sst s0;
	s0 =	simm.s32 @!p2 $0x0  }
0x16: {  	s3 =	sld [smem:$0x3FDB];
	s0 =	simm.s32 @p2 $0x1  }
0x17: {  	s4 =	simm.s32 $0x1BF5;
	[smem:$0x3FB5] =	sst s0  }
0x18: {  	s0 =	sld [smem:$0x3F98];
	_ =	swait.ge [sflag:s4], $0x0  }
0x19: {  	s7 =	sld [smem:$0x3F99]  }
0x1a: {  	s8 =	sadd.s32 $0xFFFFE003, lr  }
0x1b: {  	s9 =	sadd.s32 $0xFFFFFEF7, lr;
	s5 =	simm.s32 $0xFFFFFFFF;
	p2 =	slt.u32 s8, $0xFFFFF086  }
0x1c: {  	p1 =	slt.u32 s9, $0xF7A;
	s5 =	simm.s32 @!p2 $0x0  }
0x1d: {  	s5 =	simm.s32 @p1 $0x1;
	p0 =	seq.s32 s7, s2  }
0x1e: {  	s7 =	smul.u32 @!p0 $0xF7A, s2;
	p2 =	seq.s32 @!p0 s5, $0x0  }
0x1f: {  	s9 =	smul.u32 $0xF7A, s1;
	s8 =	simm.s32 @!p0 $0x1BF5;
	p2 =	por !p2, p0  }
0x20: {  	[sflag:s8] =	ssyncset.s32 @!p0 $0xFFFFF086;
	s6 =	sadd.s32 @!p0 s3, s7;
	s7 =	simm.s32 @!p0 $0x108  }
0x21: {  	s3 =	sadd.s32 s3, s9;
	s6 =	sadd.s32 @!p0 $0x88, s6;
	s7 =	simm.s32 @p2 $0x1082  }
0x22: {  	[simem:s7], [sflag:s8] =	dma.local @!p0 [hbm:s6], $0xF7A  }
0x23: {  	s9 =	sor.u32 $0xD0000000, s2;
	s6 =	simm.s32 $0x108;
	_ =	swait.ge @!p0 [sflag:s8], $0x0  }
0x24: {  	s3 =	sadd.s32 $0x88, s3;
	s6 =	simm.s32 @!p1 $0x1082;
	[sflag:s4] =	ssyncset.s32 $0xFFFFF086  }
0x25: {  	[simem:s6], [sflag:s4] =	dma.local [hbm:s3], $0xF7A  }
0x26: {  	[smem:$0x3F99] =	sst s1;
	(tag) =	ssettag s2;
	_ =	strace s9  }
0x27: {  	s1 =	sld [smem:$0x3FA9]  }
0x28: {  	s2 =	sld [smem:$0x3FAA]  }
0x29: {  	s4 =	sld [smem:$0x3FAC]  }
0x2a: {  	p0 =	seq.s32 s5, $0x0;
	s5 =	sld [smem:$0x3FAD]  }
0x2b: {  	s6 =	sld [smem:$0x3FAE]  }
0x2c: {  	s7 =	sld [smem:$0x3FAF]  }
0x2d: {  	s3 =	simm.s32 $0x108;
	s8 =	sld [smem:$0x3FB0]  }
0x2e: {  	s3 =	simm.s32 @!p0 $0x1082;
	s9 =	sld [smem:$0x3FB1]  }
0x2f: {  	lr =	sadd.s32 s0, s3;
	s0 =	sld [smem:$0x3FA8]  }
0x30: {  	s3 =	sld [smem:$0x3FAB]  }
0x31: {  	[smem:$0x3FB4] =	sst s10  }
0x32: {  	s10 =	sld [smem:$0x3FB2];
	_ =	sdelay $0x3  }
0x33: {  	p0 =	seq.s32 s10, $0x1;
	s10 =	sld [smem:$0x3FB4];
	_ =	sdelay $0x3  }
0x34: {  	[smem:$0x3FB4] =	sst s10  }
0x35: {  	s10 =	sld [smem:$0x3FB3];
	_ =	sdelay $0x3  }
0x36: {  	p1 =	seq.s32 s10, $0x1;
	s10 =	sld [smem:$0x3FB4];
	_ =	sdelay $0x3  }
0x37: {  	[smem:$0x3FB4] =	sst s10  }
0x38: {  	s10 =	sld [smem:$0x3FB5]  }
0x39: {  	_ = 	snop;
	(pc) =	sbr.ind lr, $3  }
0x3a: {  	_ = 	snop  }
0x3b: {  	_ = 	snop  }
0x3c: {  	p2 =	seq.s32 s10, $0x1;
	s10 =	sld [smem:$0x3FB4]  }
0x3d: {  	_ =	shalt  }
0x3e: {  	_ =	shalt  }
0x3f: {  	_ =	shalt  }
0x40: {  	_ =	shalt  }
0x41: {  	_ =	shalt  }
0x42: {  	_ =	shalt  }
0x43: {  	_ =	shalt  }
0x44: {  	_ =	shalt  }
0x45: {  	_ =	shalt  }
0x46: {  	_ =	shalt  }
0x47: {  	_ =	shalt  }
0x48: {  	_ =	shalt  }
0x49: {  	_ =	shalt  }
0x4a: {  	_ =	shalt  }
0x4b: {  	_ =	shalt  }
0x4c: {  	_ =	shalt  }
0x4d: {  	_ =	shalt  }
0x4e: {  	_ =	shalt  }
0x4f: {  	_ =	shalt  }
0x50: {  	_ =	shalt  }
0x51: {  	_ =	shalt  }
0x52: {  	_ =	shalt  }
0x53: {  	_ =	shalt  }
0x54: {  	_ =	shalt  }
0x55: {  	_ =	shalt  }
0x56: {  	_ =	shalt  }
0x57: {  	_ =	shalt  }
0x58: {  	_ =	shalt  }
0x59: {  	_ =	shalt  }
0x5a: {  	_ =	shalt  }
0x5b: {  	_ =	shalt  }
0x5c: {  	_ =	shalt  }
0x5d: {  	_ =	shalt  }
0x5e: {  	_ =	shalt  }
0x5f: {  	_ =	shalt  }
0x60: {  	_ =	shalt  }
0x61: {  	_ =	shalt  }
0x62: {  	_ =	shalt  }
0x63: {  	_ =	shalt  }
0x64: {  	_ =	shalt  }
0x65: {  	_ =	shalt  }
0x66: {  	_ =	shalt  }
0x67: {  	_ =	shalt  }
0x68: {  	_ =	shalt  }
0x69: {  	_ =	shalt  }
0x6a: {  	_ =	shalt  }
0x6b: {  	_ =	shalt  }
0x6c: {  	_ =	shalt  }
0x6d: {  	_ =	shalt  }
0x6e: {  	_ =	shalt  }
0x6f: {  	_ =	shalt  }
0x70: {  	_ =	shalt  }
0x71: {  	_ =	shalt  }
0x72: {  	_ =	shalt  }
0x73: {  	_ =	shalt  }
0x74: {  	_ =	shalt  }
0x75: {  	_ =	shalt  }
0x76: {  	_ =	shalt  }
0x77: {  	_ =	shalt  }
0x78: {  	_ =	shalt  }
0x79: {  	_ =	shalt  }
0x7a: {  	_ =	shalt  }
0x7b: {  	_ =	shalt  }
0x7c: {  	_ =	shalt  }
0x7d: {  	_ =	shalt  }
0x7e: {  	_ =	shalt  }
0x7f: {  	_ =	shalt  }
0x80: {  	_ =	shalt  }
0x81: {  	_ =	shalt  }
0x82: {  	_ =	shalt  }
0x83: {  	_ =	shalt  }
0x84: {  	_ =	shalt  }
0x85: {  	_ =	shalt  }
0x86: {  	_ =	shalt  }
0x87: {  	_ =	shalt  }
.Lfunc_end0:
.L_simem_size_0:
called_computation.2_lowered:
.L_overlay_start_0:
0x88: {  	s2 =	sld [smem:$0x3FD9]  }
0x89: {  	s3 =	sld [smem:$0x3FFE];
	_ =	sdelay $0x1  }
0x8a: {  	s1 =	srdreg.scid  }
0x8b: {  	s0 =	sand.u32 $0x1, s1  }
0x8c: {  	s17 =	sshll.u32 s0, $0xA;
	s2 =	sadd.s32 s3, s2  }
0x8d: {  	s2 =	sadd.s32 s2, s17  }
0x8e: {  	[smem:$0x3FC0] =	sst s2  }
0x8f: {  	_ = 	snop  }
0x90: {  	s2 =	sld [smem:$0x3FD0];
	(tm) =	ssettm $0x1  }
0x91: {  	s18 =	sld [smem:$0x3FFB];
	_ =	sdelay $0x3  }
0x92: {  	_ =	strace s18  }
0x93: {  	s3 =	sld [smem:$0x3FFC];
	_ =	sdelay $0x3  }
0x94: {  	_ =	strace s3  }
0x95: {  	s3 =	sld [smem:$0x3FFD];
	_ =	sdelay $0x3  }
0x96: {  	_ =	strace s3  }
0x97: {  	_ =	strace $0x8FFFFFFF  }
0x98: {  	s19 =	sld [smem:$0x3FDB];
	_ =	sdelay $0x1  }
0x99: {  	s4 =	simm.s32 $_scs_section_size  }
0x9a: {  	s5 =	simm.s32 $_size__tile_overlayer_lowered;
	s6 =	simm.s32 $_tile_overlayer_lowered  }
0x9b: {  	s22 =	simm.s32 $0x1BFF;
	s21 =	sshll.u32 s6, $0x1;
	s3 =	sadd.s32 s4, s19  }
0x9c: {  	s7 =	simm.s32 $0x0;
	s20 =	sshll.u32 s5, $0x1;
	s5 =	sadd.s32 s21, s3  }
0x9d: {  	[timem:s7], [sflag:s22] =	dma.local [hbm:s5], s20  }
0x9e: {  	_ =	swait.ge [sflag:s22], s20  }
0x9f: {  	s4 =	ssub.s32 $0x0, s20;
	[sflag:s22] =	ssyncset.done $0x0  }
0xa0: {  	[sflag:s22] =	ssyncadd.s32 s4;
	_ =	sdelay $0x1  }
0xa1: {  	s23 =	simm.s32 $0x1B8B  }
0xa2: {  	_ =	swait.ge [sflag:s23], $0x1  }
0xa3: {  	[sflag:s23] =	ssyncset.done $0x0  }
0xa4: {  	s25 =	simm.s32 $0x1B8E;
	s24 =	sld [smem:$0x3FFE];
	[sflag:s23] =	ssyncadd.s32 $0xFFFFFFFF  }
0xa5: {  	s26 =	simm.s32 $execute0_lowered;
	[smem:$0x3FD2] =	sst s25  }
0xa6: {  	s5 =	sshll.u32 s26, $0x1;
	_ =	strace $0x8000004C;
	[dreg:$0x1] =	wrdreg $0xFFFFFFFF  }
0xa7: {  	s28 =	simm.s32 $_size_execute0_lowered;
	s3 =	sadd.s32 s3, s5;
	[dreg:$0x0] =	wrdreg $0x0  }
0xa8: {  	s5 =	sshll.u32 s28, $0x1;
	[dreg:$0x2] =	wrdreg s3  }
0xa9: {  	[dreg:$0x3] =	wrdreg s5  }
0xaa: {  	[dreg:$0x4] =	wrdreg $0xC0  }
0xab: {  	_ =	task [dreg:s7], $0x5FFFF  }
0xac: {  	[dreg:$0x1] =	wrdreg $0xFFFFFFFF  }
0xad: {  	[dreg:$0x0] =	wrdreg $0x60  }
0xae: {  	[dreg:$0x2] =	wrdreg s2  }
0xaf: {  	[dreg:$0x3] =	wrdreg s24  }
0xb0: {  	[dreg:$0x4] =	wrdreg $0x48000  }
0xb1: {  	[dreg:$0x5] =	wrdreg $0x9  }
0xb2: {  	_ =	task.clear_ibuf [dreg:s7], $0x6FFFF;
	_ =	strace $0x9000004C  }
0xb3: {  	s29 =	simm.s32 $0x9;
	_ =	strace $0x8000004E  }
0xb4: {  	_ =	swait.ge [sflag:s29], $0x1  }
0xb5: {  	[sflag:s29] =	ssyncadd.s32 $0xFFFFFFFF  }
0xb6: {  	_ =	strace $0x9000004E  }
0xb7: {  	_ =	sfence  }
0xb8: {  	s30 =	sld [smem:$0x0];
	_ =	sdelay $0x2  }
0xb9: {  	s31 =	sshll.u32 s1, $0xD;
	s1 =	sshrl.u32 s1, $0x2  }
0xba: {  	s3 =	sand.u32 $0x4000, s31;
	s1 =	sadd.s32 s1, s30  }
0xbb: {  	s0 =	sor.u32 s3, s0;
	s1 =	sshll.u32 s1, $0x11  }
0xbc: {  	s0 =	sor.u32 s1, s0  }
0xbd: {  	s0 =	sadd.s32 $0x8F2B, s0  }
0xbe: {  	[sflag:s0] =	ssyncadd.remote.s32 $0x1  }
0xbf: {  	_ =	sfence.sel $0xFFFF  }
0xc0: {  	[dreg:$0x0] =	wrdreg $0xFFFFFFFF;
	(pc) =	sbr.abs _section_cstart, $3  }
0xc1: {  	[dreg:$0x1] =	wrdreg $0xFFFFFFFF  }
0xc2: {  	_ =	task.clear_ibuf [dreg:s7], $0x2FFFF;
	_ =	strace $0x9FFFFFFF  }
0xc3: {  	(tm) =	ssettm $0x7FFFFFFF  }
tec
execute0_lowered:
.L_overlay_start_1:
0x0: {  	(tag) =	ssettag $0x1  }
0x1: {  	s1 =	rddreg [dreg:$0x0]  }
0x2: {  	s0 =	srdreg.scid;
	s2 =	rddreg [dreg:$0x1]  }
0x3: {  	s13 =	stileid.u32;
	s3 =	rddreg [dreg:$0x2];
	s16 =	simm.s32 $0x80  }
0x4: {  	s17 =	simm.s32 $0x2800;
	s18 =	simm.s32 $0x3000;
	s20 =	simm.s32 $0x3800  }
0x5: {  	s21 =	simm.s32 $0x180;
	s22 =	simm.s32 $0x4000;
	s28 =	simm.s32 $0x2600  }
0x6: {  	s29 =	simm.s32 $0x2680;
	s30 =	simm.s32 $0x2700;
	s9 =	smul.u32 $0x9C00, s13  }
0x7: {  	s31 =	simm.s32 $0x2780;
	s0 =	sand.u32 $0x1, s0;
	s10 =	smul.u32 $0x4E0, s13  }
0x8: {  	s24 =	sshll.u32 s13, $0x6;
	s14 =	sadd.s32 $0x27000, s3;
	p0 =	sne.s32 s13, $0xF  }
0x9: {  	s4 =	sshll.u32 s0, $0x4;
	s6 =	ssub.s32 $0x2, s0;
	s25 =	smul.u32 $0x27100, s0  }
0xa: {  	s0 =	smul.u32 $0x4E20, s0;
	s14 =	sshrl.u32 @!p0 s14, $0x3;
	s5 =	sor.u32 s13, s4  }
0xb: {  	s4 =	simm.s32 $0x0;
	s7 =	sshrl.u32 s6, $0x1;
	s23 =	sshrl.u32 s9, $0x2  }
0xc: {  	s13 =	simm.s32 $0x5;
	s5 =	smul.u32 $0x280, s5;
	[smem:$0x7FF] =	sst s4  }
0xd: {  	s11 =	ssub.s32 s6, s7;
	s12 =	sadd.s32 s23, s3;
	s6 =	sor.u32 $0x1C05, s24  }
0xe: {  	s9 =	sshrl.u32 s25, $0x3;
	s0 =	sadd.s32 s10, s0;
	s23 =	simm.s32 $0x1  }
0xf: {  	s24 =	simm.s32 $0x2;
	s25 =	simm.s32 $0x3;
	_ =	strace $0x8000004D  }
0x10: {  	s11 =	smax.u32 s11, $0x1;
	s12 =	sshrl.u32 s12, $0x3;
	s8 =	sadd.s32 s5, s2  }
0x11: {  	s5 =	sadd.s32 $0x6E00, s2;
	s2 =	sadd.s32 $0x7400, s2;
	s7 =	sadd.s32 $0x11200, s8  }
0x12: {  	s8 =	sadd.s32 $0x1E00, s8;
	s26 =	sadd.s32 s2, s9;
	s9 =	sadd.s32 s2, s0  }
0x13: {  	s2 =	simm.s32 $0x0;
	s10 =	sadd.s32 $0x4E00, s26;
	s26 =	simm.s32 $0x4  }
.LBB2_1:
0x14: {  	[spmem:s12], [sflag:s6] =	dma.local [hbm:s5], $0x4E0  }
0x15: {  	_ =	swait.ge [sflag:s13], $0x4E0  }
0x16: {  	[sflag:s13] =	ssyncset.done $0x0  }
0x17: {  	s0 =	simm.s32 @!p0 $0x5;
	[sflag:s13] =	ssyncadd.s32 $0xFFFFFB20  }
0x18: {  	[spmem:s14], [sflag:s6] =	dma.local @!p0 [hbm:s5], $0x40  }
0x19: {  	_ =	swait.ge @!p0 [sflag:s0], $0x40  }
0x1a: {  	[sflag:s0] =	ssyncset.done @!p0 $0x0  }
0x1b: {  	[sflag:s0] =	ssyncadd.s32 @!p0 $0xFFFFFFC0  }
0x1c: {  	[tilespmem:s4], [sflag:$0x5] =	stream.linear.gather [hbm4b:s7+s4], $0x1400, $0x38;
	[tilespmem:$0x6F20] =	vst v63  }
0x1d: {  	_ =	swait.ge [sflag:s13], $0x1400  }
0x1e: {  	[sflag:s13] =	ssyncset.done $0x0  }
0x1f: {  	s19 =	simm.s32 $0x1400;
	[sflag:s13] =	ssyncadd.s32 $0xFFFFEC00  }
0x20: {  	[tilespmem:s19], [sflag:$0x5] =	stream.linear.gather [hbm4b:s8+s4], $0x1400, $0x38;
	[tilespmem:$0x6F20] =	vst v63  }
0x21: {  	_ =	swait.ge [sflag:s13], $0x1400  }
0x22: {  	[sflag:s13] =	ssyncset.done $0x0  }
0x23: {  	[sflag:s13] =	ssyncadd.s32 $0xFFFFEC00  }
0x24: {  	[bflag:$0x0] =	sbarrier.arrive $0xFFFF  }
0x25: {  	[tilespmem:s17], [sflag:$0x1] =	stream.indirect.gather [hbm4b:s1+s16], $0x10, s4, s16, $0xb8;
	[tilespmem:$0x6F20] =	vst v63  }
0x26: {  	_ = 	snop  }
0x27: {  	[tilespmem:s18], [sflag:$0x2] =	stream.indirect.gather [hbm4b:s1+s16], $0x10, s16, s16, $0xb8;
	[tilespmem:$0x6F20] =	vst v63  }
0x28: {  	s15 =	simm.s32 $0x100  }
0x29: {  	[tilespmem:s20], [sflag:$0x3] =	stream.indirect.gather [hbm4b:s1+s16], $0x10, s15, s16, $0xb8;
	[tilespmem:$0x6F20] =	vst v63  }
0x2a: {  	_ = 	snop  }
0x2b: {  	[tilespmem:s22], [sflag:$0x4] =	stream.indirect.gather [hbm4b:s1+s16], $0x10, s21, s16, $0xb8;
	[tilespmem:$0x6F20] =	vst v63  }
0x2c: {  	_ =	swait.ge [sflag:s23], $0x800  }
0x2d: {  	[sflag:s23] =	ssyncset.done $0x0  }
0x2e: {  	s19 =	simm.s32 $0x1400;
	[sflag:s23] =	ssyncadd.s32 $0xFFFFF800  }
0x2f: {  	[spmem:s3] =	stream.indirect.scatter.add.f32 [tilespmem:s17], [sflag:$0x5], $0x10, s19, s16, $0xb8;
	[tilespmem:$0x6F20] =	vst v63  }
0x30: {  	_ =	swait.ge [sflag:s13], $0x800  }
0x31: {  	[sflag:s13] =	ssyncset.done $0x0  }
0x32: {  	s15 =	simm.s32 $0x200;
	[sflag:s13] =	ssyncadd.s32 $0xFFFFF800  }
0x33: {  	[tilespmem:s17], [sflag:$0x1] =	stream.indirect.gather [hbm4b:s1+s16], $0x10, s15, s16, $0xb8;
	[tilespmem:$0x6F20] =	vst v63  }
0x34: {  	_ =	swait.ge [sflag:s24], $0x800  }
0x35: {  	[sflag:s24] =	ssyncset.done $0x0  }
0x36: {  	s19 =	simm.s32 $0x1480;
	[sflag:s24] =	ssyncadd.s32 $0xFFFFF800  }
0x37: {  	[spmem:s3] =	stream.indirect.scatter.add.f32 [tilespmem:s18], [sflag:$0x5], $0x10, s19, s16, $0xb8;
	[tilespmem:$0x6F20] =	vst v63  }
0x38: {  	_ =	swait.ge [sflag:s13], $0x800  }
0x39: {  	[sflag:s13] =	ssyncset.done $0x0  }
0x3a: {  	s15 =	simm.s32 $0x280;
	[sflag:s13] =	ssyncadd.s32 $0xFFFFF800  }
0x3b: {  	[tilespmem:s18], [sflag:$0x2] =	stream.indirect.gather [hbm4b:s1+s16], $0x10, s15, s16, $0xb8;
	[tilespmem:$0x6F20] =	vst v63  }
0x3c: {  	_ =	swait.ge [sflag:s25], $0x800  }
0x3d: {  	[sflag:s25] =	ssyncset.done $0x0  }
0x3e: {  	s19 =	simm.s32 $0x1500;
	[sflag:s25] =	ssyncadd.s32 $0xFFFFF800  }
0x3f: {  	[spmem:s3] =	stream.indirect.scatter.add.f32 [tilespmem:s20], [sflag:$0x5], $0x10, s19, s16, $0xb8;
	[tilespmem:$0x6F20] =	vst v63  }
0x40: {  	_ =	swait.ge [sflag:s13], $0x800  }
0x41: {  	[sflag:s13] =	ssyncset.done $0x0  }
0x42: {  	s15 =	simm.s32 $0x300;
	[sflag:s13] =	ssyncadd.s32 $0xFFFFF800  }
0x43: {  	[tilespmem:s20], [sflag:$0x3] =	stream.indirect.gather [hbm4b:s1+s16], $0x10, s15, s16, $0xb8;
	[tilespmem:$0x6F20] =	vst v63  }
0x44: {  	_ =	swait.ge [sflag:s26], $0x800  }
0x45: {  	[sflag:s26] =	ssyncset.done $0x0  }
0x46: {  	s19 =	simm.s32 $0x1580;
	[sflag:s26] =	ssyncadd.s32 $0xFFFFF800  }
0x47: {  	[spmem:s3] =	stream.indirect.scatter.add.f32 [tilespmem:s22], [sflag:$0x5], $0x10, s19, s16, $0xb8;
	[tilespmem:$0x6F20] =	vst v63  }
0x48: {  	_ =	swait.ge [sflag:s13], $0x800  }
0x49: {  	[sflag:s13] =	ssyncset.done $0x0  }
0x4a: {  	s0 =	simm.s32 $0x800;
	s15 =	simm.s32 $0x380;
	[sflag:s13] =	ssyncadd.s32 $0xFFFFF800  }
.LBB2_2:
0x4b: {  	[tilespmem:s22], [sflag:$0x4] =	stream.indirect.gather [hbm4b:s1+s16], $0x10, s15, s16, $0xb8;
	[tilespmem:$0x6F20] =	vst v63  }
0x4c: {  	s15 =	smov.u32 s0  }
0x4d: {  	p1 =	sne.s32 s0, $0x4000;
	s0 =	sadd.s32 $0x800, s0;
	_ =	swait.ge [sflag:s23], $0x800  }
0x4e: {  	s15 =	sshra.s32 s15, $0x2;
	[sflag:s23] =	ssyncset.done $0x0  }
0x4f: {  	s19 =	sadd.s32 $0x1400, s15;
	[sflag:s23] =	ssyncadd.s32 $0xFFFFF800  }
0x50: {  	[spmem:s3] =	stream.indirect.scatter.add.f32 [tilespmem:s17], [sflag:$0x5], $0x10, s19, s16, $0xb8;
	[tilespmem:$0x6F20] =	vst v63  }
0x51: {  	_ =	swait.ge [sflag:s13], $0x800  }
0x52: {  	[sflag:s13] =	ssyncset.done $0x0  }
0x53: {  	s19 =	sadd.s32 $0x200, s15;
	[sflag:s13] =	ssyncadd.s32 $0xFFFFF800  }
0x54: {  	[tilespmem:s17], [sflag:$0x1] =	stream.indirect.gather [hbm4b:s1+s16], $0x10, s19, s16, $0xb8;
	[tilespmem:$0x6F20] =	vst v63  }
0x55: {  	_ =	swait.ge [sflag:s24], $0x800  }
0x56: {  	[sflag:s24] =	ssyncset.done $0x0  }
0x57: {  	s19 =	sadd.s32 $0x1480, s15;
	[sflag:s24] =	ssyncadd.s32 $0xFFFFF800  }
0x58: {  	[spmem:s3] =	stream.indirect.scatter.add.f32 [tilespmem:s18], [sflag:$0x5], $0x10, s19, s16, $0xb8;
	[tilespmem:$0x6F20] =	vst v63  }
0x59: {  	_ =	swait.ge [sflag:s13], $0x800  }
0x5a: {  	[sflag:s13] =	ssyncset.done $0x0  }
0x5b: {  	s19 =	sadd.s32 $0x280, s15;
	[sflag:s13] =	ssyncadd.s32 $0xFFFFF800  }
0x5c: {  	[tilespmem:s18], [sflag:$0x2] =	stream.indirect.gather [hbm4b:s1+s16], $0x10, s19, s16, $0xb8;
	[tilespmem:$0x6F20] =	vst v63  }
0x5d: {  	_ =	swait.ge [sflag:s25], $0x800  }
0x5e: {  	[sflag:s25] =	ssyncset.done $0x0  }
0x5f: {  	s19 =	sadd.s32 $0x1500, s15;
	[sflag:s25] =	ssyncadd.s32 $0xFFFFF800  }
0x60: {  	[spmem:s3] =	stream.indirect.scatter.add.f32 [tilespmem:s20], [sflag:$0x5], $0x10, s19, s16, $0xb8;
	[tilespmem:$0x6F20] =	vst v63  }
0x61: {  	_ =	swait.ge [sflag:s13], $0x800  }
0x62: {  	[sflag:s13] =	ssyncset.done $0x0  }
0x63: {  	s19 =	sadd.s32 $0x300, s15;
	[sflag:s13] =	ssyncadd.s32 $0xFFFFF800  }
0x64: {  	[tilespmem:s20], [sflag:$0x3] =	stream.indirect.gather [hbm4b:s1+s16], $0x10, s19, s16, $0xb8;
	[tilespmem:$0x6F20] =	vst v63  }
0x65: {  	_ =	swait.ge [sflag:s26], $0x800  }
0x66: {  	[sflag:s26] =	ssyncset.done $0x0  }
.Ltmp0:
0x67: {  	s19 =	sadd.s32 $0x1580, s15;
	[sflag:s26] =	ssyncadd.s32 $0xFFFFF800;
	(pc) =	sbr.rel @p1 .LBB2_2-.Ltmp0, $4  }
0x68: {  	[spmem:s3] =	stream.indirect.scatter.add.f32 [tilespmem:s22], [sflag:$0x5], $0x10, s19, s16, $0xb8;
	[tilespmem:$0x6F20] =	vst v63  }
0x69: {  	_ =	swait.ge [sflag:s13], $0x800  }
0x6a: {  	[sflag:s13] =	ssyncset.done $0x0  }
0x6b: {  	s15 =	sadd.s32 $0x380, s15;
	[sflag:s13] =	ssyncadd.s32 $0xFFFFF800  }
0x6c: {  	[tilespmem:s22], [sflag:$0x4] =	stream.indirect.gather [hbm4b:s1+s16], $0x10, s15, s16, $0xb8;
	[tilespmem:$0x6F20] =	vst v63  }
0x6d: {  	_ =	swait.ge [sflag:s23], $0x800  }
0x6e: {  	[sflag:s23] =	ssyncset.done $0x0  }
0x6f: {  	[sflag:s23] =	ssyncadd.s32 $0xFFFFF800  }
0x70: {  	[spmem:s3] =	stream.indirect.scatter.add.f32 [tilespmem:s17], [sflag:$0x5], $0x10, s28, s16, $0xb8;
	[tilespmem:$0x6F20] =	vst v63  }
0x71: {  	_ =	swait.ge [sflag:s13], $0x800  }
0x72: {  	[sflag:s13] =	ssyncset.done $0x0  }
0x73: {  	[sflag:s13] =	ssyncadd.s32 $0xFFFFF800  }
0x74: {  	_ =	swait.ge [sflag:s24], $0x800  }
0x75: {  	[sflag:s24] =	ssyncset.done $0x0  }
0x76: {  	[sflag:s24] =	ssyncadd.s32 $0xFFFFF800  }
0x77: {  	[spmem:s3] =	stream.indirect.scatter.add.f32 [tilespmem:s18], [sflag:$0x5], $0x10, s29, s16, $0xb8;
	[tilespmem:$0x6F20] =	vst v63  }
0x78: {  	_ =	swait.ge [sflag:s13], $0x800  }
0x79: {  	[sflag:s13] =	ssyncset.done $0x0  }
0x7a: {  	[sflag:s13] =	ssyncadd.s32 $0xFFFFF800  }
0x7b: {  	_ =	swait.ge [sflag:s25], $0x800  }
0x7c: {  	[sflag:s25] =	ssyncset.done $0x0  }
0x7d: {  	[sflag:s25] =	ssyncadd.s32 $0xFFFFF800  }
0x7e: {  	[spmem:s3] =	stream.indirect.scatter.add.f32 [tilespmem:s20], [sflag:$0x5], $0x10, s30, s16, $0xb8;
	[tilespmem:$0x6F20] =	vst v63  }
0x7f: {  	_ =	swait.ge [sflag:s13], $0x800  }
0x80: {  	[sflag:s13] =	ssyncset.done $0x0  }
0x81: {  	[sflag:s13] =	ssyncadd.s32 $0xFFFFF800  }
0x82: {  	_ =	swait.ge [sflag:s26], $0x800  }
0x83: {  	[sflag:s26] =	ssyncset.done $0x0  }
0x84: {  	[sflag:s26] =	ssyncadd.s32 $0xFFFFF800  }
0x85: {  	[spmem:s3] =	stream.indirect.scatter.add.f32 [tilespmem:s22], [sflag:$0x5], $0x10, s31, s16, $0xb8;
	[tilespmem:$0x6F20] =	vst v63  }
0x86: {  	_ =	swait.ge [sflag:s13], $0x800  }
0x87: {  	[sflag:s13] =	ssyncset.done $0x0  }
0x88: {  	[sflag:s13] =	ssyncadd.s32 $0xFFFFF800  }
0x89: {  	[bflag:$0x0] =	sbarrier.arrive $0xFFFF  }
0x8a: {  	[hbm:s9], [sflag:s6] =	dma.local [spmem:s12], $0x4E0  }
0x8b: {  	s2 =	sadd.s32 $0x1, s2;
	_ =	swait.ge [sflag:s13], $0x4E0  }
0x8c: {  	p1 =	sne.s32 s2, s11;
	[sflag:s13] =	ssyncset.done $0x0  }
.Ltmp1:
0x8d: {  	s0 =	simm.s32 @!p0 $0x5;
	[sflag:s13] =	ssyncadd.s32 $0xFFFFFB20;
	(pc) =	sbr.rel @p1 .LBB2_1-.Ltmp1, $4  }
0x8e: {  	[hbm:s10], [sflag:s6] =	dma.local @!p0 [spmem:s14], $0x20  }
0x8f: {  	_ =	swait.ge @!p0 [sflag:s0], $0x20  }
0x90: {  	[sflag:s0] =	ssyncset.done @!p0 $0x0  }
0x91: {  	[sflag:s0] =	ssyncadd.s32 @!p0 $0xFFFFFFE0  }
0x92: {  	_ =	sfence.sel $0x180000  }
0x93: {  	[bflag:$0x0] =	sbarrier.arrive $0xFFFF  }
0x94: {  	_ =	strace $0x9000004D  }
0x95: {  	s0 =	stileid.u32;
	[bflag:$0x2] =	sbarrier.arrive $0xFFFF  }
0x96: {  	p0 =	sne.s32 s0, $0x0;
	s0 =	rddreg [dreg:$0x3]  }
0x97: {  	s0 =	sadd.s32 @!p0 $0x100000, s0  }
0x98: {  	[sflag:s0] =	ssyncadd.tile.s32 @!p0 $0x1;
	_ =	shalt  }
.Lfunc_end2:
_tile_overlayer_lowered:
.L_overlay_start_2:
0x99: {  	(tag) =	ssettag $0x2  }
0x9a: {  	s0 =	rddreg [dreg:$0x0];
	s2 =	stileid.u32  }
0x9b: {  	s1 =	rddreg [dreg:$0x1];
	p0 =	sne.s32 s2, $0x0  }
0x9c: {  	s3 =	rddreg [dreg:$0x2];
	[bflag:$0x3] =	sbarrier.arrive $0xFFFF;
	s2 =	simm.s32 @!p0 $0x1C05  }
0x9d: {  	[timem:s3], [sflag:s2] =	dma.local @!p0 [hbm:s0], s1  }
0x9e: {  	s0 =	simm.s32 @!p0 $0x5  }
0x9f: {  	_ =	swait.ge @!p0 [sflag:s0], s1  }
0xa0: {  	s1 =	ssub.s32 @!p0 $0x0, s1;
	[sflag:s0] =	ssyncset.done @!p0 $0x0  }
0xa1: {  	[sflag:s0] =	ssyncadd.s32 @!p0 s1  }
0xa2: {  	[bflag:$0x3] =	sbarrier.arrive $0xFFFF  }
0xa3: {  	_ =	shalt  }

// kernel: kernel.9.cloned.1.call-start
scs
__scs_entry_jumppad:
0x0: {  	(pc) =	sbr.rel $0x88, $3  }
0x1: {  	(tag) =	ssettag $0x0;
	lr =	simm.s32 $0x1  }
0x2: {  	[smem:$0x3F99] =	sst lr;
	_ =	strace $0xD0000000  }
0x3: {  	_ = 	snop  }
0x4: {  	_ = 	snop  }
0x5: {  	_ = 	snop  }
0x6: {  	_ = 	snop  }
0x7: {  	_ = 	snop  }
__scs_overlays_trampoline_lowered:
0x8: {  	[smem:$0x3FA8] =	sst s0  }
0x9: {  	[smem:$0x3FA9] =	sst s1  }
0xa: {  	[smem:$0x3FAA] =	sst s2  }
0xb: {  	[smem:$0x3FAB] =	sst s3  }
0xc: {  	[smem:$0x3FAC] =	sst s4  }
0xd: {  	[smem:$0x3FAD] =	sst s5  }
0xe: {  	[smem:$0x3FAE] =	sst s6  }
0xf: {  	[smem:$0x3FAF] =	sst s7  }
0x10: {  	[smem:$0x3FB0] =	sst s8  }
0x11: {  	[smem:$0x3FB1] =	sst s9;
	s0 =	simm.s32 @!p0 $0x0  }
0x12: {  	s1 =	sld [smem:$0x3F97];
	s0 =	simm.s32 @p0 $0x1  }
0x13: {  	[smem:$0x3FB2] =	sst s0;
	s0 =	simm.s32 @!p1 $0x0  }
0x14: {  	s2 =	sld [smem:$0x3F96];
	s0 =	simm.s32 @p1 $0x1  }
0x15: {  	[smem:$0x3FB3] =	sst s0;
	s0 =	simm.s32 @!p2 $0x0  }
0x16: {  	s3 =	sld [smem:$0x3FDB];
	s0 =	simm.s32 @p2 $0x1  }
0x17: {  	s4 =	simm.s32 $0x1BF5;
	[smem:$0x3FB5] =	sst s0  }
0x18: {  	s0 =	sld [smem:$0x3F98];
	_ =	swait.ge [sflag:s4], $0x0  }
0x19: {  	s7 =	sld [smem:$0x3F99]  }
0x1a: {  	s8 =	sadd.s32 $0xFFFFE003, lr  }
0x1b: {  	s9 =	sadd.s32 $0xFFFFFEF7, lr;
	s5 =	simm.s32 $0xFFFFFFFF;
	p2 =	slt.u32 s8, $0xFFFFF086  }
0x1c: {  	p1 =	slt.u32 s9, $0xF7A;
	s5 =	simm.s32 @!p2 $0x0  }
0x1d: {  	s5 =	simm.s32 @p1 $0x1;
	p0 =	seq.s32 s7, s2  }
0x1e: {  	s7 =	smul.u32 @!p0 $0xF7A, s2;
	p2 =	seq.s32 @!p0 s5, $0x0  }
0x1f: {  	s9 =	smul.u32 $0xF7A, s1;
	s8 =	simm.s32 @!p0 $0x1BF5;
	p2 =	por !p2, p0  }
0x20: {  	[sflag:s8] =	ssyncset.s32 @!p0 $0xFFFFF086;
	s6 =	sadd.s32 @!p0 s3, s7;
	s7 =	simm.s32 @!p0 $0x108  }
0x21: {  	s3 =	sadd.s32 s3, s9;
	s6 =	sadd.s32 @!p0 $0x88, s6;
	s7 =	simm.s32 @p2 $0x1082  }
0x22: {  	[simem:s7], [sflag:s8] =	dma.local @!p0 [hbm:s6], $0xF7A  }
0x23: {  	s9 =	sor.u32 $0xD0000000, s2;
	s6 =	simm.s32 $0x108;
	_ =	swait.ge @!p0 [sflag:s8], $0x0  }
0x24: {  	s3 =	sadd.s32 $0x88, s3;
	s6 =	simm.s32 @!p1 $0x1082;
	[sflag:s4] =	ssyncset.s32 $0xFFFFF086  }
0x25: {  	[simem:s6], [sflag:s4] =	dma.local [hbm:s3], $0xF7A  }
0x26: {  	[smem:$0x3F99] =	sst s1;
	(tag) =	ssettag s2;
	_ =	strace s9  }
0x27: {  	s1 =	sld [smem:$0x3FA9]  }
0x28: {  	s2 =	sld [smem:$0x3FAA]  }
0x29: {  	s4 =	sld [smem:$0x3FAC]  }
0x2a: {  	p0 =	seq.s32 s5, $0x0;
	s5 =	sld [smem:$0x3FAD]  }
0x2b: {  	s6 =	sld [smem:$0x3FAE]  }
0x2c: {  	s7 =	sld [smem:$0x3FAF]  }
0x2d: {  	s3 =	simm.s32 $0x108;
	s8 =	sld [smem:$0x3FB0]  }
0x2e: {  	s3 =	simm.s32 @!p0 $0x1082;
	s9 =	sld [smem:$0x3FB1]  }
0x2f: {  	lr =	sadd.s32 s0, s3;
	s0 =	sld [smem:$0x3FA8]  }
0x30: {  	s3 =	sld [smem:$0x3FAB]  }
0x31: {  	[smem:$0x3FB4] =	sst s10  }
0x32: {  	s10 =	sld [smem:$0x3FB2];
	_ =	sdelay $0x3  }
0x33: {  	p0 =	seq.s32 s10, $0x1;
	s10 =	sld [smem:$0x3FB4];
	_ =	sdelay $0x3  }
0x34: {  	[smem:$0x3FB4] =	sst s10  }
0x35: {  	s10 =	sld [smem:$0x3FB3];
	_ =	sdelay $0x3  }
0x36: {  	p1 =	seq.s32 s10, $0x1;
	s10 =	sld [smem:$0x3FB4];
	_ =	sdelay $0x3  }
0x37: {  	[smem:$0x3FB4] =	sst s10  }
0x38: {  	s10 =	sld [smem:$0x3FB5]  }
0x39: {  	_ = 	snop;
	(pc) =	sbr.ind lr, $3  }
0x3a: {  	_ = 	snop  }
0x3b: {  	_ = 	snop  }
0x3c: {  	p2 =	seq.s32 s10, $0x1;
	s10 =	sld [smem:$0x3FB4]  }
0x3d: {  	_ =	shalt  }
0x3e: {  	_ =	shalt  }
0x3f: {  	_ =	shalt  }
0x40: {  	_ =	shalt  }
0x41: {  	_ =	shalt  }
0x42: {  	_ =	shalt  }
0x43: {  	_ =	shalt  }
0x44: {  	_ =	shalt  }
0x45: {  	_ =	shalt  }
0x46: {  	_ =	shalt  }
0x47: {  	_ =	shalt  }
0x48: {  	_ =	shalt  }
0x49: {  	_ =	shalt  }
0x4a: {  	_ =	shalt  }
0x4b: {  	_ =	shalt  }
0x4c: {  	_ =	shalt  }
0x4d: {  	_ =	shalt  }
0x4e: {  	_ =	shalt  }
0x4f: {  	_ =	shalt  }
0x50: {  	_ =	shalt  }
0x51: {  	_ =	shalt  }
0x52: {  	_ =	shalt  }
0x53: {  	_ =	shalt  }
0x54: {  	_ =	shalt  }
0x55: {  	_ =	shalt  }
0x56: {  	_ =	shalt  }
0x57: {  	_ =	shalt  }
0x58: {  	_ =	shalt  }
0x59: {  	_ =	shalt  }
0x5a: {  	_ =	shalt  }
0x5b: {  	_ =	shalt  }
0x5c: {  	_ =	shalt  }
0x5d: {  	_ =	shalt  }
0x5e: {  	_ =	shalt  }
0x5f: {  	_ =	shalt  }
0x60: {  	_ =	shalt  }
0x61: {  	_ =	shalt  }
0x62: {  	_ =	shalt  }
0x63: {  	_ =	shalt  }
0x64: {  	_ =	shalt  }
0x65: {  	_ =	shalt  }
0x66: {  	_ =	shalt  }
0x67: {  	_ =	shalt  }
0x68: {  	_ =	shalt  }
0x69: {  	_ =	shalt  }
0x6a: {  	_ =	shalt  }
0x6b: {  	_ =	shalt  }
0x6c: {  	_ =	shalt  }
0x6d: {  	_ =	shalt  }
0x6e: {  	_ =	shalt  }
0x6f: {  	_ =	shalt  }
0x70: {  	_ =	shalt  }
0x71: {  	_ =	shalt  }
0x72: {  	_ =	shalt  }
0x73: {  	_ =	shalt  }
0x74: {  	_ =	shalt  }
0x75: {  	_ =	shalt  }
0x76: {  	_ =	shalt  }
0x77: {  	_ =	shalt  }
0x78: {  	_ =	shalt  }
0x79: {  	_ =	shalt  }
0x7a: {  	_ =	shalt  }
0x7b: {  	_ =	shalt  }
0x7c: {  	_ =	shalt  }
0x7d: {  	_ =	shalt  }
0x7e: {  	_ =	shalt  }
0x7f: {  	_ =	shalt  }
0x80: {  	_ =	shalt  }
0x81: {  	_ =	shalt  }
0x82: {  	_ =	shalt  }
0x83: {  	_ =	shalt  }
0x84: {  	_ =	shalt  }
0x85: {  	_ =	shalt  }
0x86: {  	_ =	shalt  }
0x87: {  	_ =	shalt  }
.Lfunc_end0:
.L_simem_size_0:
called_computation_lowered:
.L_overlay_start_0:
0x88: {  	s2 =	sld [smem:$0x3FD9]  }
0x89: {  	s3 =	sld [smem:$0x3FFE];
	_ =	sdelay $0x1  }
0x8a: {  	s1 =	srdreg.scid  }
0x8b: {  	s0 =	sand.u32 $0x1, s1  }
0x8c: {  	s17 =	sshll.u32 s0, $0xA;
	s2 =	sadd.s32 s3, s2  }
0x8d: {  	s2 =	sadd.s32 s2, s17  }
0x8e: {  	[smem:$0x3FC0] =	sst s2  }
0x8f: {  	_ = 	snop  }
0x90: {  	s2 =	sld [smem:$0x3FD0];
	(tm) =	ssettm $0x1  }
0x91: {  	s18 =	sld [smem:$0x3FFB];
	_ =	sdelay $0x3  }
0x92: {  	_ =	strace s18  }
0x93: {  	s3 =	sld [smem:$0x3FFC];
	_ =	sdelay $0x3  }
0x94: {  	_ =	strace s3  }
0x95: {  	s3 =	sld [smem:$0x3FFD];
	_ =	sdelay $0x3  }
0x96: {  	_ =	strace s3  }
0x97: {  	_ =	strace $0x8FFFFFFF  }
0x98: {  	s19 =	sld [smem:$0x3FDB];
	_ =	sdelay $0x1  }
0x99: {  	s4 =	simm.s32 $_scs_section_size  }
0x9a: {  	s5 =	simm.s32 $_size__tile_overlayer_lowered;
	s6 =	simm.s32 $_tile_overlayer_lowered  }
0x9b: {  	s22 =	simm.s32 $0x1BFF;
	s21 =	sshll.u32 s6, $0x1;
	s3 =	sadd.s32 s4, s19  }
0x9c: {  	s7 =	simm.s32 $0x0;
	s20 =	sshll.u32 s5, $0x1;
	s5 =	sadd.s32 s21, s3  }
0x9d: {  	[timem:s7], [sflag:s22] =	dma.local [hbm:s5], s20  }
0x9e: {  	_ =	swait.ge [sflag:s22], s20  }
0x9f: {  	s4 =	ssub.s32 $0x0, s20;
	[sflag:s22] =	ssyncset.done $0x0  }
0xa0: {  	[sflag:s22] =	ssyncadd.s32 s4;
	_ =	sdelay $0x1  }
0xa1: {  	s23 =	simm.s32 $0x1B8B  }
0xa2: {  	_ =	swait.ge [sflag:s23], $0x1  }
0xa3: {  	[sflag:s23] =	ssyncset.done $0x0  }
0xa4: {  	s25 =	simm.s32 $0x1B8E;
	s24 =	sld [smem:$0x3FFE];
	[sflag:s23] =	ssyncadd.s32 $0xFFFFFFFF  }
0xa5: {  	s26 =	simm.s32 $execute0_lowered;
	[smem:$0x3FD2] =	sst s25  }
0xa6: {  	s5 =	sshll.u32 s26, $0x1;
	_ =	strace $0x80000046;
	[dreg:$0x1] =	wrdreg $0xFFFFFFFF  }
0xa7: {  	s28 =	simm.s32 $_size_execute0_lowered;
	s3 =	sadd.s32 s3, s5;
	[dreg:$0x0] =	wrdreg $0x0  }
0xa8: {  	s5 =	sshll.u32 s28, $0x1;
	[dreg:$0x2] =	wrdreg s3  }
0xa9: {  	[dreg:$0x3] =	wrdreg s5  }
0xaa: {  	[dreg:$0x4] =	wrdreg $0xC0  }
0xab: {  	_ =	task [dreg:s7], $0x5FFFF  }
0xac: {  	[dreg:$0x1] =	wrdreg $0xFFFFFFFF  }
0xad: {  	[dreg:$0x0] =	wrdreg $0x60  }
0xae: {  	[dreg:$0x2] =	wrdreg s24  }
0xaf: {  	[dreg:$0x3] =	wrdreg s2  }
0xb0: {  	[dreg:$0x4] =	wrdreg $0x1C000  }
0xb1: {  	[dreg:$0x5] =	wrdreg $0x9  }
0xb2: {  	_ =	task.clear_ibuf [dreg:s7], $0x6FFFF;
	_ =	strace $0x90000046  }
0xb3: {  	s29 =	simm.s32 $0x9;
	_ =	strace $0x80000048  }
0xb4: {  	_ =	swait.ge [sflag:s29], $0x1  }
0xb5: {  	[sflag:s29] =	ssyncadd.s32 $0xFFFFFFFF  }
0xb6: {  	_ =	strace $0x90000048  }
0xb7: {  	_ =	sfence  }
0xb8: {  	s30 =	sld [smem:$0x0];
	_ =	sdelay $0x2  }
0xb9: {  	s31 =	sshll.u32 s1, $0xD;
	s1 =	sshrl.u32 s1, $0x2  }
0xba: {  	s3 =	sand.u32 $0x4000, s31;
	s1 =	sadd.s32 s1, s30  }
0xbb: {  	s0 =	sor.u32 s3, s0;
	s1 =	sshll.u32 s1, $0x11  }
0xbc: {  	s0 =	sor.u32 s1, s0  }
0xbd: {  	s0 =	sadd.s32 $0x8F2B, s0  }
0xbe: {  	[sflag:s0] =	ssyncadd.remote.s32 $0x1  }
0xbf: {  	_ =	sfence.sel $0xFFFF  }
0xc0: {  	[dreg:$0x0] =	wrdreg $0xFFFFFFFF;
	(pc) =	sbr.abs _section_cstart, $3  }
0xc1: {  	[dreg:$0x1] =	wrdreg $0xFFFFFFFF  }
0xc2: {  	_ =	task.clear_ibuf [dreg:s7], $0x2FFFF;
	_ =	strace $0x9FFFFFFF  }
0xc3: {  	(tm) =	ssettm $0x7FFFFFFF  }
tec
execute0_lowered:
.L_overlay_start_1:
0x0: {  	(tag) =	ssettag $0x1  }
0x1: {  	s6 =	rddreg [dreg:$0x0]  }
0x2: {  	s0 =	srdreg.scid;
	s2 =	rddreg [dreg:$0x1]  }
0x3: {  	s3 =	rddreg [dreg:$0x2];
	s7 =	sand.u32 $0x1, s0;
	s0 =	stileid.u32  }
0x4: {  	s4 =	simm.s32 $0x0;
	s15 =	simm.s32 $0x80;
	s9 =	smul.u32 $0x4E0, s0  }
0x5: {  	s16 =	simm.s32 $0x0;
	[smem:$0x7FF] =	sst s4;
	s11 =	smul.u32 $0x9C00, s0  }
0x6: {  	s12 =	sadd.s32 $0x7400, s6;
	s1 =	sshll.u32 s7, $0x4;
	s13 =	smul.u32 $0x4E20, s7  }
0x7: {  	s10 =	ssub.s32 $0x2, s7;
	s14 =	sshll.u32 s0, $0x6;
	s7 =	smul.u32 $0x27100, s7  }
0x8: {  	p0 =	sne.s32 s0, $0xF;
	s5 =	sor.u32 s0, s1;
	s1 =	rddreg [dreg:$0x3]  }
0x9: {  	_ =	strace $0x80000047;
	s29 =	sshrl.u32 s10, $0x1;
	s5 =	smul.u32 $0x280, s5  }
0xa: {  	s11 =	sshrl.u32 s11, $0x2;
	s10 =	ssub.s32 s10, s29;
	s30 =	sshrl.u32 s7, $0x3  }
0xb: {  	s9 =	sadd.s32 s9, s13;
	s11 =	sadd.s32 s11, s3;
	s31 =	sadd.s32 s12, s30  }
0xc: {  	s10 =	smax.u32 s10, $0x1;
	s8 =	sadd.s32 s5, s6;
	s5 =	sadd.s32 $0x6E00, s6  }
0xd: {  	s6 =	sor.u32 $0x1C01, s14;
	s14 =	sadd.s32 $0x27000, s3;
	s11 =	sshrl.u32 s11, $0x3  }
0xe: {  	s7 =	sadd.s32 $0x1E00, s8;
	s8 =	sadd.s32 s12, s9;
	s9 =	sadd.s32 $0x4E00, s31  }
0xf: {  	s12 =	simm.s32 $0x1;
	s13 =	sshrl.u32 @!p0 s14, $0x3;
	s14 =	simm.s32 $0x1400  }
.LBB2_1:
0x10: {  	[spmem:s11], [sflag:s6] =	dma.local [hbm:s5], $0x4E0  }
0x11: {  	_ =	swait.ge [sflag:s12], $0x4E0  }
0x12: {  	[sflag:s12] =	ssyncset.done $0x0  }
0x13: {  	s17 =	simm.s32 @!p0 $0x1;
	[sflag:s12] =	ssyncadd.s32 $0xFFFFFB20  }
0x14: {  	[spmem:s13], [sflag:s6] =	dma.local @!p0 [hbm:s5], $0x40  }
0x15: {  	_ =	swait.ge @!p0 [sflag:s17], $0x40  }
0x16: {  	[sflag:s17] =	ssyncset.done @!p0 $0x0  }
0x17: {  	[sflag:s17] =	ssyncadd.s32 @!p0 $0xFFFFFFC0  }
0x18: {  	[tilespmem:s14], [sflag:$0x1] =	stream.linear.gather [hbm4b:s2+s4], $0x800, $0x38;
	[tilespmem:$0x4320] =	vst v63  }
0x19: {  	_ =	swait.ge [sflag:s12], $0x800  }
0x1a: {  	[sflag:s12] =	ssyncset.done $0x0  }
0x1b: {  	[sflag:s12] =	ssyncadd.s32 $0xFFFFF800  }
0x1c: {  	[tilespmem:s4], [sflag:$0x1] =	stream.linear.gather [hbm4b:s7+s4], $0x1400, $0x38;
	[tilespmem:$0x4320] =	vst v63  }
0x1d: {  	_ =	swait.ge [sflag:s12], $0x1400  }
0x1e: {  	[sflag:s12] =	ssyncset.done $0x0  }
0x1f: {  	[sflag:s12] =	ssyncadd.s32 $0xFFFFEC00  }
0x20: {  	s31 =	simm.s32 $0x0;
	[bflag:$0x0] =	sbarrier.arrive $0xFFFF  }
0x21: {  	[spmem:s3] =	stream.indirect.scatter.add.f32 [tilespmem:s14], [sflag:$0x1], $0x10, s31, s15, $0xb8;
	[tilespmem:$0x4320] =	vst v63  }
0x22: {  	_ =	swait.ge [sflag:s12], $0x800  }
0x23: {  	s17 =	simm.s32 $0x200;
	[sflag:s12] =	ssyncset.done $0x0  }
.LBB2_2:
0x24: {  	s18 =	sshra.s32 s17, $0x2;
	[sflag:s12] =	ssyncadd.s32 $0xFFFFF800;
	p1 =	sne.s32 s17, $0x4E00  }
0x25: {  	[spmem:s3] =	stream.indirect.scatter.add.f32 [tilespmem:s14], [sflag:$0x1], $0x10, s18, s15, $0xb8;
	[tilespmem:$0x4320] =	vst v63  }
.Ltmp0:
0x26: {  	_ = 	snop;
	(pc) =	sbr.rel @p1 .LBB2_2-.Ltmp0, $4  }
0x27: {  	_ = 	snop  }
0x28: {  	s17 =	sadd.s32 $0x200, s17  }
0x29: {  	_ =	swait.ge [sflag:s12], $0x800  }
0x2a: {  	[sflag:s12] =	ssyncset.done $0x0  }
0x2b: {  	[sflag:s12] =	ssyncadd.s32 $0xFFFFF800  }
0x2c: {  	[bflag:$0x0] =	sbarrier.arrive $0xFFFF  }
0x2d: {  	[hbm:s8], [sflag:s6] =	dma.local [spmem:s11], $0x4E0  }
0x2e: {  	s16 =	sadd.s32 $0x1, s16;
	_ =	swait.ge [sflag:s12], $0x4E0  }
0x2f: {  	p1 =	sne.s32 s16, s10;
	[sflag:s12] =	ssyncset.done $0x0  }
.Ltmp1:
0x30: {  	s17 =	simm.s32 @!p0 $0x1;
	[sflag:s12] =	ssyncadd.s32 $0xFFFFFB20;
	(pc) =	sbr.rel @p1 .LBB2_1-.Ltmp1, $4  }
0x31: {  	[hbm:s9], [sflag:s6] =	dma.local @!p0 [spmem:s13], $0x20  }
0x32: {  	_ =	swait.ge @!p0 [sflag:s17], $0x20  }
0x33: {  	[sflag:s17] =	ssyncset.done @!p0 $0x0  }
0x34: {  	[sflag:s17] =	ssyncadd.s32 @!p0 $0xFFFFFFE0  }
0x35: {  	_ =	sfence.sel $0x180000  }
0x36: {  	[bflag:$0x0] =	sbarrier.arrive $0xFFFF  }
0x37: {  	p0 =	sne.s32 s0, $0x0;
	_ =	strace $0x90000047  }
0x38: {  	s0 =	sadd.s32 @!p0 $0x100000, s1;
	[bflag:$0x2] =	sbarrier.arrive $0xFFFF  }
0x39: {  	[sflag:s0] =	ssyncadd.tile.s32 @!p0 $0x1;
	_ =	shalt  }
.Lfunc_end2:
_tile_overlayer_lowered:
.L_overlay_start_2:
0x3a: {  	(tag) =	ssettag $0x2  }
0x3b: {  	s0 =	rddreg [dreg:$0x0];
	s2 =	stileid.u32  }
0x3c: {  	s1 =	rddreg [dreg:$0x1];
	p0 =	sne.s32 s2, $0x0  }
0x3d: {  	s3 =	rddreg [dreg:$0x2];
	[bflag:$0x3] =	sbarrier.arrive $0xFFFF;
	s2 =	simm.s32 @!p0 $0x1C01  }
0x3e: {  	[timem:s3], [sflag:s2] =	dma.local @!p0 [hbm:s0], s1  }
0x3f: {  	s0 =	simm.s32 @!p0 $0x1  }
0x40: {  	_ =	swait.ge @!p0 [sflag:s0], s1  }
0x41: {  	s1 =	ssub.s32 @!p0 $0x0, s1;
	[sflag:s0] =	ssyncset.done @!p0 $0x0  }
0x42: {  	[sflag:s0] =	ssyncadd.s32 @!p0 s1  }
0x43: {  	[bflag:$0x3] =	sbarrier.arrive $0xFFFF  }
0x44: {  	_ =	shalt  }

</sc_bundles>
